<compile_context>
chip_gen: v7x
topology: tpu7x:2x2x1
jax: 0.10.2.dev20260603
libtpu: 0.0.44.dev20260713+nightly
codegen_flags: <defaults>
</compile_context>

<pallas_src>
import functools

import jax
import jax.numpy as jnp
from jax import lax
from jax.experimental import pallas as pl
from jax.experimental.pallas import tpu as pltpu
from jax.experimental.pallas import tpu_sc as plsc

H = 128
N = 1500
K = 30
NK = N * K
NWORK = 32
CH = 128
NCHUNK = 11
PAD = NWORK * NCHUNK * CH
NPADK = 1536
RB = 3000
NB = NK // RB
NPB = RB // K
NPB2 = 96
RB2 = NPB2 * K
NB2 = NPADK // NPB2
OUT_DIM = 400


def _gelu(x):
    return jax.nn.gelu(x)


def _bdot(a, b):
    return lax.dot_general(
        a.astype(jnp.bfloat16), b.astype(jnp.bfloat16),
        (((1,), (0,)), ((), ())), preferred_element_type=jnp.float32)


def _ln(x, g, b):
    mu = jnp.mean(x, axis=-1, keepdims=True)
    xc = x - mu
    var = jnp.mean(xc * xc, axis=-1, keepdims=True)
    return xc * lax.rsqrt(var + 1e-5) * g + b



def _sc_gather_multi(tables, idx3s, nchunk):
    ntab = len(tables)
    npad = NWORK * nchunk * CH
    mesh = plsc.VectorSubcoreMesh(core_axis_name="c", subcore_axis_name="s")

    @functools.partial(
        pl.kernel,
        mesh=mesh,
        out_type=tuple(
            jax.ShapeDtypeStruct((npad, H), jnp.float32) for _ in range(ntab)),
        scratch_types=(
            [pltpu.VMEM((nchunk, CH), jnp.int32) for _ in range(ntab)]
            + [pltpu.VMEM((CH, H), jnp.float32) for _ in range(2 * ntab)]
            + [pltpu.SemaphoreType.DMA for _ in range(2 * ntab)]
        ),
    )
    def gk(*refs):
        tabs = refs[:ntab]
        idx_hbm = refs[ntab:2 * ntab]
        outs = refs[2 * ntab:3 * ntab]
        idx_v = refs[3 * ntab:4 * ntab]
        bufs = refs[4 * ntab:4 * ntab + 2 * ntab]
        sems = refs[4 * ntab + 2 * ntab:]
        wid = lax.axis_index("s") * 2 + lax.axis_index("c")
        for t in range(ntab):
            pltpu.sync_copy(idx_hbm[t].at[wid], idx_v[t])
        copies = []
        for j in range(nchunk):
            copies.append([
                pltpu.async_copy(tabs[t].at[idx_v[t].at[j]],
                                 bufs[2 * t + j % 2], sems[2 * t + j % 2])
                for t in range(ntab)])
            if j >= 1:
                row0 = (wid * nchunk + (j - 1)) * CH
                for t in range(ntab):
                    copies[j - 1][t].wait()
                    pltpu.sync_copy(bufs[2 * t + (j - 1) % 2],
                                    outs[t].at[pl.ds(row0, CH)])
        row0 = (wid * nchunk + nchunk - 1) * CH
        for t in range(ntab):
            copies[-1][t].wait()
            pltpu.sync_copy(bufs[2 * t + (nchunk - 1) % 2],
                            outs[t].at[pl.ds(row0, CH)])

    return gk(*tables, *idx3s)



def _prep_body(v_ref, wv, bv, wap, bap, hv_out, a_out, *p_outs):
    hv = jnp.dot(v_ref[...], wv[...]) + bv[...]
    hv_out[...] = hv
    apw = 2 * H
    ap = jnp.dot(hv, wap[...]) + bap[...]
    a_out[...] = ap[:, :apw]
    for t, p_out in enumerate(p_outs):
        p_out[...] = ap[:, apw + t * H: apw + (t + 1) * H]


def _node_body(hv_ref, dh_ref, vec, ffb1, ff1, ff2, wap, bap, hv_out, a_out, *p_outs,
               apw):
    v = vec[...]
    hv = _ln(hv_ref[...] + dh_ref[...], v[0:1], v[1:2])
    ff = jnp.dot(_gelu(jnp.dot(hv, ff1[...]) + ffb1[...]), ff2[...]) + v[2:3]
    hv = _ln(hv + ff, v[3:4], v[4:5])
    hv_out[...] = hv
    ap = jnp.dot(hv, wap[...]) + bap[...]
    a_out[...] = ap[:, :apw]
    for t, p_out in enumerate(p_outs):
        p_out[...] = ap[:, apw + t * H: apw + (t + 1) * H]


def _edge_core(x, ge, ae, expm, w1e, w2e, w3e, v):
    m = _gelu(jnp.dot(x, w1e) + jnp.dot(expm, ae) + ge)
    m = _gelu(jnp.dot(m, w2e) + v[1:2])
    m = jnp.dot(m, w3e) + v[2:3]
    return _ln(x + m, v[3:4], v[4:5])


def _node_msg(he, gn, an, expm, w1n, w2n, w3n, v):
    m2 = _gelu(jnp.dot(he, w1n) + jnp.dot(expm, an) + gn)
    m2 = _gelu(jnp.dot(m2, w2n) + v[5:6])
    m2 = jnp.dot(m2, w3n) + v[6:7]
    return lax.dot_general(expm, m2, (((0,), (0,)), ((), ()))) * (1.0 / K)


def _big_body_first(e_ref, ge_ref, gn_ref, a_ref, exp_ref, we, w1e, w2e, w3e,
                    w1n, w2n, w3n, vec, he_out, dh_out):
    v = vec[...]
    x = jnp.dot(e_ref[...].reshape(RB, H), we[...]) + v[0:1]
    expm = exp_ref[...]
    a = a_ref[0]
    he = _edge_core(x, ge_ref[...], a[:, :H], expm, w1e[...], w2e[...], w3e[...], v)
    he_out[...] = he
    dh_out[0] = _node_msg(he, gn_ref[...], a[:, H:], expm, w1n[...], w2n[...], w3n[...], v)


def _big_body_mid(he_ref, ge_ref, gn_ref, a_ref, exp_ref, w1e, w2e, w3e,
                  w1n, w2n, w3n, vec, hek_out, dh_out):
    v = vec[...]
    x = he_ref[...]
    expm = exp_ref[...]
    a = a_ref[0]
    he = _edge_core(x, ge_ref[...], a[:, :H], expm, w1e[...], w2e[...], w3e[...], v)
    hek_out[...] = jnp.swapaxes(he.reshape(NPB2, K, H), 0, 1)
    dh_out[0] = _node_msg(he, gn_ref[...], a[:, H:], expm, w1n[...], w2n[...], w3n[...], v)


def _trans_body(x_ref, out_ref):
    out_ref[...] = jnp.swapaxes(x_ref[...].reshape(NPB2, K, H), 0, 1)


def _trans_call(G):
    return pl.pallas_call(
        _trans_body,
        grid=(NB2,),
        in_specs=[pl.BlockSpec((RB2, H), lambda i: (i, 0))],
        out_specs=pl.BlockSpec((K, NPB2, H), lambda i: (0, i, 0)),
        out_shape=jax.ShapeDtypeStruct((K, NPADK, H), jnp.float32),
        compiler_params=pltpu.CompilerParams(
            dimension_semantics=("arbitrary",)),
    )(G)


def _edge_out_body(he_ref, g_ref, a_ref, w1e, w2e, w3e, wout, boutc, vec,
                   etab_out):
    v = vec[...]
    x = he_ref[...]
    m = _gelu(jnp.dot(x, w1e[...]) + g_ref[...] + a_ref[...])
    m = _gelu(jnp.dot(m, w2e[...]) + v[1:2])
    m = jnp.dot(m, w3e[...]) + v[2:3]
    he = _ln(x + m, v[3:4], v[4:5])
    res = lax.dot_general(wout[...], he, (((0,), (1,)), ((), ())))
    etab_out[0] = res[:, :N] + boutc[...]



def _full(shape):
    return pl.BlockSpec(shape, lambda i: tuple(0 for _ in shape))


def _prep_call(V2, Wv, bv, Wap, bap):
    return pl.pallas_call(
        _prep_body,
        out_shape=(
            jax.ShapeDtypeStruct((N, H), jnp.float32),
            jax.ShapeDtypeStruct((N, 2 * H), jnp.float32),
            jax.ShapeDtypeStruct((N, H), jnp.float32),
            jax.ShapeDtypeStruct((N, H), jnp.float32),
        ),
    )(V2, Wv, bv, Wap, bap)


def _node_call(hv, dh, vec, ffb1, ff1, ff2, wap, bap, apw, ntab):
    return pl.pallas_call(
        functools.partial(_node_body, apw=apw),
        out_shape=(
            jax.ShapeDtypeStruct((N, H), jnp.float32),
            jax.ShapeDtypeStruct((N, apw), jnp.float32),
        ) + tuple(jax.ShapeDtypeStruct((N, H), jnp.float32) for _ in range(ntab)),
    )(hv, dh, vec, ffb1, ff1, ff2, wap, bap)


def _big_call(body, first, hE, Ge, Gn, A3, expm, weights, vec):
    gw = 2 * H
    in_specs = [
        pl.BlockSpec((NPB, K, H), lambda i: (i, 0, 0)) if first
        else pl.BlockSpec((RB, H), lambda i: (i, 0)),
        pl.BlockSpec((RB, H), lambda i: (i, 0)),
        pl.BlockSpec((RB, H), lambda i: (i, 0)),
        pl.BlockSpec((1, NPB, gw), lambda i: (i, 0, 0)),
        pl.BlockSpec((RB, NPB), lambda i: (0, 0)),
    ]
    in_specs += [_full(w.shape) for w in weights]
    in_specs += [_full(vec.shape)]
    return pl.pallas_call(
        body,
        grid=(NB,),
        in_specs=in_specs,
        out_specs=[
            pl.BlockSpec((RB, H), lambda i: (i, 0)),
            pl.BlockSpec((1, NPB, H), lambda i: (i, 0, 0)),
        ],
        out_shape=[
            jax.ShapeDtypeStruct((NK, H), jnp.float32),
            jax.ShapeDtypeStruct((NB, NPB, H), jnp.float32),
        ],
        compiler_params=pltpu.CompilerParams(
            dimension_semantics=("arbitrary",)),
    )(hE, Ge, Gn, A3, expm, *weights, vec)


def _big_call2(hE, Ge, Gn, A3, expm2, weights, vec):
    gw = 2 * H
    in_specs = [
        pl.BlockSpec((RB2, H), lambda i: (i, 0)),
        pl.BlockSpec((RB2, H), lambda i: (i, 0)),
        pl.BlockSpec((RB2, H), lambda i: (i, 0)),
        pl.BlockSpec((1, NPB2, gw), lambda i: (i, 0, 0)),
        pl.BlockSpec((RB2, NPB2), lambda i: (0, 0)),
    ]
    in_specs += [_full(w.shape) for w in weights]
    in_specs += [_full(vec.shape)]
    return pl.pallas_call(
        _big_body_mid,
        grid=(NB2,),
        in_specs=in_specs,
        out_specs=[
            pl.BlockSpec((K, NPB2, H), lambda i: (0, i, 0)),
            pl.BlockSpec((1, NPB2, H), lambda i: (i, 0, 0)),
        ],
        out_shape=[
            jax.ShapeDtypeStruct((K, NPADK, H), jnp.float32),
            jax.ShapeDtypeStruct((NB2, NPB2, H), jnp.float32),
        ],
        compiler_params=pltpu.CompilerParams(
            dimension_semantics=("arbitrary",)),
    )(hE, Ge, Gn, A3, expm2, *weights, vec)


def _edge_out_call(hEk, G, A3p, w1e, w2e, w3e, wout, boutc, vec):
    in_specs = [
        pl.BlockSpec((NPADK, H), lambda i: (i, 0)),
        pl.BlockSpec((NPADK, H), lambda i: (i, 0)),
        _full(A3p.shape),
        _full(w1e.shape), _full(w2e.shape), _full(w3e.shape),
        _full(wout.shape), _full(boutc.shape), _full(vec.shape),
    ]
    return pl.pallas_call(
        _edge_out_body,
        grid=(K,),
        in_specs=in_specs,
        out_specs=pl.BlockSpec((1, OUT_DIM, N), lambda i: (i, 0, 0)),
        out_shape=jax.ShapeDtypeStruct((K, OUT_DIM, N), jnp.float32),
        compiler_params=pltpu.CompilerParams(
            dimension_semantics=("arbitrary",)),
    )(hEk, G, A3p, w1e, w2e, w3e, wout, boutc, vec)



def kernel(V, E, E_idx, x_mask, params):
    p = params
    f32 = jnp.float32
    V2 = V[0]
    E3 = E[0]
    idx = E_idx.reshape(NK).astype(jnp.int32)
    idx3 = jnp.pad(idx, (0, PAD - NK)).reshape(NWORK, NCHUNK, CH)
    rows = jnp.arange(RB, dtype=jnp.int32) // K
    expm = (rows[:, None] == jnp.arange(NPB, dtype=jnp.int32)[None, :]).astype(f32)
    rows2 = jnp.arange(RB2, dtype=jnp.int32) // K
    expm2 = (rows2[:, None] == jnp.arange(NPB2, dtype=jnp.int32)[None, :]).astype(f32)

    def esplit(l):
        W1 = p["edge_W1"][l]
        return W1[:H], W1[H:2 * H], W1[2 * H:]

    def nsplit(l):
        W1 = p["node_W1"][l]
        return W1[:H], W1[H:2 * H], W1[2 * H:]

    def wap_full(l):
        ea, _, ec = esplit(l)
        na, _, nc = nsplit(l)
        wap = jnp.concatenate([ea, na, ec, nc], axis=1)
        bap = jnp.concatenate(
            [p["edge_b1"][l], p["node_b1"][l], jnp.zeros((2 * H,), f32)])[None]
        return wap, bap

    def vec_big(l, first):
        be = p["We_b"] if first else jnp.zeros((H,), f32)
        return jnp.stack([
            be, p["edge_b2"][l], p["edge_b3"][l],
            p["edge_ln_g"][l], p["edge_ln_b"][l],
            p["node_b2"][l], p["node_b3"][l], jnp.zeros((H,), f32)])

    def vec_node(l):
        return jnp.stack([
            p["node_ln1_g"][l], p["node_ln1_b"][l], p["node_ffb2"][l],
            p["node_ln2_g"][l], p["node_ln2_b"][l],
            jnp.zeros((H,), f32), jnp.zeros((H,), f32), jnp.zeros((H,), f32)])

    wap1, bap1 = wap_full(0)
    hV, A, Pe, Pn = _prep_call(V2, p["Wv_w"], p["Wv_b"][None], wap1, bap1)

    Ge, Gn = _sc_gather_multi((Pe, Pn), (idx3, idx3), NCHUNK)
    w1e, w2e, w3e = esplit(0)[1], p["edge_W2"][0], p["edge_W3"][0]
    w1n, w2n, w3n = nsplit(0)[1], p["node_W2"][0], p["node_W3"][0]
    hE, dh3 = _big_call(_big_body_first, True, E3, Ge, Gn,
                        A.reshape(NB, NPB, 2 * H), expm,
                        (p["We_w"], w1e, w2e, w3e, w1n, w2n, w3n), vec_big(0, True))

    wap2, bap2 = wap_full(1)
    hV, A, Pe, Pn = _node_call(hV, dh3.reshape(N, H), vec_node(0),
                               p["node_ffb1"][0][None], p["node_ff1"][0],
                               p["node_ff2"][0], wap2, bap2, 2 * H, 2)

    Ge, Gn = _sc_gather_multi((Pe, Pn), (idx3, idx3), NCHUNK)
    w1e, w2e, w3e = esplit(1)[1], p["edge_W2"][1], p["edge_W3"][1]
    w1n, w2n, w3n = nsplit(1)[1], p["node_W2"][1], p["node_W3"][1]
    A2p = jnp.pad(A, ((0, NPADK - N), (0, 0)))
    hEk3, dh3 = _big_call2(hE, Ge, Gn, A2p.reshape(NB2, NPB2, 2 * H), expm2,
                           (w1e, w2e, w3e, w1n, w2n, w3n), vec_big(1, False))

    ea3, eb3, ec3 = esplit(2)
    wap3 = jnp.concatenate([ea3, ec3], axis=1)
    bap3 = jnp.concatenate([p["edge_b1"][2], jnp.zeros((H,), f32)])[None]
    hV, A, Pe = _node_call(hV, dh3.reshape(NPADK, H)[:N], vec_node(1),
                           p["node_ffb1"][1][None], p["node_ff1"][1],
                           p["node_ff2"][1], wap3, bap3, H, 1)

    (Gn3,) = _sc_gather_multi((Pe,), (idx3,), NCHUNK)
    G = _trans_call(Gn3).reshape(K * NPADK, H)
    hEk = hEk3.reshape(K * NPADK, H)
    A3p = jnp.pad(A, ((0, NPADK - N), (0, 0)))
    t = _edge_out_call(hEk, G, A3p,
                       eb3, p["edge_W2"][2], p["edge_W3"][2],
                       p["Wout_w"], p["Wout_b"][:, None], vec_big(2, False))
    return jnp.transpose(t, (2, 0, 1))[None]

# --- scband reference (transcript-rebuilt; emitter-appended) ---
"""Pipeline reference for scband-pair-energies-87514253623857 (READ-ONLY COPY).

The authoritative reference and input builder live on the scoring server;
editing this copy changes nothing except your own understanding.
"""

import jax, jax.numpy as jnp
import numpy as np

H = 128
NLAYERS = 3
OUT_DIM = 400
KNBR = 30
B = 1
N = 1500


def gather_nodes(nodes, E_idx):
    Bb, Nn, Kk = E_idx.shape
    idx = E_idx.reshape(Bb, Nn * Kk)[:, :, None]
    g = jnp.take_along_axis(nodes, idx, axis=1)
    return g.reshape(Bb, Nn, Kk, nodes.shape[-1])


def layer_norm(x, g, b):
    mu = jnp.mean(x, axis=-1, keepdims=True)
    var = jnp.var(x, axis=-1, keepdims=True)
    return (x - mu) / jnp.sqrt(var + 1e-5) * g + b


def make_params(key):
    ks = jax.random.split(key, 16)
    w = lambda k, s: jax.random.normal(k, s, dtype=jnp.float32) * 0.05
    p = {}
    p["Wv_w"] = w(ks[0], (H, H)); p["Wv_b"] = jnp.zeros((H,), jnp.float32)
    p["We_w"] = w(ks[1], (H, H)); p["We_b"] = jnp.zeros((H,), jnp.float32)
    p["edge_W1"] = w(ks[2], (NLAYERS, 3 * H, H)); p["edge_b1"] = jnp.zeros((NLAYERS, H), jnp.float32)
    p["edge_W2"] = w(ks[3], (NLAYERS, H, H)); p["edge_b2"] = jnp.zeros((NLAYERS, H), jnp.float32)
    p["edge_W3"] = w(ks[4], (NLAYERS, H, H)); p["edge_b3"] = jnp.zeros((NLAYERS, H), jnp.float32)
    p["edge_ln_g"] = jnp.ones((NLAYERS, H), jnp.float32); p["edge_ln_b"] = jnp.zeros((NLAYERS, H), jnp.float32)
    p["node_W1"] = w(ks[5], (NLAYERS, 3 * H, H)); p["node_b1"] = jnp.zeros((NLAYERS, H), jnp.float32)
    p["node_W2"] = w(ks[6], (NLAYERS, H, H)); p["node_b2"] = jnp.zeros((NLAYERS, H), jnp.float32)
    p["node_W3"] = w(ks[7], (NLAYERS, H, H)); p["node_b3"] = jnp.zeros((NLAYERS, H), jnp.float32)
    p["node_ln1_g"] = jnp.ones((NLAYERS, H), jnp.float32); p["node_ln1_b"] = jnp.zeros((NLAYERS, H), jnp.float32)
    p["node_ff1"] = w(ks[8], (NLAYERS, H, 4 * H)); p["node_ffb1"] = jnp.zeros((NLAYERS, 4 * H), jnp.float32)
    p["node_ff2"] = w(ks[9], (NLAYERS, 4 * H, H)); p["node_ffb2"] = jnp.zeros((NLAYERS, H), jnp.float32)
    p["node_ln2_g"] = jnp.ones((NLAYERS, H), jnp.float32); p["node_ln2_b"] = jnp.zeros((NLAYERS, H), jnp.float32)
    p["Wout_w"] = w(ks[10], (H, OUT_DIM)); p["Wout_b"] = jnp.zeros((OUT_DIM,), jnp.float32)
    return p


def _forward(V, E, E_idx, x_mask, p):
    act = jax.nn.gelu
    h_V = V @ p["Wv_w"] + p["Wv_b"]
    h_E = E @ p["We_w"] + p["We_b"]
    mask_attend = gather_nodes(x_mask[:, :, None], E_idx)[..., 0]
    mask_attend = x_mask[:, :, None] * mask_attend
    for l in range(NLAYERS):
        # edge update (EdgeMPNNLayer)
        h_Vj = gather_nodes(h_V, E_idx)
        h_Vi = jnp.broadcast_to(h_V[:, :, None, :], h_Vj.shape)
        h_EV = jnp.concatenate([h_Vi, h_E, h_Vj], axis=-1)
        m = act(h_EV @ p["edge_W1"][l] + p["edge_b1"][l])
        m = act(m @ p["edge_W2"][l] + p["edge_b2"][l])
        m = m @ p["edge_W3"][l] + p["edge_b3"][l]
        h_E = layer_norm(h_E + m, p["edge_ln_g"][l], p["edge_ln_b"][l])
        h_E = h_E * mask_attend[..., None]
        # node update (NodeMPNNLayer)
        h_Vj = gather_nodes(h_V, E_idx)
        h_Vi = jnp.broadcast_to(h_V[:, :, None, :], h_Vj.shape)
        h_EV = jnp.concatenate([h_Vi, h_E, h_Vj], axis=-1)
        m = act(h_EV @ p["node_W1"][l] + p["node_b1"][l])
        m = act(m @ p["node_W2"][l] + p["node_b2"][l])
        m = m @ p["node_W3"][l] + p["node_b3"][l]
        m = m * mask_attend[..., None]
        dh = jnp.sum(m, axis=2) / m.shape[2]
        h_V = layer_norm(h_V + dh, p["node_ln1_g"][l], p["node_ln1_b"][l])
        ff = act(h_V @ p["node_ff1"][l] + p["node_ffb1"][l]) @ p["node_ff2"][l] + p["node_ffb2"][l]
        h_V = layer_norm(h_V + ff, p["node_ln2_g"][l], p["node_ln2_b"][l])
        h_V = h_V * x_mask[..., None]
    etab = h_E @ p["Wout_w"] + p["Wout_b"]
    etab = etab * mask_attend[..., None]
    return etab


def setup_inputs(seed: int = 0):
    key = jax.random.key(seed)
    k1, k2, k3, kp = jax.random.split(key, 4)
    V = jax.random.normal(k1, (B, N, H), dtype=jnp.float32)
    E = jax.random.normal(k2, (B, N, KNBR, H), dtype=jnp.float32)
    E_idx = jax.random.randint(k3, (B, N, KNBR), 0, N)
    x_mask = jnp.ones((B, N), jnp.float32)
    params = make_params(kp)
    return {"V": V, "E": E, "E_idx": E_idx, "x_mask": x_mask, "params": params}


def reference(V, E, E_idx, x_mask, params):
    return _forward(V, E, E_idx, x_mask, params)

if __name__ == "__main__":
    import jax
    _d = setup_inputs()
    print(jax.jit(kernel)(*tuple(_d.values())))

</pallas_src>

<mosaic_0001>
#map = affine_map<(d0, d1) -> (0, 0)>
#map1 = affine_map<(d0, d1) -> (0, 0, 0)>
module attributes {stable_mosaic.version = 14 : i64} {
  func.func @gk(%arg0: i32, %arg1: i32, %arg2: memref<1500x128xf32, #tpu.memory_space<hbm>>, %arg3: memref<1500x128xf32, #tpu.memory_space<hbm>>, %arg4: memref<32x11x128xi32, #tpu.memory_space<hbm>>, %arg5: memref<32x11x128xi32, #tpu.memory_space<hbm>>, %arg6: memref<45056x128xf32, #tpu.memory_space<hbm>>, %arg7: memref<45056x128xf32, #tpu.memory_space<hbm>>, %arg8: memref<11x128xi32, #tpu.memory_space<vmem>>, %arg9: memref<11x128xi32, #tpu.memory_space<vmem>>, %arg10: memref<128x128xf32, #tpu.memory_space<vmem>>, %arg11: memref<128x128xf32, #tpu.memory_space<vmem>>, %arg12: memref<128x128xf32, #tpu.memory_space<vmem>>, %arg13: memref<128x128xf32, #tpu.memory_space<vmem>>, %arg14: memref<!tpu.dma_semaphore, #tpu.memory_space<semaphore_mem>>, %arg15: memref<!tpu.dma_semaphore, #tpu.memory_space<semaphore_mem>>, %arg16: memref<!tpu.dma_semaphore, #tpu.memory_space<semaphore_mem>>, %arg17: memref<!tpu.dma_semaphore, #tpu.memory_space<semaphore_mem>>) attributes {dimension_semantics = [#tpu.dimension_semantics<core_parallel>, #tpu.dimension_semantics<subcore_parallel>], iteration_bounds = array<i64: 2, 16>, scalar_prefetch = 0 : i64, scratch_operands = 10 : i64, tpu.core_type = #tpu.core_type<sc_vector_subcore>, window_params = [{transform_indices = #map}, {transform_indices = #map}, {transform_indices = #map1}, {transform_indices = #map1}, {transform_indices = #map}, {transform_indices = #map}]} {
    %mul3A = arith.constant 2 : i32
    %mul3A_0 = arith.muli %arg1, %mul3A : i32
    %add3A = arith.addi %mul3A_0, %arg0 : i32
    "tpu.region"() ({
      %run_scoped3A = tpu.sem_alloc : memref<!tpu.dma_semaphore, #tpu.memory_space<semaphore_mem>>
      %dma_start3A_374 = arith.constant 0 : i32
      %dma_start3A_375 = arith.constant 0 : i32
      %dma_start3A_376 = tpu.memref_slice %arg4[%add3A, %dma_start3A_374, %dma_start3A_375] : memref<32x11x128xi32, #tpu.memory_space<hbm>> -> memref<1x11x128xi32, #tpu.memory_space<hbm>>
      %dma_start3A_377 = tpu.memref_squeeze %dma_start3A_376 : memref<1x11x128xi32, #tpu.memory_space<hbm>> -> memref<11x128xi32, #tpu.memory_space<hbm>>
      %dma_start3A_378 = arith.constant 0 : i32
      %dma_start3A_379 = arith.constant 0 : i32
      %dma_start3A_380 = tpu.memref_slice %arg4[%add3A, %dma_start3A_378, %dma_start3A_379] : memref<32x11x128xi32, #tpu.memory_space<hbm>> -> memref<1x11x128xi32, #tpu.memory_space<hbm>>
      %dma_start3A_381 = tpu.memref_squeeze %dma_start3A_380 : memref<1x11x128xi32, #tpu.memory_space<hbm>> -> memref<11x128xi32, #tpu.memory_space<hbm>>
      tpu.enqueue_dma source(%dma_start3A_381 : memref<11x128xi32, #tpu.memory_space<hbm>>) target(%arg8 : memref<11x128xi32, #tpu.memory_space<vmem>>) target_semaphore(%run_scoped3A : memref<!tpu.dma_semaphore, #tpu.memory_space<semaphore_mem>>)
      %dma_wait3A_382 = arith.constant 0 : i32
      %dma_wait3A_383 = arith.constant 0 : i32
      %dma_wait3A_384 = tpu.memref_slice %arg4[%add3A, %dma_wait3A_382, %dma_wait3A_383] : memref<32x11x128xi32, #tpu.memory_space<hbm>> -> memref<1x11x128xi32, #tpu.memory_space<hbm>>
      %dma_wait3A_385 = tpu.memref_squeeze %dma_wait3A_384 : memref<1x11x128xi32, #tpu.memory_space<hbm>> -> memref<11x128xi32, #tpu.memory_space<hbm>>
      %dma_wait3A_386 = arith.constant 0 : i32
      %dma_wait3A_387 = arith.constant 0 : i32
      %dma_wait3A_388 = tpu.memref_slice %arg4[%add3A, %dma_wait3A_386, %dma_wait3A_387] : memref<32x11x128xi32, #tpu.memory_space<hbm>> -> memref<1x11x128xi32, #tpu.memory_space<hbm>>
      %dma_wait3A_389 = tpu.memref_squeeze %dma_wait3A_388 : memref<1x11x128xi32, #tpu.memory_space<hbm>> -> memref<11x128xi32, #tpu.memory_space<hbm>>
      tpu.wait_dma2 semaphore(%run_scoped3A : memref<!tpu.dma_semaphore, #tpu.memory_space<semaphore_mem>>) src(%dma_wait3A_389 : memref<11x128xi32, #tpu.memory_space<hbm>>) dst(%arg8 : memref<11x128xi32, #tpu.memory_space<vmem>>)
      tpu.yield
    }) : () -> ()
    "tpu.region"() ({
      %run_scoped3A = tpu.sem_alloc : memref<!tpu.dma_semaphore, #tpu.memory_space<semaphore_mem>>
      %dma_start3A_374 = arith.constant 0 : i32
      %dma_start3A_375 = arith.constant 0 : i32
      %dma_start3A_376 = tpu.memref_slice %arg5[%add3A, %dma_start3A_374, %dma_start3A_375] : memref<32x11x128xi32, #tpu.memory_space<hbm>> -> memref<1x11x128xi32, #tpu.memory_space<hbm>>
      %dma_start3A_377 = tpu.memref_squeeze %dma_start3A_376 : memref<1x11x128xi32, #tpu.memory_space<hbm>> -> memref<11x128xi32, #tpu.memory_space<hbm>>
      %dma_start3A_378 = arith.constant 0 : i32
      %dma_start3A_379 = arith.constant 0 : i32
      %dma_start3A_380 = tpu.memref_slice %arg5[%add3A, %dma_start3A_378, %dma_start3A_379] : memref<32x11x128xi32, #tpu.memory_space<hbm>> -> memref<1x11x128xi32, #tpu.memory_space<hbm>>
      %dma_start3A_381 = tpu.memref_squeeze %dma_start3A_380 : memref<1x11x128xi32, #tpu.memory_space<hbm>> -> memref<11x128xi32, #tpu.memory_space<hbm>>
      tpu.enqueue_dma source(%dma_start3A_381 : memref<11x128xi32, #tpu.memory_space<hbm>>) target(%arg9 : memref<11x128xi32, #tpu.memory_space<vmem>>) target_semaphore(%run_scoped3A : memref<!tpu.dma_semaphore, #tpu.memory_space<semaphore_mem>>)
      %dma_wait3A_382 = arith.constant 0 : i32
      %dma_wait3A_383 = arith.constant 0 : i32
      %dma_wait3A_384 = tpu.memref_slice %arg5[%add3A, %dma_wait3A_382, %dma_wait3A_383] : memref<32x11x128xi32, #tpu.memory_space<hbm>> -> memref<1x11x128xi32, #tpu.memory_space<hbm>>
      %dma_wait3A_385 = tpu.memref_squeeze %dma_wait3A_384 : memref<1x11x128xi32, #tpu.memory_space<hbm>> -> memref<11x128xi32, #tpu.memory_space<hbm>>
      %dma_wait3A_386 = arith.constant 0 : i32
      %dma_wait3A_387 = arith.constant 0 : i32
      %dma_wait3A_388 = tpu.memref_slice %arg5[%add3A, %dma_wait3A_386, %dma_wait3A_387] : memref<32x11x128xi32, #tpu.memory_space<hbm>> -> memref<1x11x128xi32, #tpu.memory_space<hbm>>
      %dma_wait3A_389 = tpu.memref_squeeze %dma_wait3A_388 : memref<1x11x128xi32, #tpu.memory_space<hbm>> -> memref<11x128xi32, #tpu.memory_space<hbm>>
      tpu.wait_dma2 semaphore(%run_scoped3A : memref<!tpu.dma_semaphore, #tpu.memory_space<semaphore_mem>>) src(%dma_wait3A_389 : memref<11x128xi32, #tpu.memory_space<hbm>>) dst(%arg9 : memref<11x128xi32, #tpu.memory_space<vmem>>)
      tpu.yield
    }) : () -> ()
    %dma_start3A = arith.constant 0 : i32
    %dma_start3A_1 = arith.constant 0 : i32
    %dma_start3A_2 = tpu.memref_slice %arg8[%dma_start3A, %dma_start3A_1] : memref<11x128xi32, #tpu.memory_space<vmem>> -> memref<1x128xi32, #tpu.memory_space<vmem>>
    %dma_start3A_3 = tpu.memref_squeeze %dma_start3A_2 : memref<1x128xi32, #tpu.memory_space<vmem>> -> memref<128xi32, #tpu.memory_space<vmem>>
    %dma_start3A_4 = arith.constant 0 : i32
    %dma_start3A_5 = arith.constant 0 : i32
    %dma_start3A_6 = tpu.memref_slice %arg2[%dma_start3A_4, %dma_start3A_5] : memref<1500x128xf32, #tpu.memory_space<hbm>> -> memref<1500x128xf32, #tpu.memory_space<hbm>>
    tpu.enqueue_indirect_dma source(%dma_start3A_6 : memref<1500x128xf32, #tpu.memory_space<hbm>>) target(%arg10 : memref<128x128xf32, #tpu.memory_space<vmem>>) offsets(%dma_start3A_3 : memref<128xi32, #tpu.memory_space<vmem>>) semaphore(%arg14 : memref<!tpu.dma_semaphore, #tpu.memory_space<semaphore_mem>>)
    %dma_start3A_7 = arith.constant 0 : i32
    %dma_start3A_8 = arith.constant 0 : i32
    %dma_start3A_9 = tpu.memref_slice %arg9[%dma_start3A_7, %dma_start3A_8] : memref<11x128xi32, #tpu.memory_space<vmem>> -> memref<1x128xi32, #tpu.memory_space<vmem>>
    %dma_start3A_10 = tpu.memref_squeeze %dma_start3A_9 : memref<1x128xi32, #tpu.memory_space<vmem>> -> memref<128xi32, #tpu.memory_space<vmem>>
    %dma_start3A_11 = arith.constant 0 : i32
    %dma_start3A_12 = arith.constant 0 : i32
    %dma_start3A_13 = tpu.memref_slice %arg3[%dma_start3A_11, %dma_start3A_12] : memref<1500x128xf32, #tpu.memory_space<hbm>> -> memref<1500x128xf32, #tpu.memory_space<hbm>>
    tpu.enqueue_indirect_dma source(%dma_start3A_13 : memref<1500x128xf32, #tpu.memory_space<hbm>>) target(%arg12 : memref<128x128xf32, #tpu.memory_space<vmem>>) offsets(%dma_start3A_10 : memref<128xi32, #tpu.memory_space<vmem>>) semaphore(%arg16 : memref<!tpu.dma_semaphore, #tpu.memory_space<semaphore_mem>>)
    %dma_start3A_14 = arith.constant 1 : i32
    %dma_start3A_15 = arith.constant 0 : i32
    %dma_start3A_16 = tpu.memref_slice %arg8[%dma_start3A_14, %dma_start3A_15] : memref<11x128xi32, #tpu.memory_space<vmem>> -> memref<1x128xi32, #tpu.memory_space<vmem>>
    %dma_start3A_17 = tpu.memref_squeeze %dma_start3A_16 : memref<1x128xi32, #tpu.memory_space<vmem>> -> memref<128xi32, #tpu.memory_space<vmem>>
    %dma_start3A_18 = arith.constant 0 : i32
    %dma_start3A_19 = arith.constant 0 : i32
    %dma_start3A_20 = tpu.memref_slice %arg2[%dma_start3A_18, %dma_start3A_19] : memref<1500x128xf32, #tpu.memory_space<hbm>> -> memref<1500x128xf32, #tpu.memory_space<hbm>>
    tpu.enqueue_indirect_dma source(%dma_start3A_20 : memref<1500x128xf32, #tpu.memory_space<hbm>>) target(%arg11 : memref<128x128xf32, #tpu.memory_space<vmem>>) offsets(%dma_start3A_17 : memref<128xi32, #tpu.memory_space<vmem>>) semaphore(%arg15 : memref<!tpu.dma_semaphore, #tpu.memory_space<semaphore_mem>>)
    %dma_start3A_21 = arith.constant 1 : i32
    %dma_start3A_22 = arith.constant 0 : i32
    %dma_start3A_23 = tpu.memref_slice %arg9[%dma_start3A_21, %dma_start3A_22] : memref<11x128xi32, #tpu.memory_space<vmem>> -> memref<1x128xi32, #tpu.memory_space<vmem>>
    %dma_start3A_24 = tpu.memref_squeeze %dma_start3A_23 : memref<1x128xi32, #tpu.memory_space<vmem>> -> memref<128xi32, #tpu.memory_space<vmem>>
    %dma_start3A_25 = arith.constant 0 : i32
    %dma_start3A_26 = arith.constant 0 : i32
    %dma_start3A_27 = tpu.memref_slice %arg3[%dma_start3A_25, %dma_start3A_26] : memref<1500x128xf32, #tpu.memory_space<hbm>> -> memref<1500x128xf32, #tpu.memory_space<hbm>>
    tpu.enqueue_indirect_dma source(%dma_start3A_27 : memref<1500x128xf32, #tpu.memory_space<hbm>>) target(%arg13 : memref<128x128xf32, #tpu.memory_space<vmem>>) offsets(%dma_start3A_24 : memref<128xi32, #tpu.memory_space<vmem>>) semaphore(%arg17 : memref<!tpu.dma_semaphore, #tpu.memory_space<semaphore_mem>>)
    %mul3A_28 = arith.constant 11 : i32
    %mul3A_29 = arith.muli %add3A, %mul3A_28 : i32
    %add3A_30 = arith.constant 0 : i32
    %add3A_31 = arith.addi %mul3A_29, %add3A_30 : i32
    %mul3A_32 = arith.constant 128 : i32
    %mul3A_33 = arith.muli %add3A_31, %mul3A_32 : i32
    %dma_wait3A = arith.constant 0 : i32
    %dma_wait3A_34 = arith.constant 0 : i32
    %dma_wait3A_35 = tpu.memref_slice %arg8[%dma_wait3A, %dma_wait3A_34] : memref<11x128xi32, #tpu.memory_space<vmem>> -> memref<1x128xi32, #tpu.memory_space<vmem>>
    %dma_wait3A_36 = tpu.memref_squeeze %dma_wait3A_35 : memref<1x128xi32, #tpu.memory_space<vmem>> -> memref<128xi32, #tpu.memory_space<vmem>>
    %dma_wait3A_37 = arith.constant 0 : i32
    %dma_wait3A_38 = arith.constant 0 : i32
    %dma_wait3A_39 = tpu.memref_slice %arg2[%dma_wait3A_37, %dma_wait3A_38] : memref<1500x128xf32, #tpu.memory_space<hbm>> -> memref<1500x128xf32, #tpu.memory_space<hbm>>
    tpu.wait_indirect_dma semaphore(%arg14 : memref<!tpu.dma_semaphore, #tpu.memory_space<semaphore_mem>>) src(%dma_wait3A_39 : memref<1500x128xf32, #tpu.memory_space<hbm>>) dst(%arg10 : memref<128x128xf32, #tpu.memory_space<vmem>>)
    "tpu.region"() ({
      %run_scoped3A = tpu.sem_alloc : memref<!tpu.dma_semaphore, #tpu.memory_space<semaphore_mem>>
      %dma_start3A_374 = arith.constant 0 : i32
      %dma_start3A_375 = tpu.memref_slice %arg6[%mul3A_33, %dma_start3A_374] : memref<45056x128xf32, #tpu.memory_space<hbm>> -> memref<128x128xf32, #tpu.memory_space<hbm>>
      %dma_start3A_376 = arith.constant 0 : i32
      %dma_start3A_377 = tpu.memref_slice %arg6[%mul3A_33, %dma_start3A_376] : memref<45056x128xf32, #tpu.memory_space<hbm>> -> memref<128x128xf32, #tpu.memory_space<hbm>>
      tpu.enqueue_dma source(%arg10 : memref<128x128xf32, #tpu.memory_space<vmem>>) target(%dma_start3A_377 : memref<128x128xf32, #tpu.memory_space<hbm>>) target_semaphore(%run_scoped3A : memref<!tpu.dma_semaphore, #tpu.memory_space<semaphore_mem>>)
      %dma_wait3A_378 = arith.constant 0 : i32
      %dma_wait3A_379 = tpu.memref_slice %arg6[%mul3A_33, %dma_wait3A_378] : memref<45056x128xf32, #tpu.memory_space<hbm>> -> memref<128x128xf32, #tpu.memory_space<hbm>>
      %dma_wait3A_380 = arith.constant 0 : i32
      %dma_wait3A_381 = tpu.memref_slice %arg6[%mul3A_33, %dma_wait3A_380] : memref<45056x128xf32, #tpu.memory_space<hbm>> -> memref<128x128xf32, #tpu.memory_space<hbm>>
      tpu.wait_dma2 semaphore(%run_scoped3A : memref<!tpu.dma_semaphore, #tpu.memory_space<semaphore_mem>>) src(%arg10 : memref<128x128xf32, #tpu.memory_space<vmem>>) dst(%dma_wait3A_381 : memref<128x128xf32, #tpu.memory_space<hbm>>)
      tpu.yield
    }) : () -> ()
    %dma_wait3A_40 = arith.constant 0 : i32
    %dma_wait3A_41 = arith.constant 0 : i32
    %dma_wait3A_42 = tpu.memref_slice %arg9[%dma_wait3A_40, %dma_wait3A_41] : memref<11x128xi32, #tpu.memory_space<vmem>> -> memref<1x128xi32, #tpu.memory_space<vmem>>
    %dma_wait3A_43 = tpu.memref_squeeze %dma_wait3A_42 : memref<1x128xi32, #tpu.memory_space<vmem>> -> memref<128xi32, #tpu.memory_space<vmem>>
    %dma_wait3A_44 = arith.constant 0 : i32
    %dma_wait3A_45 = arith.constant 0 : i32
    %dma_wait3A_46 = tpu.memref_slice %arg3[%dma_wait3A_44, %dma_wait3A_45] : memref<1500x128xf32, #tpu.memory_space<hbm>> -> memref<1500x128xf32, #tpu.memory_space<hbm>>
    tpu.wait_indirect_dma semaphore(%arg16 : memref<!tpu.dma_semaphore, #tpu.memory_space<semaphore_mem>>) src(%dma_wait3A_46 : memref<1500x128xf32, #tpu.memory_space<hbm>>) dst(%arg12 : memref<128x128xf32, #tpu.memory_space<vmem>>)
    "tpu.region"() ({
      %run_scoped3A = tpu.sem_alloc : memref<!tpu.dma_semaphore, #tpu.memory_space<semaphore_mem>>
      %dma_start3A_374 = arith.constant 0 : i32
      %dma_start3A_375 = tpu.memref_slice %arg7[%mul3A_33, %dma_start3A_374] : memref<45056x128xf32, #tpu.memory_space<hbm>> -> memref<128x128xf32, #tpu.memory_space<hbm>>
      %dma_start3A_376 = arith.constant 0 : i32
      %dma_start3A_377 = tpu.memref_slice %arg7[%mul3A_33, %dma_start3A_376] : memref<45056x128xf32, #tpu.memory_space<hbm>> -> memref<128x128xf32, #tpu.memory_space<hbm>>
      tpu.enqueue_dma source(%arg12 : memref<128x128xf32, #tpu.memory_space<vmem>>) target(%dma_start3A_377 : memref<128x128xf32, #tpu.memory_space<hbm>>) target_semaphore(%run_scoped3A : memref<!tpu.dma_semaphore, #tpu.memory_space<semaphore_mem>>)
      %dma_wait3A_378 = arith.constant 0 : i32
      %dma_wait3A_379 = tpu.memref_slice %arg7[%mul3A_33, %dma_wait3A_378] : memref<45056x128xf32, #tpu.memory_space<hbm>> -> memref<128x128xf32, #tpu.memory_space<hbm>>
      %dma_wait3A_380 = arith.constant 0 : i32
      %dma_wait3A_381 = tpu.memref_slice %arg7[%mul3A_33, %dma_wait3A_380] : memref<45056x128xf32, #tpu.memory_space<hbm>> -> memref<128x128xf32, #tpu.memory_space<hbm>>
      tpu.wait_dma2 semaphore(%run_scoped3A : memref<!tpu.dma_semaphore, #tpu.memory_space<semaphore_mem>>) src(%arg12 : memref<128x128xf32, #tpu.memory_space<vmem>>) dst(%dma_wait3A_381 : memref<128x128xf32, #tpu.memory_space<hbm>>)
      tpu.yield
    }) : () -> ()
    %dma_start3A_47 = arith.constant 2 : i32
    %dma_start3A_48 = arith.constant 0 : i32
    %dma_start3A_49 = tpu.memref_slice %arg8[%dma_start3A_47, %dma_start3A_48] : memref<11x128xi32, #tpu.memory_space<vmem>> -> memref<1x128xi32, #tpu.memory_space<vmem>>
    %dma_start3A_50 = tpu.memref_squeeze %dma_start3A_49 : memref<1x128xi32, #tpu.memory_space<vmem>> -> memref<128xi32, #tpu.memory_space<vmem>>
    %dma_start3A_51 = arith.constant 0 : i32
    %dma_start3A_52 = arith.constant 0 : i32
    %dma_start3A_53 = tpu.memref_slice %arg2[%dma_start3A_51, %dma_start3A_52] : memref<1500x128xf32, #tpu.memory_space<hbm>> -> memref<1500x128xf32, #tpu.memory_space<hbm>>
    tpu.enqueue_indirect_dma source(%dma_start3A_53 : memref<1500x128xf32, #tpu.memory_space<hbm>>) target(%arg10 : memref<128x128xf32, #tpu.memory_space<vmem>>) offsets(%dma_start3A_50 : memref<128xi32, #tpu.memory_space<vmem>>) semaphore(%arg14 : memref<!tpu.dma_semaphore, #tpu.memory_space<semaphore_mem>>)
    %dma_start3A_54 = arith.constant 2 : i32
    %dma_start3A_55 = arith.constant 0 : i32
    %dma_start3A_56 = tpu.memref_slice %arg9[%dma_start3A_54, %dma_start3A_55] : memref<11x128xi32, #tpu.memory_space<vmem>> -> memref<1x128xi32, #tpu.memory_space<vmem>>
    %dma_start3A_57 = tpu.memref_squeeze %dma_start3A_56 : memref<1x128xi32, #tpu.memory_space<vmem>> -> memref<128xi32, #tpu.memory_space<vmem>>
    %dma_start3A_58 = arith.constant 0 : i32
    %dma_start3A_59 = arith.constant 0 : i32
    %dma_start3A_60 = tpu.memref_slice %arg3[%dma_start3A_58, %dma_start3A_59] : memref<1500x128xf32, #tpu.memory_space<hbm>> -> memref<1500x128xf32, #tpu.memory_space<hbm>>
    tpu.enqueue_indirect_dma source(%dma_start3A_60 : memref<1500x128xf32, #tpu.memory_space<hbm>>) target(%arg12 : memref<128x128xf32, #tpu.memory_space<vmem>>) offsets(%dma_start3A_57 : memref<128xi32, #tpu.memory_space<vmem>>) semaphore(%arg16 : memref<!tpu.dma_semaphore, #tpu.memory_space<semaphore_mem>>)
    %mul3A_61 = arith.constant 11 : i32
    %mul3A_62 = arith.muli %add3A, %mul3A_61 : i32
    %add3A_63 = arith.constant 1 : i32
    %add3A_64 = arith.addi %mul3A_62, %add3A_63 : i32
    %mul3A_65 = arith.constant 128 : i32
    %mul3A_66 = arith.muli %add3A_64, %mul3A_65 : i32
    %dma_wait3A_67 = arith.constant 1 : i32
    %dma_wait3A_68 = arith.constant 0 : i32
    %dma_wait3A_69 = tpu.memref_slice %arg8[%dma_wait3A_67, %dma_wait3A_68] : memref<11x128xi32, #tpu.memory_space<vmem>> -> memref<1x128xi32, #tpu.memory_space<vmem>>
    %dma_wait3A_70 = tpu.memref_squeeze %dma_wait3A_69 : memref<1x128xi32, #tpu.memory_space<vmem>> -> memref<128xi32, #tpu.memory_space<vmem>>
    %dma_wait3A_71 = arith.constant 0 : i32
    %dma_wait3A_72 = arith.constant 0 : i32
    %dma_wait3A_73 = tpu.memref_slice %arg2[%dma_wait3A_71, %dma_wait3A_72] : memref<1500x128xf32, #tpu.memory_space<hbm>> -> memref<1500x128xf32, #tpu.memory_space<hbm>>
    tpu.wait_indirect_dma semaphore(%arg15 : memref<!tpu.dma_semaphore, #tpu.memory_space<semaphore_mem>>) src(%dma_wait3A_73 : memref<1500x128xf32, #tpu.memory_space<hbm>>) dst(%arg11 : memref<128x128xf32, #tpu.memory_space<vmem>>)
    "tpu.region"() ({
      %run_scoped3A = tpu.sem_alloc : memref<!tpu.dma_semaphore, #tpu.memory_space<semaphore_mem>>
      %dma_start3A_374 = arith.constant 0 : i32
      %dma_start3A_375 = tpu.memref_slice %arg6[%mul3A_66, %dma_start3A_374] : memref<45056x128xf32, #tpu.memory_space<hbm>> -> memref<128x128xf32, #tpu.memory_space<hbm>>
      %dma_start3A_376 = arith.constant 0 : i32
      %dma_start3A_377 = tpu.memref_slice %arg6[%mul3A_66, %dma_start3A_376] : memref<45056x128xf32, #tpu.memory_space<hbm>> -> memref<128x128xf32, #tpu.memory_space<hbm>>
      tpu.enqueue_dma source(%arg11 : memref<128x128xf32, #tpu.memory_space<vmem>>) target(%dma_start3A_377 : memref<128x128xf32, #tpu.memory_space<hbm>>) target_semaphore(%run_scoped3A : memref<!tpu.dma_semaphore, #tpu.memory_space<semaphore_mem>>)
      %dma_wait3A_378 = arith.constant 0 : i32
      %dma_wait3A_379 = tpu.memref_slice %arg6[%mul3A_66, %dma_wait3A_378] : memref<45056x128xf32, #tpu.memory_space<hbm>> -> memref<128x128xf32, #tpu.memory_space<hbm>>
      %dma_wait3A_380 = arith.constant 0 : i32
      %dma_wait3A_381 = tpu.memref_slice %arg6[%mul3A_66, %dma_wait3A_380] : memref<45056x128xf32, #tpu.memory_space<hbm>> -> memref<128x128xf32, #tpu.memory_space<hbm>>
      tpu.wait_dma2 semaphore(%run_scoped3A : memref<!tpu.dma_semaphore, #tpu.memory_space<semaphore_mem>>) src(%arg11 : memref<128x128xf32, #tpu.memory_space<vmem>>) dst(%dma_wait3A_381 : memref<128x128xf32, #tpu.memory_space<hbm>>)
      tpu.yield
    }) : () -> ()
    %dma_wait3A_74 = arith.constant 1 : i32
    %dma_wait3A_75 = arith.constant 0 : i32
    %dma_wait3A_76 = tpu.memref_slice %arg9[%dma_wait3A_74, %dma_wait3A_75] : memref<11x128xi32, #tpu.memory_space<vmem>> -> memref<1x128xi32, #tpu.memory_space<vmem>>
    %dma_wait3A_77 = tpu.memref_squeeze %dma_wait3A_76 : memref<1x128xi32, #tpu.memory_space<vmem>> -> memref<128xi32, #tpu.memory_space<vmem>>
    %dma_wait3A_78 = arith.constant 0 : i32
    %dma_wait3A_79 = arith.constant 0 : i32
    %dma_wait3A_80 = tpu.memref_slice %arg3[%dma_wait3A_78, %dma_wait3A_79] : memref<1500x128xf32, #tpu.memory_space<hbm>> -> memref<1500x128xf32, #tpu.memory_space<hbm>>
    tpu.wait_indirect_dma semaphore(%arg17 : memref<!tpu.dma_semaphore, #tpu.memory_space<semaphore_mem>>) src(%dma_wait3A_80 : memref<1500x128xf32, #tpu.memory_space<hbm>>) dst(%arg13 : memref<128x128xf32, #tpu.memory_space<vmem>>)
    "tpu.region"() ({
      %run_scoped3A = tpu.sem_alloc : memref<!tpu.dma_semaphore, #tpu.memory_space<semaphore_mem>>
      %dma_start3A_374 = arith.constant 0 : i32
      %dma_start3A_375 = tpu.memref_slice %arg7[%mul3A_66, %dma_start3A_374] : memref<45056x128xf32, #tpu.memory_space<hbm>> -> memref<128x128xf32, #tpu.memory_space<hbm>>
      %dma_start3A_376 = arith.constant 0 : i32
      %dma_start3A_377 = tpu.memref_slice %arg7[%mul3A_66, %dma_start3A_376] : memref<45056x128xf32, #tpu.memory_space<hbm>> -> memref<128x128xf32, #tpu.memory_space<hbm>>
      tpu.enqueue_dma source(%arg13 : memref<128x128xf32, #tpu.memory_space<vmem>>) target(%dma_start3A_377 : memref<128x128xf32, #tpu.memory_space<hbm>>) target_semaphore(%run_scoped3A : memref<!tpu.dma_semaphore, #tpu.memory_space<semaphore_mem>>)
      %dma_wait3A_378 = arith.constant 0 : i32
      %dma_wait3A_379 = tpu.memref_slice %arg7[%mul3A_66, %dma_wait3A_378] : memref<45056x128xf32, #tpu.memory_space<hbm>> -> memref<128x128xf32, #tpu.memory_space<hbm>>
      %dma_wait3A_380 = arith.constant 0 : i32
      %dma_wait3A_381 = tpu.memref_slice %arg7[%mul3A_66, %dma_wait3A_380] : memref<45056x128xf32, #tpu.memory_space<hbm>> -> memref<128x128xf32, #tpu.memory_space<hbm>>
      tpu.wait_dma2 semaphore(%run_scoped3A : memref<!tpu.dma_semaphore, #tpu.memory_space<semaphore_mem>>) src(%arg13 : memref<128x128xf32, #tpu.memory_space<vmem>>) dst(%dma_wait3A_381 : memref<128x128xf32, #tpu.memory_space<hbm>>)
      tpu.yield
    }) : () -> ()
    %dma_start3A_81 = arith.constant 3 : i32
    %dma_start3A_82 = arith.constant 0 : i32
    %dma_start3A_83 = tpu.memref_slice %arg8[%dma_start3A_81, %dma_start3A_82] : memref<11x128xi32, #tpu.memory_space<vmem>> -> memref<1x128xi32, #tpu.memory_space<vmem>>
    %dma_start3A_84 = tpu.memref_squeeze %dma_start3A_83 : memref<1x128xi32, #tpu.memory_space<vmem>> -> memref<128xi32, #tpu.memory_space<vmem>>
    %dma_start3A_85 = arith.constant 0 : i32
    %dma_start3A_86 = arith.constant 0 : i32
    %dma_start3A_87 = tpu.memref_slice %arg2[%dma_start3A_85, %dma_start3A_86] : memref<1500x128xf32, #tpu.memory_space<hbm>> -> memref<1500x128xf32, #tpu.memory_space<hbm>>
    tpu.enqueue_indirect_dma source(%dma_start3A_87 : memref<1500x128xf32, #tpu.memory_space<hbm>>) target(%arg11 : memref<128x128xf32, #tpu.memory_space<vmem>>) offsets(%dma_start3A_84 : memref<128xi32, #tpu.memory_space<vmem>>) semaphore(%arg15 : memref<!tpu.dma_semaphore, #tpu.memory_space<semaphore_mem>>)
    %dma_start3A_88 = arith.constant 3 : i32
    %dma_start3A_89 = arith.constant 0 : i32
    %dma_start3A_90 = tpu.memref_slice %arg9[%dma_start3A_88, %dma_start3A_89] : memref<11x128xi32, #tpu.memory_space<vmem>> -> memref<1x128xi32, #tpu.memory_space<vmem>>
    %dma_start3A_91 = tpu.memref_squeeze %dma_start3A_90 : memref<1x128xi32, #tpu.memory_space<vmem>> -> memref<128xi32, #tpu.memory_space<vmem>>
    %dma_start3A_92 = arith.constant 0 : i32
    %dma_start3A_93 = arith.constant 0 : i32
    %dma_start3A_94 = tpu.memref_slice %arg3[%dma_start3A_92, %dma_start3A_93] : memref<1500x128xf32, #tpu.memory_space<hbm>> -> memref<1500x128xf32, #tpu.memory_space<hbm>>
    tpu.enqueue_indirect_dma source(%dma_start3A_94 : memref<1500x128xf32, #tpu.memory_space<hbm>>) target(%arg13 : memref<128x128xf32, #tpu.memory_space<vmem>>) offsets(%dma_start3A_91 : memref<128xi32, #tpu.memory_space<vmem>>) semaphore(%arg17 : memref<!tpu.dma_semaphore, #tpu.memory_space<semaphore_mem>>)
    %mul3A_95 = arith.constant 11 : i32
    %mul3A_96 = arith.muli %add3A, %mul3A_95 : i32
    %add3A_97 = arith.constant 2 : i32
    %add3A_98 = arith.addi %mul3A_96, %add3A_97 : i32
    %mul3A_99 = arith.constant 128 : i32
    %mul3A_100 = arith.muli %add3A_98, %mul3A_99 : i32
    %dma_wait3A_101 = arith.constant 2 : i32
    %dma_wait3A_102 = arith.constant 0 : i32
    %dma_wait3A_103 = tpu.memref_slice %arg8[%dma_wait3A_101, %dma_wait3A_102] : memref<11x128xi32, #tpu.memory_space<vmem>> -> memref<1x128xi32, #tpu.memory_space<vmem>>
    %dma_wait3A_104 = tpu.memref_squeeze %dma_wait3A_103 : memref<1x128xi32, #tpu.memory_space<vmem>> -> memref<128xi32, #tpu.memory_space<vmem>>
    %dma_wait3A_105 = arith.constant 0 : i32
    %dma_wait3A_106 = arith.constant 0 : i32
    %dma_wait3A_107 = tpu.memref_slice %arg2[%dma_wait3A_105, %dma_wait3A_106] : memref<1500x128xf32, #tpu.memory_space<hbm>> -> memref<1500x128xf32, #tpu.memory_space<hbm>>
    tpu.wait_indirect_dma semaphore(%arg14 : memref<!tpu.dma_semaphore, #tpu.memory_space<semaphore_mem>>) src(%dma_wait3A_107 : memref<1500x128xf32, #tpu.memory_space<hbm>>) dst(%arg10 : memref<128x128xf32, #tpu.memory_space<vmem>>)
    "tpu.region"() ({
      %run_scoped3A = tpu.sem_alloc : memref<!tpu.dma_semaphore, #tpu.memory_space<semaphore_mem>>
      %dma_start3A_374 = arith.constant 0 : i32
      %dma_start3A_375 = tpu.memref_slice %arg6[%mul3A_100, %dma_start3A_374] : memref<45056x128xf32, #tpu.memory_space<hbm>> -> memref<128x128xf32, #tpu.memory_space<hbm>>
      %dma_start3A_376 = arith.constant 0 : i32
      %dma_start3A_377 = tpu.memref_slice %arg6[%mul3A_100, %dma_start3A_376] : memref<45056x128xf32, #tpu.memory_space<hbm>> -> memref<128x128xf32, #tpu.memory_space<hbm>>
      tpu.enqueue_dma source(%arg10 : memref<128x128xf32, #tpu.memory_space<vmem>>) target(%dma_start3A_377 : memref<128x128xf32, #tpu.memory_space<hbm>>) target_semaphore(%run_scoped3A : memref<!tpu.dma_semaphore, #tpu.memory_space<semaphore_mem>>)
      %dma_wait3A_378 = arith.constant 0 : i32
      %dma_wait3A_379 = tpu.memref_slice %arg6[%mul3A_100, %dma_wait3A_378] : memref<45056x128xf32, #tpu.memory_space<hbm>> -> memref<128x128xf32, #tpu.memory_space<hbm>>
      %dma_wait3A_380 = arith.constant 0 : i32
      %dma_wait3A_381 = tpu.memref_slice %arg6[%mul3A_100, %dma_wait3A_380] : memref<45056x128xf32, #tpu.memory_space<hbm>> -> memref<128x128xf32, #tpu.memory_space<hbm>>
      tpu.wait_dma2 semaphore(%run_scoped3A : memref<!tpu.dma_semaphore, #tpu.memory_space<semaphore_mem>>) src(%arg10 : memref<128x128xf32, #tpu.memory_space<vmem>>) dst(%dma_wait3A_381 : memref<128x128xf32, #tpu.memory_space<hbm>>)
      tpu.yield
    }) : () -> ()
    %dma_wait3A_108 = arith.constant 2 : i32
    %dma_wait3A_109 = arith.constant 0 : i32
    %dma_wait3A_110 = tpu.memref_slice %arg9[%dma_wait3A_108, %dma_wait3A_109] : memref<11x128xi32, #tpu.memory_space<vmem>> -> memref<1x128xi32, #tpu.memory_space<vmem>>
    %dma_wait3A_111 = tpu.memref_squeeze %dma_wait3A_110 : memref<1x128xi32, #tpu.memory_space<vmem>> -> memref<128xi32, #tpu.memory_space<vmem>>
    %dma_wait3A_112 = arith.constant 0 : i32
    %dma_wait3A_113 = arith.constant 0 : i32
    %dma_wait3A_114 = tpu.memref_slice %arg3[%dma_wait3A_112, %dma_wait3A_113] : memref<1500x128xf32, #tpu.memory_space<hbm>> -> memref<1500x128xf32, #tpu.memory_space<hbm>>
    tpu.wait_indirect_dma semaphore(%arg16 : memref<!tpu.dma_semaphore, #tpu.memory_space<semaphore_mem>>) src(%dma_wait3A_114 : memref<1500x128xf32, #tpu.memory_space<hbm>>) dst(%arg12 : memref<128x128xf32, #tpu.memory_space<vmem>>)
    "tpu.region"() ({
      %run_scoped3A = tpu.sem_alloc : memref<!tpu.dma_semaphore, #tpu.memory_space<semaphore_mem>>
      %dma_start3A_374 = arith.constant 0 : i32
      %dma_start3A_375 = tpu.memref_slice %arg7[%mul3A_100, %dma_start3A_374] : memref<45056x128xf32, #tpu.memory_space<hbm>> -> memref<128x128xf32, #tpu.memory_space<hbm>>
      %dma_start3A_376 = arith.constant 0 : i32
      %dma_start3A_377 = tpu.memref_slice %arg7[%mul3A_100, %dma_start3A_376] : memref<45056x128xf32, #tpu.memory_space<hbm>> -> memref<128x128xf32, #tpu.memory_space<hbm>>
      tpu.enqueue_dma source(%arg12 : memref<128x128xf32, #tpu.memory_space<vmem>>) target(%dma_start3A_377 : memref<128x128xf32, #tpu.memory_space<hbm>>) target_semaphore(%run_scoped3A : memref<!tpu.dma_semaphore, #tpu.memory_space<semaphore_mem>>)
      %dma_wait3A_378 = arith.constant 0 : i32
      %dma_wait3A_379 = tpu.memref_slice %arg7[%mul3A_100, %dma_wait3A_378] : memref<45056x128xf32, #tpu.memory_space<hbm>> -> memref<128x128xf32, #tpu.memory_space<hbm>>
      %dma_wait3A_380 = arith.constant 0 : i32
      %dma_wait3A_381 = tpu.memref_slice %arg7[%mul3A_100, %dma_wait3A_380] : memref<45056x128xf32, #tpu.memory_space<hbm>> -> memref<128x128xf32, #tpu.memory_space<hbm>>
      tpu.wait_dma2 semaphore(%run_scoped3A : memref<!tpu.dma_semaphore, #tpu.memory_space<semaphore_mem>>) src(%arg12 : memref<128x128xf32, #tpu.memory_space<vmem>>) dst(%dma_wait3A_381 : memref<128x128xf32, #tpu.memory_space<hbm>>)
      tpu.yield
    }) : () -> ()
    %dma_start3A_115 = arith.constant 4 : i32
    %dma_start3A_116 = arith.constant 0 : i32
    %dma_start3A_117 = tpu.memref_slice %arg8[%dma_start3A_115, %dma_start3A_116] : memref<11x128xi32, #tpu.memory_space<vmem>> -> memref<1x128xi32, #tpu.memory_space<vmem>>
    %dma_start3A_118 = tpu.memref_squeeze %dma_start3A_117 : memref<1x128xi32, #tpu.memory_space<vmem>> -> memref<128xi32, #tpu.memory_space<vmem>>
    %dma_start3A_119 = arith.constant 0 : i32
    %dma_start3A_120 = arith.constant 0 : i32
    %dma_start3A_121 = tpu.memref_slice %arg2[%dma_start3A_119, %dma_start3A_120] : memref<1500x128xf32, #tpu.memory_space<hbm>> -> memref<1500x128xf32, #tpu.memory_space<hbm>>
    tpu.enqueue_indirect_dma source(%dma_start3A_121 : memref<1500x128xf32, #tpu.memory_space<hbm>>) target(%arg10 : memref<128x128xf32, #tpu.memory_space<vmem>>) offsets(%dma_start3A_118 : memref<128xi32, #tpu.memory_space<vmem>>) semaphore(%arg14 : memref<!tpu.dma_semaphore, #tpu.memory_space<semaphore_mem>>)
    %dma_start3A_122 = arith.constant 4 : i32
    %dma_start3A_123 = arith.constant 0 : i32
    %dma_start3A_124 = tpu.memref_slice %arg9[%dma_start3A_122, %dma_start3A_123] : memref<11x128xi32, #tpu.memory_space<vmem>> -> memref<1x128xi32, #tpu.memory_space<vmem>>
    %dma_start3A_125 = tpu.memref_squeeze %dma_start3A_124 : memref<1x128xi32, #tpu.memory_space<vmem>> -> memref<128xi32, #tpu.memory_space<vmem>>
    %dma_start3A_126 = arith.constant 0 : i32
    %dma_start3A_127 = arith.constant 0 : i32
    %dma_start3A_128 = tpu.memref_slice %arg3[%dma_start3A_126, %dma_start3A_127] : memref<1500x128xf32, #tpu.memory_space<hbm>> -> memref<1500x128xf32, #tpu.memory_space<hbm>>
    tpu.enqueue_indirect_dma source(%dma_start3A_128 : memref<1500x128xf32, #tpu.memory_space<hbm>>) target(%arg12 : memref<128x128xf32, #tpu.memory_space<vmem>>) offsets(%dma_start3A_125 : memref<128xi32, #tpu.memory_space<vmem>>) semaphore(%arg16 : memref<!tpu.dma_semaphore, #tpu.memory_space<semaphore_mem>>)
    %mul3A_129 = arith.constant 11 : i32
    %mul3A_130 = arith.muli %add3A, %mul3A_129 : i32
    %add3A_131 = arith.constant 3 : i32
    %add3A_132 = arith.addi %mul3A_130, %add3A_131 : i32
    %mul3A_133 = arith.constant 128 : i32
    %mul3A_134 = arith.muli %add3A_132, %mul3A_133 : i32
    %dma_wait3A_135 = arith.constant 3 : i32
    %dma_wait3A_136 = arith.constant 0 : i32
    %dma_wait3A_137 = tpu.memref_slice %arg8[%dma_wait3A_135, %dma_wait3A_136] : memref<11x128xi32, #tpu.memory_space<vmem>> -> memref<1x128xi32, #tpu.memory_space<vmem>>
    %dma_wait3A_138 = tpu.memref_squeeze %dma_wait3A_137 : memref<1x128xi32, #tpu.memory_space<vmem>> -> memref<128xi32, #tpu.memory_space<vmem>>
    %dma_wait3A_139 = arith.constant 0 : i32
    %dma_wait3A_140 = arith.constant 0 : i32
    %dma_wait3A_141 = tpu.memref_slice %arg2[%dma_wait3A_139, %dma_wait3A_140] : memref<1500x128xf32, #tpu.memory_space<hbm>> -> memref<1500x128xf32, #tpu.memory_space<hbm>>
    tpu.wait_indirect_dma semaphore(%arg15 : memref<!tpu.dma_semaphore, #tpu.memory_space<semaphore_mem>>) src(%dma_wait3A_141 : memref<1500x128xf32, #tpu.memory_space<hbm>>) dst(%arg11 : memref<128x128xf32, #tpu.memory_space<vmem>>)
    "tpu.region"() ({
      %run_scoped3A = tpu.sem_alloc : memref<!tpu.dma_semaphore, #tpu.memory_space<semaphore_mem>>
      %dma_start3A_374 = arith.constant 0 : i32
      %dma_start3A_375 = tpu.memref_slice %arg6[%mul3A_134, %dma_start3A_374] : memref<45056x128xf32, #tpu.memory_space<hbm>> -> memref<128x128xf32, #tpu.memory_space<hbm>>
      %dma_start3A_376 = arith.constant 0 : i32
      %dma_start3A_377 = tpu.memref_slice %arg6[%mul3A_134, %dma_start3A_376] : memref<45056x128xf32, #tpu.memory_space<hbm>> -> memref<128x128xf32, #tpu.memory_space<hbm>>
      tpu.enqueue_dma source(%arg11 : memref<128x128xf32, #tpu.memory_space<vmem>>) target(%dma_start3A_377 : memref<128x128xf32, #tpu.memory_space<hbm>>) target_semaphore(%run_scoped3A : memref<!tpu.dma_semaphore, #tpu.memory_space<semaphore_mem>>)
      %dma_wait3A_378 = arith.constant 0 : i32
      %dma_wait3A_379 = tpu.memref_slice %arg6[%mul3A_134, %dma_wait3A_378] : memref<45056x128xf32, #tpu.memory_space<hbm>> -> memref<128x128xf32, #tpu.memory_space<hbm>>
      %dma_wait3A_380 = arith.constant 0 : i32
      %dma_wait3A_381 = tpu.memref_slice %arg6[%mul3A_134, %dma_wait3A_380] : memref<45056x128xf32, #tpu.memory_space<hbm>> -> memref<128x128xf32, #tpu.memory_space<hbm>>
      tpu.wait_dma2 semaphore(%run_scoped3A : memref<!tpu.dma_semaphore, #tpu.memory_space<semaphore_mem>>) src(%arg11 : memref<128x128xf32, #tpu.memory_space<vmem>>) dst(%dma_wait3A_381 : memref<128x128xf32, #tpu.memory_space<hbm>>)
      tpu.yield
    }) : () -> ()
    %dma_wait3A_142 = arith.constant 3 : i32
    %dma_wait3A_143 = arith.constant 0 : i32
    %dma_wait3A_144 = tpu.memref_slice %arg9[%dma_wait3A_142, %dma_wait3A_143] : memref<11x128xi32, #tpu.memory_space<vmem>> -> memref<1x128xi32, #tpu.memory_space<vmem>>
    %dma_wait3A_145 = tpu.memref_squeeze %dma_wait3A_144 : memref<1x128xi32, #tpu.memory_space<vmem>> -> memref<128xi32, #tpu.memory_space<vmem>>
    %dma_wait3A_146 = arith.constant 0 : i32
    %dma_wait3A_147 = arith.constant 0 : i32
    %dma_wait3A_148 = tpu.memref_slice %arg3[%dma_wait3A_146, %dma_wait3A_147] : memref<1500x128xf32, #tpu.memory_space<hbm>> -> memref<1500x128xf32, #tpu.memory_space<hbm>>
    tpu.wait_indirect_dma semaphore(%arg17 : memref<!tpu.dma_semaphore, #tpu.memory_space<semaphore_mem>>) src(%dma_wait3A_148 : memref<1500x128xf32, #tpu.memory_space<hbm>>) dst(%arg13 : memref<128x128xf32, #tpu.memory_space<vmem>>)
    "tpu.region"() ({
      %run_scoped3A = tpu.sem_alloc : memref<!tpu.dma_semaphore, #tpu.memory_space<semaphore_mem>>
      %dma_start3A_374 = arith.constant 0 : i32
      %dma_start3A_375 = tpu.memref_slice %arg7[%mul3A_134, %dma_start3A_374] : memref<45056x128xf32, #tpu.memory_space<hbm>> -> memref<128x128xf32, #tpu.memory_space<hbm>>
      %dma_start3A_376 = arith.constant 0 : i32
      %dma_start3A_377 = tpu.memref_slice %arg7[%mul3A_134, %dma_start3A_376] : memref<45056x128xf32, #tpu.memory_space<hbm>> -> memref<128x128xf32, #tpu.memory_space<hbm>>
      tpu.enqueue_dma source(%arg13 : memref<128x128xf32, #tpu.memory_space<vmem>>) target(%dma_start3A_377 : memref<128x128xf32, #tpu.memory_space<hbm>>) target_semaphore(%run_scoped3A : memref<!tpu.dma_semaphore, #tpu.memory_space<semaphore_mem>>)
      %dma_wait3A_378 = arith.constant 0 : i32
      %dma_wait3A_379 = tpu.memref_slice %arg7[%mul3A_134, %dma_wait3A_378] : memref<45056x128xf32, #tpu.memory_space<hbm>> -> memref<128x128xf32, #tpu.memory_space<hbm>>
      %dma_wait3A_380 = arith.constant 0 : i32
      %dma_wait3A_381 = tpu.memref_slice %arg7[%mul3A_134, %dma_wait3A_380] : memref<45056x128xf32, #tpu.memory_space<hbm>> -> memref<128x128xf32, #tpu.memory_space<hbm>>
      tpu.wait_dma2 semaphore(%run_scoped3A : memref<!tpu.dma_semaphore, #tpu.memory_space<semaphore_mem>>) src(%arg13 : memref<128x128xf32, #tpu.memory_space<vmem>>) dst(%dma_wait3A_381 : memref<128x128xf32, #tpu.memory_space<hbm>>)
      tpu.yield
    }) : () -> ()
    %dma_start3A_149 = arith.constant 5 : i32
    %dma_start3A_150 = arith.constant 0 : i32
    %dma_start3A_151 = tpu.memref_slice %arg8[%dma_start3A_149, %dma_start3A_150] : memref<11x128xi32, #tpu.memory_space<vmem>> -> memref<1x128xi32, #tpu.memory_space<vmem>>
    %dma_start3A_152 = tpu.memref_squeeze %dma_start3A_151 : memref<1x128xi32, #tpu.memory_space<vmem>> -> memref<128xi32, #tpu.memory_space<vmem>>
    %dma_start3A_153 = arith.constant 0 : i32
    %dma_start3A_154 = arith.constant 0 : i32
    %dma_start3A_155 = tpu.memref_slice %arg2[%dma_start3A_153, %dma_start3A_154] : memref<1500x128xf32, #tpu.memory_space<hbm>> -> memref<1500x128xf32, #tpu.memory_space<hbm>>
    tpu.enqueue_indirect_dma source(%dma_start3A_155 : memref<1500x128xf32, #tpu.memory_space<hbm>>) target(%arg11 : memref<128x128xf32, #tpu.memory_space<vmem>>) offsets(%dma_start3A_152 : memref<128xi32, #tpu.memory_space<vmem>>) semaphore(%arg15 : memref<!tpu.dma_semaphore, #tpu.memory_space<semaphore_mem>>)
    %dma_start3A_156 = arith.constant 5 : i32
    %dma_start3A_157 = arith.constant 0 : i32
    %dma_start3A_158 = tpu.memref_slice %arg9[%dma_start3A_156, %dma_start3A_157] : memref<11x128xi32, #tpu.memory_space<vmem>> -> memref<1x128xi32, #tpu.memory_space<vmem>>
    %dma_start3A_159 = tpu.memref_squeeze %dma_start3A_158 : memref<1x128xi32, #tpu.memory_space<vmem>> -> memref<128xi32, #tpu.memory_space<vmem>>
    %dma_start3A_160 = arith.constant 0 : i32
    %dma_start3A_161 = arith.constant 0 : i32
    %dma_start3A_162 = tpu.memref_slice %arg3[%dma_start3A_160, %dma_start3A_161] : memref<1500x128xf32, #tpu.memory_space<hbm>> -> memref<1500x128xf32, #tpu.memory_space<hbm>>
    tpu.enqueue_indirect_dma source(%dma_start3A_162 : memref<1500x128xf32, #tpu.memory_space<hbm>>) target(%arg13 : memref<128x128xf32, #tpu.memory_space<vmem>>) offsets(%dma_start3A_159 : memref<128xi32, #tpu.memory_space<vmem>>) semaphore(%arg17 : memref<!tpu.dma_semaphore, #tpu.memory_space<semaphore_mem>>)
    %mul3A_163 = arith.constant 11 : i32
    %mul3A_164 = arith.muli %add3A, %mul3A_163 : i32
    %add3A_165 = arith.constant 4 : i32
    %add3A_166 = arith.addi %mul3A_164, %add3A_165 : i32
    %mul3A_167 = arith.constant 128 : i32
    %mul3A_168 = arith.muli %add3A_166, %mul3A_167 : i32
    %dma_wait3A_169 = arith.constant 4 : i32
    %dma_wait3A_170 = arith.constant 0 : i32
    %dma_wait3A_171 = tpu.memref_slice %arg8[%dma_wait3A_169, %dma_wait3A_170] : memref<11x128xi32, #tpu.memory_space<vmem>> -> memref<1x128xi32, #tpu.memory_space<vmem>>
    %dma_wait3A_172 = tpu.memref_squeeze %dma_wait3A_171 : memref<1x128xi32, #tpu.memory_space<vmem>> -> memref<128xi32, #tpu.memory_space<vmem>>
    %dma_wait3A_173 = arith.constant 0 : i32
    %dma_wait3A_174 = arith.constant 0 : i32
    %dma_wait3A_175 = tpu.memref_slice %arg2[%dma_wait3A_173, %dma_wait3A_174] : memref<1500x128xf32, #tpu.memory_space<hbm>> -> memref<1500x128xf32, #tpu.memory_space<hbm>>
    tpu.wait_indirect_dma semaphore(%arg14 : memref<!tpu.dma_semaphore, #tpu.memory_space<semaphore_mem>>) src(%dma_wait3A_175 : memref<1500x128xf32, #tpu.memory_space<hbm>>) dst(%arg10 : memref<128x128xf32, #tpu.memory_space<vmem>>)
    "tpu.region"() ({
      %run_scoped3A = tpu.sem_alloc : memref<!tpu.dma_semaphore, #tpu.memory_space<semaphore_mem>>
      %dma_start3A_374 = arith.constant 0 : i32
      %dma_start3A_375 = tpu.memref_slice %arg6[%mul3A_168, %dma_start3A_374] : memref<45056x128xf32, #tpu.memory_space<hbm>> -> memref<128x128xf32, #tpu.memory_space<hbm>>
      %dma_start3A_376 = arith.constant 0 : i32
      %dma_start3A_377 = tpu.memref_slice %arg6[%mul3A_168, %dma_start3A_376] : memref<45056x128xf32, #tpu.memory_space<hbm>> -> memref<128x128xf32, #tpu.memory_space<hbm>>
      tpu.enqueue_dma source(%arg10 : memref<128x128xf32, #tpu.memory_space<vmem>>) target(%dma_start3A_377 : memref<128x128xf32, #tpu.memory_space<hbm>>) target_semaphore(%run_scoped3A : memref<!tpu.dma_semaphore, #tpu.memory_space<semaphore_mem>>)
      %dma_wait3A_378 = arith.constant 0 : i32
      %dma_wait3A_379 = tpu.memref_slice %arg6[%mul3A_168, %dma_wait3A_378] : memref<45056x128xf32, #tpu.memory_space<hbm>> -> memref<128x128xf32, #tpu.memory_space<hbm>>
      %dma_wait3A_380 = arith.constant 0 : i32
      %dma_wait3A_381 = tpu.memref_slice %arg6[%mul3A_168, %dma_wait3A_380] : memref<45056x128xf32, #tpu.memory_space<hbm>> -> memref<128x128xf32, #tpu.memory_space<hbm>>
      tpu.wait_dma2 semaphore(%run_scoped3A : memref<!tpu.dma_semaphore, #tpu.memory_space<semaphore_mem>>) src(%arg10 : memref<128x128xf32, #tpu.memory_space<vmem>>) dst(%dma_wait3A_381 : memref<128x128xf32, #tpu.memory_space<hbm>>)
      tpu.yield
    }) : () -> ()
    %dma_wait3A_176 = arith.constant 4 : i32
    %dma_wait3A_177 = arith.constant 0 : i32
    %dma_wait3A_178 = tpu.memref_slice %arg9[%dma_wait3A_176, %dma_wait3A_177] : memref<11x128xi32, #tpu.memory_space<vmem>> -> memref<1x128xi32, #tpu.memory_space<vmem>>
    %dma_wait3A_179 = tpu.memref_squeeze %dma_wait3A_178 : memref<1x128xi32, #tpu.memory_space<vmem>> -> memref<128xi32, #tpu.memory_space<vmem>>
    %dma_wait3A_180 = arith.constant 0 : i32
    %dma_wait3A_181 = arith.constant 0 : i32
    %dma_wait3A_182 = tpu.memref_slice %arg3[%dma_wait3A_180, %dma_wait3A_181] : memref<1500x128xf32, #tpu.memory_space<hbm>> -> memref<1500x128xf32, #tpu.memory_space<hbm>>
    tpu.wait_indirect_dma semaphore(%arg16 : memref<!tpu.dma_semaphore, #tpu.memory_space<semaphore_mem>>) src(%dma_wait3A_182 : memref<1500x128xf32, #tpu.memory_space<hbm>>) dst(%arg12 : memref<128x128xf32, #tpu.memory_space<vmem>>)
    "tpu.region"() ({
      %run_scoped3A = tpu.sem_alloc : memref<!tpu.dma_semaphore, #tpu.memory_space<semaphore_mem>>
      %dma_start3A_374 = arith.constant 0 : i32
      %dma_start3A_375 = tpu.memref_slice %arg7[%mul3A_168, %dma_start3A_374] : memref<45056x128xf32, #tpu.memory_space<hbm>> -> memref<128x128xf32, #tpu.memory_space<hbm>>
      %dma_start3A_376 = arith.constant 0 : i32
      %dma_start3A_377 = tpu.memref_slice %arg7[%mul3A_168, %dma_start3A_376] : memref<45056x128xf32, #tpu.memory_space<hbm>> -> memref<128x128xf32, #tpu.memory_space<hbm>>
      tpu.enqueue_dma source(%arg12 : memref<128x128xf32, #tpu.memory_space<vmem>>) target(%dma_start3A_377 : memref<128x128xf32, #tpu.memory_space<hbm>>) target_semaphore(%run_scoped3A : memref<!tpu.dma_semaphore, #tpu.memory_space<semaphore_mem>>)
      %dma_wait3A_378 = arith.constant 0 : i32
      %dma_wait3A_379 = tpu.memref_slice %arg7[%mul3A_168, %dma_wait3A_378] : memref<45056x128xf32, #tpu.memory_space<hbm>> -> memref<128x128xf32, #tpu.memory_space<hbm>>
      %dma_wait3A_380 = arith.constant 0 : i32
      %dma_wait3A_381 = tpu.memref_slice %arg7[%mul3A_168, %dma_wait3A_380] : memref<45056x128xf32, #tpu.memory_space<hbm>> -> memref<128x128xf32, #tpu.memory_space<hbm>>
      tpu.wait_dma2 semaphore(%run_scoped3A : memref<!tpu.dma_semaphore, #tpu.memory_space<semaphore_mem>>) src(%arg12 : memref<128x128xf32, #tpu.memory_space<vmem>>) dst(%dma_wait3A_381 : memref<128x128xf32, #tpu.memory_space<hbm>>)
      tpu.yield
    }) : () -> ()
    %dma_start3A_183 = arith.constant 6 : i32
    %dma_start3A_184 = arith.constant 0 : i32
    %dma_start3A_185 = tpu.memref_slice %arg8[%dma_start3A_183, %dma_start3A_184] : memref<11x128xi32, #tpu.memory_space<vmem>> -> memref<1x128xi32, #tpu.memory_space<vmem>>
    %dma_start3A_186 = tpu.memref_squeeze %dma_start3A_185 : memref<1x128xi32, #tpu.memory_space<vmem>> -> memref<128xi32, #tpu.memory_space<vmem>>
    %dma_start3A_187 = arith.constant 0 : i32
    %dma_start3A_188 = arith.constant 0 : i32
    %dma_start3A_189 = tpu.memref_slice %arg2[%dma_start3A_187, %dma_start3A_188] : memref<1500x128xf32, #tpu.memory_space<hbm>> -> memref<1500x128xf32, #tpu.memory_space<hbm>>
    tpu.enqueue_indirect_dma source(%dma_start3A_189 : memref<1500x128xf32, #tpu.memory_space<hbm>>) target(%arg10 : memref<128x128xf32, #tpu.memory_space<vmem>>) offsets(%dma_start3A_186 : memref<128xi32, #tpu.memory_space<vmem>>) semaphore(%arg14 : memref<!tpu.dma_semaphore, #tpu.memory_space<semaphore_mem>>)
    %dma_start3A_190 = arith.constant 6 : i32
    %dma_start3A_191 = arith.constant 0 : i32
    %dma_start3A_192 = tpu.memref_slice %arg9[%dma_start3A_190, %dma_start3A_191] : memref<11x128xi32, #tpu.memory_space<vmem>> -> memref<1x128xi32, #tpu.memory_space<vmem>>
    %dma_start3A_193 = tpu.memref_squeeze %dma_start3A_192 : memref<1x128xi32, #tpu.memory_space<vmem>> -> memref<128xi32, #tpu.memory_space<vmem>>
    %dma_start3A_194 = arith.constant 0 : i32
    %dma_start3A_195 = arith.constant 0 : i32
    %dma_start3A_196 = tpu.memref_slice %arg3[%dma_start3A_194, %dma_start3A_195] : memref<1500x128xf32, #tpu.memory_space<hbm>> -> memref<1500x128xf32, #tpu.memory_space<hbm>>
    tpu.enqueue_indirect_dma source(%dma_start3A_196 : memref<1500x128xf32, #tpu.memory_space<hbm>>) target(%arg12 : memref<128x128xf32, #tpu.memory_space<vmem>>) offsets(%dma_start3A_193 : memref<128xi32, #tpu.memory_space<vmem>>) semaphore(%arg16 : memref<!tpu.dma_semaphore, #tpu.memory_space<semaphore_mem>>)
    %mul3A_197 = arith.constant 11 : i32
    %mul3A_198 = arith.muli %add3A, %mul3A_197 : i32
    %add3A_199 = arith.constant 5 : i32
    %add3A_200 = arith.addi %mul3A_198, %add3A_199 : i32
    %mul3A_201 = arith.constant 128 : i32
    %mul3A_202 = arith.muli %add3A_200, %mul3A_201 : i32
    %dma_wait3A_203 = arith.constant 5 : i32
    %dma_wait3A_204 = arith.constant 0 : i32
    %dma_wait3A_205 = tpu.memref_slice %arg8[%dma_wait3A_203, %dma_wait3A_204] : memref<11x128xi32, #tpu.memory_space<vmem>> -> memref<1x128xi32, #tpu.memory_space<vmem>>
    %dma_wait3A_206 = tpu.memref_squeeze %dma_wait3A_205 : memref<1x128xi32, #tpu.memory_space<vmem>> -> memref<128xi32, #tpu.memory_space<vmem>>
    %dma_wait3A_207 = arith.constant 0 : i32
    %dma_wait3A_208 = arith.constant 0 : i32
    %dma_wait3A_209 = tpu.memref_slice %arg2[%dma_wait3A_207, %dma_wait3A_208] : memref<1500x128xf32, #tpu.memory_space<hbm>> -> memref<1500x128xf32, #tpu.memory_space<hbm>>
    tpu.wait_indirect_dma semaphore(%arg15 : memref<!tpu.dma_semaphore, #tpu.memory_space<semaphore_mem>>) src(%dma_wait3A_209 : memref<1500x128xf32, #tpu.memory_space<hbm>>) dst(%arg11 : memref<128x128xf32, #tpu.memory_space<vmem>>)
    "tpu.region"() ({
      %run_scoped3A = tpu.sem_alloc : memref<!tpu.dma_semaphore, #tpu.memory_space<semaphore_mem>>
      %dma_start3A_374 = arith.constant 0 : i32
      %dma_start3A_375 = tpu.memref_slice %arg6[%mul3A_202, %dma_start3A_374] : memref<45056x128xf32, #tpu.memory_space<hbm>> -> memref<128x128xf32, #tpu.memory_space<hbm>>
      %dma_start3A_376 = arith.constant 0 : i32
      %dma_start3A_377 = tpu.memref_slice %arg6[%mul3A_202, %dma_start3A_376] : memref<45056x128xf32, #tpu.memory_space<hbm>> -> memref<128x128xf32, #tpu.memory_space<hbm>>
      tpu.enqueue_dma source(%arg11 : memref<128x128xf32, #tpu.memory_space<vmem>>) target(%dma_start3A_377 : memref<128x128xf32, #tpu.memory_space<hbm>>) target_semaphore(%run_scoped3A : memref<!tpu.dma_semaphore, #tpu.memory_space<semaphore_mem>>)
      %dma_wait3A_378 = arith.constant 0 : i32
      %dma_wait3A_379 = tpu.memref_slice %arg6[%mul3A_202, %dma_wait3A_378] : memref<45056x128xf32, #tpu.memory_space<hbm>> -> memref<128x128xf32, #tpu.memory_space<hbm>>
      %dma_wait3A_380 = arith.constant 0 : i32
      %dma_wait3A_381 = tpu.memref_slice %arg6[%mul3A_202, %dma_wait3A_380] : memref<45056x128xf32, #tpu.memory_space<hbm>> -> memref<128x128xf32, #tpu.memory_space<hbm>>
      tpu.wait_dma2 semaphore(%run_scoped3A : memref<!tpu.dma_semaphore, #tpu.memory_space<semaphore_mem>>) src(%arg11 : memref<128x128xf32, #tpu.memory_space<vmem>>) dst(%dma_wait3A_381 : memref<128x128xf32, #tpu.memory_space<hbm>>)
      tpu.yield
    }) : () -> ()
    %dma_wait3A_210 = arith.constant 5 : i32
    %dma_wait3A_211 = arith.constant 0 : i32
    %dma_wait3A_212 = tpu.memref_slice %arg9[%dma_wait3A_210, %dma_wait3A_211] : memref<11x128xi32, #tpu.memory_space<vmem>> -> memref<1x128xi32, #tpu.memory_space<vmem>>
    %dma_wait3A_213 = tpu.memref_squeeze %dma_wait3A_212 : memref<1x128xi32, #tpu.memory_space<vmem>> -> memref<128xi32, #tpu.memory_space<vmem>>
    %dma_wait3A_214 = arith.constant 0 : i32
    %dma_wait3A_215 = arith.constant 0 : i32
    %dma_wait3A_216 = tpu.memref_slice %arg3[%dma_wait3A_214, %dma_wait3A_215] : memref<1500x128xf32, #tpu.memory_space<hbm>> -> memref<1500x128xf32, #tpu.memory_space<hbm>>
    tpu.wait_indirect_dma semaphore(%arg17 : memref<!tpu.dma_semaphore, #tpu.memory_space<semaphore_mem>>) src(%dma_wait3A_216 : memref<1500x128xf32, #tpu.memory_space<hbm>>) dst(%arg13 : memref<128x128xf32, #tpu.memory_space<vmem>>)
    "tpu.region"() ({
      %run_scoped3A = tpu.sem_alloc : memref<!tpu.dma_semaphore, #tpu.memory_space<semaphore_mem>>
      %dma_start3A_374 = arith.constant 0 : i32
      %dma_start3A_375 = tpu.memref_slice %arg7[%mul3A_202, %dma_start3A_374] : memref<45056x128xf32, #tpu.memory_space<hbm>> -> memref<128x128xf32, #tpu.memory_space<hbm>>
      %dma_start3A_376 = arith.constant 0 : i32
      %dma_start3A_377 = tpu.memref_slice %arg7[%mul3A_202, %dma_start3A_376] : memref<45056x128xf32, #tpu.memory_space<hbm>> -> memref<128x128xf32, #tpu.memory_space<hbm>>
      tpu.enqueue_dma source(%arg13 : memref<128x128xf32, #tpu.memory_space<vmem>>) target(%dma_start3A_377 : memref<128x128xf32, #tpu.memory_space<hbm>>) target_semaphore(%run_scoped3A : memref<!tpu.dma_semaphore, #tpu.memory_space<semaphore_mem>>)
      %dma_wait3A_378 = arith.constant 0 : i32
      %dma_wait3A_379 = tpu.memref_slice %arg7[%mul3A_202, %dma_wait3A_378] : memref<45056x128xf32, #tpu.memory_space<hbm>> -> memref<128x128xf32, #tpu.memory_space<hbm>>
      %dma_wait3A_380 = arith.constant 0 : i32
      %dma_wait3A_381 = tpu.memref_slice %arg7[%mul3A_202, %dma_wait3A_380] : memref<45056x128xf32, #tpu.memory_space<hbm>> -> memref<128x128xf32, #tpu.memory_space<hbm>>
      tpu.wait_dma2 semaphore(%run_scoped3A : memref<!tpu.dma_semaphore, #tpu.memory_space<semaphore_mem>>) src(%arg13 : memref<128x128xf32, #tpu.memory_space<vmem>>) dst(%dma_wait3A_381 : memref<128x128xf32, #tpu.memory_space<hbm>>)
      tpu.yield
    }) : () -> ()
    %dma_start3A_217 = arith.constant 7 : i32
    %dma_start3A_218 = arith.constant 0 : i32
    %dma_start3A_219 = tpu.memref_slice %arg8[%dma_start3A_217, %dma_start3A_218] : memref<11x128xi32, #tpu.memory_space<vmem>> -> memref<1x128xi32, #tpu.memory_space<vmem>>
    %dma_start3A_220 = tpu.memref_squeeze %dma_start3A_219 : memref<1x128xi32, #tpu.memory_space<vmem>> -> memref<128xi32, #tpu.memory_space<vmem>>
    %dma_start3A_221 = arith.constant 0 : i32
    %dma_start3A_222 = arith.constant 0 : i32
    %dma_start3A_223 = tpu.memref_slice %arg2[%dma_start3A_221, %dma_start3A_222] : memref<1500x128xf32, #tpu.memory_space<hbm>> -> memref<1500x128xf32, #tpu.memory_space<hbm>>
    tpu.enqueue_indirect_dma source(%dma_start3A_223 : memref<1500x128xf32, #tpu.memory_space<hbm>>) target(%arg11 : memref<128x128xf32, #tpu.memory_space<vmem>>) offsets(%dma_start3A_220 : memref<128xi32, #tpu.memory_space<vmem>>) semaphore(%arg15 : memref<!tpu.dma_semaphore, #tpu.memory_space<semaphore_mem>>)
    %dma_start3A_224 = arith.constant 7 : i32
    %dma_start3A_225 = arith.constant 0 : i32
    %dma_start3A_226 = tpu.memref_slice %arg9[%dma_start3A_224, %dma_start3A_225] : memref<11x128xi32, #tpu.memory_space<vmem>> -> memref<1x128xi32, #tpu.memory_space<vmem>>
    %dma_start3A_227 = tpu.memref_squeeze %dma_start3A_226 : memref<1x128xi32, #tpu.memory_space<vmem>> -> memref<128xi32, #tpu.memory_space<vmem>>
    %dma_start3A_228 = arith.constant 0 : i32
    %dma_start3A_229 = arith.constant 0 : i32
    %dma_start3A_230 = tpu.memref_slice %arg3[%dma_start3A_228, %dma_start3A_229] : memref<1500x128xf32, #tpu.memory_space<hbm>> -> memref<1500x128xf32, #tpu.memory_space<hbm>>
    tpu.enqueue_indirect_dma source(%dma_start3A_230 : memref<1500x128xf32, #tpu.memory_space<hbm>>) target(%arg13 : memref<128x128xf32, #tpu.memory_space<vmem>>) offsets(%dma_start3A_227 : memref<128xi32, #tpu.memory_space<vmem>>) semaphore(%arg17 : memref<!tpu.dma_semaphore, #tpu.memory_space<semaphore_mem>>)
    %mul3A_231 = arith.constant 11 : i32
    %mul3A_232 = arith.muli %add3A, %mul3A_231 : i32
    %add3A_233 = arith.constant 6 : i32
    %add3A_234 = arith.addi %mul3A_232, %add3A_233 : i32
    %mul3A_235 = arith.constant 128 : i32
    %mul3A_236 = arith.muli %add3A_234, %mul3A_235 : i32
    %dma_wait3A_237 = arith.constant 6 : i32
    %dma_wait3A_238 = arith.constant 0 : i32
    %dma_wait3A_239 = tpu.memref_slice %arg8[%dma_wait3A_237, %dma_wait3A_238] : memref<11x128xi32, #tpu.memory_space<vmem>> -> memref<1x128xi32, #tpu.memory_space<vmem>>
    %dma_wait3A_240 = tpu.memref_squeeze %dma_wait3A_239 : memref<1x128xi32, #tpu.memory_space<vmem>> -> memref<128xi32, #tpu.memory_space<vmem>>
    %dma_wait3A_241 = arith.constant 0 : i32
    %dma_wait3A_242 = arith.constant 0 : i32
    %dma_wait3A_243 = tpu.memref_slice %arg2[%dma_wait3A_241, %dma_wait3A_242] : memref<1500x128xf32, #tpu.memory_space<hbm>> -> memref<1500x128xf32, #tpu.memory_space<hbm>>
    tpu.wait_indirect_dma semaphore(%arg14 : memref<!tpu.dma_semaphore, #tpu.memory_space<semaphore_mem>>) src(%dma_wait3A_243 : memref<1500x128xf32, #tpu.memory_space<hbm>>) dst(%arg10 : memref<128x128xf32, #tpu.memory_space<vmem>>)
    "tpu.region"() ({
      %run_scoped3A = tpu.sem_alloc : memref<!tpu.dma_semaphore, #tpu.memory_space<semaphore_mem>>
      %dma_start3A_374 = arith.constant 0 : i32
      %dma_start3A_375 = tpu.memref_slice %arg6[%mul3A_236, %dma_start3A_374] : memref<45056x128xf32, #tpu.memory_space<hbm>> -> memref<128x128xf32, #tpu.memory_space<hbm>>
      %dma_start3A_376 = arith.constant 0 : i32
      %dma_start3A_377 = tpu.memref_slice %arg6[%mul3A_236, %dma_start3A_376] : memref<45056x128xf32, #tpu.memory_space<hbm>> -> memref<128x128xf32, #tpu.memory_space<hbm>>
      tpu.enqueue_dma source(%arg10 : memref<128x128xf32, #tpu.memory_space<vmem>>) target(%dma_start3A_377 : memref<128x128xf32, #tpu.memory_space<hbm>>) target_semaphore(%run_scoped3A : memref<!tpu.dma_semaphore, #tpu.memory_space<semaphore_mem>>)
      %dma_wait3A_378 = arith.constant 0 : i32
      %dma_wait3A_379 = tpu.memref_slice %arg6[%mul3A_236, %dma_wait3A_378] : memref<45056x128xf32, #tpu.memory_space<hbm>> -> memref<128x128xf32, #tpu.memory_space<hbm>>
      %dma_wait3A_380 = arith.constant 0 : i32
      %dma_wait3A_381 = tpu.memref_slice %arg6[%mul3A_236, %dma_wait3A_380] : memref<45056x128xf32, #tpu.memory_space<hbm>> -> memref<128x128xf32, #tpu.memory_space<hbm>>
      tpu.wait_dma2 semaphore(%run_scoped3A : memref<!tpu.dma_semaphore, #tpu.memory_space<semaphore_mem>>) src(%arg10 : memref<128x128xf32, #tpu.memory_space<vmem>>) dst(%dma_wait3A_381 : memref<128x128xf32, #tpu.memory_space<hbm>>)
      tpu.yield
    }) : () -> ()
    %dma_wait3A_244 = arith.constant 6 : i32
    %dma_wait3A_245 = arith.constant 0 : i32
    %dma_wait3A_246 = tpu.memref_slice %arg9[%dma_wait3A_244, %dma_wait3A_245] : memref<11x128xi32, #tpu.memory_space<vmem>> -> memref<1x128xi32, #tpu.memory_space<vmem>>
    %dma_wait3A_247 = tpu.memref_squeeze %dma_wait3A_246 : memref<1x128xi32, #tpu.memory_space<vmem>> -> memref<128xi32, #tpu.memory_space<vmem>>
    %dma_wait3A_248 = arith.constant 0 : i32
    %dma_wait3A_249 = arith.constant 0 : i32
    %dma_wait3A_250 = tpu.memref_slice %arg3[%dma_wait3A_248, %dma_wait3A_249] : memref<1500x128xf32, #tpu.memory_space<hbm>> -> memref<1500x128xf32, #tpu.memory_space<hbm>>
    tpu.wait_indirect_dma semaphore(%arg16 : memref<!tpu.dma_semaphore, #tpu.memory_space<semaphore_mem>>) src(%dma_wait3A_250 : memref<1500x128xf32, #tpu.memory_space<hbm>>) dst(%arg12 : memref<128x128xf32, #tpu.memory_space<vmem>>)
    "tpu.region"() ({
      %run_scoped3A = tpu.sem_alloc : memref<!tpu.dma_semaphore, #tpu.memory_space<semaphore_mem>>
      %dma_start3A_374 = arith.constant 0 : i32
      %dma_start3A_375 = tpu.memref_slice %arg7[%mul3A_236, %dma_start3A_374] : memref<45056x128xf32, #tpu.memory_space<hbm>> -> memref<128x128xf32, #tpu.memory_space<hbm>>
      %dma_start3A_376 = arith.constant 0 : i32
      %dma_start3A_377 = tpu.memref_slice %arg7[%mul3A_236, %dma_start3A_376] : memref<45056x128xf32, #tpu.memory_space<hbm>> -> memref<128x128xf32, #tpu.memory_space<hbm>>
      tpu.enqueue_dma source(%arg12 : memref<128x128xf32, #tpu.memory_space<vmem>>) target(%dma_start3A_377 : memref<128x128xf32, #tpu.memory_space<hbm>>) target_semaphore(%run_scoped3A : memref<!tpu.dma_semaphore, #tpu.memory_space<semaphore_mem>>)
      %dma_wait3A_378 = arith.constant 0 : i32
      %dma_wait3A_379 = tpu.memref_slice %arg7[%mul3A_236, %dma_wait3A_378] : memref<45056x128xf32, #tpu.memory_space<hbm>> -> memref<128x128xf32, #tpu.memory_space<hbm>>
      %dma_wait3A_380 = arith.constant 0 : i32
      %dma_wait3A_381 = tpu.memref_slice %arg7[%mul3A_236, %dma_wait3A_380] : memref<45056x128xf32, #tpu.memory_space<hbm>> -> memref<128x128xf32, #tpu.memory_space<hbm>>
      tpu.wait_dma2 semaphore(%run_scoped3A : memref<!tpu.dma_semaphore, #tpu.memory_space<semaphore_mem>>) src(%arg12 : memref<128x128xf32, #tpu.memory_space<vmem>>) dst(%dma_wait3A_381 : memref<128x128xf32, #tpu.memory_space<hbm>>)
      tpu.yield
    }) : () -> ()
    %dma_start3A_251 = arith.constant 8 : i32
    %dma_start3A_252 = arith.constant 0 : i32
    %dma_start3A_253 = tpu.memref_slice %arg8[%dma_start3A_251, %dma_start3A_252] : memref<11x128xi32, #tpu.memory_space<vmem>> -> memref<1x128xi32, #tpu.memory_space<vmem>>
    %dma_start3A_254 = tpu.memref_squeeze %dma_start3A_253 : memref<1x128xi32, #tpu.memory_space<vmem>> -> memref<128xi32, #tpu.memory_space<vmem>>
    %dma_start3A_255 = arith.constant 0 : i32
    %dma_start3A_256 = arith.constant 0 : i32
    %dma_start3A_257 = tpu.memref_slice %arg2[%dma_start3A_255, %dma_start3A_256] : memref<1500x128xf32, #tpu.memory_space<hbm>> -> memref<1500x128xf32, #tpu.memory_space<hbm>>
    tpu.enqueue_indirect_dma source(%dma_start3A_257 : memref<1500x128xf32, #tpu.memory_space<hbm>>) target(%arg10 : memref<128x128xf32, #tpu.memory_space<vmem>>) offsets(%dma_start3A_254 : memref<128xi32, #tpu.memory_space<vmem>>) semaphore(%arg14 : memref<!tpu.dma_semaphore, #tpu.memory_space<semaphore_mem>>)
    %dma_start3A_258 = arith.constant 8 : i32
    %dma_start3A_259 = arith.constant 0 : i32
    %dma_start3A_260 = tpu.memref_slice %arg9[%dma_start3A_258, %dma_start3A_259] : memref<11x128xi32, #tpu.memory_space<vmem>> -> memref<1x128xi32, #tpu.memory_space<vmem>>
    %dma_start3A_261 = tpu.memref_squeeze %dma_start3A_260 : memref<1x128xi32, #tpu.memory_space<vmem>> -> memref<128xi32, #tpu.memory_space<vmem>>
    %dma_start3A_262 = arith.constant 0 : i32
    %dma_start3A_263 = arith.constant 0 : i32
    %dma_start3A_264 = tpu.memref_slice %arg3[%dma_start3A_262, %dma_start3A_263] : memref<1500x128xf32, #tpu.memory_space<hbm>> -> memref<1500x128xf32, #tpu.memory_space<hbm>>
    tpu.enqueue_indirect_dma source(%dma_start3A_264 : memref<1500x128xf32, #tpu.memory_space<hbm>>) target(%arg12 : memref<128x128xf32, #tpu.memory_space<vmem>>) offsets(%dma_start3A_261 : memref<128xi32, #tpu.memory_space<vmem>>) semaphore(%arg16 : memref<!tpu.dma_semaphore, #tpu.memory_space<semaphore_mem>>)
    %mul3A_265 = arith.constant 11 : i32
    %mul3A_266 = arith.muli %add3A, %mul3A_265 : i32
    %add3A_267 = arith.constant 7 : i32
    %add3A_268 = arith.addi %mul3A_266, %add3A_267 : i32
    %mul3A_269 = arith.constant 128 : i32
    %mul3A_270 = arith.muli %add3A_268, %mul3A_269 : i32
    %dma_wait3A_271 = arith.constant 7 : i32
    %dma_wait3A_272 = arith.constant 0 : i32
    %dma_wait3A_273 = tpu.memref_slice %arg8[%dma_wait3A_271, %dma_wait3A_272] : memref<11x128xi32, #tpu.memory_space<vmem>> -> memref<1x128xi32, #tpu.memory_space<vmem>>
    %dma_wait3A_274 = tpu.memref_squeeze %dma_wait3A_273 : memref<1x128xi32, #tpu.memory_space<vmem>> -> memref<128xi32, #tpu.memory_space<vmem>>
    %dma_wait3A_275 = arith.constant 0 : i32
    %dma_wait3A_276 = arith.constant 0 : i32
    %dma_wait3A_277 = tpu.memref_slice %arg2[%dma_wait3A_275, %dma_wait3A_276] : memref<1500x128xf32, #tpu.memory_space<hbm>> -> memref<1500x128xf32, #tpu.memory_space<hbm>>
    tpu.wait_indirect_dma semaphore(%arg15 : memref<!tpu.dma_semaphore, #tpu.memory_space<semaphore_mem>>) src(%dma_wait3A_277 : memref<1500x128xf32, #tpu.memory_space<hbm>>) dst(%arg11 : memref<128x128xf32, #tpu.memory_space<vmem>>)
    "tpu.region"() ({
      %run_scoped3A = tpu.sem_alloc : memref<!tpu.dma_semaphore, #tpu.memory_space<semaphore_mem>>
      %dma_start3A_374 = arith.constant 0 : i32
      %dma_start3A_375 = tpu.memref_slice %arg6[%mul3A_270, %dma_start3A_374] : memref<45056x128xf32, #tpu.memory_space<hbm>> -> memref<128x128xf32, #tpu.memory_space<hbm>>
      %dma_start3A_376 = arith.constant 0 : i32
      %dma_start3A_377 = tpu.memref_slice %arg6[%mul3A_270, %dma_start3A_376] : memref<45056x128xf32, #tpu.memory_space<hbm>> -> memref<128x128xf32, #tpu.memory_space<hbm>>
      tpu.enqueue_dma source(%arg11 : memref<128x128xf32, #tpu.memory_space<vmem>>) target(%dma_start3A_377 : memref<128x128xf32, #tpu.memory_space<hbm>>) target_semaphore(%run_scoped3A : memref<!tpu.dma_semaphore, #tpu.memory_space<semaphore_mem>>)
      %dma_wait3A_378 = arith.constant 0 : i32
      %dma_wait3A_379 = tpu.memref_slice %arg6[%mul3A_270, %dma_wait3A_378] : memref<45056x128xf32, #tpu.memory_space<hbm>> -> memref<128x128xf32, #tpu.memory_space<hbm>>
      %dma_wait3A_380 = arith.constant 0 : i32
      %dma_wait3A_381 = tpu.memref_slice %arg6[%mul3A_270, %dma_wait3A_380] : memref<45056x128xf32, #tpu.memory_space<hbm>> -> memref<128x128xf32, #tpu.memory_space<hbm>>
      tpu.wait_dma2 semaphore(%run_scoped3A : memref<!tpu.dma_semaphore, #tpu.memory_space<semaphore_mem>>) src(%arg11 : memref<128x128xf32, #tpu.memory_space<vmem>>) dst(%dma_wait3A_381 : memref<128x128xf32, #tpu.memory_space<hbm>>)
      tpu.yield
    }) : () -> ()
    %dma_wait3A_278 = arith.constant 7 : i32
    %dma_wait3A_279 = arith.constant 0 : i32
    %dma_wait3A_280 = tpu.memref_slice %arg9[%dma_wait3A_278, %dma_wait3A_279] : memref<11x128xi32, #tpu.memory_space<vmem>> -> memref<1x128xi32, #tpu.memory_space<vmem>>
    %dma_wait3A_281 = tpu.memref_squeeze %dma_wait3A_280 : memref<1x128xi32, #tpu.memory_space<vmem>> -> memref<128xi32, #tpu.memory_space<vmem>>
    %dma_wait3A_282 = arith.constant 0 : i32
    %dma_wait3A_283 = arith.constant 0 : i32
    %dma_wait3A_284 = tpu.memref_slice %arg3[%dma_wait3A_282, %dma_wait3A_283] : memref<1500x128xf32, #tpu.memory_space<hbm>> -> memref<1500x128xf32, #tpu.memory_space<hbm>>
    tpu.wait_indirect_dma semaphore(%arg17 : memref<!tpu.dma_semaphore, #tpu.memory_space<semaphore_mem>>) src(%dma_wait3A_284 : memref<1500x128xf32, #tpu.memory_space<hbm>>) dst(%arg13 : memref<128x128xf32, #tpu.memory_space<vmem>>)
    "tpu.region"() ({
      %run_scoped3A = tpu.sem_alloc : memref<!tpu.dma_semaphore, #tpu.memory_space<semaphore_mem>>
      %dma_start3A_374 = arith.constant 0 : i32
      %dma_start3A_375 = tpu.memref_slice %arg7[%mul3A_270, %dma_start3A_374] : memref<45056x128xf32, #tpu.memory_space<hbm>> -> memref<128x128xf32, #tpu.memory_space<hbm>>
      %dma_start3A_376 = arith.constant 0 : i32
      %dma_start3A_377 = tpu.memref_slice %arg7[%mul3A_270, %dma_start3A_376] : memref<45056x128xf32, #tpu.memory_space<hbm>> -> memref<128x128xf32, #tpu.memory_space<hbm>>
      tpu.enqueue_dma source(%arg13 : memref<128x128xf32, #tpu.memory_space<vmem>>) target(%dma_start3A_377 : memref<128x128xf32, #tpu.memory_space<hbm>>) target_semaphore(%run_scoped3A : memref<!tpu.dma_semaphore, #tpu.memory_space<semaphore_mem>>)
      %dma_wait3A_378 = arith.constant 0 : i32
      %dma_wait3A_379 = tpu.memref_slice %arg7[%mul3A_270, %dma_wait3A_378] : memref<45056x128xf32, #tpu.memory_space<hbm>> -> memref<128x128xf32, #tpu.memory_space<hbm>>
      %dma_wait3A_380 = arith.constant 0 : i32
      %dma_wait3A_381 = tpu.memref_slice %arg7[%mul3A_270, %dma_wait3A_380] : memref<45056x128xf32, #tpu.memory_space<hbm>> -> memref<128x128xf32, #tpu.memory_space<hbm>>
      tpu.wait_dma2 semaphore(%run_scoped3A : memref<!tpu.dma_semaphore, #tpu.memory_space<semaphore_mem>>) src(%arg13 : memref<128x128xf32, #tpu.memory_space<vmem>>) dst(%dma_wait3A_381 : memref<128x128xf32, #tpu.memory_space<hbm>>)
      tpu.yield
    }) : () -> ()
    %dma_start3A_285 = arith.constant 9 : i32
    %dma_start3A_286 = arith.constant 0 : i32
    %dma_start3A_287 = tpu.memref_slice %arg8[%dma_start3A_285, %dma_start3A_286] : memref<11x128xi32, #tpu.memory_space<vmem>> -> memref<1x128xi32, #tpu.memory_space<vmem>>
    %dma_start3A_288 = tpu.memref_squeeze %dma_start3A_287 : memref<1x128xi32, #tpu.memory_space<vmem>> -> memref<128xi32, #tpu.memory_space<vmem>>
    %dma_start3A_289 = arith.constant 0 : i32
    %dma_start3A_290 = arith.constant 0 : i32
    %dma_start3A_291 = tpu.memref_slice %arg2[%dma_start3A_289, %dma_start3A_290] : memref<1500x128xf32, #tpu.memory_space<hbm>> -> memref<1500x128xf32, #tpu.memory_space<hbm>>
    tpu.enqueue_indirect_dma source(%dma_start3A_291 : memref<1500x128xf32, #tpu.memory_space<hbm>>) target(%arg11 : memref<128x128xf32, #tpu.memory_space<vmem>>) offsets(%dma_start3A_288 : memref<128xi32, #tpu.memory_space<vmem>>) semaphore(%arg15 : memref<!tpu.dma_semaphore, #tpu.memory_space<semaphore_mem>>)
    %dma_start3A_292 = arith.constant 9 : i32
    %dma_start3A_293 = arith.constant 0 : i32
    %dma_start3A_294 = tpu.memref_slice %arg9[%dma_start3A_292, %dma_start3A_293] : memref<11x128xi32, #tpu.memory_space<vmem>> -> memref<1x128xi32, #tpu.memory_space<vmem>>
    %dma_start3A_295 = tpu.memref_squeeze %dma_start3A_294 : memref<1x128xi32, #tpu.memory_space<vmem>> -> memref<128xi32, #tpu.memory_space<vmem>>
    %dma_start3A_296 = arith.constant 0 : i32
    %dma_start3A_297 = arith.constant 0 : i32
    %dma_start3A_298 = tpu.memref_slice %arg3[%dma_start3A_296, %dma_start3A_297] : memref<1500x128xf32, #tpu.memory_space<hbm>> -> memref<1500x128xf32, #tpu.memory_space<hbm>>
    tpu.enqueue_indirect_dma source(%dma_start3A_298 : memref<1500x128xf32, #tpu.memory_space<hbm>>) target(%arg13 : memref<128x128xf32, #tpu.memory_space<vmem>>) offsets(%dma_start3A_295 : memref<128xi32, #tpu.memory_space<vmem>>) semaphore(%arg17 : memref<!tpu.dma_semaphore, #tpu.memory_space<semaphore_mem>>)
    %mul3A_299 = arith.constant 11 : i32
    %mul3A_300 = arith.muli %add3A, %mul3A_299 : i32
    %add3A_301 = arith.constant 8 : i32
    %add3A_302 = arith.addi %mul3A_300, %add3A_301 : i32
    %mul3A_303 = arith.constant 128 : i32
    %mul3A_304 = arith.muli %add3A_302, %mul3A_303 : i32
    %dma_wait3A_305 = arith.constant 8 : i32
    %dma_wait3A_306 = arith.constant 0 : i32
    %dma_wait3A_307 = tpu.memref_slice %arg8[%dma_wait3A_305, %dma_wait3A_306] : memref<11x128xi32, #tpu.memory_space<vmem>> -> memref<1x128xi32, #tpu.memory_space<vmem>>
    %dma_wait3A_308 = tpu.memref_squeeze %dma_wait3A_307 : memref<1x128xi32, #tpu.memory_space<vmem>> -> memref<128xi32, #tpu.memory_space<vmem>>
    %dma_wait3A_309 = arith.constant 0 : i32
    %dma_wait3A_310 = arith.constant 0 : i32
    %dma_wait3A_311 = tpu.memref_slice %arg2[%dma_wait3A_309, %dma_wait3A_310] : memref<1500x128xf32, #tpu.memory_space<hbm>> -> memref<1500x128xf32, #tpu.memory_space<hbm>>
    tpu.wait_indirect_dma semaphore(%arg14 : memref<!tpu.dma_semaphore, #tpu.memory_space<semaphore_mem>>) src(%dma_wait3A_311 : memref<1500x128xf32, #tpu.memory_space<hbm>>) dst(%arg10 : memref<128x128xf32, #tpu.memory_space<vmem>>)
    "tpu.region"() ({
      %run_scoped3A = tpu.sem_alloc : memref<!tpu.dma_semaphore, #tpu.memory_space<semaphore_mem>>
      %dma_start3A_374 = arith.constant 0 : i32
      %dma_start3A_375 = tpu.memref_slice %arg6[%mul3A_304, %dma_start3A_374] : memref<45056x128xf32, #tpu.memory_space<hbm>> -> memref<128x128xf32, #tpu.memory_space<hbm>>
      %dma_start3A_376 = arith.constant 0 : i32
      %dma_start3A_377 = tpu.memref_slice %arg6[%mul3A_304, %dma_start3A_376] : memref<45056x128xf32, #tpu.memory_space<hbm>> -> memref<128x128xf32, #tpu.memory_space<hbm>>
      tpu.enqueue_dma source(%arg10 : memref<128x128xf32, #tpu.memory_space<vmem>>) target(%dma_start3A_377 : memref<128x128xf32, #tpu.memory_space<hbm>>) target_semaphore(%run_scoped3A : memref<!tpu.dma_semaphore, #tpu.memory_space<semaphore_mem>>)
      %dma_wait3A_378 = arith.constant 0 : i32
      %dma_wait3A_379 = tpu.memref_slice %arg6[%mul3A_304, %dma_wait3A_378] : memref<45056x128xf32, #tpu.memory_space<hbm>> -> memref<128x128xf32, #tpu.memory_space<hbm>>
      %dma_wait3A_380 = arith.constant 0 : i32
      %dma_wait3A_381 = tpu.memref_slice %arg6[%mul3A_304, %dma_wait3A_380] : memref<45056x128xf32, #tpu.memory_space<hbm>> -> memref<128x128xf32, #tpu.memory_space<hbm>>
      tpu.wait_dma2 semaphore(%run_scoped3A : memref<!tpu.dma_semaphore, #tpu.memory_space<semaphore_mem>>) src(%arg10 : memref<128x128xf32, #tpu.memory_space<vmem>>) dst(%dma_wait3A_381 : memref<128x128xf32, #tpu.memory_space<hbm>>)
      tpu.yield
    }) : () -> ()
    %dma_wait3A_312 = arith.constant 8 : i32
    %dma_wait3A_313 = arith.constant 0 : i32
    %dma_wait3A_314 = tpu.memref_slice %arg9[%dma_wait3A_312, %dma_wait3A_313] : memref<11x128xi32, #tpu.memory_space<vmem>> -> memref<1x128xi32, #tpu.memory_space<vmem>>
    %dma_wait3A_315 = tpu.memref_squeeze %dma_wait3A_314 : memref<1x128xi32, #tpu.memory_space<vmem>> -> memref<128xi32, #tpu.memory_space<vmem>>
    %dma_wait3A_316 = arith.constant 0 : i32
    %dma_wait3A_317 = arith.constant 0 : i32
    %dma_wait3A_318 = tpu.memref_slice %arg3[%dma_wait3A_316, %dma_wait3A_317] : memref<1500x128xf32, #tpu.memory_space<hbm>> -> memref<1500x128xf32, #tpu.memory_space<hbm>>
    tpu.wait_indirect_dma semaphore(%arg16 : memref<!tpu.dma_semaphore, #tpu.memory_space<semaphore_mem>>) src(%dma_wait3A_318 : memref<1500x128xf32, #tpu.memory_space<hbm>>) dst(%arg12 : memref<128x128xf32, #tpu.memory_space<vmem>>)
    "tpu.region"() ({
      %run_scoped3A = tpu.sem_alloc : memref<!tpu.dma_semaphore, #tpu.memory_space<semaphore_mem>>
      %dma_start3A_374 = arith.constant 0 : i32
      %dma_start3A_375 = tpu.memref_slice %arg7[%mul3A_304, %dma_start3A_374] : memref<45056x128xf32, #tpu.memory_space<hbm>> -> memref<128x128xf32, #tpu.memory_space<hbm>>
      %dma_start3A_376 = arith.constant 0 : i32
      %dma_start3A_377 = tpu.memref_slice %arg7[%mul3A_304, %dma_start3A_376] : memref<45056x128xf32, #tpu.memory_space<hbm>> -> memref<128x128xf32, #tpu.memory_space<hbm>>
      tpu.enqueue_dma source(%arg12 : memref<128x128xf32, #tpu.memory_space<vmem>>) target(%dma_start3A_377 : memref<128x128xf32, #tpu.memory_space<hbm>>) target_semaphore(%run_scoped3A : memref<!tpu.dma_semaphore, #tpu.memory_space<semaphore_mem>>)
      %dma_wait3A_378 = arith.constant 0 : i32
      %dma_wait3A_379 = tpu.memref_slice %arg7[%mul3A_304, %dma_wait3A_378] : memref<45056x128xf32, #tpu.memory_space<hbm>> -> memref<128x128xf32, #tpu.memory_space<hbm>>
      %dma_wait3A_380 = arith.constant 0 : i32
      %dma_wait3A_381 = tpu.memref_slice %arg7[%mul3A_304, %dma_wait3A_380] : memref<45056x128xf32, #tpu.memory_space<hbm>> -> memref<128x128xf32, #tpu.memory_space<hbm>>
      tpu.wait_dma2 semaphore(%run_scoped3A : memref<!tpu.dma_semaphore, #tpu.memory_space<semaphore_mem>>) src(%arg12 : memref<128x128xf32, #tpu.memory_space<vmem>>) dst(%dma_wait3A_381 : memref<128x128xf32, #tpu.memory_space<hbm>>)
      tpu.yield
    }) : () -> ()
    %dma_start3A_319 = arith.constant 10 : i32
    %dma_start3A_320 = arith.constant 0 : i32
    %dma_start3A_321 = tpu.memref_slice %arg8[%dma_start3A_319, %dma_start3A_320] : memref<11x128xi32, #tpu.memory_space<vmem>> -> memref<1x128xi32, #tpu.memory_space<vmem>>
    %dma_start3A_322 = tpu.memref_squeeze %dma_start3A_321 : memref<1x128xi32, #tpu.memory_space<vmem>> -> memref<128xi32, #tpu.memory_space<vmem>>
    %dma_start3A_323 = arith.constant 0 : i32
    %dma_start3A_324 = arith.constant 0 : i32
    %dma_start3A_325 = tpu.memref_slice %arg2[%dma_start3A_323, %dma_start3A_324] : memref<1500x128xf32, #tpu.memory_space<hbm>> -> memref<1500x128xf32, #tpu.memory_space<hbm>>
    tpu.enqueue_indirect_dma source(%dma_start3A_325 : memref<1500x128xf32, #tpu.memory_space<hbm>>) target(%arg10 : memref<128x128xf32, #tpu.memory_space<vmem>>) offsets(%dma_start3A_322 : memref<128xi32, #tpu.memory_space<vmem>>) semaphore(%arg14 : memref<!tpu.dma_semaphore, #tpu.memory_space<semaphore_mem>>)
    %dma_start3A_326 = arith.constant 10 : i32
    %dma_start3A_327 = arith.constant 0 : i32
    %dma_start3A_328 = tpu.memref_slice %arg9[%dma_start3A_326, %dma_start3A_327] : memref<11x128xi32, #tpu.memory_space<vmem>> -> memref<1x128xi32, #tpu.memory_space<vmem>>
    %dma_start3A_329 = tpu.memref_squeeze %dma_start3A_328 : memref<1x128xi32, #tpu.memory_space<vmem>> -> memref<128xi32, #tpu.memory_space<vmem>>
    %dma_start3A_330 = arith.constant 0 : i32
    %dma_start3A_331 = arith.constant 0 : i32
    %dma_start3A_332 = tpu.memref_slice %arg3[%dma_start3A_330, %dma_start3A_331] : memref<1500x128xf32, #tpu.memory_space<hbm>> -> memref<1500x128xf32, #tpu.memory_space<hbm>>
    tpu.enqueue_indirect_dma source(%dma_start3A_332 : memref<1500x128xf32, #tpu.memory_space<hbm>>) target(%arg12 : memref<128x128xf32, #tpu.memory_space<vmem>>) offsets(%dma_start3A_329 : memref<128xi32, #tpu.memory_space<vmem>>) semaphore(%arg16 : memref<!tpu.dma_semaphore, #tpu.memory_space<semaphore_mem>>)
    %mul3A_333 = arith.constant 11 : i32
    %mul3A_334 = arith.muli %add3A, %mul3A_333 : i32
    %add3A_335 = arith.constant 9 : i32
    %add3A_336 = arith.addi %mul3A_334, %add3A_335 : i32
    %mul3A_337 = arith.constant 128 : i32
    %mul3A_338 = arith.muli %add3A_336, %mul3A_337 : i32
    %dma_wait3A_339 = arith.constant 9 : i32
    %dma_wait3A_340 = arith.constant 0 : i32
    %dma_wait3A_341 = tpu.memref_slice %arg8[%dma_wait3A_339, %dma_wait3A_340] : memref<11x128xi32, #tpu.memory_space<vmem>> -> memref<1x128xi32, #tpu.memory_space<vmem>>
    %dma_wait3A_342 = tpu.memref_squeeze %dma_wait3A_341 : memref<1x128xi32, #tpu.memory_space<vmem>> -> memref<128xi32, #tpu.memory_space<vmem>>
    %dma_wait3A_343 = arith.constant 0 : i32
    %dma_wait3A_344 = arith.constant 0 : i32
    %dma_wait3A_345 = tpu.memref_slice %arg2[%dma_wait3A_343, %dma_wait3A_344] : memref<1500x128xf32, #tpu.memory_space<hbm>> -> memref<1500x128xf32, #tpu.memory_space<hbm>>
    tpu.wait_indirect_dma semaphore(%arg15 : memref<!tpu.dma_semaphore, #tpu.memory_space<semaphore_mem>>) src(%dma_wait3A_345 : memref<1500x128xf32, #tpu.memory_space<hbm>>) dst(%arg11 : memref<128x128xf32, #tpu.memory_space<vmem>>)
    "tpu.region"() ({
      %run_scoped3A = tpu.sem_alloc : memref<!tpu.dma_semaphore, #tpu.memory_space<semaphore_mem>>
      %dma_start3A_374 = arith.constant 0 : i32
      %dma_start3A_375 = tpu.memref_slice %arg6[%mul3A_338, %dma_start3A_374] : memref<45056x128xf32, #tpu.memory_space<hbm>> -> memref<128x128xf32, #tpu.memory_space<hbm>>
      %dma_start3A_376 = arith.constant 0 : i32
      %dma_start3A_377 = tpu.memref_slice %arg6[%mul3A_338, %dma_start3A_376] : memref<45056x128xf32, #tpu.memory_space<hbm>> -> memref<128x128xf32, #tpu.memory_space<hbm>>
      tpu.enqueue_dma source(%arg11 : memref<128x128xf32, #tpu.memory_space<vmem>>) target(%dma_start3A_377 : memref<128x128xf32, #tpu.memory_space<hbm>>) target_semaphore(%run_scoped3A : memref<!tpu.dma_semaphore, #tpu.memory_space<semaphore_mem>>)
      %dma_wait3A_378 = arith.constant 0 : i32
      %dma_wait3A_379 = tpu.memref_slice %arg6[%mul3A_338, %dma_wait3A_378] : memref<45056x128xf32, #tpu.memory_space<hbm>> -> memref<128x128xf32, #tpu.memory_space<hbm>>
      %dma_wait3A_380 = arith.constant 0 : i32
      %dma_wait3A_381 = tpu.memref_slice %arg6[%mul3A_338, %dma_wait3A_380] : memref<45056x128xf32, #tpu.memory_space<hbm>> -> memref<128x128xf32, #tpu.memory_space<hbm>>
      tpu.wait_dma2 semaphore(%run_scoped3A : memref<!tpu.dma_semaphore, #tpu.memory_space<semaphore_mem>>) src(%arg11 : memref<128x128xf32, #tpu.memory_space<vmem>>) dst(%dma_wait3A_381 : memref<128x128xf32, #tpu.memory_space<hbm>>)
      tpu.yield
    }) : () -> ()
    %dma_wait3A_346 = arith.constant 9 : i32
    %dma_wait3A_347 = arith.constant 0 : i32
    %dma_wait3A_348 = tpu.memref_slice %arg9[%dma_wait3A_346, %dma_wait3A_347] : memref<11x128xi32, #tpu.memory_space<vmem>> -> memref<1x128xi32, #tpu.memory_space<vmem>>
    %dma_wait3A_349 = tpu.memref_squeeze %dma_wait3A_348 : memref<1x128xi32, #tpu.memory_space<vmem>> -> memref<128xi32, #tpu.memory_space<vmem>>
    %dma_wait3A_350 = arith.constant 0 : i32
    %dma_wait3A_351 = arith.constant 0 : i32
    %dma_wait3A_352 = tpu.memref_slice %arg3[%dma_wait3A_350, %dma_wait3A_351] : memref<1500x128xf32, #tpu.memory_space<hbm>> -> memref<1500x128xf32, #tpu.memory_space<hbm>>
    tpu.wait_indirect_dma semaphore(%arg17 : memref<!tpu.dma_semaphore, #tpu.memory_space<semaphore_mem>>) src(%dma_wait3A_352 : memref<1500x128xf32, #tpu.memory_space<hbm>>) dst(%arg13 : memref<128x128xf32, #tpu.memory_space<vmem>>)
    "tpu.region"() ({
      %run_scoped3A = tpu.sem_alloc : memref<!tpu.dma_semaphore, #tpu.memory_space<semaphore_mem>>
      %dma_start3A_374 = arith.constant 0 : i32
      %dma_start3A_375 = tpu.memref_slice %arg7[%mul3A_338, %dma_start3A_374] : memref<45056x128xf32, #tpu.memory_space<hbm>> -> memref<128x128xf32, #tpu.memory_space<hbm>>
      %dma_start3A_376 = arith.constant 0 : i32
      %dma_start3A_377 = tpu.memref_slice %arg7[%mul3A_338, %dma_start3A_376] : memref<45056x128xf32, #tpu.memory_space<hbm>> -> memref<128x128xf32, #tpu.memory_space<hbm>>
      tpu.enqueue_dma source(%arg13 : memref<128x128xf32, #tpu.memory_space<vmem>>) target(%dma_start3A_377 : memref<128x128xf32, #tpu.memory_space<hbm>>) target_semaphore(%run_scoped3A : memref<!tpu.dma_semaphore, #tpu.memory_space<semaphore_mem>>)
      %dma_wait3A_378 = arith.constant 0 : i32
      %dma_wait3A_379 = tpu.memref_slice %arg7[%mul3A_338, %dma_wait3A_378] : memref<45056x128xf32, #tpu.memory_space<hbm>> -> memref<128x128xf32, #tpu.memory_space<hbm>>
      %dma_wait3A_380 = arith.constant 0 : i32
      %dma_wait3A_381 = tpu.memref_slice %arg7[%mul3A_338, %dma_wait3A_380] : memref<45056x128xf32, #tpu.memory_space<hbm>> -> memref<128x128xf32, #tpu.memory_space<hbm>>
      tpu.wait_dma2 semaphore(%run_scoped3A : memref<!tpu.dma_semaphore, #tpu.memory_space<semaphore_mem>>) src(%arg13 : memref<128x128xf32, #tpu.memory_space<vmem>>) dst(%dma_wait3A_381 : memref<128x128xf32, #tpu.memory_space<hbm>>)
      tpu.yield
    }) : () -> ()
    %mul3A_353 = arith.constant 11 : i32
    %mul3A_354 = arith.muli %add3A, %mul3A_353 : i32
    %add3A_355 = arith.constant 11 : i32
    %add3A_356 = arith.addi %mul3A_354, %add3A_355 : i32
    %sub3A = arith.constant 1 : i32
    %sub3A_357 = arith.subi %add3A_356, %sub3A : i32
    %mul3A_358 = arith.constant 128 : i32
    %mul3A_359 = arith.muli %sub3A_357, %mul3A_358 : i32
    %dma_wait3A_360 = arith.constant 10 : i32
    %dma_wait3A_361 = arith.constant 0 : i32
    %dma_wait3A_362 = tpu.memref_slice %arg8[%dma_wait3A_360, %dma_wait3A_361] : memref<11x128xi32, #tpu.memory_space<vmem>> -> memref<1x128xi32, #tpu.memory_space<vmem>>
    %dma_wait3A_363 = tpu.memref_squeeze %dma_wait3A_362 : memref<1x128xi32, #tpu.memory_space<vmem>> -> memref<128xi32, #tpu.memory_space<vmem>>
    %dma_wait3A_364 = arith.constant 0 : i32
    %dma_wait3A_365 = arith.constant 0 : i32
    %dma_wait3A_366 = tpu.memref_slice %arg2[%dma_wait3A_364, %dma_wait3A_365] : memref<1500x128xf32, #tpu.memory_space<hbm>> -> memref<1500x128xf32, #tpu.memory_space<hbm>>
    tpu.wait_indirect_dma semaphore(%arg14 : memref<!tpu.dma_semaphore, #tpu.memory_space<semaphore_mem>>) src(%dma_wait3A_366 : memref<1500x128xf32, #tpu.memory_space<hbm>>) dst(%arg10 : memref<128x128xf32, #tpu.memory_space<vmem>>)
    "tpu.region"() ({
      %run_scoped3A = tpu.sem_alloc : memref<!tpu.dma_semaphore, #tpu.memory_space<semaphore_mem>>
      %dma_start3A_374 = arith.constant 0 : i32
      %dma_start3A_375 = tpu.memref_slice %arg6[%mul3A_359, %dma_start3A_374] : memref<45056x128xf32, #tpu.memory_space<hbm>> -> memref<128x128xf32, #tpu.memory_space<hbm>>
      %dma_start3A_376 = arith.constant 0 : i32
      %dma_start3A_377 = tpu.memref_slice %arg6[%mul3A_359, %dma_start3A_376] : memref<45056x128xf32, #tpu.memory_space<hbm>> -> memref<128x128xf32, #tpu.memory_space<hbm>>
      tpu.enqueue_dma source(%arg10 : memref<128x128xf32, #tpu.memory_space<vmem>>) target(%dma_start3A_377 : memref<128x128xf32, #tpu.memory_space<hbm>>) target_semaphore(%run_scoped3A : memref<!tpu.dma_semaphore, #tpu.memory_space<semaphore_mem>>)
      %dma_wait3A_378 = arith.constant 0 : i32
      %dma_wait3A_379 = tpu.memref_slice %arg6[%mul3A_359, %dma_wait3A_378] : memref<45056x128xf32, #tpu.memory_space<hbm>> -> memref<128x128xf32, #tpu.memory_space<hbm>>
      %dma_wait3A_380 = arith.constant 0 : i32
      %dma_wait3A_381 = tpu.memref_slice %arg6[%mul3A_359, %dma_wait3A_380] : memref<45056x128xf32, #tpu.memory_space<hbm>> -> memref<128x128xf32, #tpu.memory_space<hbm>>
      tpu.wait_dma2 semaphore(%run_scoped3A : memref<!tpu.dma_semaphore, #tpu.memory_space<semaphore_mem>>) src(%arg10 : memref<128x128xf32, #tpu.memory_space<vmem>>) dst(%dma_wait3A_381 : memref<128x128xf32, #tpu.memory_space<hbm>>)
      tpu.yield
    }) : () -> ()
    %dma_wait3A_367 = arith.constant 10 : i32
    %dma_wait3A_368 = arith.constant 0 : i32
    %dma_wait3A_369 = tpu.memref_slice %arg9[%dma_wait3A_367, %dma_wait3A_368] : memref<11x128xi32, #tpu.memory_space<vmem>> -> memref<1x128xi32, #tpu.memory_space<vmem>>
    %dma_wait3A_370 = tpu.memref_squeeze %dma_wait3A_369 : memref<1x128xi32, #tpu.memory_space<vmem>> -> memref<128xi32, #tpu.memory_space<vmem>>
    %dma_wait3A_371 = arith.constant 0 : i32
    %dma_wait3A_372 = arith.constant 0 : i32
    %dma_wait3A_373 = tpu.memref_slice %arg3[%dma_wait3A_371, %dma_wait3A_372] : memref<1500x128xf32, #tpu.memory_space<hbm>> -> memref<1500x128xf32, #tpu.memory_space<hbm>>
    tpu.wait_indirect_dma semaphore(%arg16 : memref<!tpu.dma_semaphore, #tpu.memory_space<semaphore_mem>>) src(%dma_wait3A_373 : memref<1500x128xf32, #tpu.memory_space<hbm>>) dst(%arg12 : memref<128x128xf32, #tpu.memory_space<vmem>>)
    "tpu.region"() ({
      %run_scoped3A = tpu.sem_alloc : memref<!tpu.dma_semaphore, #tpu.memory_space<semaphore_mem>>
      %dma_start3A_374 = arith.constant 0 : i32
      %dma_start3A_375 = tpu.memref_slice %arg7[%mul3A_359, %dma_start3A_374] : memref<45056x128xf32, #tpu.memory_space<hbm>> -> memref<128x128xf32, #tpu.memory_space<hbm>>
      %dma_start3A_376 = arith.constant 0 : i32
      %dma_start3A_377 = tpu.memref_slice %arg7[%mul3A_359, %dma_start3A_376] : memref<45056x128xf32, #tpu.memory_space<hbm>> -> memref<128x128xf32, #tpu.memory_space<hbm>>
      tpu.enqueue_dma source(%arg12 : memref<128x128xf32, #tpu.memory_space<vmem>>) target(%dma_start3A_377 : memref<128x128xf32, #tpu.memory_space<hbm>>) target_semaphore(%run_scoped3A : memref<!tpu.dma_semaphore, #tpu.memory_space<semaphore_mem>>)
      %dma_wait3A_378 = arith.constant 0 : i32
      %dma_wait3A_379 = tpu.memref_slice %arg7[%mul3A_359, %dma_wait3A_378] : memref<45056x128xf32, #tpu.memory_space<hbm>> -> memref<128x128xf32, #tpu.memory_space<hbm>>
      %dma_wait3A_380 = arith.constant 0 : i32
      %dma_wait3A_381 = tpu.memref_slice %arg7[%mul3A_359, %dma_wait3A_380] : memref<45056x128xf32, #tpu.memory_space<hbm>> -> memref<128x128xf32, #tpu.memory_space<hbm>>
      tpu.wait_dma2 semaphore(%run_scoped3A : memref<!tpu.dma_semaphore, #tpu.memory_space<semaphore_mem>>) src(%arg12 : memref<128x128xf32, #tpu.memory_space<vmem>>) dst(%dma_wait3A_381 : memref<128x128xf32, #tpu.memory_space<hbm>>)
      tpu.yield
    }) : () -> ()
    return
  }
}

#map = affine_map<(d0, d1) -> (0, 0)>
#map1 = affine_map<(d0, d1) -> (0, 0, 0)>
module attributes {stable_mosaic.version = 14 : i64} {
  func.func @gk(%arg0: i32, %arg1: i32, %arg2: memref<1500x128xf32, #tpu.memory_space<hbm>>, %arg3: memref<1500x128xf32, #tpu.memory_space<hbm>>, %arg4: memref<32x11x128xi32, #tpu.memory_space<hbm>>, %arg5: memref<32x11x128xi32, #tpu.memory_space<hbm>>, %arg6: memref<45056x128xf32, #tpu.memory_space<hbm>>, %arg7: memref<45056x128xf32, #tpu.memory_space<hbm>>, %arg8: memref<11x128xi32, #tpu.memory_space<vmem>>, %arg9: memref<11x128xi32, #tpu.memory_space<vmem>>, %arg10: memref<128x128xf32, #tpu.memory_space<vmem>>, %arg11: memref<128x128xf32, #tpu.memory_space<vmem>>, %arg12: memref<128x128xf32, #tpu.memory_space<vmem>>, %arg13: memref<128x128xf32, #tpu.memory_space<vmem>>, %arg14: memref<!tpu.dma_semaphore, #tpu.memory_space<semaphore_mem>>, %arg15: memref<!tpu.dma_semaphore, #tpu.memory_space<semaphore_mem>>, %arg16: memref<!tpu.dma_semaphore, #tpu.memory_space<semaphore_mem>>, %arg17: memref<!tpu.dma_semaphore, #tpu.memory_space<semaphore_mem>>) attributes {dimension_semantics = [#tpu.dimension_semantics<core_parallel>, #tpu.dimension_semantics<subcore_parallel>], iteration_bounds = array<i64: 2, 16>, scalar_prefetch = 0 : i64, scratch_operands = 10 : i64, tpu.core_type = #tpu.core_type<sc_vector_subcore>, window_params = [{transform_indices = #map}, {transform_indices = #map}, {transform_indices = #map1}, {transform_indices = #map1}, {transform_indices = #map}, {transform_indices = #map}]} {
    %mul3A = arith.constant 2 : i32
    %mul3A_0 = arith.muli %arg1, %mul3A : i32
    %add3A = arith.addi %mul3A_0, %arg0 : i32
    "tpu.region"() ({
      %run_scoped3A = tpu.sem_alloc : memref<!tpu.dma_semaphore, #tpu.memory_space<semaphore_mem>>
      %dma_start3A_374 = arith.constant 0 : i32
      %dma_start3A_375 = arith.constant 0 : i32
      %dma_start3A_376 = tpu.memref_slice %arg4[%add3A, %dma_start3A_374, %dma_start3A_375] : memref<32x11x128xi32, #tpu.memory_space<hbm>> -> memref<1x11x128xi32, #tpu.memory_space<hbm>>
      %dma_start3A_377 = tpu.memref_squeeze %dma_start3A_376 : memref<1x11x128xi32, #tpu.memory_space<hbm>> -> memref<11x128xi32, #tpu.memory_space<hbm>>
      %dma_start3A_378 = arith.constant 0 : i32
      %dma_start3A_379 = arith.constant 0 : i32
      %dma_start3A_380 = tpu.memref_slice %arg4[%add3A, %dma_start3A_378, %dma_start3A_379] : memref<32x11x128xi32, #tpu.memory_space<hbm>> -> memref<1x11x128xi32, #tpu.memory_space<hbm>>
      %dma_start3A_381 = tpu.memref_squeeze %dma_start3A_380 : memref<1x11x128xi32, #tpu.memory_space<hbm>> -> memref<11x128xi32, #tpu.memory_space<hbm>>
      tpu.enqueue_dma source(%dma_start3A_381 : memref<11x128xi32, #tpu.memory_space<hbm>>) target(%arg8 : memref<11x128xi32, #tpu.memory_space<vmem>>) target_semaphore(%run_scoped3A : memref<!tpu.dma_semaphore, #tpu.memory_space<semaphore_mem>>)
      %dma_wait3A_382 = arith.constant 0 : i32
      %dma_wait3A_383 = arith.constant 0 : i32
      %dma_wait3A_384 = tpu.memref_slice %arg4[%add3A, %dma_wait3A_382, %dma_wait3A_383] : memref<32x11x128xi32, #tpu.memory_space<hbm>> -> memref<1x11x128xi32, #tpu.memory_space<hbm>>
      %dma_wait3A_385 = tpu.memref_squeeze %dma_wait3A_384 : memref<1x11x128xi32, #tpu.memory_space<hbm>> -> memref<11x128xi32, #tpu.memory_space<hbm>>
      %dma_wait3A_386 = arith.constant 0 : i32
      %dma_wait3A_387 = arith.constant 0 : i32
      %dma_wait3A_388 = tpu.memref_slice %arg4[%add3A, %dma_wait3A_386, %dma_wait3A_387] : memref<32x11x128xi32, #tpu.memory_space<hbm>> -> memref<1x11x128xi32, #tpu.memory_space<hbm>>
      %dma_wait3A_389 = tpu.memref_squeeze %dma_wait3A_388 : memref<1x11x128xi32, #tpu.memory_space<hbm>> -> memref<11x128xi32, #tpu.memory_space<hbm>>
      tpu.wait_dma2 semaphore(%run_scoped3A : memref<!tpu.dma_semaphore, #tpu.memory_space<semaphore_mem>>) src(%dma_wait3A_389 : memref<11x128xi32, #tpu.memory_space<hbm>>) dst(%arg8 : memref<11x128xi32, #tpu.memory_space<vmem>>)
      tpu.yield
    }) : () -> ()
    "tpu.region"() ({
      %run_scoped3A = tpu.sem_alloc : memref<!tpu.dma_semaphore, #tpu.memory_space<semaphore_mem>>
      %dma_start3A_374 = arith.constant 0 : i32
      %dma_start3A_375 = arith.constant 0 : i32
      %dma_start3A_376 = tpu.memref_slice %arg5[%add3A, %dma_start3A_374, %dma_start3A_375] : memref<32x11x128xi32, #tpu.memory_space<hbm>> -> memref<1x11x128xi32, #tpu.memory_space<hbm>>
      %dma_start3A_377 = tpu.memref_squeeze %dma_start3A_376 : memref<1x11x128xi32, #tpu.memory_space<hbm>> -> memref<11x128xi32, #tpu.memory_space<hbm>>
      %dma_start3A_378 = arith.constant 0 : i32
      %dma_start3A_379 = arith.constant 0 : i32
      %dma_start3A_380 = tpu.memref_slice %arg5[%add3A, %dma_start3A_378, %dma_start3A_379] : memref<32x11x128xi32, #tpu.memory_space<hbm>> -> memref<1x11x128xi32, #tpu.memory_space<hbm>>
      %dma_start3A_381 = tpu.memref_squeeze %dma_start3A_380 : memref<1x11x128xi32, #tpu.memory_space<hbm>> -> memref<11x128xi32, #tpu.memory_space<hbm>>
      tpu.enqueue_dma source(%dma_start3A_381 : memref<11x128xi32, #tpu.memory_space<hbm>>) target(%arg9 : memref<11x128xi32, #tpu.memory_space<vmem>>) target_semaphore(%run_scoped3A : memref<!tpu.dma_semaphore, #tpu.memory_space<semaphore_mem>>)
      %dma_wait3A_382 = arith.constant 0 : i32
      %dma_wait3A_383 = arith.constant 0 : i32
      %dma_wait3A_384 = tpu.memref_slice %arg5[%add3A, %dma_wait3A_382, %dma_wait3A_383] : memref<32x11x128xi32, #tpu.memory_space<hbm>> -> memref<1x11x128xi32, #tpu.memory_space<hbm>>
      %dma_wait3A_385 = tpu.memref_squeeze %dma_wait3A_384 : memref<1x11x128xi32, #tpu.memory_space<hbm>> -> memref<11x128xi32, #tpu.memory_space<hbm>>
      %dma_wait3A_386 = arith.constant 0 : i32
      %dma_wait3A_387 = arith.constant 0 : i32
      %dma_wait3A_388 = tpu.memref_slice %arg5[%add3A, %dma_wait3A_386, %dma_wait3A_387] : memref<32x11x128xi32, #tpu.memory_space<hbm>> -> memref<1x11x128xi32, #tpu.memory_space<hbm>>
      %dma_wait3A_389 = tpu.memref_squeeze %dma_wait3A_388 : memref<1x11x128xi32, #tpu.memory_space<hbm>> -> memref<11x128xi32, #tpu.memory_space<hbm>>
      tpu.wait_dma2 semaphore(%run_scoped3A : memref<!tpu.dma_semaphore, #tpu.memory_space<semaphore_mem>>) src(%dma_wait3A_389 : memref<11x128xi32, #tpu.memory_space<hbm>>) dst(%arg9 : memref<11x128xi32, #tpu.memory_space<vmem>>)
      tpu.yield
    }) : () -> ()
    %dma_start3A = arith.constant 0 : i32
    %dma_start3A_1 = arith.constant 0 : i32
    %dma_start3A_2 = tpu.memref_slice %arg8[%dma_start3A, %dma_start3A_1] : memref<11x128xi32, #tpu.memory_space<vmem>> -> memref<1x128xi32, #tpu.memory_space<vmem>>
    %dma_start3A_3 = tpu.memref_squeeze %dma_start3A_2 : memref<1x128xi32, #tpu.memory_space<vmem>> -> memref<128xi32, #tpu.memory_space<vmem>>
    %dma_start3A_4 = arith.constant 0 : i32
    %dma_start3A_5 = arith.constant 0 : i32
    %dma_start3A_6 = tpu.memref_slice %arg2[%dma_start3A_4, %dma_start3A_5] : memref<1500x128xf32, #tpu.memory_space<hbm>> -> memref<1500x128xf32, #tpu.memory_space<hbm>>
    tpu.enqueue_indirect_dma source(%dma_start3A_6 : memref<1500x128xf32, #tpu.memory_space<hbm>>) target(%arg10 : memref<128x128xf32, #tpu.memory_space<vmem>>) offsets(%dma_start3A_3 : memref<128xi32, #tpu.memory_space<vmem>>) semaphore(%arg14 : memref<!tpu.dma_semaphore, #tpu.memory_space<semaphore_mem>>)
    %dma_start3A_7 = arith.constant 0 : i32
    %dma_start3A_8 = arith.constant 0 : i32
    %dma_start3A_9 = tpu.memref_slice %arg9[%dma_start3A_7, %dma_start3A_8] : memref<11x128xi32, #tpu.memory_space<vmem>> -> memref<1x128xi32, #tpu.memory_space<vmem>>
    %dma_start3A_10 = tpu.memref_squeeze %dma_start3A_9 : memref<1x128xi32, #tpu.memory_space<vmem>> -> memref<128xi32, #tpu.memory_space<vmem>>
    %dma_start3A_11 = arith.constant 0 : i32
    %dma_start3A_12 = arith.constant 0 : i32
    %dma_start3A_13 = tpu.memref_slice %arg3[%dma_start3A_11, %dma_start3A_12] : memref<1500x128xf32, #tpu.memory_space<hbm>> -> memref<1500x128xf32, #tpu.memory_space<hbm>>
    tpu.enqueue_indirect_dma source(%dma_start3A_13 : memref<1500x128xf32, #tpu.memory_space<hbm>>) target(%arg12 : memref<128x128xf32, #tpu.memory_space<vmem>>) offsets(%dma_start3A_10 : memref<128xi32, #tpu.memory_space<vmem>>) semaphore(%arg16 : memref<!tpu.dma_semaphore, #tpu.memory_space<semaphore_mem>>)
    %dma_start3A_14 = arith.constant 1 : i32
    %dma_start3A_15 = arith.constant 0 : i32
    %dma_start3A_16 = tpu.memref_slice %arg8[%dma_start3A_14, %dma_start3A_15] : memref<11x128xi32, #tpu.memory_space<vmem>> -> memref<1x128xi32, #tpu.memory_space<vmem>>
    %dma_start3A_17 = tpu.memref_squeeze %dma_start3A_16 : memref<1x128xi32, #tpu.memory_space<vmem>> -> memref<128xi32, #tpu.memory_space<vmem>>
    %dma_start3A_18 = arith.constant 0 : i32
    %dma_start3A_19 = arith.constant 0 : i32
    %dma_start3A_20 = tpu.memref_slice %arg2[%dma_start3A_18, %dma_start3A_19] : memref<1500x128xf32, #tpu.memory_space<hbm>> -> memref<1500x128xf32, #tpu.memory_space<hbm>>
    tpu.enqueue_indirect_dma source(%dma_start3A_20 : memref<1500x128xf32, #tpu.memory_space<hbm>>) target(%arg11 : memref<128x128xf32, #tpu.memory_space<vmem>>) offsets(%dma_start3A_17 : memref<128xi32, #tpu.memory_space<vmem>>) semaphore(%arg15 : memref<!tpu.dma_semaphore, #tpu.memory_space<semaphore_mem>>)
    %dma_start3A_21 = arith.constant 1 : i32
    %dma_start3A_22 = arith.constant 0 : i32
    %dma_start3A_23 = tpu.memref_slice %arg9[%dma_start3A_21, %dma_start3A_22] : memref<11x128xi32, #tpu.memory_space<vmem>> -> memref<1x128xi32, #tpu.memory_space<vmem>>
    %dma_start3A_24 = tpu.memref_squeeze %dma_start3A_23 : memref<1x128xi32, #tpu.memory_space<vmem>> -> memref<128xi32, #tpu.memory_space<vmem>>
    %dma_start3A_25 = arith.constant 0 : i32
    %dma_start3A_26 = arith.constant 0 : i32
    %dma_start3A_27 = tpu.memref_slice %arg3[%dma_start3A_25, %dma_start3A_26] : memref<1500x128xf32, #tpu.memory_space<hbm>> -> memref<1500x128xf32, #tpu.memory_space<hbm>>
    tpu.enqueue_indirect_dma source(%dma_start3A_27 : memref<1500x128xf32, #tpu.memory_space<hbm>>) target(%arg13 : memref<128x128xf32, #tpu.memory_space<vmem>>) offsets(%dma_start3A_24 : memref<128xi32, #tpu.memory_space<vmem>>) semaphore(%arg17 : memref<!tpu.dma_semaphore, #tpu.memory_space<semaphore_mem>>)
    %mul3A_28 = arith.constant 11 : i32
    %mul3A_29 = arith.muli %add3A, %mul3A_28 : i32
    %add3A_30 = arith.constant 0 : i32
    %add3A_31 = arith.addi %mul3A_29, %add3A_30 : i32
    %mul3A_32 = arith.constant 128 : i32
    %mul3A_33 = arith.muli %add3A_31, %mul3A_32 : i32
    %dma_wait3A = arith.constant 0 : i32
    %dma_wait3A_34 = arith.constant 0 : i32
    %dma_wait3A_35 = tpu.memref_slice %arg8[%dma_wait3A, %dma_wait3A_34] : memref<11x128xi32, #tpu.memory_space<vmem>> -> memref<1x128xi32, #tpu.memory_space<vmem>>
    %dma_wait3A_36 = tpu.memref_squeeze %dma_wait3A_35 : memref<1x128xi32, #tpu.memory_space<vmem>> -> memref<128xi32, #tpu.memory_space<vmem>>
    %dma_wait3A_37 = arith.constant 0 : i32
    %dma_wait3A_38 = arith.constant 0 : i32
    %dma_wait3A_39 = tpu.memref_slice %arg2[%dma_wait3A_37, %dma_wait3A_38] : memref<1500x128xf32, #tpu.memory_space<hbm>> -> memref<1500x128xf32, #tpu.memory_space<hbm>>
    tpu.wait_indirect_dma semaphore(%arg14 : memref<!tpu.dma_semaphore, #tpu.memory_space<semaphore_mem>>) src(%dma_wait3A_39 : memref<1500x128xf32, #tpu.memory_space<hbm>>) dst(%arg10 : memref<128x128xf32, #tpu.memory_space<vmem>>)
    "tpu.region"() ({
      %run_scoped3A = tpu.sem_alloc : memref<!tpu.dma_semaphore, #tpu.memory_space<semaphore_mem>>
      %dma_start3A_374 = arith.constant 0 : i32
      %dma_start3A_375 = tpu.memref_slice %arg6[%mul3A_33, %dma_start3A_374] : memref<45056x128xf32, #tpu.memory_space<hbm>> -> memref<128x128xf32, #tpu.memory_space<hbm>>
      %dma_start3A_376 = arith.constant 0 : i32
      %dma_start3A_377 = tpu.memref_slice %arg6[%mul3A_33, %dma_start3A_376] : memref<45056x128xf32, #tpu.memory_space<hbm>> -> memref<128x128xf32, #tpu.memory_space<hbm>>
      tpu.enqueue_dma source(%arg10 : memref<128x128xf32, #tpu.memory_space<vmem>>) target(%dma_start3A_377 : memref<128x128xf32, #tpu.memory_space<hbm>>) target_semaphore(%run_scoped3A : memref<!tpu.dma_semaphore, #tpu.memory_space<semaphore_mem>>)
      %dma_wait3A_378 = arith.constant 0 : i32
      %dma_wait3A_379 = tpu.memref_slice %arg6[%mul3A_33, %dma_wait3A_378] : memref<45056x128xf32, #tpu.memory_space<hbm>> -> memref<128x128xf32, #tpu.memory_space<hbm>>
      %dma_wait3A_380 = arith.constant 0 : i32
      %dma_wait3A_381 = tpu.memref_slice %arg6[%mul3A_33, %dma_wait3A_380] : memref<45056x128xf32, #tpu.memory_space<hbm>> -> memref<128x128xf32, #tpu.memory_space<hbm>>
      tpu.wait_dma2 semaphore(%run_scoped3A : memref<!tpu.dma_semaphore, #tpu.memory_space<semaphore_mem>>) src(%arg10 : memref<128x128xf32, #tpu.memory_space<vmem>>) dst(%dma_wait3A_381 : memref<128x128xf32, #tpu.memory_space<hbm>>)
      tpu.yield
    }) : () -> ()
    %dma_wait3A_40 = arith.constant 0 : i32
    %dma_wait3A_41 = arith.constant 0 : i32
    %dma_wait3A_42 = tpu.memref_slice %arg9[%dma_wait3A_40, %dma_wait3A_41] : memref<11x128xi32, #tpu.memory_space<vmem>> -> memref<1x128xi32, #tpu.memory_space<vmem>>
    %dma_wait3A_43 = tpu.memref_squeeze %dma_wait3A_42 : memref<1x128xi32, #tpu.memory_space<vmem>> -> memref<128xi32, #tpu.memory_space<vmem>>
    %dma_wait3A_44 = arith.constant 0 : i32
    %dma_wait3A_45 = arith.constant 0 : i32
    %dma_wait3A_46 = tpu.memref_slice %arg3[%dma_wait3A_44, %dma_wait3A_45] : memref<1500x128xf32, #tpu.memory_space<hbm>> -> memref<1500x128xf32, #tpu.memory_space<hbm>>
    tpu.wait_indirect_dma semaphore(%arg16 : memref<!tpu.dma_semaphore, #tpu.memory_space<semaphore_mem>>) src(%dma_wait3A_46 : memref<1500x128xf32, #tpu.memory_space<hbm>>) dst(%arg12 : memref<128x128xf32, #tpu.memory_space<vmem>>)
    "tpu.region"() ({
      %run_scoped3A = tpu.sem_alloc : memref<!tpu.dma_semaphore, #tpu.memory_space<semaphore_mem>>
      %dma_start3A_374 = arith.constant 0 : i32
      %dma_start3A_375 = tpu.memref_slice %arg7[%mul3A_33, %dma_start3A_374] : memref<45056x128xf32, #tpu.memory_space<hbm>> -> memref<128x128xf32, #tpu.memory_space<hbm>>
      %dma_start3A_376 = arith.constant 0 : i32
      %dma_start3A_377 = tpu.memref_slice %arg7[%mul3A_33, %dma_start3A_376] : memref<45056x128xf32, #tpu.memory_space<hbm>> -> memref<128x128xf32, #tpu.memory_space<hbm>>
      tpu.enqueue_dma source(%arg12 : memref<128x128xf32, #tpu.memory_space<vmem>>) target(%dma_start3A_377 : memref<128x128xf32, #tpu.memory_space<hbm>>) target_semaphore(%run_scoped3A : memref<!tpu.dma_semaphore, #tpu.memory_space<semaphore_mem>>)
      %dma_wait3A_378 = arith.constant 0 : i32
      %dma_wait3A_379 = tpu.memref_slice %arg7[%mul3A_33, %dma_wait3A_378] : memref<45056x128xf32, #tpu.memory_space<hbm>> -> memref<128x128xf32, #tpu.memory_space<hbm>>
      %dma_wait3A_380 = arith.constant 0 : i32
      %dma_wait3A_381 = tpu.memref_slice %arg7[%mul3A_33, %dma_wait3A_380] : memref<45056x128xf32, #tpu.memory_space<hbm>> -> memref<128x128xf32, #tpu.memory_space<hbm>>
      tpu.wait_dma2 semaphore(%run_scoped3A : memref<!tpu.dma_semaphore, #tpu.memory_space<semaphore_mem>>) src(%arg12 : memref<128x128xf32, #tpu.memory_space<vmem>>) dst(%dma_wait3A_381 : memref<128x128xf32, #tpu.memory_space<hbm>>)
      tpu.yield
    }) : () -> ()
    %dma_start3A_47 = arith.constant 2 : i32
    %dma_start3A_48 = arith.constant 0 : i32
    %dma_start3A_49 = tpu.memref_slice %arg8[%dma_start3A_47, %dma_start3A_48] : memref<11x128xi32, #tpu.memory_space<vmem>> -> memref<1x128xi32, #tpu.memory_space<vmem>>
    %dma_start3A_50 = tpu.memref_squeeze %dma_start3A_49 : memref<1x128xi32, #tpu.memory_space<vmem>> -> memref<128xi32, #tpu.memory_space<vmem>>
    %dma_start3A_51 = arith.constant 0 : i32
    %dma_start3A_52 = arith.constant 0 : i32
    %dma_start3A_53 = tpu.memref_slice %arg2[%dma_start3A_51, %dma_start3A_52] : memref<1500x128xf32, #tpu.memory_space<hbm>> -> memref<1500x128xf32, #tpu.memory_space<hbm>>
    tpu.enqueue_indirect_dma source(%dma_start3A_53 : memref<1500x128xf32, #tpu.memory_space<hbm>>) target(%arg10 : memref<128x128xf32, #tpu.memory_space<vmem>>) offsets(%dma_start3A_50 : memref<128xi32, #tpu.memory_space<vmem>>) semaphore(%arg14 : memref<!tpu.dma_semaphore, #tpu.memory_space<semaphore_mem>>)
    %dma_start3A_54 = arith.constant 2 : i32
    %dma_start3A_55 = arith.constant 0 : i32
    %dma_start3A_56 = tpu.memref_slice %arg9[%dma_start3A_54, %dma_start3A_55] : memref<11x128xi32, #tpu.memory_space<vmem>> -> memref<1x128xi32, #tpu.memory_space<vmem>>
    %dma_start3A_57 = tpu.memref_squeeze %dma_start3A_56 : memref<1x128xi32, #tpu.memory_space<vmem>> -> memref<128xi32, #tpu.memory_space<vmem>>
    %dma_start3A_58 = arith.constant 0 : i32
    %dma_start3A_59 = arith.constant 0 : i32
    %dma_start3A_60 = tpu.memref_slice %arg3[%dma_start3A_58, %dma_start3A_59] : memref<1500x128xf32, #tpu.memory_space<hbm>> -> memref<1500x128xf32, #tpu.memory_space<hbm>>
    tpu.enqueue_indirect_dma source(%dma_start3A_60 : memref<1500x128xf32, #tpu.memory_space<hbm>>) target(%arg12 : memref<128x128xf32, #tpu.memory_space<vmem>>) offsets(%dma_start3A_57 : memref<128xi32, #tpu.memory_space<vmem>>) semaphore(%arg16 : memref<!tpu.dma_semaphore, #tpu.memory_space<semaphore_mem>>)
    %mul3A_61 = arith.constant 11 : i32
    %mul3A_62 = arith.muli %add3A, %mul3A_61 : i32
    %add3A_63 = arith.constant 1 : i32
    %add3A_64 = arith.addi %mul3A_62, %add3A_63 : i32
    %mul3A_65 = arith.constant 128 : i32
    %mul3A_66 = arith.muli %add3A_64, %mul3A_65 : i32
    %dma_wait3A_67 = arith.constant 1 : i32
    %dma_wait3A_68 = arith.constant 0 : i32
    %dma_wait3A_69 = tpu.memref_slice %arg8[%dma_wait3A_67, %dma_wait3A_68] : memref<11x128xi32, #tpu.memory_space<vmem>> -> memref<1x128xi32, #tpu.memory_space<vmem>>
    %dma_wait3A_70 = tpu.memref_squeeze %dma_wait3A_69 : memref<1x128xi32, #tpu.memory_space<vmem>> -> memref<128xi32, #tpu.memory_space<vmem>>
    %dma_wait3A_71 = arith.constant 0 : i32
    %dma_wait3A_72 = arith.constant 0 : i32
    %dma_wait3A_73 = tpu.memref_slice %arg2[%dma_wait3A_71, %dma_wait3A_72] : memref<1500x128xf32, #tpu.memory_space<hbm>> -> memref<1500x128xf32, #tpu.memory_space<hbm>>
    tpu.wait_indirect_dma semaphore(%arg15 : memref<!tpu.dma_semaphore, #tpu.memory_space<semaphore_mem>>) src(%dma_wait3A_73 : memref<1500x128xf32, #tpu.memory_space<hbm>>) dst(%arg11 : memref<128x128xf32, #tpu.memory_space<vmem>>)
    "tpu.region"() ({
      %run_scoped3A = tpu.sem_alloc : memref<!tpu.dma_semaphore, #tpu.memory_space<semaphore_mem>>
      %dma_start3A_374 = arith.constant 0 : i32
      %dma_start3A_375 = tpu.memref_slice %arg6[%mul3A_66, %dma_start3A_374] : memref<45056x128xf32, #tpu.memory_space<hbm>> -> memref<128x128xf32, #tpu.memory_space<hbm>>
      %dma_start3A_376 = arith.constant 0 : i32
      %dma_start3A_377 = tpu.memref_slice %arg6[%mul3A_66, %dma_start3A_376] : memref<45056x128xf32, #tpu.memory_space<hbm>> -> memref<128x128xf32, #tpu.memory_space<hbm>>
      tpu.enqueue_dma source(%arg11 : memref<128x128xf32, #tpu.memory_space<vmem>>) target(%dma_start3A_377 : memref<128x128xf32, #tpu.memory_space<hbm>>) target_semaphore(%run_scoped3A : memref<!tpu.dma_semaphore, #tpu.memory_space<semaphore_mem>>)
      %dma_wait3A_378 = arith.constant 0 : i32
      %dma_wait3A_379 = tpu.memref_slice %arg6[%mul3A_66, %dma_wait3A_378] : memref<45056x128xf32, #tpu.memory_space<hbm>> -> memref<128x128xf32, #tpu.memory_space<hbm>>
      %dma_wait3A_380 = arith.constant 0 : i32
      %dma_wait3A_381 = tpu.memref_slice %arg6[%mul3A_66, %dma_wait3A_380] : memref<45056x128xf32, #tpu.memory_space<hbm>> -> memref<128x128xf32, #tpu.memory_space<hbm>>
      tpu.wait_dma2 semaphore(%run_scoped3A : memref<!tpu.dma_semaphore, #tpu.memory_space<semaphore_mem>>) src(%arg11 : memref<128x128xf32, #tpu.memory_space<vmem>>) dst(%dma_wait3A_381 : memref<128x128xf32, #tpu.memory_space<hbm>>)
      tpu.yield
    }) : () -> ()
    %dma_wait3A_74 = arith.constant 1 : i32
    %dma_wait3A_75 = arith.constant 0 : i32
    %dma_wait3A_76 = tpu.memref_slice %arg9[%dma_wait3A_74, %dma_wait3A_75] : memref<11x128xi32, #tpu.memory_space<vmem>> -> memref<1x128xi32, #tpu.memory_space<vmem>>
    %dma_wait3A_77 = tpu.memref_squeeze %dma_wait3A_76 : memref<1x128xi32, #tpu.memory_space<vmem>> -> memref<128xi32, #tpu.memory_space<vmem>>
    %dma_wait3A_78 = arith.constant 0 : i32
    %dma_wait3A_79 = arith.constant 0 : i32
    %dma_wait3A_80 = tpu.memref_slice %arg3[%dma_wait3A_78, %dma_wait3A_79] : memref<1500x128xf32, #tpu.memory_space<hbm>> -> memref<1500x128xf32, #tpu.memory_space<hbm>>
    tpu.wait_indirect_dma semaphore(%arg17 : memref<!tpu.dma_semaphore, #tpu.memory_space<semaphore_mem>>) src(%dma_wait3A_80 : memref<1500x128xf32, #tpu.memory_space<hbm>>) dst(%arg13 : memref<128x128xf32, #tpu.memory_space<vmem>>)
    "tpu.region"() ({
      %run_scoped3A = tpu.sem_alloc : memref<!tpu.dma_semaphore, #tpu.memory_space<semaphore_mem>>
      %dma_start3A_374 = arith.constant 0 : i32
      %dma_start3A_375 = tpu.memref_slice %arg7[%mul3A_66, %dma_start3A_374] : memref<45056x128xf32, #tpu.memory_space<hbm>> -> memref<128x128xf32, #tpu.memory_space<hbm>>
      %dma_start3A_376 = arith.constant 0 : i32
      %dma_start3A_377 = tpu.memref_slice %arg7[%mul3A_66, %dma_start3A_376] : memref<45056x128xf32, #tpu.memory_space<hbm>> -> memref<128x128xf32, #tpu.memory_space<hbm>>
      tpu.enqueue_dma source(%arg13 : memref<128x128xf32, #tpu.memory_space<vmem>>) target(%dma_start3A_377 : memref<128x128xf32, #tpu.memory_space<hbm>>) target_semaphore(%run_scoped3A : memref<!tpu.dma_semaphore, #tpu.memory_space<semaphore_mem>>)
      %dma_wait3A_378 = arith.constant 0 : i32
      %dma_wait3A_379 = tpu.memref_slice %arg7[%mul3A_66, %dma_wait3A_378] : memref<45056x128xf32, #tpu.memory_space<hbm>> -> memref<128x128xf32, #tpu.memory_space<hbm>>
      %dma_wait3A_380 = arith.constant 0 : i32
      %dma_wait3A_381 = tpu.memref_slice %arg7[%mul3A_66, %dma_wait3A_380] : memref<45056x128xf32, #tpu.memory_space<hbm>> -> memref<128x128xf32, #tpu.memory_space<hbm>>
      tpu.wait_dma2 semaphore(%run_scoped3A : memref<!tpu.dma_semaphore, #tpu.memory_space<semaphore_mem>>) src(%arg13 : memref<128x128xf32, #tpu.memory_space<vmem>>) dst(%dma_wait3A_381 : memref<128x128xf32, #tpu.memory_space<hbm>>)
      tpu.yield
    }) : () -> ()
    %dma_start3A_81 = arith.constant 3 : i32
    %dma_start3A_82 = arith.constant 0 : i32
    %dma_start3A_83 = tpu.memref_slice %arg8[%dma_start3A_81, %dma_start3A_82] : memref<11x128xi32, #tpu.memory_space<vmem>> -> memref<1x128xi32, #tpu.memory_space<vmem>>
    %dma_start3A_84 = tpu.memref_squeeze %dma_start3A_83 : memref<1x128xi32, #tpu.memory_space<vmem>> -> memref<128xi32, #tpu.memory_space<vmem>>
    %dma_start3A_85 = arith.constant 0 : i32
    %dma_start3A_86 = arith.constant 0 : i32
    %dma_start3A_87 = tpu.memref_slice %arg2[%dma_start3A_85, %dma_start3A_86] : memref<1500x128xf32, #tpu.memory_space<hbm>> -> memref<1500x128xf32, #tpu.memory_space<hbm>>
    tpu.enqueue_indirect_dma source(%dma_start3A_87 : memref<1500x128xf32, #tpu.memory_space<hbm>>) target(%arg11 : memref<128x128xf32, #tpu.memory_space<vmem>>) offsets(%dma_start3A_84 : memref<128xi32, #tpu.memory_space<vmem>>) semaphore(%arg15 : memref<!tpu.dma_semaphore, #tpu.memory_space<semaphore_mem>>)
    %dma_start3A_88 = arith.constant 3 : i32
    %dma_start3A_89 = arith.constant 0 : i32
    %dma_start3A_90 = tpu.memref_slice %arg9[%dma_start3A_88, %dma_start3A_89] : memref<11x128xi32, #tpu.memory_space<vmem>> -> memref<1x128xi32, #tpu.memory_space<vmem>>
    %dma_start3A_91 = tpu.memref_squeeze %dma_start3A_90 : memref<1x128xi32, #tpu.memory_space<vmem>> -> memref<128xi32, #tpu.memory_space<vmem>>
    %dma_start3A_92 = arith.constant 0 : i32
    %dma_start3A_93 = arith.constant 0 : i32
    %dma_start3A_94 = tpu.memref_slice %arg3[%dma_start3A_92, %dma_start3A_93] : memref<1500x128xf32, #tpu.memory_space<hbm>> -> memref<1500x128xf32, #tpu.memory_space<hbm>>
    tpu.enqueue_indirect_dma source(%dma_start3A_94 : memref<1500x128xf32, #tpu.memory_space<hbm>>) target(%arg13 : memref<128x128xf32, #tpu.memory_space<vmem>>) offsets(%dma_start3A_91 : memref<128xi32, #tpu.memory_space<vmem>>) semaphore(%arg17 : memref<!tpu.dma_semaphore, #tpu.memory_space<semaphore_mem>>)
    %mul3A_95 = arith.constant 11 : i32
    %mul3A_96 = arith.muli %add3A, %mul3A_95 : i32
    %add3A_97 = arith.constant 2 : i32
    %add3A_98 = arith.addi %mul3A_96, %add3A_97 : i32
    %mul3A_99 = arith.constant 128 : i32
    %mul3A_100 = arith.muli %add3A_98, %mul3A_99 : i32
    %dma_wait3A_101 = arith.constant 2 : i32
    %dma_wait3A_102 = arith.constant 0 : i32
    %dma_wait3A_103 = tpu.memref_slice %arg8[%dma_wait3A_101, %dma_wait3A_102] : memref<11x128xi32, #tpu.memory_space<vmem>> -> memref<1x128xi32, #tpu.memory_space<vmem>>
    %dma_wait3A_104 = tpu.memref_squeeze %dma_wait3A_103 : memref<1x128xi32, #tpu.memory_space<vmem>> -> memref<128xi32, #tpu.memory_space<vmem>>
    %dma_wait3A_105 = arith.constant 0 : i32
    %dma_wait3A_106 = arith.constant 0 : i32
    %dma_wait3A_107 = tpu.memref_slice %arg2[%dma_wait3A_105, %dma_wait3A_106] : memref<1500x128xf32, #tpu.memory_space<hbm>> -> memref<1500x128xf32, #tpu.memory_space<hbm>>
    tpu.wait_indirect_dma semaphore(%arg14 : memref<!tpu.dma_semaphore, #tpu.memory_space<semaphore_mem>>) src(%dma_wait3A_107 : memref<1500x128xf32, #tpu.memory_space<hbm>>) dst(%arg10 : memref<128x128xf32, #tpu.memory_space<vmem>>)
    "tpu.region"() ({
      %run_scoped3A = tpu.sem_alloc : memref<!tpu.dma_semaphore, #tpu.memory_space<semaphore_mem>>
      %dma_start3A_374 = arith.constant 0 : i32
      %dma_start3A_375 = tpu.memref_slice %arg6[%mul3A_100, %dma_start3A_374] : memref<45056x128xf32, #tpu.memory_space<hbm>> -> memref<128x128xf32, #tpu.memory_space<hbm>>
      %dma_start3A_376 = arith.constant 0 : i32
      %dma_start3A_377 = tpu.memref_slice %arg6[%mul3A_100, %dma_start3A_376] : memref<45056x128xf32, #tpu.memory_space<hbm>> -> memref<128x128xf32, #tpu.memory_space<hbm>>
      tpu.enqueue_dma source(%arg10 : memref<128x128xf32, #tpu.memory_space<vmem>>) target(%dma_start3A_377 : memref<128x128xf32, #tpu.memory_space<hbm>>) target_semaphore(%run_scoped3A : memref<!tpu.dma_semaphore, #tpu.memory_space<semaphore_mem>>)
      %dma_wait3A_378 = arith.constant 0 : i32
      %dma_wait3A_379 = tpu.memref_slice %arg6[%mul3A_100, %dma_wait3A_378] : memref<45056x128xf32, #tpu.memory_space<hbm>> -> memref<128x128xf32, #tpu.memory_space<hbm>>
      %dma_wait3A_380 = arith.constant 0 : i32
      %dma_wait3A_381 = tpu.memref_slice %arg6[%mul3A_100, %dma_wait3A_380] : memref<45056x128xf32, #tpu.memory_space<hbm>> -> memref<128x128xf32, #tpu.memory_space<hbm>>
      tpu.wait_dma2 semaphore(%run_scoped3A : memref<!tpu.dma_semaphore, #tpu.memory_space<semaphore_mem>>) src(%arg10 : memref<128x128xf32, #tpu.memory_space<vmem>>) dst(%dma_wait3A_381 : memref<128x128xf32, #tpu.memory_space<hbm>>)
      tpu.yield
    }) : () -> ()
    %dma_wait3A_108 = arith.constant 2 : i32
    %dma_wait3A_109 = arith.constant 0 : i32
    %dma_wait3A_110 = tpu.memref_slice %arg9[%dma_wait3A_108, %dma_wait3A_109] : memref<11x128xi32, #tpu.memory_space<vmem>> -> memref<1x128xi32, #tpu.memory_space<vmem>>
    %dma_wait3A_111 = tpu.memref_squeeze %dma_wait3A_110 : memref<1x128xi32, #tpu.memory_space<vmem>> -> memref<128xi32, #tpu.memory_space<vmem>>
    %dma_wait3A_112 = arith.constant 0 : i32
    %dma_wait3A_113 = arith.constant 0 : i32
    %dma_wait3A_114 = tpu.memref_slice %arg3[%dma_wait3A_112, %dma_wait3A_113] : memref<1500x128xf32, #tpu.memory_space<hbm>> -> memref<1500x128xf32, #tpu.memory_space<hbm>>
    tpu.wait_indirect_dma semaphore(%arg16 : memref<!tpu.dma_semaphore, #tpu.memory_space<semaphore_mem>>) src(%dma_wait3A_114 : memref<1500x128xf32, #tpu.memory_space<hbm>>) dst(%arg12 : memref<128x128xf32, #tpu.memory_space<vmem>>)
    "tpu.region"() ({
      %run_scoped3A = tpu.sem_alloc : memref<!tpu.dma_semaphore, #tpu.memory_space<semaphore_mem>>
      %dma_start3A_374 = arith.constant 0 : i32
      %dma_start3A_375 = tpu.memref_slice %arg7[%mul3A_100, %dma_start3A_374] : memref<45056x128xf32, #tpu.memory_space<hbm>> -> memref<128x128xf32, #tpu.memory_space<hbm>>
      %dma_start3A_376 = arith.constant 0 : i32
      %dma_start3A_377 = tpu.memref_slice %arg7[%mul3A_100, %dma_start3A_376] : memref<45056x128xf32, #tpu.memory_space<hbm>> -> memref<128x128xf32, #tpu.memory_space<hbm>>
      tpu.enqueue_dma source(%arg12 : memref<128x128xf32, #tpu.memory_space<vmem>>) target(%dma_start3A_377 : memref<128x128xf32, #tpu.memory_space<hbm>>) target_semaphore(%run_scoped3A : memref<!tpu.dma_semaphore, #tpu.memory_space<semaphore_mem>>)
      %dma_wait3A_378 = arith.constant 0 : i32
      %dma_wait3A_379 = tpu.memref_slice %arg7[%mul3A_100, %dma_wait3A_378] : memref<45056x128xf32, #tpu.memory_space<hbm>> -> memref<128x128xf32, #tpu.memory_space<hbm>>
      %dma_wait3A_380 = arith.constant 0 : i32
      %dma_wait3A_381 = tpu.memref_slice %arg7[%mul3A_100, %dma_wait3A_380] : memref<45056x128xf32, #tpu.memory_space<hbm>> -> memref<128x128xf32, #tpu.memory_space<hbm>>
      tpu.wait_dma2 semaphore(%run_scoped3A : memref<!tpu.dma_semaphore, #tpu.memory_space<semaphore_mem>>) src(%arg12 : memref<128x128xf32, #tpu.memory_space<vmem>>) dst(%dma_wait3A_381 : memref<128x128xf32, #tpu.memory_space<hbm>>)
      tpu.yield
    }) : () -> ()
    %dma_start3A_115 = arith.constant 4 : i32
    %dma_start3A_116 = arith.constant 0 : i32
    %dma_start3A_117 = tpu.memref_slice %arg8[%dma_start3A_115, %dma_start3A_116] : memref<11x128xi32, #tpu.memory_space<vmem>> -> memref<1x128xi32, #tpu.memory_space<vmem>>
    %dma_start3A_118 = tpu.memref_squeeze %dma_start3A_117 : memref<1x128xi32, #tpu.memory_space<vmem>> -> memref<128xi32, #tpu.memory_space<vmem>>
    %dma_start3A_119 = arith.constant 0 : i32
    %dma_start3A_120 = arith.constant 0 : i32
    %dma_start3A_121 = tpu.memref_slice %arg2[%dma_start3A_119, %dma_start3A_120] : memref<1500x128xf32, #tpu.memory_space<hbm>> -> memref<1500x128xf32, #tpu.memory_space<hbm>>
    tpu.enqueue_indirect_dma source(%dma_start3A_121 : memref<1500x128xf32, #tpu.memory_space<hbm>>) target(%arg10 : memref<128x128xf32, #tpu.memory_space<vmem>>) offsets(%dma_start3A_118 : memref<128xi32, #tpu.memory_space<vmem>>) semaphore(%arg14 : memref<!tpu.dma_semaphore, #tpu.memory_space<semaphore_mem>>)
    %dma_start3A_122 = arith.constant 4 : i32
    %dma_start3A_123 = arith.constant 0 : i32
    %dma_start3A_124 = tpu.memref_slice %arg9[%dma_start3A_122, %dma_start3A_123] : memref<11x128xi32, #tpu.memory_space<vmem>> -> memref<1x128xi32, #tpu.memory_space<vmem>>
    %dma_start3A_125 = tpu.memref_squeeze %dma_start3A_124 : memref<1x128xi32, #tpu.memory_space<vmem>> -> memref<128xi32, #tpu.memory_space<vmem>>
    %dma_start3A_126 = arith.constant 0 : i32
    %dma_start3A_127 = arith.constant 0 : i32
    %dma_start3A_128 = tpu.memref_slice %arg3[%dma_start3A_126, %dma_start3A_127] : memref<1500x128xf32, #tpu.memory_space<hbm>> -> memref<1500x128xf32, #tpu.memory_space<hbm>>
    tpu.enqueue_indirect_dma source(%dma_start3A_128 : memref<1500x128xf32, #tpu.memory_space<hbm>>) target(%arg12 : memref<128x128xf32, #tpu.memory_space<vmem>>) offsets(%dma_start3A_125 : memref<128xi32, #tpu.memory_space<vmem>>) semaphore(%arg16 : memref<!tpu.dma_semaphore, #tpu.memory_space<semaphore_mem>>)
    %mul3A_129 = arith.constant 11 : i32
    %mul3A_130 = arith.muli %add3A, %mul3A_129 : i32
    %add3A_131 = arith.constant 3 : i32
    %add3A_132 = arith.addi %mul3A_130, %add3A_131 : i32
    %mul3A_133 = arith.constant 128 : i32
    %mul3A_134 = arith.muli %add3A_132, %mul3A_133 : i32
    %dma_wait3A_135 = arith.constant 3 : i32
    %dma_wait3A_136 = arith.constant 0 : i32
    %dma_wait3A_137 = tpu.memref_slice %arg8[%dma_wait3A_135, %dma_wait3A_136] : memref<11x128xi32, #tpu.memory_space<vmem>> -> memref<1x128xi32, #tpu.memory_space<vmem>>
    %dma_wait3A_138 = tpu.memref_squeeze %dma_wait3A_137 : memref<1x128xi32, #tpu.memory_space<vmem>> -> memref<128xi32, #tpu.memory_space<vmem>>
    %dma_wait3A_139 = arith.constant 0 : i32
    %dma_wait3A_140 = arith.constant 0 : i32
    %dma_wait3A_141 = tpu.memref_slice %arg2[%dma_wait3A_139, %dma_wait3A_140] : memref<1500x128xf32, #tpu.memory_space<hbm>> -> memref<1500x128xf32, #tpu.memory_space<hbm>>
    tpu.wait_indirect_dma semaphore(%arg15 : memref<!tpu.dma_semaphore, #tpu.memory_space<semaphore_mem>>) src(%dma_wait3A_141 : memref<1500x128xf32, #tpu.memory_space<hbm>>) dst(%arg11 : memref<128x128xf32, #tpu.memory_space<vmem>>)
    "tpu.region"() ({
      %run_scoped3A = tpu.sem_alloc : memref<!tpu.dma_semaphore, #tpu.memory_space<semaphore_mem>>
      %dma_start3A_374 = arith.constant 0 : i32
      %dma_start3A_375 = tpu.memref_slice %arg6[%mul3A_134, %dma_start3A_374] : memref<45056x128xf32, #tpu.memory_space<hbm>> -> memref<128x128xf32, #tpu.memory_space<hbm>>
      %dma_start3A_376 = arith.constant 0 : i32
      %dma_start3A_377 = tpu.memref_slice %arg6[%mul3A_134, %dma_start3A_376] : memref<45056x128xf32, #tpu.memory_space<hbm>> -> memref<128x128xf32, #tpu.memory_space<hbm>>
      tpu.enqueue_dma source(%arg11 : memref<128x128xf32, #tpu.memory_space<vmem>>) target(%dma_start3A_377 : memref<128x128xf32, #tpu.memory_space<hbm>>) target_semaphore(%run_scoped3A : memref<!tpu.dma_semaphore, #tpu.memory_space<semaphore_mem>>)
      %dma_wait3A_378 = arith.constant 0 : i32
      %dma_wait3A_379 = tpu.memref_slice %arg6[%mul3A_134, %dma_wait3A_378] : memref<45056x128xf32, #tpu.memory_space<hbm>> -> memref<128x128xf32, #tpu.memory_space<hbm>>
      %dma_wait3A_380 = arith.constant 0 : i32
      %dma_wait3A_381 = tpu.memref_slice %arg6[%mul3A_134, %dma_wait3A_380] : memref<45056x128xf32, #tpu.memory_space<hbm>> -> memref<128x128xf32, #tpu.memory_space<hbm>>
      tpu.wait_dma2 semaphore(%run_scoped3A : memref<!tpu.dma_semaphore, #tpu.memory_space<semaphore_mem>>) src(%arg11 : memref<128x128xf32, #tpu.memory_space<vmem>>) dst(%dma_wait3A_381 : memref<128x128xf32, #tpu.memory_space<hbm>>)
      tpu.yield
    }) : () -> ()
    %dma_wait3A_142 = arith.constant 3 : i32
    %dma_wait3A_143 = arith.constant 0 : i32
    %dma_wait3A_144 = tpu.memref_slice %arg9[%dma_wait3A_142, %dma_wait3A_143] : memref<11x128xi32, #tpu.memory_space<vmem>> -> memref<1x128xi32, #tpu.memory_space<vmem>>
    %dma_wait3A_145 = tpu.memref_squeeze %dma_wait3A_144 : memref<1x128xi32, #tpu.memory_space<vmem>> -> memref<128xi32, #tpu.memory_space<vmem>>
    %dma_wait3A_146 = arith.constant 0 : i32
    %dma_wait3A_147 = arith.constant 0 : i32
    %dma_wait3A_148 = tpu.memref_slice %arg3[%dma_wait3A_146, %dma_wait3A_147] : memref<1500x128xf32, #tpu.memory_space<hbm>> -> memref<1500x128xf32, #tpu.memory_space<hbm>>
    tpu.wait_indirect_dma semaphore(%arg17 : memref<!tpu.dma_semaphore, #tpu.memory_space<semaphore_mem>>) src(%dma_wait3A_148 : memref<1500x128xf32, #tpu.memory_space<hbm>>) dst(%arg13 : memref<128x128xf32, #tpu.memory_space<vmem>>)
    "tpu.region"() ({
      %run_scoped3A = tpu.sem_alloc : memref<!tpu.dma_semaphore, #tpu.memory_space<semaphore_mem>>
      %dma_start3A_374 = arith.constant 0 : i32
      %dma_start3A_375 = tpu.memref_slice %arg7[%mul3A_134, %dma_start3A_374] : memref<45056x128xf32, #tpu.memory_space<hbm>> -> memref<128x128xf32, #tpu.memory_space<hbm>>
      %dma_start3A_376 = arith.constant 0 : i32
      %dma_start3A_377 = tpu.memref_slice %arg7[%mul3A_134, %dma_start3A_376] : memref<45056x128xf32, #tpu.memory_space<hbm>> -> memref<128x128xf32, #tpu.memory_space<hbm>>
      tpu.enqueue_dma source(%arg13 : memref<128x128xf32, #tpu.memory_space<vmem>>) target(%dma_start3A_377 : memref<128x128xf32, #tpu.memory_space<hbm>>) target_semaphore(%run_scoped3A : memref<!tpu.dma_semaphore, #tpu.memory_space<semaphore_mem>>)
      %dma_wait3A_378 = arith.constant 0 : i32
      %dma_wait3A_379 = tpu.memref_slice %arg7[%mul3A_134, %dma_wait3A_378] : memref<45056x128xf32, #tpu.memory_space<hbm>> -> memref<128x128xf32, #tpu.memory_space<hbm>>
      %dma_wait3A_380 = arith.constant 0 : i32
      %dma_wait3A_381 = tpu.memref_slice %arg7[%mul3A_134, %dma_wait3A_380] : memref<45056x128xf32, #tpu.memory_space<hbm>> -> memref<128x128xf32, #tpu.memory_space<hbm>>
      tpu.wait_dma2 semaphore(%run_scoped3A : memref<!tpu.dma_semaphore, #tpu.memory_space<semaphore_mem>>) src(%arg13 : memref<128x128xf32, #tpu.memory_space<vmem>>) dst(%dma_wait3A_381 : memref<128x128xf32, #tpu.memory_space<hbm>>)
      tpu.yield
    }) : () -> ()
    %dma_start3A_149 = arith.constant 5 : i32
    %dma_start3A_150 = arith.constant 0 : i32
    %dma_start3A_151 = tpu.memref_slice %arg8[%dma_start3A_149, %dma_start3A_150] : memref<11x128xi32, #tpu.memory_space<vmem>> -> memref<1x128xi32, #tpu.memory_space<vmem>>
    %dma_start3A_152 = tpu.memref_squeeze %dma_start3A_151 : memref<1x128xi32, #tpu.memory_space<vmem>> -> memref<128xi32, #tpu.memory_space<vmem>>
    %dma_start3A_153 = arith.constant 0 : i32
    %dma_start3A_154 = arith.constant 0 : i32
    %dma_start3A_155 = tpu.memref_slice %arg2[%dma_start3A_153, %dma_start3A_154] : memref<1500x128xf32, #tpu.memory_space<hbm>> -> memref<1500x128xf32, #tpu.memory_space<hbm>>
    tpu.enqueue_indirect_dma source(%dma_start3A_155 : memref<1500x128xf32, #tpu.memory_space<hbm>>) target(%arg11 : memref<128x128xf32, #tpu.memory_space<vmem>>) offsets(%dma_start3A_152 : memref<128xi32, #tpu.memory_space<vmem>>) semaphore(%arg15 : memref<!tpu.dma_semaphore, #tpu.memory_space<semaphore_mem>>)
    %dma_start3A_156 = arith.constant 5 : i32
    %dma_start3A_157 = arith.constant 0 : i32
    %dma_start3A_158 = tpu.memref_slice %arg9[%dma_start3A_156, %dma_start3A_157] : memref<11x128xi32, #tpu.memory_space<vmem>> -> memref<1x128xi32, #tpu.memory_space<vmem>>
    %dma_start3A_159 = tpu.memref_squeeze %dma_start3A_158 : memref<1x128xi32, #tpu.memory_space<vmem>> -> memref<128xi32, #tpu.memory_space<vmem>>
    %dma_start3A_160 = arith.constant 0 : i32
    %dma_start3A_161 = arith.constant 0 : i32
    %dma_start3A_162 = tpu.memref_slice %arg3[%dma_start3A_160, %dma_start3A_161] : memref<1500x128xf32, #tpu.memory_space<hbm>> -> memref<1500x128xf32, #tpu.memory_space<hbm>>
    tpu.enqueue_indirect_dma source(%dma_start3A_162 : memref<1500x128xf32, #tpu.memory_space<hbm>>) target(%arg13 : memref<128x128xf32, #tpu.memory_space<vmem>>) offsets(%dma_start3A_159 : memref<128xi32, #tpu.memory_space<vmem>>) semaphore(%arg17 : memref<!tpu.dma_semaphore, #tpu.memory_space<semaphore_mem>>)
    %mul3A_163 = arith.constant 11 : i32
    %mul3A_164 = arith.muli %add3A, %mul3A_163 : i32
    %add3A_165 = arith.constant 4 : i32
    %add3A_166 = arith.addi %mul3A_164, %add3A_165 : i32
    %mul3A_167 = arith.constant 128 : i32
    %mul3A_168 = arith.muli %add3A_166, %mul3A_167 : i32
    %dma_wait3A_169 = arith.constant 4 : i32
    %dma_wait3A_170 = arith.constant 0 : i32
    %dma_wait3A_171 = tpu.memref_slice %arg8[%dma_wait3A_169, %dma_wait3A_170] : memref<11x128xi32, #tpu.memory_space<vmem>> -> memref<1x128xi32, #tpu.memory_space<vmem>>
    %dma_wait3A_172 = tpu.memref_squeeze %dma_wait3A_171 : memref<1x128xi32, #tpu.memory_space<vmem>> -> memref<128xi32, #tpu.memory_space<vmem>>
    %dma_wait3A_173 = arith.constant 0 : i32
    %dma_wait3A_174 = arith.constant 0 : i32
    %dma_wait3A_175 = tpu.memref_slice %arg2[%dma_wait3A_173, %dma_wait3A_174] : memref<1500x128xf32, #tpu.memory_space<hbm>> -> memref<1500x128xf32, #tpu.memory_space<hbm>>
    tpu.wait_indirect_dma semaphore(%arg14 : memref<!tpu.dma_semaphore, #tpu.memory_space<semaphore_mem>>) src(%dma_wait3A_175 : memref<1500x128xf32, #tpu.memory_space<hbm>>) dst(%arg10 : memref<128x128xf32, #tpu.memory_space<vmem>>)
    "tpu.region"() ({
      %run_scoped3A = tpu.sem_alloc : memref<!tpu.dma_semaphore, #tpu.memory_space<semaphore_mem>>
      %dma_start3A_374 = arith.constant 0 : i32
      %dma_start3A_375 = tpu.memref_slice %arg6[%mul3A_168, %dma_start3A_374] : memref<45056x128xf32, #tpu.memory_space<hbm>> -> memref<128x128xf32, #tpu.memory_space<hbm>>
      %dma_start3A_376 = arith.constant 0 : i32
      %dma_start3A_377 = tpu.memref_slice %arg6[%mul3A_168, %dma_start3A_376] : memref<45056x128xf32, #tpu.memory_space<hbm>> -> memref<128x128xf32, #tpu.memory_space<hbm>>
      tpu.enqueue_dma source(%arg10 : memref<128x128xf32, #tpu.memory_space<vmem>>) target(%dma_start3A_377 : memref<128x128xf32, #tpu.memory_space<hbm>>) target_semaphore(%run_scoped3A : memref<!tpu.dma_semaphore, #tpu.memory_space<semaphore_mem>>)
      %dma_wait3A_378 = arith.constant 0 : i32
      %dma_wait3A_379 = tpu.memref_slice %arg6[%mul3A_168, %dma_wait3A_378] : memref<45056x128xf32, #tpu.memory_space<hbm>> -> memref<128x128xf32, #tpu.memory_space<hbm>>
      %dma_wait3A_380 = arith.constant 0 : i32
      %dma_wait3A_381 = tpu.memref_slice %arg6[%mul3A_168, %dma_wait3A_380] : memref<45056x128xf32, #tpu.memory_space<hbm>> -> memref<128x128xf32, #tpu.memory_space<hbm>>
      tpu.wait_dma2 semaphore(%run_scoped3A : memref<!tpu.dma_semaphore, #tpu.memory_space<semaphore_mem>>) src(%arg10 : memref<128x128xf32, #tpu.memory_space<vmem>>) dst(%dma_wait3A_381 : memref<128x128xf32, #tpu.memory_space<hbm>>)
      tpu.yield
    }) : () -> ()
    %dma_wait3A_176 = arith.constant 4 : i32
    %dma_wait3A_177 = arith.constant 0 : i32
    %dma_wait3A_178 = tpu.memref_slice %arg9[%dma_wait3A_176, %dma_wait3A_177] : memref<11x128xi32, #tpu.memory_space<vmem>> -> memref<1x128xi32, #tpu.memory_space<vmem>>
    %dma_wait3A_179 = tpu.memref_squeeze %dma_wait3A_178 : memref<1x128xi32, #tpu.memory_space<vmem>> -> memref<128xi32, #tpu.memory_space<vmem>>
    %dma_wait3A_180 = arith.constant 0 : i32
    %dma_wait3A_181 = arith.constant 0 : i32
    %dma_wait3A_182 = tpu.memref_slice %arg3[%dma_wait3A_180, %dma_wait3A_181] : memref<1500x128xf32, #tpu.memory_space<hbm>> -> memref<1500x128xf32, #tpu.memory_space<hbm>>
    tpu.wait_indirect_dma semaphore(%arg16 : memref<!tpu.dma_semaphore, #tpu.memory_space<semaphore_mem>>) src(%dma_wait3A_182 : memref<1500x128xf32, #tpu.memory_space<hbm>>) dst(%arg12 : memref<128x128xf32, #tpu.memory_space<vmem>>)
    "tpu.region"() ({
      %run_scoped3A = tpu.sem_alloc : memref<!tpu.dma_semaphore, #tpu.memory_space<semaphore_mem>>
      %dma_start3A_374 = arith.constant 0 : i32
      %dma_start3A_375 = tpu.memref_slice %arg7[%mul3A_168, %dma_start3A_374] : memref<45056x128xf32, #tpu.memory_space<hbm>> -> memref<128x128xf32, #tpu.memory_space<hbm>>
      %dma_start3A_376 = arith.constant 0 : i32
      %dma_start3A_377 = tpu.memref_slice %arg7[%mul3A_168, %dma_start3A_376] : memref<45056x128xf32, #tpu.memory_space<hbm>> -> memref<128x128xf32, #tpu.memory_space<hbm>>
      tpu.enqueue_dma source(%arg12 : memref<128x128xf32, #tpu.memory_space<vmem>>) target(%dma_start3A_377 : memref<128x128xf32, #tpu.memory_space<hbm>>) target_semaphore(%run_scoped3A : memref<!tpu.dma_semaphore, #tpu.memory_space<semaphore_mem>>)
      %dma_wait3A_378 = arith.constant 0 : i32
      %dma_wait3A_379 = tpu.memref_slice %arg7[%mul3A_168, %dma_wait3A_378] : memref<45056x128xf32, #tpu.memory_space<hbm>> -> memref<128x128xf32, #tpu.memory_space<hbm>>
      %dma_wait3A_380 = arith.constant 0 : i32
      %dma_wait3A_381 = tpu.memref_slice %arg7[%mul3A_168, %dma_wait3A_380] : memref<45056x128xf32, #tpu.memory_space<hbm>> -> memref<128x128xf32, #tpu.memory_space<hbm>>
      tpu.wait_dma2 semaphore(%run_scoped3A : memref<!tpu.dma_semaphore, #tpu.memory_space<semaphore_mem>>) src(%arg12 : memref<128x128xf32, #tpu.memory_space<vmem>>) dst(%dma_wait3A_381 : memref<128x128xf32, #tpu.memory_space<hbm>>)
      tpu.yield
    }) : () -> ()
    %dma_start3A_183 = arith.constant 6 : i32
    %dma_start3A_184 = arith.constant 0 : i32
    %dma_start3A_185 = tpu.memref_slice %arg8[%dma_start3A_183, %dma_start3A_184] : memref<11x128xi32, #tpu.memory_space<vmem>> -> memref<1x128xi32, #tpu.memory_space<vmem>>
    %dma_start3A_186 = tpu.memref_squeeze %dma_start3A_185 : memref<1x128xi32, #tpu.memory_space<vmem>> -> memref<128xi32, #tpu.memory_space<vmem>>
    %dma_start3A_187 = arith.constant 0 : i32
    %dma_start3A_188 = arith.constant 0 : i32
    %dma_start3A_189 = tpu.memref_slice %arg2[%dma_start3A_187, %dma_start3A_188] : memref<1500x128xf32, #tpu.memory_space<hbm>> -> memref<1500x128xf32, #tpu.memory_space<hbm>>
    tpu.enqueue_indirect_dma source(%dma_start3A_189 : memref<1500x128xf32, #tpu.memory_space<hbm>>) target(%arg10 : memref<128x128xf32, #tpu.memory_space<vmem>>) offsets(%dma_start3A_186 : memref<128xi32, #tpu.memory_space<vmem>>) semaphore(%arg14 : memref<!tpu.dma_semaphore, #tpu.memory_space<semaphore_mem>>)
    %dma_start3A_190 = arith.constant 6 : i32
    %dma_start3A_191 = arith.constant 0 : i32
    %dma_start3A_192 = tpu.memref_slice %arg9[%dma_start3A_190, %dma_start3A_191] : memref<11x128xi32, #tpu.memory_space<vmem>> -> memref<1x128xi32, #tpu.memory_space<vmem>>
    %dma_start3A_193 = tpu.memref_squeeze %dma_start3A_192 : memref<1x128xi32, #tpu.memory_space<vmem>> -> memref<128xi32, #tpu.memory_space<vmem>>
    %dma_start3A_194 = arith.constant 0 : i32
    %dma_start3A_195 = arith.constant 0 : i32
    %dma_start3A_196 = tpu.memref_slice %arg3[%dma_start3A_194, %dma_start3A_195] : memref<1500x128xf32, #tpu.memory_space<hbm>> -> memref<1500x128xf32, #tpu.memory_space<hbm>>
    tpu.enqueue_indirect_dma source(%dma_start3A_196 : memref<1500x128xf32, #tpu.memory_space<hbm>>) target(%arg12 : memref<128x128xf32, #tpu.memory_space<vmem>>) offsets(%dma_start3A_193 : memref<128xi32, #tpu.memory_space<vmem>>) semaphore(%arg16 : memref<!tpu.dma_semaphore, #tpu.memory_space<semaphore_mem>>)
    %mul3A_197 = arith.constant 11 : i32
    %mul3A_198 = arith.muli %add3A, %mul3A_197 : i32
    %add3A_199 = arith.constant 5 : i32
    %add3A_200 = arith.addi %mul3A_198, %add3A_199 : i32
    %mul3A_201 = arith.constant 128 : i32
    %mul3A_202 = arith.muli %add3A_200, %mul3A_201 : i32
    %dma_wait3A_203 = arith.constant 5 : i32
    %dma_wait3A_204 = arith.constant 0 : i32
    %dma_wait3A_205 = tpu.memref_slice %arg8[%dma_wait3A_203, %dma_wait3A_204] : memref<11x128xi32, #tpu.memory_space<vmem>> -> memref<1x128xi32, #tpu.memory_space<vmem>>
    %dma_wait3A_206 = tpu.memref_squeeze %dma_wait3A_205 : memref<1x128xi32, #tpu.memory_space<vmem>> -> memref<128xi32, #tpu.memory_space<vmem>>
    %dma_wait3A_207 = arith.constant 0 : i32
    %dma_wait3A_208 = arith.constant 0 : i32
    %dma_wait3A_209 = tpu.memref_slice %arg2[%dma_wait3A_207, %dma_wait3A_208] : memref<1500x128xf32, #tpu.memory_space<hbm>> -> memref<1500x128xf32, #tpu.memory_space<hbm>>
    tpu.wait_indirect_dma semaphore(%arg15 : memref<!tpu.dma_semaphore, #tpu.memory_space<semaphore_mem>>) src(%dma_wait3A_209 : memref<1500x128xf32, #tpu.memory_space<hbm>>) dst(%arg11 : memref<128x128xf32, #tpu.memory_space<vmem>>)
    "tpu.region"() ({
      %run_scoped3A = tpu.sem_alloc : memref<!tpu.dma_semaphore, #tpu.memory_space<semaphore_mem>>
      %dma_start3A_374 = arith.constant 0 : i32
      %dma_start3A_375 = tpu.memref_slice %arg6[%mul3A_202, %dma_start3A_374] : memref<45056x128xf32, #tpu.memory_space<hbm>> -> memref<128x128xf32, #tpu.memory_space<hbm>>
      %dma_start3A_376 = arith.constant 0 : i32
      %dma_start3A_377 = tpu.memref_slice %arg6[%mul3A_202, %dma_start3A_376] : memref<45056x128xf32, #tpu.memory_space<hbm>> -> memref<128x128xf32, #tpu.memory_space<hbm>>
      tpu.enqueue_dma source(%arg11 : memref<128x128xf32, #tpu.memory_space<vmem>>) target(%dma_start3A_377 : memref<128x128xf32, #tpu.memory_space<hbm>>) target_semaphore(%run_scoped3A : memref<!tpu.dma_semaphore, #tpu.memory_space<semaphore_mem>>)
      %dma_wait3A_378 = arith.constant 0 : i32
      %dma_wait3A_379 = tpu.memref_slice %arg6[%mul3A_202, %dma_wait3A_378] : memref<45056x128xf32, #tpu.memory_space<hbm>> -> memref<128x128xf32, #tpu.memory_space<hbm>>
      %dma_wait3A_380 = arith.constant 0 : i32
      %dma_wait3A_381 = tpu.memref_slice %arg6[%mul3A_202, %dma_wait3A_380] : memref<45056x128xf32, #tpu.memory_space<hbm>> -> memref<128x128xf32, #tpu.memory_space<hbm>>
      tpu.wait_dma2 semaphore(%run_scoped3A : memref<!tpu.dma_semaphore, #tpu.memory_space<semaphore_mem>>) src(%arg11 : memref<128x128xf32, #tpu.memory_space<vmem>>) dst(%dma_wait3A_381 : memref<128x128xf32, #tpu.memory_space<hbm>>)
      tpu.yield
    }) : () -> ()
    %dma_wait3A_210 = arith.constant 5 : i32
    %dma_wait3A_211 = arith.constant 0 : i32
    %dma_wait3A_212 = tpu.memref_slice %arg9[%dma_wait3A_210, %dma_wait3A_211] : memref<11x128xi32, #tpu.memory_space<vmem>> -> memref<1x128xi32, #tpu.memory_space<vmem>>
    %dma_wait3A_213 = tpu.memref_squeeze %dma_wait3A_212 : memref<1x128xi32, #tpu.memory_space<vmem>> -> memref<128xi32, #tpu.memory_space<vmem>>
    %dma_wait3A_214 = arith.constant 0 : i32
    %dma_wait3A_215 = arith.constant 0 : i32
    %dma_wait3A_216 = tpu.memref_slice %arg3[%dma_wait3A_214, %dma_wait3A_215] : memref<1500x128xf32, #tpu.memory_space<hbm>> -> memref<1500x128xf32, #tpu.memory_space<hbm>>
    tpu.wait_indirect_dma semaphore(%arg17 : memref<!tpu.dma_semaphore, #tpu.memory_space<semaphore_mem>>) src(%dma_wait3A_216 : memref<1500x128xf32, #tpu.memory_space<hbm>>) dst(%arg13 : memref<128x128xf32, #tpu.memory_space<vmem>>)
    "tpu.region"() ({
      %run_scoped3A = tpu.sem_alloc : memref<!tpu.dma_semaphore, #tpu.memory_space<semaphore_mem>>
      %dma_start3A_374 = arith.constant 0 : i32
      %dma_start3A_375 = tpu.memref_slice %arg7[%mul3A_202, %dma_start3A_374] : memref<45056x128xf32, #tpu.memory_space<hbm>> -> memref<128x128xf32, #tpu.memory_space<hbm>>
      %dma_start3A_376 = arith.constant 0 : i32
      %dma_start3A_377 = tpu.memref_slice %arg7[%mul3A_202, %dma_start3A_376] : memref<45056x128xf32, #tpu.memory_space<hbm>> -> memref<128x128xf32, #tpu.memory_space<hbm>>
      tpu.enqueue_dma source(%arg13 : memref<128x128xf32, #tpu.memory_space<vmem>>) target(%dma_start3A_377 : memref<128x128xf32, #tpu.memory_space<hbm>>) target_semaphore(%run_scoped3A : memref<!tpu.dma_semaphore, #tpu.memory_space<semaphore_mem>>)
      %dma_wait3A_378 = arith.constant 0 : i32
      %dma_wait3A_379 = tpu.memref_slice %arg7[%mul3A_202, %dma_wait3A_378] : memref<45056x128xf32, #tpu.memory_space<hbm>> -> memref<128x128xf32, #tpu.memory_space<hbm>>
      %dma_wait3A_380 = arith.constant 0 : i32
      %dma_wait3A_381 = tpu.memref_slice %arg7[%mul3A_202, %dma_wait3A_380] : memref<45056x128xf32, #tpu.memory_space<hbm>> -> memref<128x128xf32, #tpu.memory_space<hbm>>
      tpu.wait_dma2 semaphore(%run_scoped3A : memref<!tpu.dma_semaphore, #tpu.memory_space<semaphore_mem>>) src(%arg13 : memref<128x128xf32, #tpu.memory_space<vmem>>) dst(%dma_wait3A_381 : memref<128x128xf32, #tpu.memory_space<hbm>>)
      tpu.yield
    }) : () -> ()
    %dma_start3A_217 = arith.constant 7 : i32
    %dma_start3A_218 = arith.constant 0 : i32
    %dma_start3A_219 = tpu.memref_slice %arg8[%dma_start3A_217, %dma_start3A_218] : memref<11x128xi32, #tpu.memory_space<vmem>> -> memref<1x128xi32, #tpu.memory_space<vmem>>
    %dma_start3A_220 = tpu.memref_squeeze %dma_start3A_219 : memref<1x128xi32, #tpu.memory_space<vmem>> -> memref<128xi32, #tpu.memory_space<vmem>>
    %dma_start3A_221 = arith.constant 0 : i32
    %dma_start3A_222 = arith.constant 0 : i32
    %dma_start3A_223 = tpu.memref_slice %arg2[%dma_start3A_221, %dma_start3A_222] : memref<1500x128xf32, #tpu.memory_space<hbm>> -> memref<1500x128xf32, #tpu.memory_space<hbm>>
    tpu.enqueue_indirect_dma source(%dma_start3A_223 : memref<1500x128xf32, #tpu.memory_space<hbm>>) target(%arg11 : memref<128x128xf32, #tpu.memory_space<vmem>>) offsets(%dma_start3A_220 : memref<128xi32, #tpu.memory_space<vmem>>) semaphore(%arg15 : memref<!tpu.dma_semaphore, #tpu.memory_space<semaphore_mem>>)
    %dma_start3A_224 = arith.constant 7 : i32
    %dma_start3A_225 = arith.constant 0 : i32
    %dma_start3A_226 = tpu.memref_slice %arg9[%dma_start3A_224, %dma_start3A_225] : memref<11x128xi32, #tpu.memory_space<vmem>> -> memref<1x128xi32, #tpu.memory_space<vmem>>
    %dma_start3A_227 = tpu.memref_squeeze %dma_start3A_226 : memref<1x128xi32, #tpu.memory_space<vmem>> -> memref<128xi32, #tpu.memory_space<vmem>>
    %dma_start3A_228 = arith.constant 0 : i32
    %dma_start3A_229 = arith.constant 0 : i32
    %dma_start3A_230 = tpu.memref_slice %arg3[%dma_start3A_228, %dma_start3A_229] : memref<1500x128xf32, #tpu.memory_space<hbm>> -> memref<1500x128xf32, #tpu.memory_space<hbm>>
    tpu.enqueue_indirect_dma source(%dma_start3A_230 : memref<1500x128xf32, #tpu.memory_space<hbm>>) target(%arg13 : memref<128x128xf32, #tpu.memory_space<vmem>>) offsets(%dma_start3A_227 : memref<128xi32, #tpu.memory_space<vmem>>) semaphore(%arg17 : memref<!tpu.dma_semaphore, #tpu.memory_space<semaphore_mem>>)
    %mul3A_231 = arith.constant 11 : i32
    %mul3A_232 = arith.muli %add3A, %mul3A_231 : i32
    %add3A_233 = arith.constant 6 : i32
    %add3A_234 = arith.addi %mul3A_232, %add3A_233 : i32
    %mul3A_235 = arith.constant 128 : i32
    %mul3A_236 = arith.muli %add3A_234, %mul3A_235 : i32
    %dma_wait3A_237 = arith.constant 6 : i32
    %dma_wait3A_238 = arith.constant 0 : i32
    %dma_wait3A_239 = tpu.memref_slice %arg8[%dma_wait3A_237, %dma_wait3A_238] : memref<11x128xi32, #tpu.memory_space<vmem>> -> memref<1x128xi32, #tpu.memory_space<vmem>>
    %dma_wait3A_240 = tpu.memref_squeeze %dma_wait3A_239 : memref<1x128xi32, #tpu.memory_space<vmem>> -> memref<128xi32, #tpu.memory_space<vmem>>
    %dma_wait3A_241 = arith.constant 0 : i32
    %dma_wait3A_242 = arith.constant 0 : i32
    %dma_wait3A_243 = tpu.memref_slice %arg2[%dma_wait3A_241, %dma_wait3A_242] : memref<1500x128xf32, #tpu.memory_space<hbm>> -> memref<1500x128xf32, #tpu.memory_space<hbm>>
    tpu.wait_indirect_dma semaphore(%arg14 : memref<!tpu.dma_semaphore, #tpu.memory_space<semaphore_mem>>) src(%dma_wait3A_243 : memref<1500x128xf32, #tpu.memory_space<hbm>>) dst(%arg10 : memref<128x128xf32, #tpu.memory_space<vmem>>)
    "tpu.region"() ({
      %run_scoped3A = tpu.sem_alloc : memref<!tpu.dma_semaphore, #tpu.memory_space<semaphore_mem>>
      %dma_start3A_374 = arith.constant 0 : i32
      %dma_start3A_375 = tpu.memref_slice %arg6[%mul3A_236, %dma_start3A_374] : memref<45056x128xf32, #tpu.memory_space<hbm>> -> memref<128x128xf32, #tpu.memory_space<hbm>>
      %dma_start3A_376 = arith.constant 0 : i32
      %dma_start3A_377 = tpu.memref_slice %arg6[%mul3A_236, %dma_start3A_376] : memref<45056x128xf32, #tpu.memory_space<hbm>> -> memref<128x128xf32, #tpu.memory_space<hbm>>
      tpu.enqueue_dma source(%arg10 : memref<128x128xf32, #tpu.memory_space<vmem>>) target(%dma_start3A_377 : memref<128x128xf32, #tpu.memory_space<hbm>>) target_semaphore(%run_scoped3A : memref<!tpu.dma_semaphore, #tpu.memory_space<semaphore_mem>>)
      %dma_wait3A_378 = arith.constant 0 : i32
      %dma_wait3A_379 = tpu.memref_slice %arg6[%mul3A_236, %dma_wait3A_378] : memref<45056x128xf32, #tpu.memory_space<hbm>> -> memref<128x128xf32, #tpu.memory_space<hbm>>
      %dma_wait3A_380 = arith.constant 0 : i32
      %dma_wait3A_381 = tpu.memref_slice %arg6[%mul3A_236, %dma_wait3A_380] : memref<45056x128xf32, #tpu.memory_space<hbm>> -> memref<128x128xf32, #tpu.memory_space<hbm>>
      tpu.wait_dma2 semaphore(%run_scoped3A : memref<!tpu.dma_semaphore, #tpu.memory_space<semaphore_mem>>) src(%arg10 : memref<128x128xf32, #tpu.memory_space<vmem>>) dst(%dma_wait3A_381 : memref<128x128xf32, #tpu.memory_space<hbm>>)
      tpu.yield
    }) : () -> ()
    %dma_wait3A_244 = arith.constant 6 : i32
    %dma_wait3A_245 = arith.constant 0 : i32
    %dma_wait3A_246 = tpu.memref_slice %arg9[%dma_wait3A_244, %dma_wait3A_245] : memref<11x128xi32, #tpu.memory_space<vmem>> -> memref<1x128xi32, #tpu.memory_space<vmem>>
    %dma_wait3A_247 = tpu.memref_squeeze %dma_wait3A_246 : memref<1x128xi32, #tpu.memory_space<vmem>> -> memref<128xi32, #tpu.memory_space<vmem>>
    %dma_wait3A_248 = arith.constant 0 : i32
    %dma_wait3A_249 = arith.constant 0 : i32
    %dma_wait3A_250 = tpu.memref_slice %arg3[%dma_wait3A_248, %dma_wait3A_249] : memref<1500x128xf32, #tpu.memory_space<hbm>> -> memref<1500x128xf32, #tpu.memory_space<hbm>>
    tpu.wait_indirect_dma semaphore(%arg16 : memref<!tpu.dma_semaphore, #tpu.memory_space<semaphore_mem>>) src(%dma_wait3A_250 : memref<1500x128xf32, #tpu.memory_space<hbm>>) dst(%arg12 : memref<128x128xf32, #tpu.memory_space<vmem>>)
    "tpu.region"() ({
      %run_scoped3A = tpu.sem_alloc : memref<!tpu.dma_semaphore, #tpu.memory_space<semaphore_mem>>
      %dma_start3A_374 = arith.constant 0 : i32
      %dma_start3A_375 = tpu.memref_slice %arg7[%mul3A_236, %dma_start3A_374] : memref<45056x128xf32, #tpu.memory_space<hbm>> -> memref<128x128xf32, #tpu.memory_space<hbm>>
      %dma_start3A_376 = arith.constant 0 : i32
      %dma_start3A_377 = tpu.memref_slice %arg7[%mul3A_236, %dma_start3A_376] : memref<45056x128xf32, #tpu.memory_space<hbm>> -> memref<128x128xf32, #tpu.memory_space<hbm>>
      tpu.enqueue_dma source(%arg12 : memref<128x128xf32, #tpu.memory_space<vmem>>) target(%dma_start3A_377 : memref<128x128xf32, #tpu.memory_space<hbm>>) target_semaphore(%run_scoped3A : memref<!tpu.dma_semaphore, #tpu.memory_space<semaphore_mem>>)
      %dma_wait3A_378 = arith.constant 0 : i32
      %dma_wait3A_379 = tpu.memref_slice %arg7[%mul3A_236, %dma_wait3A_378] : memref<45056x128xf32, #tpu.memory_space<hbm>> -> memref<128x128xf32, #tpu.memory_space<hbm>>
      %dma_wait3A_380 = arith.constant 0 : i32
      %dma_wait3A_381 = tpu.memref_slice %arg7[%mul3A_236, %dma_wait3A_380] : memref<45056x128xf32, #tpu.memory_space<hbm>> -> memref<128x128xf32, #tpu.memory_space<hbm>>
      tpu.wait_dma2 semaphore(%run_scoped3A : memref<!tpu.dma_semaphore, #tpu.memory_space<semaphore_mem>>) src(%arg12 : memref<128x128xf32, #tpu.memory_space<vmem>>) dst(%dma_wait3A_381 : memref<128x128xf32, #tpu.memory_space<hbm>>)
      tpu.yield
    }) : () -> ()
    %dma_start3A_251 = arith.constant 8 : i32
    %dma_start3A_252 = arith.constant 0 : i32
    %dma_start3A_253 = tpu.memref_slice %arg8[%dma_start3A_251, %dma_start3A_252] : memref<11x128xi32, #tpu.memory_space<vmem>> -> memref<1x128xi32, #tpu.memory_space<vmem>>
    %dma_start3A_254 = tpu.memref_squeeze %dma_start3A_253 : memref<1x128xi32, #tpu.memory_space<vmem>> -> memref<128xi32, #tpu.memory_space<vmem>>
    %dma_start3A_255 = arith.constant 0 : i32
    %dma_start3A_256 = arith.constant 0 : i32
    %dma_start3A_257 = tpu.memref_slice %arg2[%dma_start3A_255, %dma_start3A_256] : memref<1500x128xf32, #tpu.memory_space<hbm>> -> memref<1500x128xf32, #tpu.memory_space<hbm>>
    tpu.enqueue_indirect_dma source(%dma_start3A_257 : memref<1500x128xf32, #tpu.memory_space<hbm>>) target(%arg10 : memref<128x128xf32, #tpu.memory_space<vmem>>) offsets(%dma_start3A_254 : memref<128xi32, #tpu.memory_space<vmem>>) semaphore(%arg14 : memref<!tpu.dma_semaphore, #tpu.memory_space<semaphore_mem>>)
    %dma_start3A_258 = arith.constant 8 : i32
    %dma_start3A_259 = arith.constant 0 : i32
    %dma_start3A_260 = tpu.memref_slice %arg9[%dma_start3A_258, %dma_start3A_259] : memref<11x128xi32, #tpu.memory_space<vmem>> -> memref<1x128xi32, #tpu.memory_space<vmem>>
    %dma_start3A_261 = tpu.memref_squeeze %dma_start3A_260 : memref<1x128xi32, #tpu.memory_space<vmem>> -> memref<128xi32, #tpu.memory_space<vmem>>
    %dma_start3A_262 = arith.constant 0 : i32
    %dma_start3A_263 = arith.constant 0 : i32
    %dma_start3A_264 = tpu.memref_slice %arg3[%dma_start3A_262, %dma_start3A_263] : memref<1500x128xf32, #tpu.memory_space<hbm>> -> memref<1500x128xf32, #tpu.memory_space<hbm>>
    tpu.enqueue_indirect_dma source(%dma_start3A_264 : memref<1500x128xf32, #tpu.memory_space<hbm>>) target(%arg12 : memref<128x128xf32, #tpu.memory_space<vmem>>) offsets(%dma_start3A_261 : memref<128xi32, #tpu.memory_space<vmem>>) semaphore(%arg16 : memref<!tpu.dma_semaphore, #tpu.memory_space<semaphore_mem>>)
    %mul3A_265 = arith.constant 11 : i32
    %mul3A_266 = arith.muli %add3A, %mul3A_265 : i32
    %add3A_267 = arith.constant 7 : i32
    %add3A_268 = arith.addi %mul3A_266, %add3A_267 : i32
    %mul3A_269 = arith.constant 128 : i32
    %mul3A_270 = arith.muli %add3A_268, %mul3A_269 : i32
    %dma_wait3A_271 = arith.constant 7 : i32
    %dma_wait3A_272 = arith.constant 0 : i32
    %dma_wait3A_273 = tpu.memref_slice %arg8[%dma_wait3A_271, %dma_wait3A_272] : memref<11x128xi32, #tpu.memory_space<vmem>> -> memref<1x128xi32, #tpu.memory_space<vmem>>
    %dma_wait3A_274 = tpu.memref_squeeze %dma_wait3A_273 : memref<1x128xi32, #tpu.memory_space<vmem>> -> memref<128xi32, #tpu.memory_space<vmem>>
    %dma_wait3A_275 = arith.constant 0 : i32
    %dma_wait3A_276 = arith.constant 0 : i32
    %dma_wait3A_277 = tpu.memref_slice %arg2[%dma_wait3A_275, %dma_wait3A_276] : memref<1500x128xf32, #tpu.memory_space<hbm>> -> memref<1500x128xf32, #tpu.memory_space<hbm>>
    tpu.wait_indirect_dma semaphore(%arg15 : memref<!tpu.dma_semaphore, #tpu.memory_space<semaphore_mem>>) src(%dma_wait3A_277 : memref<1500x128xf32, #tpu.memory_space<hbm>>) dst(%arg11 : memref<128x128xf32, #tpu.memory_space<vmem>>)
    "tpu.region"() ({
      %run_scoped3A = tpu.sem_alloc : memref<!tpu.dma_semaphore, #tpu.memory_space<semaphore_mem>>
      %dma_start3A_374 = arith.constant 0 : i32
      %dma_start3A_375 = tpu.memref_slice %arg6[%mul3A_270, %dma_start3A_374] : memref<45056x128xf32, #tpu.memory_space<hbm>> -> memref<128x128xf32, #tpu.memory_space<hbm>>
      %dma_start3A_376 = arith.constant 0 : i32
      %dma_start3A_377 = tpu.memref_slice %arg6[%mul3A_270, %dma_start3A_376] : memref<45056x128xf32, #tpu.memory_space<hbm>> -> memref<128x128xf32, #tpu.memory_space<hbm>>
      tpu.enqueue_dma source(%arg11 : memref<128x128xf32, #tpu.memory_space<vmem>>) target(%dma_start3A_377 : memref<128x128xf32, #tpu.memory_space<hbm>>) target_semaphore(%run_scoped3A : memref<!tpu.dma_semaphore, #tpu.memory_space<semaphore_mem>>)
      %dma_wait3A_378 = arith.constant 0 : i32
      %dma_wait3A_379 = tpu.memref_slice %arg6[%mul3A_270, %dma_wait3A_378] : memref<45056x128xf32, #tpu.memory_space<hbm>> -> memref<128x128xf32, #tpu.memory_space<hbm>>
      %dma_wait3A_380 = arith.constant 0 : i32
      %dma_wait3A_381 = tpu.memref_slice %arg6[%mul3A_270, %dma_wait3A_380] : memref<45056x128xf32, #tpu.memory_space<hbm>> -> memref<128x128xf32, #tpu.memory_space<hbm>>
      tpu.wait_dma2 semaphore(%run_scoped3A : memref<!tpu.dma_semaphore, #tpu.memory_space<semaphore_mem>>) src(%arg11 : memref<128x128xf32, #tpu.memory_space<vmem>>) dst(%dma_wait3A_381 : memref<128x128xf32, #tpu.memory_space<hbm>>)
      tpu.yield
    }) : () -> ()
    %dma_wait3A_278 = arith.constant 7 : i32
    %dma_wait3A_279 = arith.constant 0 : i32
    %dma_wait3A_280 = tpu.memref_slice %arg9[%dma_wait3A_278, %dma_wait3A_279] : memref<11x128xi32, #tpu.memory_space<vmem>> -> memref<1x128xi32, #tpu.memory_space<vmem>>
    %dma_wait3A_281 = tpu.memref_squeeze %dma_wait3A_280 : memref<1x128xi32, #tpu.memory_space<vmem>> -> memref<128xi32, #tpu.memory_space<vmem>>
    %dma_wait3A_282 = arith.constant 0 : i32
    %dma_wait3A_283 = arith.constant 0 : i32
    %dma_wait3A_284 = tpu.memref_slice %arg3[%dma_wait3A_282, %dma_wait3A_283] : memref<1500x128xf32, #tpu.memory_space<hbm>> -> memref<1500x128xf32, #tpu.memory_space<hbm>>
    tpu.wait_indirect_dma semaphore(%arg17 : memref<!tpu.dma_semaphore, #tpu.memory_space<semaphore_mem>>) src(%dma_wait3A_284 : memref<1500x128xf32, #tpu.memory_space<hbm>>) dst(%arg13 : memref<128x128xf32, #tpu.memory_space<vmem>>)
    "tpu.region"() ({
      %run_scoped3A = tpu.sem_alloc : memref<!tpu.dma_semaphore, #tpu.memory_space<semaphore_mem>>
      %dma_start3A_374 = arith.constant 0 : i32
      %dma_start3A_375 = tpu.memref_slice %arg7[%mul3A_270, %dma_start3A_374] : memref<45056x128xf32, #tpu.memory_space<hbm>> -> memref<128x128xf32, #tpu.memory_space<hbm>>
      %dma_start3A_376 = arith.constant 0 : i32
      %dma_start3A_377 = tpu.memref_slice %arg7[%mul3A_270, %dma_start3A_376] : memref<45056x128xf32, #tpu.memory_space<hbm>> -> memref<128x128xf32, #tpu.memory_space<hbm>>
      tpu.enqueue_dma source(%arg13 : memref<128x128xf32, #tpu.memory_space<vmem>>) target(%dma_start3A_377 : memref<128x128xf32, #tpu.memory_space<hbm>>) target_semaphore(%run_scoped3A : memref<!tpu.dma_semaphore, #tpu.memory_space<semaphore_mem>>)
      %dma_wait3A_378 = arith.constant 0 : i32
      %dma_wait3A_379 = tpu.memref_slice %arg7[%mul3A_270, %dma_wait3A_378] : memref<45056x128xf32, #tpu.memory_space<hbm>> -> memref<128x128xf32, #tpu.memory_space<hbm>>
      %dma_wait3A_380 = arith.constant 0 : i32
      %dma_wait3A_381 = tpu.memref_slice %arg7[%mul3A_270, %dma_wait3A_380] : memref<45056x128xf32, #tpu.memory_space<hbm>> -> memref<128x128xf32, #tpu.memory_space<hbm>>
      tpu.wait_dma2 semaphore(%run_scoped3A : memref<!tpu.dma_semaphore, #tpu.memory_space<semaphore_mem>>) src(%arg13 : memref<128x128xf32, #tpu.memory_space<vmem>>) dst(%dma_wait3A_381 : memref<128x128xf32, #tpu.memory_space<hbm>>)
      tpu.yield
    }) : () -> ()
    %dma_start3A_285 = arith.constant 9 : i32
    %dma_start3A_286 = arith.constant 0 : i32
    %dma_start3A_287 = tpu.memref_slice %arg8[%dma_start3A_285, %dma_start3A_286] : memref<11x128xi32, #tpu.memory_space<vmem>> -> memref<1x128xi32, #tpu.memory_space<vmem>>
    %dma_start3A_288 = tpu.memref_squeeze %dma_start3A_287 : memref<1x128xi32, #tpu.memory_space<vmem>> -> memref<128xi32, #tpu.memory_space<vmem>>
    %dma_start3A_289 = arith.constant 0 : i32
    %dma_start3A_290 = arith.constant 0 : i32
    %dma_start3A_291 = tpu.memref_slice %arg2[%dma_start3A_289, %dma_start3A_290] : memref<1500x128xf32, #tpu.memory_space<hbm>> -> memref<1500x128xf32, #tpu.memory_space<hbm>>
    tpu.enqueue_indirect_dma source(%dma_start3A_291 : memref<1500x128xf32, #tpu.memory_space<hbm>>) target(%arg11 : memref<128x128xf32, #tpu.memory_space<vmem>>) offsets(%dma_start3A_288 : memref<128xi32, #tpu.memory_space<vmem>>) semaphore(%arg15 : memref<!tpu.dma_semaphore, #tpu.memory_space<semaphore_mem>>)
    %dma_start3A_292 = arith.constant 9 : i32
    %dma_start3A_293 = arith.constant 0 : i32
    %dma_start3A_294 = tpu.memref_slice %arg9[%dma_start3A_292, %dma_start3A_293] : memref<11x128xi32, #tpu.memory_space<vmem>> -> memref<1x128xi32, #tpu.memory_space<vmem>>
    %dma_start3A_295 = tpu.memref_squeeze %dma_start3A_294 : memref<1x128xi32, #tpu.memory_space<vmem>> -> memref<128xi32, #tpu.memory_space<vmem>>
    %dma_start3A_296 = arith.constant 0 : i32
    %dma_start3A_297 = arith.constant 0 : i32
    %dma_start3A_298 = tpu.memref_slice %arg3[%dma_start3A_296, %dma_start3A_297] : memref<1500x128xf32, #tpu.memory_space<hbm>> -> memref<1500x128xf32, #tpu.memory_space<hbm>>
    tpu.enqueue_indirect_dma source(%dma_start3A_298 : memref<1500x128xf32, #tpu.memory_space<hbm>>) target(%arg13 : memref<128x128xf32, #tpu.memory_space<vmem>>) offsets(%dma_start3A_295 : memref<128xi32, #tpu.memory_space<vmem>>) semaphore(%arg17 : memref<!tpu.dma_semaphore, #tpu.memory_space<semaphore_mem>>)
    %mul3A_299 = arith.constant 11 : i32
    %mul3A_300 = arith.muli %add3A, %mul3A_299 : i32
    %add3A_301 = arith.constant 8 : i32
    %add3A_302 = arith.addi %mul3A_300, %add3A_301 : i32
    %mul3A_303 = arith.constant 128 : i32
    %mul3A_304 = arith.muli %add3A_302, %mul3A_303 : i32
    %dma_wait3A_305 = arith.constant 8 : i32
    %dma_wait3A_306 = arith.constant 0 : i32
    %dma_wait3A_307 = tpu.memref_slice %arg8[%dma_wait3A_305, %dma_wait3A_306] : memref<11x128xi32, #tpu.memory_space<vmem>> -> memref<1x128xi32, #tpu.memory_space<vmem>>
    %dma_wait3A_308 = tpu.memref_squeeze %dma_wait3A_307 : memref<1x128xi32, #tpu.memory_space<vmem>> -> memref<128xi32, #tpu.memory_space<vmem>>
    %dma_wait3A_309 = arith.constant 0 : i32
    %dma_wait3A_310 = arith.constant 0 : i32
    %dma_wait3A_311 = tpu.memref_slice %arg2[%dma_wait3A_309, %dma_wait3A_310] : memref<1500x128xf32, #tpu.memory_space<hbm>> -> memref<1500x128xf32, #tpu.memory_space<hbm>>
    tpu.wait_indirect_dma semaphore(%arg14 : memref<!tpu.dma_semaphore, #tpu.memory_space<semaphore_mem>>) src(%dma_wait3A_311 : memref<1500x128xf32, #tpu.memory_space<hbm>>) dst(%arg10 : memref<128x128xf32, #tpu.memory_space<vmem>>)
    "tpu.region"() ({
      %run_scoped3A = tpu.sem_alloc : memref<!tpu.dma_semaphore, #tpu.memory_space<semaphore_mem>>
      %dma_start3A_374 = arith.constant 0 : i32
      %dma_start3A_375 = tpu.memref_slice %arg6[%mul3A_304, %dma_start3A_374] : memref<45056x128xf32, #tpu.memory_space<hbm>> -> memref<128x128xf32, #tpu.memory_space<hbm>>
      %dma_start3A_376 = arith.constant 0 : i32
      %dma_start3A_377 = tpu.memref_slice %arg6[%mul3A_304, %dma_start3A_376] : memref<45056x128xf32, #tpu.memory_space<hbm>> -> memref<128x128xf32, #tpu.memory_space<hbm>>
      tpu.enqueue_dma source(%arg10 : memref<128x128xf32, #tpu.memory_space<vmem>>) target(%dma_start3A_377 : memref<128x128xf32, #tpu.memory_space<hbm>>) target_semaphore(%run_scoped3A : memref<!tpu.dma_semaphore, #tpu.memory_space<semaphore_mem>>)
      %dma_wait3A_378 = arith.constant 0 : i32
      %dma_wait3A_379 = tpu.memref_slice %arg6[%mul3A_304, %dma_wait3A_378] : memref<45056x128xf32, #tpu.memory_space<hbm>> -> memref<128x128xf32, #tpu.memory_space<hbm>>
      %dma_wait3A_380 = arith.constant 0 : i32
      %dma_wait3A_381 = tpu.memref_slice %arg6[%mul3A_304, %dma_wait3A_380] : memref<45056x128xf32, #tpu.memory_space<hbm>> -> memref<128x128xf32, #tpu.memory_space<hbm>>
      tpu.wait_dma2 semaphore(%run_scoped3A : memref<!tpu.dma_semaphore, #tpu.memory_space<semaphore_mem>>) src(%arg10 : memref<128x128xf32, #tpu.memory_space<vmem>>) dst(%dma_wait3A_381 : memref<128x128xf32, #tpu.memory_space<hbm>>)
      tpu.yield
    }) : () -> ()
    %dma_wait3A_312 = arith.constant 8 : i32
    %dma_wait3A_313 = arith.constant 0 : i32
    %dma_wait3A_314 = tpu.memref_slice %arg9[%dma_wait3A_312, %dma_wait3A_313] : memref<11x128xi32, #tpu.memory_space<vmem>> -> memref<1x128xi32, #tpu.memory_space<vmem>>
    %dma_wait3A_315 = tpu.memref_squeeze %dma_wait3A_314 : memref<1x128xi32, #tpu.memory_space<vmem>> -> memref<128xi32, #tpu.memory_space<vmem>>
    %dma_wait3A_316 = arith.constant 0 : i32
    %dma_wait3A_317 = arith.constant 0 : i32
    %dma_wait3A_318 = tpu.memref_slice %arg3[%dma_wait3A_316, %dma_wait3A_317] : memref<1500x128xf32, #tpu.memory_space<hbm>> -> memref<1500x128xf32, #tpu.memory_space<hbm>>
    tpu.wait_indirect_dma semaphore(%arg16 : memref<!tpu.dma_semaphore, #tpu.memory_space<semaphore_mem>>) src(%dma_wait3A_318 : memref<1500x128xf32, #tpu.memory_space<hbm>>) dst(%arg12 : memref<128x128xf32, #tpu.memory_space<vmem>>)
    "tpu.region"() ({
      %run_scoped3A = tpu.sem_alloc : memref<!tpu.dma_semaphore, #tpu.memory_space<semaphore_mem>>
      %dma_start3A_374 = arith.constant 0 : i32
      %dma_start3A_375 = tpu.memref_slice %arg7[%mul3A_304, %dma_start3A_374] : memref<45056x128xf32, #tpu.memory_space<hbm>> -> memref<128x128xf32, #tpu.memory_space<hbm>>
      %dma_start3A_376 = arith.constant 0 : i32
      %dma_start3A_377 = tpu.memref_slice %arg7[%mul3A_304, %dma_start3A_376] : memref<45056x128xf32, #tpu.memory_space<hbm>> -> memref<128x128xf32, #tpu.memory_space<hbm>>
      tpu.enqueue_dma source(%arg12 : memref<128x128xf32, #tpu.memory_space<vmem>>) target(%dma_start3A_377 : memref<128x128xf32, #tpu.memory_space<hbm>>) target_semaphore(%run_scoped3A : memref<!tpu.dma_semaphore, #tpu.memory_space<semaphore_mem>>)
      %dma_wait3A_378 = arith.constant 0 : i32
      %dma_wait3A_379 = tpu.memref_slice %arg7[%mul3A_304, %dma_wait3A_378] : memref<45056x128xf32, #tpu.memory_space<hbm>> -> memref<128x128xf32, #tpu.memory_space<hbm>>
      %dma_wait3A_380 = arith.constant 0 : i32
      %dma_wait3A_381 = tpu.memref_slice %arg7[%mul3A_304, %dma_wait3A_380] : memref<45056x128xf32, #tpu.memory_space<hbm>> -> memref<128x128xf32, #tpu.memory_space<hbm>>
      tpu.wait_dma2 semaphore(%run_scoped3A : memref<!tpu.dma_semaphore, #tpu.memory_space<semaphore_mem>>) src(%arg12 : memref<128x128xf32, #tpu.memory_space<vmem>>) dst(%dma_wait3A_381 : memref<128x128xf32, #tpu.memory_space<hbm>>)
      tpu.yield
    }) : () -> ()
    %dma_start3A_319 = arith.constant 10 : i32
    %dma_start3A_320 = arith.constant 0 : i32
    %dma_start3A_321 = tpu.memref_slice %arg8[%dma_start3A_319, %dma_start3A_320] : memref<11x128xi32, #tpu.memory_space<vmem>> -> memref<1x128xi32, #tpu.memory_space<vmem>>
    %dma_start3A_322 = tpu.memref_squeeze %dma_start3A_321 : memref<1x128xi32, #tpu.memory_space<vmem>> -> memref<128xi32, #tpu.memory_space<vmem>>
    %dma_start3A_323 = arith.constant 0 : i32
    %dma_start3A_324 = arith.constant 0 : i32
    %dma_start3A_325 = tpu.memref_slice %arg2[%dma_start3A_323, %dma_start3A_324] : memref<1500x128xf32, #tpu.memory_space<hbm>> -> memref<1500x128xf32, #tpu.memory_space<hbm>>
    tpu.enqueue_indirect_dma source(%dma_start3A_325 : memref<1500x128xf32, #tpu.memory_space<hbm>>) target(%arg10 : memref<128x128xf32, #tpu.memory_space<vmem>>) offsets(%dma_start3A_322 : memref<128xi32, #tpu.memory_space<vmem>>) semaphore(%arg14 : memref<!tpu.dma_semaphore, #tpu.memory_space<semaphore_mem>>)
    %dma_start3A_326 = arith.constant 10 : i32
    %dma_start3A_327 = arith.constant 0 : i32
    %dma_start3A_328 = tpu.memref_slice %arg9[%dma_start3A_326, %dma_start3A_327] : memref<11x128xi32, #tpu.memory_space<vmem>> -> memref<1x128xi32, #tpu.memory_space<vmem>>
    %dma_start3A_329 = tpu.memref_squeeze %dma_start3A_328 : memref<1x128xi32, #tpu.memory_space<vmem>> -> memref<128xi32, #tpu.memory_space<vmem>>
    %dma_start3A_330 = arith.constant 0 : i32
    %dma_start3A_331 = arith.constant 0 : i32
    %dma_start3A_332 = tpu.memref_slice %arg3[%dma_start3A_330, %dma_start3A_331] : memref<1500x128xf32, #tpu.memory_space<hbm>> -> memref<1500x128xf32, #tpu.memory_space<hbm>>
    tpu.enqueue_indirect_dma source(%dma_start3A_332 : memref<1500x128xf32, #tpu.memory_space<hbm>>) target(%arg12 : memref<128x128xf32, #tpu.memory_space<vmem>>) offsets(%dma_start3A_329 : memref<128xi32, #tpu.memory_space<vmem>>) semaphore(%arg16 : memref<!tpu.dma_semaphore, #tpu.memory_space<semaphore_mem>>)
    %mul3A_333 = arith.constant 11 : i32
    %mul3A_334 = arith.muli %add3A, %mul3A_333 : i32
    %add3A_335 = arith.constant 9 : i32
    %add3A_336 = arith.addi %mul3A_334, %add3A_335 : i32
    %mul3A_337 = arith.constant 128 : i32
    %mul3A_338 = arith.muli %add3A_336, %mul3A_337 : i32
    %dma_wait3A_339 = arith.constant 9 : i32
    %dma_wait3A_340 = arith.constant 0 : i32
    %dma_wait3A_341 = tpu.memref_slice %arg8[%dma_wait3A_339, %dma_wait3A_340] : memref<11x128xi32, #tpu.memory_space<vmem>> -> memref<1x128xi32, #tpu.memory_space<vmem>>
    %dma_wait3A_342 = tpu.memref_squeeze %dma_wait3A_341 : memref<1x128xi32, #tpu.memory_space<vmem>> -> memref<128xi32, #tpu.memory_space<vmem>>
    %dma_wait3A_343 = arith.constant 0 : i32
    %dma_wait3A_344 = arith.constant 0 : i32
    %dma_wait3A_345 = tpu.memref_slice %arg2[%dma_wait3A_343, %dma_wait3A_344] : memref<1500x128xf32, #tpu.memory_space<hbm>> -> memref<1500x128xf32, #tpu.memory_space<hbm>>
    tpu.wait_indirect_dma semaphore(%arg15 : memref<!tpu.dma_semaphore, #tpu.memory_space<semaphore_mem>>) src(%dma_wait3A_345 : memref<1500x128xf32, #tpu.memory_space<hbm>>) dst(%arg11 : memref<128x128xf32, #tpu.memory_space<vmem>>)
    "tpu.region"() ({
      %run_scoped3A = tpu.sem_alloc : memref<!tpu.dma_semaphore, #tpu.memory_space<semaphore_mem>>
      %dma_start3A_374 = arith.constant 0 : i32
      %dma_start3A_375 = tpu.memref_slice %arg6[%mul3A_338, %dma_start3A_374] : memref<45056x128xf32, #tpu.memory_space<hbm>> -> memref<128x128xf32, #tpu.memory_space<hbm>>
      %dma_start3A_376 = arith.constant 0 : i32
      %dma_start3A_377 = tpu.memref_slice %arg6[%mul3A_338, %dma_start3A_376] : memref<45056x128xf32, #tpu.memory_space<hbm>> -> memref<128x128xf32, #tpu.memory_space<hbm>>
      tpu.enqueue_dma source(%arg11 : memref<128x128xf32, #tpu.memory_space<vmem>>) target(%dma_start3A_377 : memref<128x128xf32, #tpu.memory_space<hbm>>) target_semaphore(%run_scoped3A : memref<!tpu.dma_semaphore, #tpu.memory_space<semaphore_mem>>)
      %dma_wait3A_378 = arith.constant 0 : i32
      %dma_wait3A_379 = tpu.memref_slice %arg6[%mul3A_338, %dma_wait3A_378] : memref<45056x128xf32, #tpu.memory_space<hbm>> -> memref<128x128xf32, #tpu.memory_space<hbm>>
      %dma_wait3A_380 = arith.constant 0 : i32
      %dma_wait3A_381 = tpu.memref_slice %arg6[%mul3A_338, %dma_wait3A_380] : memref<45056x128xf32, #tpu.memory_space<hbm>> -> memref<128x128xf32, #tpu.memory_space<hbm>>
      tpu.wait_dma2 semaphore(%run_scoped3A : memref<!tpu.dma_semaphore, #tpu.memory_space<semaphore_mem>>) src(%arg11 : memref<128x128xf32, #tpu.memory_space<vmem>>) dst(%dma_wait3A_381 : memref<128x128xf32, #tpu.memory_space<hbm>>)
      tpu.yield
    }) : () -> ()
    %dma_wait3A_346 = arith.constant 9 : i32
    %dma_wait3A_347 = arith.constant 0 : i32
    %dma_wait3A_348 = tpu.memref_slice %arg9[%dma_wait3A_346, %dma_wait3A_347] : memref<11x128xi32, #tpu.memory_space<vmem>> -> memref<1x128xi32, #tpu.memory_space<vmem>>
    %dma_wait3A_349 = tpu.memref_squeeze %dma_wait3A_348 : memref<1x128xi32, #tpu.memory_space<vmem>> -> memref<128xi32, #tpu.memory_space<vmem>>
    %dma_wait3A_350 = arith.constant 0 : i32
    %dma_wait3A_351 = arith.constant 0 : i32
    %dma_wait3A_352 = tpu.memref_slice %arg3[%dma_wait3A_350, %dma_wait3A_351] : memref<1500x128xf32, #tpu.memory_space<hbm>> -> memref<1500x128xf32, #tpu.memory_space<hbm>>
    tpu.wait_indirect_dma semaphore(%arg17 : memref<!tpu.dma_semaphore, #tpu.memory_space<semaphore_mem>>) src(%dma_wait3A_352 : memref<1500x128xf32, #tpu.memory_space<hbm>>) dst(%arg13 : memref<128x128xf32, #tpu.memory_space<vmem>>)
    "tpu.region"() ({
      %run_scoped3A = tpu.sem_alloc : memref<!tpu.dma_semaphore, #tpu.memory_space<semaphore_mem>>
      %dma_start3A_374 = arith.constant 0 : i32
      %dma_start3A_375 = tpu.memref_slice %arg7[%mul3A_338, %dma_start3A_374] : memref<45056x128xf32, #tpu.memory_space<hbm>> -> memref<128x128xf32, #tpu.memory_space<hbm>>
      %dma_start3A_376 = arith.constant 0 : i32
      %dma_start3A_377 = tpu.memref_slice %arg7[%mul3A_338, %dma_start3A_376] : memref<45056x128xf32, #tpu.memory_space<hbm>> -> memref<128x128xf32, #tpu.memory_space<hbm>>
      tpu.enqueue_dma source(%arg13 : memref<128x128xf32, #tpu.memory_space<vmem>>) target(%dma_start3A_377 : memref<128x128xf32, #tpu.memory_space<hbm>>) target_semaphore(%run_scoped3A : memref<!tpu.dma_semaphore, #tpu.memory_space<semaphore_mem>>)
      %dma_wait3A_378 = arith.constant 0 : i32
      %dma_wait3A_379 = tpu.memref_slice %arg7[%mul3A_338, %dma_wait3A_378] : memref<45056x128xf32, #tpu.memory_space<hbm>> -> memref<128x128xf32, #tpu.memory_space<hbm>>
      %dma_wait3A_380 = arith.constant 0 : i32
      %dma_wait3A_381 = tpu.memref_slice %arg7[%mul3A_338, %dma_wait3A_380] : memref<45056x128xf32, #tpu.memory_space<hbm>> -> memref<128x128xf32, #tpu.memory_space<hbm>>
      tpu.wait_dma2 semaphore(%run_scoped3A : memref<!tpu.dma_semaphore, #tpu.memory_space<semaphore_mem>>) src(%arg13 : memref<128x128xf32, #tpu.memory_space<vmem>>) dst(%dma_wait3A_381 : memref<128x128xf32, #tpu.memory_space<hbm>>)
      tpu.yield
    }) : () -> ()
    %mul3A_353 = arith.constant 11 : i32
    %mul3A_354 = arith.muli %add3A, %mul3A_353 : i32
    %add3A_355 = arith.constant 11 : i32
    %add3A_356 = arith.addi %mul3A_354, %add3A_355 : i32
    %sub3A = arith.constant 1 : i32
    %sub3A_357 = arith.subi %add3A_356, %sub3A : i32
    %mul3A_358 = arith.constant 128 : i32
    %mul3A_359 = arith.muli %sub3A_357, %mul3A_358 : i32
    %dma_wait3A_360 = arith.constant 10 : i32
    %dma_wait3A_361 = arith.constant 0 : i32
    %dma_wait3A_362 = tpu.memref_slice %arg8[%dma_wait3A_360, %dma_wait3A_361] : memref<11x128xi32, #tpu.memory_space<vmem>> -> memref<1x128xi32, #tpu.memory_space<vmem>>
    %dma_wait3A_363 = tpu.memref_squeeze %dma_wait3A_362 : memref<1x128xi32, #tpu.memory_space<vmem>> -> memref<128xi32, #tpu.memory_space<vmem>>
    %dma_wait3A_364 = arith.constant 0 : i32
    %dma_wait3A_365 = arith.constant 0 : i32
    %dma_wait3A_366 = tpu.memref_slice %arg2[%dma_wait3A_364, %dma_wait3A_365] : memref<1500x128xf32, #tpu.memory_space<hbm>> -> memref<1500x128xf32, #tpu.memory_space<hbm>>
    tpu.wait_indirect_dma semaphore(%arg14 : memref<!tpu.dma_semaphore, #tpu.memory_space<semaphore_mem>>) src(%dma_wait3A_366 : memref<1500x128xf32, #tpu.memory_space<hbm>>) dst(%arg10 : memref<128x128xf32, #tpu.memory_space<vmem>>)
    "tpu.region"() ({
      %run_scoped3A = tpu.sem_alloc : memref<!tpu.dma_semaphore, #tpu.memory_space<semaphore_mem>>
      %dma_start3A_374 = arith.constant 0 : i32
      %dma_start3A_375 = tpu.memref_slice %arg6[%mul3A_359, %dma_start3A_374] : memref<45056x128xf32, #tpu.memory_space<hbm>> -> memref<128x128xf32, #tpu.memory_space<hbm>>
      %dma_start3A_376 = arith.constant 0 : i32
      %dma_start3A_377 = tpu.memref_slice %arg6[%mul3A_359, %dma_start3A_376] : memref<45056x128xf32, #tpu.memory_space<hbm>> -> memref<128x128xf32, #tpu.memory_space<hbm>>
      tpu.enqueue_dma source(%arg10 : memref<128x128xf32, #tpu.memory_space<vmem>>) target(%dma_start3A_377 : memref<128x128xf32, #tpu.memory_space<hbm>>) target_semaphore(%run_scoped3A : memref<!tpu.dma_semaphore, #tpu.memory_space<semaphore_mem>>)
      %dma_wait3A_378 = arith.constant 0 : i32
      %dma_wait3A_379 = tpu.memref_slice %arg6[%mul3A_359, %dma_wait3A_378] : memref<45056x128xf32, #tpu.memory_space<hbm>> -> memref<128x128xf32, #tpu.memory_space<hbm>>
      %dma_wait3A_380 = arith.constant 0 : i32
      %dma_wait3A_381 = tpu.memref_slice %arg6[%mul3A_359, %dma_wait3A_380] : memref<45056x128xf32, #tpu.memory_space<hbm>> -> memref<128x128xf32, #tpu.memory_space<hbm>>
      tpu.wait_dma2 semaphore(%run_scoped3A : memref<!tpu.dma_semaphore, #tpu.memory_space<semaphore_mem>>) src(%arg10 : memref<128x128xf32, #tpu.memory_space<vmem>>) dst(%dma_wait3A_381 : memref<128x128xf32, #tpu.memory_space<hbm>>)
      tpu.yield
    }) : () -> ()
    %dma_wait3A_367 = arith.constant 10 : i32
    %dma_wait3A_368 = arith.constant 0 : i32
    %dma_wait3A_369 = tpu.memref_slice %arg9[%dma_wait3A_367, %dma_wait3A_368] : memref<11x128xi32, #tpu.memory_space<vmem>> -> memref<1x128xi32, #tpu.memory_space<vmem>>
    %dma_wait3A_370 = tpu.memref_squeeze %dma_wait3A_369 : memref<1x128xi32, #tpu.memory_space<vmem>> -> memref<128xi32, #tpu.memory_space<vmem>>
    %dma_wait3A_371 = arith.constant 0 : i32
    %dma_wait3A_372 = arith.constant 0 : i32
    %dma_wait3A_373 = tpu.memref_slice %arg3[%dma_wait3A_371, %dma_wait3A_372] : memref<1500x128xf32, #tpu.memory_space<hbm>> -> memref<1500x128xf32, #tpu.memory_space<hbm>>
    tpu.wait_indirect_dma semaphore(%arg16 : memref<!tpu.dma_semaphore, #tpu.memory_space<semaphore_mem>>) src(%dma_wait3A_373 : memref<1500x128xf32, #tpu.memory_space<hbm>>) dst(%arg12 : memref<128x128xf32, #tpu.memory_space<vmem>>)
    "tpu.region"() ({
      %run_scoped3A = tpu.sem_alloc : memref<!tpu.dma_semaphore, #tpu.memory_space<semaphore_mem>>
      %dma_start3A_374 = arith.constant 0 : i32
      %dma_start3A_375 = tpu.memref_slice %arg7[%mul3A_359, %dma_start3A_374] : memref<45056x128xf32, #tpu.memory_space<hbm>> -> memref<128x128xf32, #tpu.memory_space<hbm>>
      %dma_start3A_376 = arith.constant 0 : i32
      %dma_start3A_377 = tpu.memref_slice %arg7[%mul3A_359, %dma_start3A_376] : memref<45056x128xf32, #tpu.memory_space<hbm>> -> memref<128x128xf32, #tpu.memory_space<hbm>>
      tpu.enqueue_dma source(%arg12 : memref<128x128xf32, #tpu.memory_space<vmem>>) target(%dma_start3A_377 : memref<128x128xf32, #tpu.memory_space<hbm>>) target_semaphore(%run_scoped3A : memref<!tpu.dma_semaphore, #tpu.memory_space<semaphore_mem>>)
      %dma_wait3A_378 = arith.constant 0 : i32
      %dma_wait3A_379 = tpu.memref_slice %arg7[%mul3A_359, %dma_wait3A_378] : memref<45056x128xf32, #tpu.memory_space<hbm>> -> memref<128x128xf32, #tpu.memory_space<hbm>>
      %dma_wait3A_380 = arith.constant 0 : i32
      %dma_wait3A_381 = tpu.memref_slice %arg7[%mul3A_359, %dma_wait3A_380] : memref<45056x128xf32, #tpu.memory_space<hbm>> -> memref<128x128xf32, #tpu.memory_space<hbm>>
      tpu.wait_dma2 semaphore(%run_scoped3A : memref<!tpu.dma_semaphore, #tpu.memory_space<semaphore_mem>>) src(%arg12 : memref<128x128xf32, #tpu.memory_space<vmem>>) dst(%dma_wait3A_381 : memref<128x128xf32, #tpu.memory_space<hbm>>)
      tpu.yield
    }) : () -> ()
    return
  }
}

#map = affine_map<(d0, d1) -> (0, 0)>
#map1 = affine_map<(d0, d1) -> (0, 0, 0)>
module attributes {stable_mosaic.version = 14 : i64} {
  func.func @gk(%arg0: i32, %arg1: i32, %arg2: memref<1500x128xf32, #tpu.memory_space<hbm>>, %arg3: memref<32x11x128xi32, #tpu.memory_space<hbm>>, %arg4: memref<45056x128xf32, #tpu.memory_space<hbm>>, %arg5: memref<11x128xi32, #tpu.memory_space<vmem>>, %arg6: memref<128x128xf32, #tpu.memory_space<vmem>>, %arg7: memref<128x128xf32, #tpu.memory_space<vmem>>, %arg8: memref<!tpu.dma_semaphore, #tpu.memory_space<semaphore_mem>>, %arg9: memref<!tpu.dma_semaphore, #tpu.memory_space<semaphore_mem>>) attributes {dimension_semantics = [#tpu.dimension_semantics<core_parallel>, #tpu.dimension_semantics<subcore_parallel>], iteration_bounds = array<i64: 2, 16>, scalar_prefetch = 0 : i64, scratch_operands = 5 : i64, tpu.core_type = #tpu.core_type<sc_vector_subcore>, window_params = [{transform_indices = #map}, {transform_indices = #map1}, {transform_indices = #map}]} {
    %mul3A = arith.constant 2 : i32
    %mul3A_0 = arith.muli %arg1, %mul3A : i32
    %add3A = arith.addi %mul3A_0, %arg0 : i32
    "tpu.region"() ({
      %run_scoped3A = tpu.sem_alloc : memref<!tpu.dma_semaphore, #tpu.memory_space<semaphore_mem>>
      %dma_start3A_220 = arith.constant 0 : i32
      %dma_start3A_221 = arith.constant 0 : i32
      %dma_start3A_222 = tpu.memref_slice %arg3[%add3A, %dma_start3A_220, %dma_start3A_221] : memref<32x11x128xi32, #tpu.memory_space<hbm>> -> memref<1x11x128xi32, #tpu.memory_space<hbm>>
      %dma_start3A_223 = tpu.memref_squeeze %dma_start3A_222 : memref<1x11x128xi32, #tpu.memory_space<hbm>> -> memref<11x128xi32, #tpu.memory_space<hbm>>
      %dma_start3A_224 = arith.constant 0 : i32
      %dma_start3A_225 = arith.constant 0 : i32
      %dma_start3A_226 = tpu.memref_slice %arg3[%add3A, %dma_start3A_224, %dma_start3A_225] : memref<32x11x128xi32, #tpu.memory_space<hbm>> -> memref<1x11x128xi32, #tpu.memory_space<hbm>>
      %dma_start3A_227 = tpu.memref_squeeze %dma_start3A_226 : memref<1x11x128xi32, #tpu.memory_space<hbm>> -> memref<11x128xi32, #tpu.memory_space<hbm>>
      tpu.enqueue_dma source(%dma_start3A_227 : memref<11x128xi32, #tpu.memory_space<hbm>>) target(%arg5 : memref<11x128xi32, #tpu.memory_space<vmem>>) target_semaphore(%run_scoped3A : memref<!tpu.dma_semaphore, #tpu.memory_space<semaphore_mem>>)
      %dma_wait3A_228 = arith.constant 0 : i32
      %dma_wait3A_229 = arith.constant 0 : i32
      %dma_wait3A_230 = tpu.memref_slice %arg3[%add3A, %dma_wait3A_228, %dma_wait3A_229] : memref<32x11x128xi32, #tpu.memory_space<hbm>> -> memref<1x11x128xi32, #tpu.memory_space<hbm>>
      %dma_wait3A_231 = tpu.memref_squeeze %dma_wait3A_230 : memref<1x11x128xi32, #tpu.memory_space<hbm>> -> memref<11x128xi32, #tpu.memory_space<hbm>>
      %dma_wait3A_232 = arith.constant 0 : i32
      %dma_wait3A_233 = arith.constant 0 : i32
      %dma_wait3A_234 = tpu.memref_slice %arg3[%add3A, %dma_wait3A_232, %dma_wait3A_233] : memref<32x11x128xi32, #tpu.memory_space<hbm>> -> memref<1x11x128xi32, #tpu.memory_space<hbm>>
      %dma_wait3A_235 = tpu.memref_squeeze %dma_wait3A_234 : memref<1x11x128xi32, #tpu.memory_space<hbm>> -> memref<11x128xi32, #tpu.memory_space<hbm>>
      tpu.wait_dma2 semaphore(%run_scoped3A : memref<!tpu.dma_semaphore, #tpu.memory_space<semaphore_mem>>) src(%dma_wait3A_235 : memref<11x128xi32, #tpu.memory_space<hbm>>) dst(%arg5 : memref<11x128xi32, #tpu.memory_space<vmem>>)
      tpu.yield
    }) : () -> ()
    %dma_start3A = arith.constant 0 : i32
    %dma_start3A_1 = arith.constant 0 : i32
    %dma_start3A_2 = tpu.memref_slice %arg5[%dma_start3A, %dma_start3A_1] : memref<11x128xi32, #tpu.memory_space<vmem>> -> memref<1x128xi32, #tpu.memory_space<vmem>>
    %dma_start3A_3 = tpu.memref_squeeze %dma_start3A_2 : memref<1x128xi32, #tpu.memory_space<vmem>> -> memref<128xi32, #tpu.memory_space<vmem>>
    %dma_start3A_4 = arith.constant 0 : i32
    %dma_start3A_5 = arith.constant 0 : i32
    %dma_start3A_6 = tpu.memref_slice %arg2[%dma_start3A_4, %dma_start3A_5] : memref<1500x128xf32, #tpu.memory_space<hbm>> -> memref<1500x128xf32, #tpu.memory_space<hbm>>
    tpu.enqueue_indirect_dma source(%dma_start3A_6 : memref<1500x128xf32, #tpu.memory_space<hbm>>) target(%arg6 : memref<128x128xf32, #tpu.memory_space<vmem>>) offsets(%dma_start3A_3 : memref<128xi32, #tpu.memory_space<vmem>>) semaphore(%arg8 : memref<!tpu.dma_semaphore, #tpu.memory_space<semaphore_mem>>)
    %dma_start3A_7 = arith.constant 1 : i32
    %dma_start3A_8 = arith.constant 0 : i32
    %dma_start3A_9 = tpu.memref_slice %arg5[%dma_start3A_7, %dma_start3A_8] : memref<11x128xi32, #tpu.memory_space<vmem>> -> memref<1x128xi32, #tpu.memory_space<vmem>>
    %dma_start3A_10 = tpu.memref_squeeze %dma_start3A_9 : memref<1x128xi32, #tpu.memory_space<vmem>> -> memref<128xi32, #tpu.memory_space<vmem>>
    %dma_start3A_11 = arith.constant 0 : i32
    %dma_start3A_12 = arith.constant 0 : i32
    %dma_start3A_13 = tpu.memref_slice %arg2[%dma_start3A_11, %dma_start3A_12] : memref<1500x128xf32, #tpu.memory_space<hbm>> -> memref<1500x128xf32, #tpu.memory_space<hbm>>
    tpu.enqueue_indirect_dma source(%dma_start3A_13 : memref<1500x128xf32, #tpu.memory_space<hbm>>) target(%arg7 : memref<128x128xf32, #tpu.memory_space<vmem>>) offsets(%dma_start3A_10 : memref<128xi32, #tpu.memory_space<vmem>>) semaphore(%arg9 : memref<!tpu.dma_semaphore, #tpu.memory_space<semaphore_mem>>)
    %mul3A_14 = arith.constant 11 : i32
    %mul3A_15 = arith.muli %add3A, %mul3A_14 : i32
    %add3A_16 = arith.constant 0 : i32
    %add3A_17 = arith.addi %mul3A_15, %add3A_16 : i32
    %mul3A_18 = arith.constant 128 : i32
    %mul3A_19 = arith.muli %add3A_17, %mul3A_18 : i32
    %dma_wait3A = arith.constant 0 : i32
    %dma_wait3A_20 = arith.constant 0 : i32
    %dma_wait3A_21 = tpu.memref_slice %arg5[%dma_wait3A, %dma_wait3A_20] : memref<11x128xi32, #tpu.memory_space<vmem>> -> memref<1x128xi32, #tpu.memory_space<vmem>>
    %dma_wait3A_22 = tpu.memref_squeeze %dma_wait3A_21 : memref<1x128xi32, #tpu.memory_space<vmem>> -> memref<128xi32, #tpu.memory_space<vmem>>
    %dma_wait3A_23 = arith.constant 0 : i32
    %dma_wait3A_24 = arith.constant 0 : i32
    %dma_wait3A_25 = tpu.memref_slice %arg2[%dma_wait3A_23, %dma_wait3A_24] : memref<1500x128xf32, #tpu.memory_space<hbm>> -> memref<1500x128xf32, #tpu.memory_space<hbm>>
    tpu.wait_indirect_dma semaphore(%arg8 : memref<!tpu.dma_semaphore, #tpu.memory_space<semaphore_mem>>) src(%dma_wait3A_25 : memref<1500x128xf32, #tpu.memory_space<hbm>>) dst(%arg6 : memref<128x128xf32, #tpu.memory_space<vmem>>)
    "tpu.region"() ({
      %run_scoped3A = tpu.sem_alloc : memref<!tpu.dma_semaphore, #tpu.memory_space<semaphore_mem>>
      %dma_start3A_220 = arith.constant 0 : i32
      %dma_start3A_221 = tpu.memref_slice %arg4[%mul3A_19, %dma_start3A_220] : memref<45056x128xf32, #tpu.memory_space<hbm>> -> memref<128x128xf32, #tpu.memory_space<hbm>>
      %dma_start3A_222 = arith.constant 0 : i32
      %dma_start3A_223 = tpu.memref_slice %arg4[%mul3A_19, %dma_start3A_222] : memref<45056x128xf32, #tpu.memory_space<hbm>> -> memref<128x128xf32, #tpu.memory_space<hbm>>
      tpu.enqueue_dma source(%arg6 : memref<128x128xf32, #tpu.memory_space<vmem>>) target(%dma_start3A_223 : memref<128x128xf32, #tpu.memory_space<hbm>>) target_semaphore(%run_scoped3A : memref<!tpu.dma_semaphore, #tpu.memory_space<semaphore_mem>>)
      %dma_wait3A_224 = arith.constant 0 : i32
      %dma_wait3A_225 = tpu.memref_slice %arg4[%mul3A_19, %dma_wait3A_224] : memref<45056x128xf32, #tpu.memory_space<hbm>> -> memref<128x128xf32, #tpu.memory_space<hbm>>
      %dma_wait3A_226 = arith.constant 0 : i32
      %dma_wait3A_227 = tpu.memref_slice %arg4[%mul3A_19, %dma_wait3A_226] : memref<45056x128xf32, #tpu.memory_space<hbm>> -> memref<128x128xf32, #tpu.memory_space<hbm>>
      tpu.wait_dma2 semaphore(%run_scoped3A : memref<!tpu.dma_semaphore, #tpu.memory_space<semaphore_mem>>) src(%arg6 : memref<128x128xf32, #tpu.memory_space<vmem>>) dst(%dma_wait3A_227 : memref<128x128xf32, #tpu.memory_space<hbm>>)
      tpu.yield
    }) : () -> ()
    %dma_start3A_26 = arith.constant 2 : i32
    %dma_start3A_27 = arith.constant 0 : i32
    %dma_start3A_28 = tpu.memref_slice %arg5[%dma_start3A_26, %dma_start3A_27] : memref<11x128xi32, #tpu.memory_space<vmem>> -> memref<1x128xi32, #tpu.memory_space<vmem>>
    %dma_start3A_29 = tpu.memref_squeeze %dma_start3A_28 : memref<1x128xi32, #tpu.memory_space<vmem>> -> memref<128xi32, #tpu.memory_space<vmem>>
    %dma_start3A_30 = arith.constant 0 : i32
    %dma_start3A_31 = arith.constant 0 : i32
    %dma_start3A_32 = tpu.memref_slice %arg2[%dma_start3A_30, %dma_start3A_31] : memref<1500x128xf32, #tpu.memory_space<hbm>> -> memref<1500x128xf32, #tpu.memory_space<hbm>>
    tpu.enqueue_indirect_dma source(%dma_start3A_32 : memref<1500x128xf32, #tpu.memory_space<hbm>>) target(%arg6 : memref<128x128xf32, #tpu.memory_space<vmem>>) offsets(%dma_start3A_29 : memref<128xi32, #tpu.memory_space<vmem>>) semaphore(%arg8 : memref<!tpu.dma_semaphore, #tpu.memory_space<semaphore_mem>>)
    %mul3A_33 = arith.constant 11 : i32
    %mul3A_34 = arith.muli %add3A, %mul3A_33 : i32
    %add3A_35 = arith.constant 1 : i32
    %add3A_36 = arith.addi %mul3A_34, %add3A_35 : i32
    %mul3A_37 = arith.constant 128 : i32
    %mul3A_38 = arith.muli %add3A_36, %mul3A_37 : i32
    %dma_wait3A_39 = arith.constant 1 : i32
    %dma_wait3A_40 = arith.constant 0 : i32
    %dma_wait3A_41 = tpu.memref_slice %arg5[%dma_wait3A_39, %dma_wait3A_40] : memref<11x128xi32, #tpu.memory_space<vmem>> -> memref<1x128xi32, #tpu.memory_space<vmem>>
    %dma_wait3A_42 = tpu.memref_squeeze %dma_wait3A_41 : memref<1x128xi32, #tpu.memory_space<vmem>> -> memref<128xi32, #tpu.memory_space<vmem>>
    %dma_wait3A_43 = arith.constant 0 : i32
    %dma_wait3A_44 = arith.constant 0 : i32
    %dma_wait3A_45 = tpu.memref_slice %arg2[%dma_wait3A_43, %dma_wait3A_44] : memref<1500x128xf32, #tpu.memory_space<hbm>> -> memref<1500x128xf32, #tpu.memory_space<hbm>>
    tpu.wait_indirect_dma semaphore(%arg9 : memref<!tpu.dma_semaphore, #tpu.memory_space<semaphore_mem>>) src(%dma_wait3A_45 : memref<1500x128xf32, #tpu.memory_space<hbm>>) dst(%arg7 : memref<128x128xf32, #tpu.memory_space<vmem>>)
    "tpu.region"() ({
      %run_scoped3A = tpu.sem_alloc : memref<!tpu.dma_semaphore, #tpu.memory_space<semaphore_mem>>
      %dma_start3A_220 = arith.constant 0 : i32
      %dma_start3A_221 = tpu.memref_slice %arg4[%mul3A_38, %dma_start3A_220] : memref<45056x128xf32, #tpu.memory_space<hbm>> -> memref<128x128xf32, #tpu.memory_space<hbm>>
      %dma_start3A_222 = arith.constant 0 : i32
      %dma_start3A_223 = tpu.memref_slice %arg4[%mul3A_38, %dma_start3A_222] : memref<45056x128xf32, #tpu.memory_space<hbm>> -> memref<128x128xf32, #tpu.memory_space<hbm>>
      tpu.enqueue_dma source(%arg7 : memref<128x128xf32, #tpu.memory_space<vmem>>) target(%dma_start3A_223 : memref<128x128xf32, #tpu.memory_space<hbm>>) target_semaphore(%run_scoped3A : memref<!tpu.dma_semaphore, #tpu.memory_space<semaphore_mem>>)
      %dma_wait3A_224 = arith.constant 0 : i32
      %dma_wait3A_225 = tpu.memref_slice %arg4[%mul3A_38, %dma_wait3A_224] : memref<45056x128xf32, #tpu.memory_space<hbm>> -> memref<128x128xf32, #tpu.memory_space<hbm>>
      %dma_wait3A_226 = arith.constant 0 : i32
      %dma_wait3A_227 = tpu.memref_slice %arg4[%mul3A_38, %dma_wait3A_226] : memref<45056x128xf32, #tpu.memory_space<hbm>> -> memref<128x128xf32, #tpu.memory_space<hbm>>
      tpu.wait_dma2 semaphore(%run_scoped3A : memref<!tpu.dma_semaphore, #tpu.memory_space<semaphore_mem>>) src(%arg7 : memref<128x128xf32, #tpu.memory_space<vmem>>) dst(%dma_wait3A_227 : memref<128x128xf32, #tpu.memory_space<hbm>>)
      tpu.yield
    }) : () -> ()
    %dma_start3A_46 = arith.constant 3 : i32
    %dma_start3A_47 = arith.constant 0 : i32
    %dma_start3A_48 = tpu.memref_slice %arg5[%dma_start3A_46, %dma_start3A_47] : memref<11x128xi32, #tpu.memory_space<vmem>> -> memref<1x128xi32, #tpu.memory_space<vmem>>
    %dma_start3A_49 = tpu.memref_squeeze %dma_start3A_48 : memref<1x128xi32, #tpu.memory_space<vmem>> -> memref<128xi32, #tpu.memory_space<vmem>>
    %dma_start3A_50 = arith.constant 0 : i32
    %dma_start3A_51 = arith.constant 0 : i32
    %dma_start3A_52 = tpu.memref_slice %arg2[%dma_start3A_50, %dma_start3A_51] : memref<1500x128xf32, #tpu.memory_space<hbm>> -> memref<1500x128xf32, #tpu.memory_space<hbm>>
    tpu.enqueue_indirect_dma source(%dma_start3A_52 : memref<1500x128xf32, #tpu.memory_space<hbm>>) target(%arg7 : memref<128x128xf32, #tpu.memory_space<vmem>>) offsets(%dma_start3A_49 : memref<128xi32, #tpu.memory_space<vmem>>) semaphore(%arg9 : memref<!tpu.dma_semaphore, #tpu.memory_space<semaphore_mem>>)
    %mul3A_53 = arith.constant 11 : i32
    %mul3A_54 = arith.muli %add3A, %mul3A_53 : i32
    %add3A_55 = arith.constant 2 : i32
    %add3A_56 = arith.addi %mul3A_54, %add3A_55 : i32
    %mul3A_57 = arith.constant 128 : i32
    %mul3A_58 = arith.muli %add3A_56, %mul3A_57 : i32
    %dma_wait3A_59 = arith.constant 2 : i32
    %dma_wait3A_60 = arith.constant 0 : i32
    %dma_wait3A_61 = tpu.memref_slice %arg5[%dma_wait3A_59, %dma_wait3A_60] : memref<11x128xi32, #tpu.memory_space<vmem>> -> memref<1x128xi32, #tpu.memory_space<vmem>>
    %dma_wait3A_62 = tpu.memref_squeeze %dma_wait3A_61 : memref<1x128xi32, #tpu.memory_space<vmem>> -> memref<128xi32, #tpu.memory_space<vmem>>
    %dma_wait3A_63 = arith.constant 0 : i32
    %dma_wait3A_64 = arith.constant 0 : i32
    %dma_wait3A_65 = tpu.memref_slice %arg2[%dma_wait3A_63, %dma_wait3A_64] : memref<1500x128xf32, #tpu.memory_space<hbm>> -> memref<1500x128xf32, #tpu.memory_space<hbm>>
    tpu.wait_indirect_dma semaphore(%arg8 : memref<!tpu.dma_semaphore, #tpu.memory_space<semaphore_mem>>) src(%dma_wait3A_65 : memref<1500x128xf32, #tpu.memory_space<hbm>>) dst(%arg6 : memref<128x128xf32, #tpu.memory_space<vmem>>)
    "tpu.region"() ({
      %run_scoped3A = tpu.sem_alloc : memref<!tpu.dma_semaphore, #tpu.memory_space<semaphore_mem>>
      %dma_start3A_220 = arith.constant 0 : i32
      %dma_start3A_221 = tpu.memref_slice %arg4[%mul3A_58, %dma_start3A_220] : memref<45056x128xf32, #tpu.memory_space<hbm>> -> memref<128x128xf32, #tpu.memory_space<hbm>>
      %dma_start3A_222 = arith.constant 0 : i32
      %dma_start3A_223 = tpu.memref_slice %arg4[%mul3A_58, %dma_start3A_222] : memref<45056x128xf32, #tpu.memory_space<hbm>> -> memref<128x128xf32, #tpu.memory_space<hbm>>
      tpu.enqueue_dma source(%arg6 : memref<128x128xf32, #tpu.memory_space<vmem>>) target(%dma_start3A_223 : memref<128x128xf32, #tpu.memory_space<hbm>>) target_semaphore(%run_scoped3A : memref<!tpu.dma_semaphore, #tpu.memory_space<semaphore_mem>>)
      %dma_wait3A_224 = arith.constant 0 : i32
      %dma_wait3A_225 = tpu.memref_slice %arg4[%mul3A_58, %dma_wait3A_224] : memref<45056x128xf32, #tpu.memory_space<hbm>> -> memref<128x128xf32, #tpu.memory_space<hbm>>
      %dma_wait3A_226 = arith.constant 0 : i32
      %dma_wait3A_227 = tpu.memref_slice %arg4[%mul3A_58, %dma_wait3A_226] : memref<45056x128xf32, #tpu.memory_space<hbm>> -> memref<128x128xf32, #tpu.memory_space<hbm>>
      tpu.wait_dma2 semaphore(%run_scoped3A : memref<!tpu.dma_semaphore, #tpu.memory_space<semaphore_mem>>) src(%arg6 : memref<128x128xf32, #tpu.memory_space<vmem>>) dst(%dma_wait3A_227 : memref<128x128xf32, #tpu.memory_space<hbm>>)
      tpu.yield
    }) : () -> ()
    %dma_start3A_66 = arith.constant 4 : i32
    %dma_start3A_67 = arith.constant 0 : i32
    %dma_start3A_68 = tpu.memref_slice %arg5[%dma_start3A_66, %dma_start3A_67] : memref<11x128xi32, #tpu.memory_space<vmem>> -> memref<1x128xi32, #tpu.memory_space<vmem>>
    %dma_start3A_69 = tpu.memref_squeeze %dma_start3A_68 : memref<1x128xi32, #tpu.memory_space<vmem>> -> memref<128xi32, #tpu.memory_space<vmem>>
    %dma_start3A_70 = arith.constant 0 : i32
    %dma_start3A_71 = arith.constant 0 : i32
    %dma_start3A_72 = tpu.memref_slice %arg2[%dma_start3A_70, %dma_start3A_71] : memref<1500x128xf32, #tpu.memory_space<hbm>> -> memref<1500x128xf32, #tpu.memory_space<hbm>>
    tpu.enqueue_indirect_dma source(%dma_start3A_72 : memref<1500x128xf32, #tpu.memory_space<hbm>>) target(%arg6 : memref<128x128xf32, #tpu.memory_space<vmem>>) offsets(%dma_start3A_69 : memref<128xi32, #tpu.memory_space<vmem>>) semaphore(%arg8 : memref<!tpu.dma_semaphore, #tpu.memory_space<semaphore_mem>>)
    %mul3A_73 = arith.constant 11 : i32
    %mul3A_74 = arith.muli %add3A, %mul3A_73 : i32
    %add3A_75 = arith.constant 3 : i32
    %add3A_76 = arith.addi %mul3A_74, %add3A_75 : i32
    %mul3A_77 = arith.constant 128 : i32
    %mul3A_78 = arith.muli %add3A_76, %mul3A_77 : i32
    %dma_wait3A_79 = arith.constant 3 : i32
    %dma_wait3A_80 = arith.constant 0 : i32
    %dma_wait3A_81 = tpu.memref_slice %arg5[%dma_wait3A_79, %dma_wait3A_80] : memref<11x128xi32, #tpu.memory_space<vmem>> -> memref<1x128xi32, #tpu.memory_space<vmem>>
    %dma_wait3A_82 = tpu.memref_squeeze %dma_wait3A_81 : memref<1x128xi32, #tpu.memory_space<vmem>> -> memref<128xi32, #tpu.memory_space<vmem>>
    %dma_wait3A_83 = arith.constant 0 : i32
    %dma_wait3A_84 = arith.constant 0 : i32
    %dma_wait3A_85 = tpu.memref_slice %arg2[%dma_wait3A_83, %dma_wait3A_84] : memref<1500x128xf32, #tpu.memory_space<hbm>> -> memref<1500x128xf32, #tpu.memory_space<hbm>>
    tpu.wait_indirect_dma semaphore(%arg9 : memref<!tpu.dma_semaphore, #tpu.memory_space<semaphore_mem>>) src(%dma_wait3A_85 : memref<1500x128xf32, #tpu.memory_space<hbm>>) dst(%arg7 : memref<128x128xf32, #tpu.memory_space<vmem>>)
    "tpu.region"() ({
      %run_scoped3A = tpu.sem_alloc : memref<!tpu.dma_semaphore, #tpu.memory_space<semaphore_mem>>
      %dma_start3A_220 = arith.constant 0 : i32
      %dma_start3A_221 = tpu.memref_slice %arg4[%mul3A_78, %dma_start3A_220] : memref<45056x128xf32, #tpu.memory_space<hbm>> -> memref<128x128xf32, #tpu.memory_space<hbm>>
      %dma_start3A_222 = arith.constant 0 : i32
      %dma_start3A_223 = tpu.memref_slice %arg4[%mul3A_78, %dma_start3A_222] : memref<45056x128xf32, #tpu.memory_space<hbm>> -> memref<128x128xf32, #tpu.memory_space<hbm>>
      tpu.enqueue_dma source(%arg7 : memref<128x128xf32, #tpu.memory_space<vmem>>) target(%dma_start3A_223 : memref<128x128xf32, #tpu.memory_space<hbm>>) target_semaphore(%run_scoped3A : memref<!tpu.dma_semaphore, #tpu.memory_space<semaphore_mem>>)
      %dma_wait3A_224 = arith.constant 0 : i32
      %dma_wait3A_225 = tpu.memref_slice %arg4[%mul3A_78, %dma_wait3A_224] : memref<45056x128xf32, #tpu.memory_space<hbm>> -> memref<128x128xf32, #tpu.memory_space<hbm>>
      %dma_wait3A_226 = arith.constant 0 : i32
      %dma_wait3A_227 = tpu.memref_slice %arg4[%mul3A_78, %dma_wait3A_226] : memref<45056x128xf32, #tpu.memory_space<hbm>> -> memref<128x128xf32, #tpu.memory_space<hbm>>
      tpu.wait_dma2 semaphore(%run_scoped3A : memref<!tpu.dma_semaphore, #tpu.memory_space<semaphore_mem>>) src(%arg7 : memref<128x128xf32, #tpu.memory_space<vmem>>) dst(%dma_wait3A_227 : memref<128x128xf32, #tpu.memory_space<hbm>>)
      tpu.yield
    }) : () -> ()
    %dma_start3A_86 = arith.constant 5 : i32
    %dma_start3A_87 = arith.constant 0 : i32
    %dma_start3A_88 = tpu.memref_slice %arg5[%dma_start3A_86, %dma_start3A_87] : memref<11x128xi32, #tpu.memory_space<vmem>> -> memref<1x128xi32, #tpu.memory_space<vmem>>
    %dma_start3A_89 = tpu.memref_squeeze %dma_start3A_88 : memref<1x128xi32, #tpu.memory_space<vmem>> -> memref<128xi32, #tpu.memory_space<vmem>>
    %dma_start3A_90 = arith.constant 0 : i32
    %dma_start3A_91 = arith.constant 0 : i32
    %dma_start3A_92 = tpu.memref_slice %arg2[%dma_start3A_90, %dma_start3A_91] : memref<1500x128xf32, #tpu.memory_space<hbm>> -> memref<1500x128xf32, #tpu.memory_space<hbm>>
    tpu.enqueue_indirect_dma source(%dma_start3A_92 : memref<1500x128xf32, #tpu.memory_space<hbm>>) target(%arg7 : memref<128x128xf32, #tpu.memory_space<vmem>>) offsets(%dma_start3A_89 : memref<128xi32, #tpu.memory_space<vmem>>) semaphore(%arg9 : memref<!tpu.dma_semaphore, #tpu.memory_space<semaphore_mem>>)
    %mul3A_93 = arith.constant 11 : i32
    %mul3A_94 = arith.muli %add3A, %mul3A_93 : i32
    %add3A_95 = arith.constant 4 : i32
    %add3A_96 = arith.addi %mul3A_94, %add3A_95 : i32
    %mul3A_97 = arith.constant 128 : i32
    %mul3A_98 = arith.muli %add3A_96, %mul3A_97 : i32
    %dma_wait3A_99 = arith.constant 4 : i32
    %dma_wait3A_100 = arith.constant 0 : i32
    %dma_wait3A_101 = tpu.memref_slice %arg5[%dma_wait3A_99, %dma_wait3A_100] : memref<11x128xi32, #tpu.memory_space<vmem>> -> memref<1x128xi32, #tpu.memory_space<vmem>>
    %dma_wait3A_102 = tpu.memref_squeeze %dma_wait3A_101 : memref<1x128xi32, #tpu.memory_space<vmem>> -> memref<128xi32, #tpu.memory_space<vmem>>
    %dma_wait3A_103 = arith.constant 0 : i32
    %dma_wait3A_104 = arith.constant 0 : i32
    %dma_wait3A_105 = tpu.memref_slice %arg2[%dma_wait3A_103, %dma_wait3A_104] : memref<1500x128xf32, #tpu.memory_space<hbm>> -> memref<1500x128xf32, #tpu.memory_space<hbm>>
    tpu.wait_indirect_dma semaphore(%arg8 : memref<!tpu.dma_semaphore, #tpu.memory_space<semaphore_mem>>) src(%dma_wait3A_105 : memref<1500x128xf32, #tpu.memory_space<hbm>>) dst(%arg6 : memref<128x128xf32, #tpu.memory_space<vmem>>)
    "tpu.region"() ({
      %run_scoped3A = tpu.sem_alloc : memref<!tpu.dma_semaphore, #tpu.memory_space<semaphore_mem>>
      %dma_start3A_220 = arith.constant 0 : i32
      %dma_start3A_221 = tpu.memref_slice %arg4[%mul3A_98, %dma_start3A_220] : memref<45056x128xf32, #tpu.memory_space<hbm>> -> memref<128x128xf32, #tpu.memory_space<hbm>>
      %dma_start3A_222 = arith.constant 0 : i32
      %dma_start3A_223 = tpu.memref_slice %arg4[%mul3A_98, %dma_start3A_222] : memref<45056x128xf32, #tpu.memory_space<hbm>> -> memref<128x128xf32, #tpu.memory_space<hbm>>
      tpu.enqueue_dma source(%arg6 : memref<128x128xf32, #tpu.memory_space<vmem>>) target(%dma_start3A_223 : memref<128x128xf32, #tpu.memory_space<hbm>>) target_semaphore(%run_scoped3A : memref<!tpu.dma_semaphore, #tpu.memory_space<semaphore_mem>>)
      %dma_wait3A_224 = arith.constant 0 : i32
      %dma_wait3A_225 = tpu.memref_slice %arg4[%mul3A_98, %dma_wait3A_224] : memref<45056x128xf32, #tpu.memory_space<hbm>> -> memref<128x128xf32, #tpu.memory_space<hbm>>
      %dma_wait3A_226 = arith.constant 0 : i32
      %dma_wait3A_227 = tpu.memref_slice %arg4[%mul3A_98, %dma_wait3A_226] : memref<45056x128xf32, #tpu.memory_space<hbm>> -> memref<128x128xf32, #tpu.memory_space<hbm>>
      tpu.wait_dma2 semaphore(%run_scoped3A : memref<!tpu.dma_semaphore, #tpu.memory_space<semaphore_mem>>) src(%arg6 : memref<128x128xf32, #tpu.memory_space<vmem>>) dst(%dma_wait3A_227 : memref<128x128xf32, #tpu.memory_space<hbm>>)
      tpu.yield
    }) : () -> ()
    %dma_start3A_106 = arith.constant 6 : i32
    %dma_start3A_107 = arith.constant 0 : i32
    %dma_start3A_108 = tpu.memref_slice %arg5[%dma_start3A_106, %dma_start3A_107] : memref<11x128xi32, #tpu.memory_space<vmem>> -> memref<1x128xi32, #tpu.memory_space<vmem>>
    %dma_start3A_109 = tpu.memref_squeeze %dma_start3A_108 : memref<1x128xi32, #tpu.memory_space<vmem>> -> memref<128xi32, #tpu.memory_space<vmem>>
    %dma_start3A_110 = arith.constant 0 : i32
    %dma_start3A_111 = arith.constant 0 : i32
    %dma_start3A_112 = tpu.memref_slice %arg2[%dma_start3A_110, %dma_start3A_111] : memref<1500x128xf32, #tpu.memory_space<hbm>> -> memref<1500x128xf32, #tpu.memory_space<hbm>>
    tpu.enqueue_indirect_dma source(%dma_start3A_112 : memref<1500x128xf32, #tpu.memory_space<hbm>>) target(%arg6 : memref<128x128xf32, #tpu.memory_space<vmem>>) offsets(%dma_start3A_109 : memref<128xi32, #tpu.memory_space<vmem>>) semaphore(%arg8 : memref<!tpu.dma_semaphore, #tpu.memory_space<semaphore_mem>>)
    %mul3A_113 = arith.constant 11 : i32
    %mul3A_114 = arith.muli %add3A, %mul3A_113 : i32
    %add3A_115 = arith.constant 5 : i32
    %add3A_116 = arith.addi %mul3A_114, %add3A_115 : i32
    %mul3A_117 = arith.constant 128 : i32
    %mul3A_118 = arith.muli %add3A_116, %mul3A_117 : i32
    %dma_wait3A_119 = arith.constant 5 : i32
    %dma_wait3A_120 = arith.constant 0 : i32
    %dma_wait3A_121 = tpu.memref_slice %arg5[%dma_wait3A_119, %dma_wait3A_120] : memref<11x128xi32, #tpu.memory_space<vmem>> -> memref<1x128xi32, #tpu.memory_space<vmem>>
    %dma_wait3A_122 = tpu.memref_squeeze %dma_wait3A_121 : memref<1x128xi32, #tpu.memory_space<vmem>> -> memref<128xi32, #tpu.memory_space<vmem>>
    %dma_wait3A_123 = arith.constant 0 : i32
    %dma_wait3A_124 = arith.constant 0 : i32
    %dma_wait3A_125 = tpu.memref_slice %arg2[%dma_wait3A_123, %dma_wait3A_124] : memref<1500x128xf32, #tpu.memory_space<hbm>> -> memref<1500x128xf32, #tpu.memory_space<hbm>>
    tpu.wait_indirect_dma semaphore(%arg9 : memref<!tpu.dma_semaphore, #tpu.memory_space<semaphore_mem>>) src(%dma_wait3A_125 : memref<1500x128xf32, #tpu.memory_space<hbm>>) dst(%arg7 : memref<128x128xf32, #tpu.memory_space<vmem>>)
    "tpu.region"() ({
      %run_scoped3A = tpu.sem_alloc : memref<!tpu.dma_semaphore, #tpu.memory_space<semaphore_mem>>
      %dma_start3A_220 = arith.constant 0 : i32
      %dma_start3A_221 = tpu.memref_slice %arg4[%mul3A_118, %dma_start3A_220] : memref<45056x128xf32, #tpu.memory_space<hbm>> -> memref<128x128xf32, #tpu.memory_space<hbm>>
      %dma_start3A_222 = arith.constant 0 : i32
      %dma_start3A_223 = tpu.memref_slice %arg4[%mul3A_118, %dma_start3A_222] : memref<45056x128xf32, #tpu.memory_space<hbm>> -> memref<128x128xf32, #tpu.memory_space<hbm>>
      tpu.enqueue_dma source(%arg7 : memref<128x128xf32, #tpu.memory_space<vmem>>) target(%dma_start3A_223 : memref<128x128xf32, #tpu.memory_space<hbm>>) target_semaphore(%run_scoped3A : memref<!tpu.dma_semaphore, #tpu.memory_space<semaphore_mem>>)
      %dma_wait3A_224 = arith.constant 0 : i32
      %dma_wait3A_225 = tpu.memref_slice %arg4[%mul3A_118, %dma_wait3A_224] : memref<45056x128xf32, #tpu.memory_space<hbm>> -> memref<128x128xf32, #tpu.memory_space<hbm>>
      %dma_wait3A_226 = arith.constant 0 : i32
      %dma_wait3A_227 = tpu.memref_slice %arg4[%mul3A_118, %dma_wait3A_226] : memref<45056x128xf32, #tpu.memory_space<hbm>> -> memref<128x128xf32, #tpu.memory_space<hbm>>
      tpu.wait_dma2 semaphore(%run_scoped3A : memref<!tpu.dma_semaphore, #tpu.memory_space<semaphore_mem>>) src(%arg7 : memref<128x128xf32, #tpu.memory_space<vmem>>) dst(%dma_wait3A_227 : memref<128x128xf32, #tpu.memory_space<hbm>>)
      tpu.yield
    }) : () -> ()
    %dma_start3A_126 = arith.constant 7 : i32
    %dma_start3A_127 = arith.constant 0 : i32
    %dma_start3A_128 = tpu.memref_slice %arg5[%dma_start3A_126, %dma_start3A_127] : memref<11x128xi32, #tpu.memory_space<vmem>> -> memref<1x128xi32, #tpu.memory_space<vmem>>
    %dma_start3A_129 = tpu.memref_squeeze %dma_start3A_128 : memref<1x128xi32, #tpu.memory_space<vmem>> -> memref<128xi32, #tpu.memory_space<vmem>>
    %dma_start3A_130 = arith.constant 0 : i32
    %dma_start3A_131 = arith.constant 0 : i32
    %dma_start3A_132 = tpu.memref_slice %arg2[%dma_start3A_130, %dma_start3A_131] : memref<1500x128xf32, #tpu.memory_space<hbm>> -> memref<1500x128xf32, #tpu.memory_space<hbm>>
    tpu.enqueue_indirect_dma source(%dma_start3A_132 : memref<1500x128xf32, #tpu.memory_space<hbm>>) target(%arg7 : memref<128x128xf32, #tpu.memory_space<vmem>>) offsets(%dma_start3A_129 : memref<128xi32, #tpu.memory_space<vmem>>) semaphore(%arg9 : memref<!tpu.dma_semaphore, #tpu.memory_space<semaphore_mem>>)
    %mul3A_133 = arith.constant 11 : i32
    %mul3A_134 = arith.muli %add3A, %mul3A_133 : i32
    %add3A_135 = arith.constant 6 : i32
    %add3A_136 = arith.addi %mul3A_134, %add3A_135 : i32
    %mul3A_137 = arith.constant 128 : i32
    %mul3A_138 = arith.muli %add3A_136, %mul3A_137 : i32
    %dma_wait3A_139 = arith.constant 6 : i32
    %dma_wait3A_140 = arith.constant 0 : i32
    %dma_wait3A_141 = tpu.memref_slice %arg5[%dma_wait3A_139, %dma_wait3A_140] : memref<11x128xi32, #tpu.memory_space<vmem>> -> memref<1x128xi32, #tpu.memory_space<vmem>>
    %dma_wait3A_142 = tpu.memref_squeeze %dma_wait3A_141 : memref<1x128xi32, #tpu.memory_space<vmem>> -> memref<128xi32, #tpu.memory_space<vmem>>
    %dma_wait3A_143 = arith.constant 0 : i32
    %dma_wait3A_144 = arith.constant 0 : i32
    %dma_wait3A_145 = tpu.memref_slice %arg2[%dma_wait3A_143, %dma_wait3A_144] : memref<1500x128xf32, #tpu.memory_space<hbm>> -> memref<1500x128xf32, #tpu.memory_space<hbm>>
    tpu.wait_indirect_dma semaphore(%arg8 : memref<!tpu.dma_semaphore, #tpu.memory_space<semaphore_mem>>) src(%dma_wait3A_145 : memref<1500x128xf32, #tpu.memory_space<hbm>>) dst(%arg6 : memref<128x128xf32, #tpu.memory_space<vmem>>)
    "tpu.region"() ({
      %run_scoped3A = tpu.sem_alloc : memref<!tpu.dma_semaphore, #tpu.memory_space<semaphore_mem>>
      %dma_start3A_220 = arith.constant 0 : i32
      %dma_start3A_221 = tpu.memref_slice %arg4[%mul3A_138, %dma_start3A_220] : memref<45056x128xf32, #tpu.memory_space<hbm>> -> memref<128x128xf32, #tpu.memory_space<hbm>>
      %dma_start3A_222 = arith.constant 0 : i32
      %dma_start3A_223 = tpu.memref_slice %arg4[%mul3A_138, %dma_start3A_222] : memref<45056x128xf32, #tpu.memory_space<hbm>> -> memref<128x128xf32, #tpu.memory_space<hbm>>
      tpu.enqueue_dma source(%arg6 : memref<128x128xf32, #tpu.memory_space<vmem>>) target(%dma_start3A_223 : memref<128x128xf32, #tpu.memory_space<hbm>>) target_semaphore(%run_scoped3A : memref<!tpu.dma_semaphore, #tpu.memory_space<semaphore_mem>>)
      %dma_wait3A_224 = arith.constant 0 : i32
      %dma_wait3A_225 = tpu.memref_slice %arg4[%mul3A_138, %dma_wait3A_224] : memref<45056x128xf32, #tpu.memory_space<hbm>> -> memref<128x128xf32, #tpu.memory_space<hbm>>
      %dma_wait3A_226 = arith.constant 0 : i32
      %dma_wait3A_227 = tpu.memref_slice %arg4[%mul3A_138, %dma_wait3A_226] : memref<45056x128xf32, #tpu.memory_space<hbm>> -> memref<128x128xf32, #tpu.memory_space<hbm>>
      tpu.wait_dma2 semaphore(%run_scoped3A : memref<!tpu.dma_semaphore, #tpu.memory_space<semaphore_mem>>) src(%arg6 : memref<128x128xf32, #tpu.memory_space<vmem>>) dst(%dma_wait3A_227 : memref<128x128xf32, #tpu.memory_space<hbm>>)
      tpu.yield
    }) : () -> ()
    %dma_start3A_146 = arith.constant 8 : i32
    %dma_start3A_147 = arith.constant 0 : i32
    %dma_start3A_148 = tpu.memref_slice %arg5[%dma_start3A_146, %dma_start3A_147] : memref<11x128xi32, #tpu.memory_space<vmem>> -> memref<1x128xi32, #tpu.memory_space<vmem>>
    %dma_start3A_149 = tpu.memref_squeeze %dma_start3A_148 : memref<1x128xi32, #tpu.memory_space<vmem>> -> memref<128xi32, #tpu.memory_space<vmem>>
    %dma_start3A_150 = arith.constant 0 : i32
    %dma_start3A_151 = arith.constant 0 : i32
    %dma_start3A_152 = tpu.memref_slice %arg2[%dma_start3A_150, %dma_start3A_151] : memref<1500x128xf32, #tpu.memory_space<hbm>> -> memref<1500x128xf32, #tpu.memory_space<hbm>>
    tpu.enqueue_indirect_dma source(%dma_start3A_152 : memref<1500x128xf32, #tpu.memory_space<hbm>>) target(%arg6 : memref<128x128xf32, #tpu.memory_space<vmem>>) offsets(%dma_start3A_149 : memref<128xi32, #tpu.memory_space<vmem>>) semaphore(%arg8 : memref<!tpu.dma_semaphore, #tpu.memory_space<semaphore_mem>>)
    %mul3A_153 = arith.constant 11 : i32
    %mul3A_154 = arith.muli %add3A, %mul3A_153 : i32
    %add3A_155 = arith.constant 7 : i32
    %add3A_156 = arith.addi %mul3A_154, %add3A_155 : i32
    %mul3A_157 = arith.constant 128 : i32
    %mul3A_158 = arith.muli %add3A_156, %mul3A_157 : i32
    %dma_wait3A_159 = arith.constant 7 : i32
    %dma_wait3A_160 = arith.constant 0 : i32
    %dma_wait3A_161 = tpu.memref_slice %arg5[%dma_wait3A_159, %dma_wait3A_160] : memref<11x128xi32, #tpu.memory_space<vmem>> -> memref<1x128xi32, #tpu.memory_space<vmem>>
    %dma_wait3A_162 = tpu.memref_squeeze %dma_wait3A_161 : memref<1x128xi32, #tpu.memory_space<vmem>> -> memref<128xi32, #tpu.memory_space<vmem>>
    %dma_wait3A_163 = arith.constant 0 : i32
    %dma_wait3A_164 = arith.constant 0 : i32
    %dma_wait3A_165 = tpu.memref_slice %arg2[%dma_wait3A_163, %dma_wait3A_164] : memref<1500x128xf32, #tpu.memory_space<hbm>> -> memref<1500x128xf32, #tpu.memory_space<hbm>>
    tpu.wait_indirect_dma semaphore(%arg9 : memref<!tpu.dma_semaphore, #tpu.memory_space<semaphore_mem>>) src(%dma_wait3A_165 : memref<1500x128xf32, #tpu.memory_space<hbm>>) dst(%arg7 : memref<128x128xf32, #tpu.memory_space<vmem>>)
    "tpu.region"() ({
      %run_scoped3A = tpu.sem_alloc : memref<!tpu.dma_semaphore, #tpu.memory_space<semaphore_mem>>
      %dma_start3A_220 = arith.constant 0 : i32
      %dma_start3A_221 = tpu.memref_slice %arg4[%mul3A_158, %dma_start3A_220] : memref<45056x128xf32, #tpu.memory_space<hbm>> -> memref<128x128xf32, #tpu.memory_space<hbm>>
      %dma_start3A_222 = arith.constant 0 : i32
      %dma_start3A_223 = tpu.memref_slice %arg4[%mul3A_158, %dma_start3A_222] : memref<45056x128xf32, #tpu.memory_space<hbm>> -> memref<128x128xf32, #tpu.memory_space<hbm>>
      tpu.enqueue_dma source(%arg7 : memref<128x128xf32, #tpu.memory_space<vmem>>) target(%dma_start3A_223 : memref<128x128xf32, #tpu.memory_space<hbm>>) target_semaphore(%run_scoped3A : memref<!tpu.dma_semaphore, #tpu.memory_space<semaphore_mem>>)
      %dma_wait3A_224 = arith.constant 0 : i32
      %dma_wait3A_225 = tpu.memref_slice %arg4[%mul3A_158, %dma_wait3A_224] : memref<45056x128xf32, #tpu.memory_space<hbm>> -> memref<128x128xf32, #tpu.memory_space<hbm>>
      %dma_wait3A_226 = arith.constant 0 : i32
      %dma_wait3A_227 = tpu.memref_slice %arg4[%mul3A_158, %dma_wait3A_226] : memref<45056x128xf32, #tpu.memory_space<hbm>> -> memref<128x128xf32, #tpu.memory_space<hbm>>
      tpu.wait_dma2 semaphore(%run_scoped3A : memref<!tpu.dma_semaphore, #tpu.memory_space<semaphore_mem>>) src(%arg7 : memref<128x128xf32, #tpu.memory_space<vmem>>) dst(%dma_wait3A_227 : memref<128x128xf32, #tpu.memory_space<hbm>>)
      tpu.yield
    }) : () -> ()
    %dma_start3A_166 = arith.constant 9 : i32
    %dma_start3A_167 = arith.constant 0 : i32
    %dma_start3A_168 = tpu.memref_slice %arg5[%dma_start3A_166, %dma_start3A_167] : memref<11x128xi32, #tpu.memory_space<vmem>> -> memref<1x128xi32, #tpu.memory_space<vmem>>
    %dma_start3A_169 = tpu.memref_squeeze %dma_start3A_168 : memref<1x128xi32, #tpu.memory_space<vmem>> -> memref<128xi32, #tpu.memory_space<vmem>>
    %dma_start3A_170 = arith.constant 0 : i32
    %dma_start3A_171 = arith.constant 0 : i32
    %dma_start3A_172 = tpu.memref_slice %arg2[%dma_start3A_170, %dma_start3A_171] : memref<1500x128xf32, #tpu.memory_space<hbm>> -> memref<1500x128xf32, #tpu.memory_space<hbm>>
    tpu.enqueue_indirect_dma source(%dma_start3A_172 : memref<1500x128xf32, #tpu.memory_space<hbm>>) target(%arg7 : memref<128x128xf32, #tpu.memory_space<vmem>>) offsets(%dma_start3A_169 : memref<128xi32, #tpu.memory_space<vmem>>) semaphore(%arg9 : memref<!tpu.dma_semaphore, #tpu.memory_space<semaphore_mem>>)
    %mul3A_173 = arith.constant 11 : i32
    %mul3A_174 = arith.muli %add3A, %mul3A_173 : i32
    %add3A_175 = arith.constant 8 : i32
    %add3A_176 = arith.addi %mul3A_174, %add3A_175 : i32
    %mul3A_177 = arith.constant 128 : i32
    %mul3A_178 = arith.muli %add3A_176, %mul3A_177 : i32
    %dma_wait3A_179 = arith.constant 8 : i32
    %dma_wait3A_180 = arith.constant 0 : i32
    %dma_wait3A_181 = tpu.memref_slice %arg5[%dma_wait3A_179, %dma_wait3A_180] : memref<11x128xi32, #tpu.memory_space<vmem>> -> memref<1x128xi32, #tpu.memory_space<vmem>>
    %dma_wait3A_182 = tpu.memref_squeeze %dma_wait3A_181 : memref<1x128xi32, #tpu.memory_space<vmem>> -> memref<128xi32, #tpu.memory_space<vmem>>
    %dma_wait3A_183 = arith.constant 0 : i32
    %dma_wait3A_184 = arith.constant 0 : i32
    %dma_wait3A_185 = tpu.memref_slice %arg2[%dma_wait3A_183, %dma_wait3A_184] : memref<1500x128xf32, #tpu.memory_space<hbm>> -> memref<1500x128xf32, #tpu.memory_space<hbm>>
    tpu.wait_indirect_dma semaphore(%arg8 : memref<!tpu.dma_semaphore, #tpu.memory_space<semaphore_mem>>) src(%dma_wait3A_185 : memref<1500x128xf32, #tpu.memory_space<hbm>>) dst(%arg6 : memref<128x128xf32, #tpu.memory_space<vmem>>)
    "tpu.region"() ({
      %run_scoped3A = tpu.sem_alloc : memref<!tpu.dma_semaphore, #tpu.memory_space<semaphore_mem>>
      %dma_start3A_220 = arith.constant 0 : i32
      %dma_start3A_221 = tpu.memref_slice %arg4[%mul3A_178, %dma_start3A_220] : memref<45056x128xf32, #tpu.memory_space<hbm>> -> memref<128x128xf32, #tpu.memory_space<hbm>>
      %dma_start3A_222 = arith.constant 0 : i32
      %dma_start3A_223 = tpu.memref_slice %arg4[%mul3A_178, %dma_start3A_222] : memref<45056x128xf32, #tpu.memory_space<hbm>> -> memref<128x128xf32, #tpu.memory_space<hbm>>
      tpu.enqueue_dma source(%arg6 : memref<128x128xf32, #tpu.memory_space<vmem>>) target(%dma_start3A_223 : memref<128x128xf32, #tpu.memory_space<hbm>>) target_semaphore(%run_scoped3A : memref<!tpu.dma_semaphore, #tpu.memory_space<semaphore_mem>>)
      %dma_wait3A_224 = arith.constant 0 : i32
      %dma_wait3A_225 = tpu.memref_slice %arg4[%mul3A_178, %dma_wait3A_224] : memref<45056x128xf32, #tpu.memory_space<hbm>> -> memref<128x128xf32, #tpu.memory_space<hbm>>
      %dma_wait3A_226 = arith.constant 0 : i32
      %dma_wait3A_227 = tpu.memref_slice %arg4[%mul3A_178, %dma_wait3A_226] : memref<45056x128xf32, #tpu.memory_space<hbm>> -> memref<128x128xf32, #tpu.memory_space<hbm>>
      tpu.wait_dma2 semaphore(%run_scoped3A : memref<!tpu.dma_semaphore, #tpu.memory_space<semaphore_mem>>) src(%arg6 : memref<128x128xf32, #tpu.memory_space<vmem>>) dst(%dma_wait3A_227 : memref<128x128xf32, #tpu.memory_space<hbm>>)
      tpu.yield
    }) : () -> ()
    %dma_start3A_186 = arith.constant 10 : i32
    %dma_start3A_187 = arith.constant 0 : i32
    %dma_start3A_188 = tpu.memref_slice %arg5[%dma_start3A_186, %dma_start3A_187] : memref<11x128xi32, #tpu.memory_space<vmem>> -> memref<1x128xi32, #tpu.memory_space<vmem>>
    %dma_start3A_189 = tpu.memref_squeeze %dma_start3A_188 : memref<1x128xi32, #tpu.memory_space<vmem>> -> memref<128xi32, #tpu.memory_space<vmem>>
    %dma_start3A_190 = arith.constant 0 : i32
    %dma_start3A_191 = arith.constant 0 : i32
    %dma_start3A_192 = tpu.memref_slice %arg2[%dma_start3A_190, %dma_start3A_191] : memref<1500x128xf32, #tpu.memory_space<hbm>> -> memref<1500x128xf32, #tpu.memory_space<hbm>>
    tpu.enqueue_indirect_dma source(%dma_start3A_192 : memref<1500x128xf32, #tpu.memory_space<hbm>>) target(%arg6 : memref<128x128xf32, #tpu.memory_space<vmem>>) offsets(%dma_start3A_189 : memref<128xi32, #tpu.memory_space<vmem>>) semaphore(%arg8 : memref<!tpu.dma_semaphore, #tpu.memory_space<semaphore_mem>>)
    %mul3A_193 = arith.constant 11 : i32
    %mul3A_194 = arith.muli %add3A, %mul3A_193 : i32
    %add3A_195 = arith.constant 9 : i32
    %add3A_196 = arith.addi %mul3A_194, %add3A_195 : i32
    %mul3A_197 = arith.constant 128 : i32
    %mul3A_198 = arith.muli %add3A_196, %mul3A_197 : i32
    %dma_wait3A_199 = arith.constant 9 : i32
    %dma_wait3A_200 = arith.constant 0 : i32
    %dma_wait3A_201 = tpu.memref_slice %arg5[%dma_wait3A_199, %dma_wait3A_200] : memref<11x128xi32, #tpu.memory_space<vmem>> -> memref<1x128xi32, #tpu.memory_space<vmem>>
    %dma_wait3A_202 = tpu.memref_squeeze %dma_wait3A_201 : memref<1x128xi32, #tpu.memory_space<vmem>> -> memref<128xi32, #tpu.memory_space<vmem>>
    %dma_wait3A_203 = arith.constant 0 : i32
    %dma_wait3A_204 = arith.constant 0 : i32
    %dma_wait3A_205 = tpu.memref_slice %arg2[%dma_wait3A_203, %dma_wait3A_204] : memref<1500x128xf32, #tpu.memory_space<hbm>> -> memref<1500x128xf32, #tpu.memory_space<hbm>>
    tpu.wait_indirect_dma semaphore(%arg9 : memref<!tpu.dma_semaphore, #tpu.memory_space<semaphore_mem>>) src(%dma_wait3A_205 : memref<1500x128xf32, #tpu.memory_space<hbm>>) dst(%arg7 : memref<128x128xf32, #tpu.memory_space<vmem>>)
    "tpu.region"() ({
      %run_scoped3A = tpu.sem_alloc : memref<!tpu.dma_semaphore, #tpu.memory_space<semaphore_mem>>
      %dma_start3A_220 = arith.constant 0 : i32
      %dma_start3A_221 = tpu.memref_slice %arg4[%mul3A_198, %dma_start3A_220] : memref<45056x128xf32, #tpu.memory_space<hbm>> -> memref<128x128xf32, #tpu.memory_space<hbm>>
      %dma_start3A_222 = arith.constant 0 : i32
      %dma_start3A_223 = tpu.memref_slice %arg4[%mul3A_198, %dma_start3A_222] : memref<45056x128xf32, #tpu.memory_space<hbm>> -> memref<128x128xf32, #tpu.memory_space<hbm>>
      tpu.enqueue_dma source(%arg7 : memref<128x128xf32, #tpu.memory_space<vmem>>) target(%dma_start3A_223 : memref<128x128xf32, #tpu.memory_space<hbm>>) target_semaphore(%run_scoped3A : memref<!tpu.dma_semaphore, #tpu.memory_space<semaphore_mem>>)
      %dma_wait3A_224 = arith.constant 0 : i32
      %dma_wait3A_225 = tpu.memref_slice %arg4[%mul3A_198, %dma_wait3A_224] : memref<45056x128xf32, #tpu.memory_space<hbm>> -> memref<128x128xf32, #tpu.memory_space<hbm>>
      %dma_wait3A_226 = arith.constant 0 : i32
      %dma_wait3A_227 = tpu.memref_slice %arg4[%mul3A_198, %dma_wait3A_226] : memref<45056x128xf32, #tpu.memory_space<hbm>> -> memref<128x128xf32, #tpu.memory_space<hbm>>
      tpu.wait_dma2 semaphore(%run_scoped3A : memref<!tpu.dma_semaphore, #tpu.memory_space<semaphore_mem>>) src(%arg7 : memref<128x128xf32, #tpu.memory_space<vmem>>) dst(%dma_wait3A_227 : memref<128x128xf32, #tpu.memory_space<hbm>>)
      tpu.yield
    }) : () -> ()
    %mul3A_206 = arith.constant 11 : i32
    %mul3A_207 = arith.muli %add3A, %mul3A_206 : i32
    %add3A_208 = arith.constant 11 : i32
    %add3A_209 = arith.addi %mul3A_207, %add3A_208 : i32
    %sub3A = arith.constant 1 : i32
    %sub3A_210 = arith.subi %add3A_209, %sub3A : i32
    %mul3A_211 = arith.constant 128 : i32
    %mul3A_212 = arith.muli %sub3A_210, %mul3A_211 : i32
    %dma_wait3A_213 = arith.constant 10 : i32
    %dma_wait3A_214 = arith.constant 0 : i32
    %dma_wait3A_215 = tpu.memref_slice %arg5[%dma_wait3A_213, %dma_wait3A_214] : memref<11x128xi32, #tpu.memory_space<vmem>> -> memref<1x128xi32, #tpu.memory_space<vmem>>
    %dma_wait3A_216 = tpu.memref_squeeze %dma_wait3A_215 : memref<1x128xi32, #tpu.memory_space<vmem>> -> memref<128xi32, #tpu.memory_space<vmem>>
    %dma_wait3A_217 = arith.constant 0 : i32
    %dma_wait3A_218 = arith.constant 0 : i32
    %dma_wait3A_219 = tpu.memref_slice %arg2[%dma_wait3A_217, %dma_wait3A_218] : memref<1500x128xf32, #tpu.memory_space<hbm>> -> memref<1500x128xf32, #tpu.memory_space<hbm>>
    tpu.wait_indirect_dma semaphore(%arg8 : memref<!tpu.dma_semaphore, #tpu.memory_space<semaphore_mem>>) src(%dma_wait3A_219 : memref<1500x128xf32, #tpu.memory_space<hbm>>) dst(%arg6 : memref<128x128xf32, #tpu.memory_space<vmem>>)
    "tpu.region"() ({
      %run_scoped3A = tpu.sem_alloc : memref<!tpu.dma_semaphore, #tpu.memory_space<semaphore_mem>>
      %dma_start3A_220 = arith.constant 0 : i32
      %dma_start3A_221 = tpu.memref_slice %arg4[%mul3A_212, %dma_start3A_220] : memref<45056x128xf32, #tpu.memory_space<hbm>> -> memref<128x128xf32, #tpu.memory_space<hbm>>
      %dma_start3A_222 = arith.constant 0 : i32
      %dma_start3A_223 = tpu.memref_slice %arg4[%mul3A_212, %dma_start3A_222] : memref<45056x128xf32, #tpu.memory_space<hbm>> -> memref<128x128xf32, #tpu.memory_space<hbm>>
      tpu.enqueue_dma source(%arg6 : memref<128x128xf32, #tpu.memory_space<vmem>>) target(%dma_start3A_223 : memref<128x128xf32, #tpu.memory_space<hbm>>) target_semaphore(%run_scoped3A : memref<!tpu.dma_semaphore, #tpu.memory_space<semaphore_mem>>)
      %dma_wait3A_224 = arith.constant 0 : i32
      %dma_wait3A_225 = tpu.memref_slice %arg4[%mul3A_212, %dma_wait3A_224] : memref<45056x128xf32, #tpu.memory_space<hbm>> -> memref<128x128xf32, #tpu.memory_space<hbm>>
      %dma_wait3A_226 = arith.constant 0 : i32
      %dma_wait3A_227 = tpu.memref_slice %arg4[%mul3A_212, %dma_wait3A_226] : memref<45056x128xf32, #tpu.memory_space<hbm>> -> memref<128x128xf32, #tpu.memory_space<hbm>>
      tpu.wait_dma2 semaphore(%run_scoped3A : memref<!tpu.dma_semaphore, #tpu.memory_space<semaphore_mem>>) src(%arg6 : memref<128x128xf32, #tpu.memory_space<vmem>>) dst(%dma_wait3A_227 : memref<128x128xf32, #tpu.memory_space<hbm>>)
      tpu.yield
    }) : () -> ()
    return
  }
}

module attributes {stable_mosaic.version = 14 : i64} {
  func.func @_prep_body(%arg0: memref<1500x128xf32, #tpu.memory_space<vmem>>, %arg1: memref<128x128xf32, #tpu.memory_space<vmem>>, %arg2: memref<1x128xf32, #tpu.memory_space<vmem>>, %arg3: memref<128x512xf32, #tpu.memory_space<vmem>>, %arg4: memref<1x512xf32, #tpu.memory_space<vmem>>, %arg5: memref<1500x128xf32, #tpu.memory_space<vmem>>, %arg6: memref<1500x256xf32, #tpu.memory_space<vmem>>, %arg7: memref<1500x128xf32, #tpu.memory_space<vmem>>, %arg8: memref<1500x128xf32, #tpu.memory_space<vmem>>) attributes {dimension_semantics = [], scalar_prefetch = 0 : i64, scratch_operands = 0 : i64, tpu.core_type = #tpu.core_type<tc>} {
    %get3A = arith.constant 0 : index
    %get3A_0 = arith.constant 0 : index
    %get3A_1 = vector.load %arg0[%get3A, %get3A_0] : memref<1500x128xf32, #tpu.memory_space<vmem>>, vector<1500x128xf32>
    %get3A_2 = arith.constant 0 : index
    %get3A_3 = arith.constant 0 : index
    %get3A_4 = vector.load %arg1[%get3A_2, %get3A_3] : memref<128x128xf32, #tpu.memory_space<vmem>>, vector<128x128xf32>
    %dot_general3A = arith.constant dense<0.000000e+00> : vector<1500x128xf32>
    %dot_general3A_5 = tpu.matmul %get3A_1, %get3A_4, %dot_general3A {dimension_numbers = #tpu.dot_dimension_numbers<[1], [0], [0], [1], [0, 0, 1, 1], [], []>, transpose_lhs_hint = false} : vector<1500x128xf32>, vector<128x128xf32>, vector<1500x128xf32> -> vector<1500x128xf32>
    %get3A_6 = arith.constant 0 : index
    %get3A_7 = arith.constant 0 : index
    %get3A_8 = vector.load %arg2[%get3A_6, %get3A_7] : memref<1x128xf32, #tpu.memory_space<vmem>>, vector<1x128xf32>
    %add3A = vector.broadcast %get3A_8 : vector<1x128xf32> to vector<1500x128xf32>
    %add3A_9 = arith.addf %dot_general3A_5, %add3A : vector<1500x128xf32>
    %swap3A = arith.constant 0 : index
    %swap3A_10 = arith.constant 0 : index
    %swap3A_11 = vector.load %arg5[%swap3A, %swap3A_10] : memref<1500x128xf32, #tpu.memory_space<vmem>>, vector<1500x128xf32>
    tpu.vector_store %arg5[%swap3A, %swap3A_10], %add3A_9 {strides = array<i32>} : memref<1500x128xf32, #tpu.memory_space<vmem>>, vector<1500x128xf32>,
    %get3A_12 = arith.constant 0 : index
    %get3A_13 = arith.constant 0 : index
    %get3A_14 = vector.load %arg3[%get3A_12, %get3A_13] : memref<128x512xf32, #tpu.memory_space<vmem>>, vector<128x512xf32>
    %dot_general3A_15 = arith.constant dense<0.000000e+00> : vector<1500x512xf32>
    %dot_general3A_16 = tpu.matmul %add3A_9, %get3A_14, %dot_general3A_15 {dimension_numbers = #tpu.dot_dimension_numbers<[1], [0], [0], [1], [0, 0, 1, 1], [], []>, transpose_lhs_hint = false} : vector<1500x128xf32>, vector<128x512xf32>, vector<1500x512xf32> -> vector<1500x512xf32>
    %get3A_17 = arith.constant 0 : index
    %get3A_18 = arith.constant 0 : index
    %get3A_19 = vector.load %arg4[%get3A_17, %get3A_18] : memref<1x512xf32, #tpu.memory_space<vmem>>, vector<1x512xf32>
    %add3A_20 = vector.broadcast %get3A_19 : vector<1x512xf32> to vector<1500x512xf32>
    %add3A_21 = arith.addf %dot_general3A_16, %add3A_20 : vector<1500x512xf32>
    %slice3A = vector.extract_strided_slice %add3A_21 {offsets = [0, 0], sizes = [1500, 256], strides = [1, 1]} : vector<1500x512xf32> to vector<1500x256xf32>
    %swap3A_22 = arith.constant 0 : index
    %swap3A_23 = arith.constant 0 : index
    %swap3A_24 = vector.load %arg6[%swap3A_22, %swap3A_23] : memref<1500x256xf32, #tpu.memory_space<vmem>>, vector<1500x256xf32>
    tpu.vector_store %arg6[%swap3A_22, %swap3A_23], %slice3A {strides = array<i32>} : memref<1500x256xf32, #tpu.memory_space<vmem>>, vector<1500x256xf32>,
    %slice3A_25 = vector.extract_strided_slice %add3A_21 {offsets = [0, 256], sizes = [1500, 128], strides = [1, 1]} : vector<1500x512xf32> to vector<1500x128xf32>
    %swap3A_26 = arith.constant 0 : index
    %swap3A_27 = arith.constant 0 : index
    %swap3A_28 = vector.load %arg7[%swap3A_26, %swap3A_27] : memref<1500x128xf32, #tpu.memory_space<vmem>>, vector<1500x128xf32>
    tpu.vector_store %arg7[%swap3A_26, %swap3A_27], %slice3A_25 {strides = array<i32>} : memref<1500x128xf32, #tpu.memory_space<vmem>>, vector<1500x128xf32>,
    %slice3A_29 = vector.extract_strided_slice %add3A_21 {offsets = [0, 384], sizes = [1500, 128], strides = [1, 1]} : vector<1500x512xf32> to vector<1500x128xf32>
    %swap3A_30 = arith.constant 0 : index
    %swap3A_31 = arith.constant 0 : index
    %swap3A_32 = vector.load %arg8[%swap3A_30, %swap3A_31] : memref<1500x128xf32, #tpu.memory_space<vmem>>, vector<1500x128xf32>
    tpu.vector_store %arg8[%swap3A_30, %swap3A_31], %slice3A_29 {strides = array<i32>} : memref<1500x128xf32, #tpu.memory_space<vmem>>, vector<1500x128xf32>,
    return
  }
}

module attributes {stable_mosaic.version = 14 : i64} {
  func.func @_big_body_first(%arg0: i32, %arg1: memref<100x30x128xf32, #tpu.memory_space<vmem>>, %arg2: memref<3000x128xf32, #tpu.memory_space<vmem>>, %arg3: memref<3000x128xf32, #tpu.memory_space<vmem>>, %arg4: memref<1x100x256xf32, #tpu.memory_space<vmem>>, %arg5: memref<3000x100xf32, #tpu.memory_space<vmem>>, %arg6: memref<128x128xf32, #tpu.memory_space<vmem>>, %arg7: memref<128x128xf32, #tpu.memory_space<vmem>>, %arg8: memref<128x128xf32, #tpu.memory_space<vmem>>, %arg9: memref<128x128xf32, #tpu.memory_space<vmem>>, %arg10: memref<128x128xf32, #tpu.memory_space<vmem>>, %arg11: memref<128x128xf32, #tpu.memory_space<vmem>>, %arg12: memref<128x128xf32, #tpu.memory_space<vmem>>, %arg13: memref<8x128xf32, #tpu.memory_space<vmem>>, %arg14: memref<3000x128xf32, #tpu.memory_space<vmem>>, %arg15: memref<1x100x128xf32, #tpu.memory_space<vmem>>) attributes {dimension_semantics = [#tpu.dimension_semantics<arbitrary>], iteration_bounds = array<i64: 15>, scalar_prefetch = 0 : i64, scratch_operands = 0 : i64, tpu.core_type = #tpu.core_type<tc>, window_params = [{transform_indices = @transform_0, window_bounds = array<i64: 100, 30, 128>}, {transform_indices = @transform_1, window_bounds = array<i64: 3000, 128>}, {transform_indices = @transform_2, window_bounds = array<i64: 3000, 128>}, {transform_indices = @transform_3, window_bounds = array<i64: 1, 100, 256>}, {pipeline_mode = #tpu.pipeline_mode<synchronous>, transform_indices = @transform_4, window_bounds = array<i64: 3000, 100>}, {pipeline_mode = #tpu.pipeline_mode<synchronous>, transform_indices = @transform_5, window_bounds = array<i64: 128, 128>}, {pipeline_mode = #tpu.pipeline_mode<synchronous>, transform_indices = @transform_6, window_bounds = array<i64: 128, 128>}, {pipeline_mode = #tpu.pipeline_mode<synchronous>, transform_indices = @transform_7, window_bounds = array<i64: 128, 128>}, {pipeline_mode = #tpu.pipeline_mode<synchronous>, transform_indices = @transform_8, window_bounds = array<i64: 128, 128>}, {pipeline_mode = #tpu.pipeline_mode<synchronous>, transform_indices = @transform_9, window_bounds = array<i64: 128, 128>}, {pipeline_mode = #tpu.pipeline_mode<synchronous>, transform_indices = @transform_10, window_bounds = array<i64: 128, 128>}, {pipeline_mode = #tpu.pipeline_mode<synchronous>, transform_indices = @transform_11, window_bounds = array<i64: 128, 128>}, {pipeline_mode = #tpu.pipeline_mode<synchronous>, transform_indices = @transform_12, window_bounds = array<i64: 8, 128>}, {transform_indices = @transform_13, window_bounds = array<i64: 3000, 128>}, {transform_indices = @transform_14, window_bounds = array<i64: 1, 100, 128>}]} {
    %get3A = arith.constant 0 : index
    %get3A_0 = arith.constant 0 : index
    %get3A_1 = vector.load %arg13[%get3A, %get3A_0] : memref<8x128xf32, #tpu.memory_space<vmem>>, vector<8x128xf32>
    %get3A_2 = arith.constant 0 : index
    %get3A_3 = arith.constant 0 : index
    %get3A_4 = arith.constant 0 : index
    %get3A_5 = vector.load %arg1[%get3A_2, %get3A_3, %get3A_4] : memref<100x30x128xf32, #tpu.memory_space<vmem>>, vector<100x30x128xf32>
    %reshape3A = vector.shape_cast %get3A_5 : vector<100x30x128xf32> to vector<3000x128xf32>
    %get3A_6 = arith.constant 0 : index
    %get3A_7 = arith.constant 0 : index
    %get3A_8 = vector.load %arg6[%get3A_6, %get3A_7] : memref<128x128xf32, #tpu.memory_space<vmem>>, vector<128x128xf32>
    %dot_general3A = arith.constant dense<0.000000e+00> : vector<3000x128xf32>
    %dot_general3A_9 = tpu.matmul %reshape3A, %get3A_8, %dot_general3A {dimension_numbers = #tpu.dot_dimension_numbers<[1], [0], [0], [1], [0, 0, 1, 1], [], []>, transpose_lhs_hint = false} : vector<3000x128xf32>, vector<128x128xf32>, vector<3000x128xf32> -> vector<3000x128xf32>
    %slice3A = vector.extract_strided_slice %get3A_1 {offsets = [0, 0], sizes = [1, 128], strides = [1, 1]} : vector<8x128xf32> to vector<1x128xf32>
    %add3A = vector.broadcast %slice3A : vector<1x128xf32> to vector<3000x128xf32>
    %add3A_10 = arith.addf %dot_general3A_9, %add3A : vector<3000x128xf32>
    %get3A_11 = arith.constant 0 : index
    %get3A_12 = arith.constant 0 : index
    %get3A_13 = vector.load %arg5[%get3A_11, %get3A_12] : memref<3000x100xf32, #tpu.memory_space<vmem>>, vector<3000x100xf32>
    %get3A_14 = arith.constant 0 : index
    %get3A_15 = arith.constant 0 : index
    %get3A_16 = arith.constant 0 : index
    %get3A_17 = vector.load %arg4[%get3A_14, %get3A_15, %get3A_16] : memref<1x100x256xf32, #tpu.memory_space<vmem>>, vector<1x100x256xf32>
    %get3A_18 = vector.shape_cast %get3A_17 : vector<1x100x256xf32> to vector<100x256xf32>
    %get3A_19 = arith.constant 0 : index
    %get3A_20 = arith.constant 0 : index
    %get3A_21 = vector.load %arg2[%get3A_19, %get3A_20] : memref<3000x128xf32, #tpu.memory_space<vmem>>, vector<3000x128xf32>
    %slice3A_22 = vector.extract_strided_slice %get3A_18 {offsets = [0, 0], sizes = [100, 128], strides = [1, 1]} : vector<100x256xf32> to vector<100x128xf32>
    %get3A_23 = arith.constant 0 : index
    %get3A_24 = arith.constant 0 : index
    %get3A_25 = vector.load %arg7[%get3A_23, %get3A_24] : memref<128x128xf32, #tpu.memory_space<vmem>>, vector<128x128xf32>
    %get3A_26 = arith.constant 0 : index
    %get3A_27 = arith.constant 0 : index
    %get3A_28 = vector.load %arg8[%get3A_26, %get3A_27] : memref<128x128xf32, #tpu.memory_space<vmem>>, vector<128x128xf32>
    %get3A_29 = arith.constant 0 : index
    %get3A_30 = arith.constant 0 : index
    %get3A_31 = vector.load %arg9[%get3A_29, %get3A_30] : memref<128x128xf32, #tpu.memory_space<vmem>>, vector<128x128xf32>
    %dot_general3A_32 = arith.constant dense<0.000000e+00> : vector<3000x128xf32>
    %dot_general3A_33 = tpu.matmul %add3A_10, %get3A_25, %dot_general3A_32 {dimension_numbers = #tpu.dot_dimension_numbers<[1], [0], [0], [1], [0, 0, 1, 1], [], []>, transpose_lhs_hint = false} : vector<3000x128xf32>, vector<128x128xf32>, vector<3000x128xf32> -> vector<3000x128xf32>
    %dot_general3A_34 = arith.constant dense<0.000000e+00> : vector<3000x128xf32>
    %dot_general3A_35 = tpu.matmul %get3A_13, %slice3A_22, %dot_general3A_34 {dimension_numbers = #tpu.dot_dimension_numbers<[1], [0], [0], [1], [0, 0, 1, 1], [], []>, transpose_lhs_hint = false} : vector<3000x100xf32>, vector<100x128xf32>, vector<3000x128xf32> -> vector<3000x128xf32>
    %add3A_36 = arith.addf %dot_general3A_33, %dot_general3A_35 : vector<3000x128xf32>
    %add3A_37 = arith.addf %add3A_36, %get3A_21 : vector<3000x128xf32>
    %integer_pow3A = arith.mulf %add3A_37, %add3A_37 : vector<3000x128xf32>
    %integer_pow3A_38 = arith.mulf %add3A_37, %integer_pow3A : vector<3000x128xf32>
    %mul3A = arith.constant 4.471500e-02 : f32
    %mul3A_39 = vector.broadcast %mul3A : f32 to vector<3000x128xf32>
    %mul3A_40 = arith.mulf %mul3A_39, %integer_pow3A_38 : vector<3000x128xf32>
    %add3A_41 = arith.addf %add3A_37, %mul3A_40 : vector<3000x128xf32>
    %mul3A_42 = arith.constant 0.797884583 : f32
    %mul3A_43 = vector.broadcast %mul3A_42 : f32 to vector<3000x128xf32>
    %mul3A_44 = arith.mulf %mul3A_43, %add3A_41 : vector<3000x128xf32>
    %tanh3A = math.tanh %mul3A_44 : vector<3000x128xf32>
    %add3A_45 = arith.constant 1.000000e+00 : f32
    %add3A_46 = vector.broadcast %add3A_45 : f32 to vector<3000x128xf32>
    %add3A_47 = arith.addf %add3A_46, %tanh3A : vector<3000x128xf32>
    %mul3A_48 = arith.constant 5.000000e-01 : f32
    %mul3A_49 = vector.broadcast %mul3A_48 : f32 to vector<3000x128xf32>
    %mul3A_50 = arith.mulf %mul3A_49, %add3A_47 : vector<3000x128xf32>
    %mul3A_51 = arith.mulf %add3A_37, %mul3A_50 : vector<3000x128xf32>
    %dot_general3A_52 = arith.constant dense<0.000000e+00> : vector<3000x128xf32>
    %dot_general3A_53 = tpu.matmul %mul3A_51, %get3A_28, %dot_general3A_52 {dimension_numbers = #tpu.dot_dimension_numbers<[1], [0], [0], [1], [0, 0, 1, 1], [], []>, transpose_lhs_hint = false} : vector<3000x128xf32>, vector<128x128xf32>, vector<3000x128xf32> -> vector<3000x128xf32>
    %slice3A_54 = vector.extract_strided_slice %get3A_1 {offsets = [1, 0], sizes = [1, 128], strides = [1, 1]} : vector<8x128xf32> to vector<1x128xf32>
    %add3A_55 = vector.broadcast %slice3A_54 : vector<1x128xf32> to vector<3000x128xf32>
    %add3A_56 = arith.addf %dot_general3A_53, %add3A_55 : vector<3000x128xf32>
    %integer_pow3A_57 = arith.mulf %add3A_56, %add3A_56 : vector<3000x128xf32>
    %integer_pow3A_58 = arith.mulf %add3A_56, %integer_pow3A_57 : vector<3000x128xf32>
    %mul3A_59 = arith.constant 4.471500e-02 : f32
    %mul3A_60 = vector.broadcast %mul3A_59 : f32 to vector<3000x128xf32>
    %mul3A_61 = arith.mulf %mul3A_60, %integer_pow3A_58 : vector<3000x128xf32>
    %add3A_62 = arith.addf %add3A_56, %mul3A_61 : vector<3000x128xf32>
    %mul3A_63 = arith.constant 0.797884583 : f32
    %mul3A_64 = vector.broadcast %mul3A_63 : f32 to vector<3000x128xf32>
    %mul3A_65 = arith.mulf %mul3A_64, %add3A_62 : vector<3000x128xf32>
    %tanh3A_66 = math.tanh %mul3A_65 : vector<3000x128xf32>
    %add3A_67 = arith.constant 1.000000e+00 : f32
    %add3A_68 = vector.broadcast %add3A_67 : f32 to vector<3000x128xf32>
    %add3A_69 = arith.addf %add3A_68, %tanh3A_66 : vector<3000x128xf32>
    %mul3A_70 = arith.constant 5.000000e-01 : f32
    %mul3A_71 = vector.broadcast %mul3A_70 : f32 to vector<3000x128xf32>
    %mul3A_72 = arith.mulf %mul3A_71, %add3A_69 : vector<3000x128xf32>
    %mul3A_73 = arith.mulf %add3A_56, %mul3A_72 : vector<3000x128xf32>
    %dot_general3A_74 = arith.constant dense<0.000000e+00> : vector<3000x128xf32>
    %dot_general3A_75 = tpu.matmul %mul3A_73, %get3A_31, %dot_general3A_74 {dimension_numbers = #tpu.dot_dimension_numbers<[1], [0], [0], [1], [0, 0, 1, 1], [], []>, transpose_lhs_hint = false} : vector<3000x128xf32>, vector<128x128xf32>, vector<3000x128xf32> -> vector<3000x128xf32>
    %slice3A_76 = vector.extract_strided_slice %get3A_1 {offsets = [2, 0], sizes = [1, 128], strides = [1, 1]} : vector<8x128xf32> to vector<1x128xf32>
    %add3A_77 = vector.broadcast %slice3A_76 : vector<1x128xf32> to vector<3000x128xf32>
    %add3A_78 = arith.addf %dot_general3A_75, %add3A_77 : vector<3000x128xf32>
    %add3A_79 = arith.addf %add3A_10, %add3A_78 : vector<3000x128xf32>
    %slice3A_80 = vector.extract_strided_slice %get3A_1 {offsets = [3, 0], sizes = [1, 128], strides = [1, 1]} : vector<8x128xf32> to vector<1x128xf32>
    %slice3A_81 = vector.extract_strided_slice %get3A_1 {offsets = [4, 0], sizes = [1, 128], strides = [1, 1]} : vector<8x128xf32> to vector<1x128xf32>
    %reduce_sum3A = arith.constant dense<0.000000e+00> : vector<3000xf32>
    %reduce_sum3A_82 = vector.multi_reduction <add>, %add3A_79, %reduce_sum3A [1] : vector<3000x128xf32> to vector<3000xf32>
    %broadcast_in_dim3A = vector.shape_cast %reduce_sum3A_82 : vector<3000xf32> to vector<3000x1xf32>
    %div3A = arith.constant 1.280000e+02 : f32
    %div3A_83 = vector.broadcast %div3A : f32 to vector<3000x1xf32>
    %div3A_84 = arith.divf %broadcast_in_dim3A, %div3A_83 : vector<3000x1xf32>
    %sub3A = vector.broadcast %div3A_84 : vector<3000x1xf32> to vector<3000x128xf32>
    %sub3A_85 = arith.subf %add3A_79, %sub3A : vector<3000x128xf32>
    %mul3A_86 = arith.mulf %sub3A_85, %sub3A_85 : vector<3000x128xf32>
    %reduce_sum3A_87 = arith.constant dense<0.000000e+00> : vector<3000xf32>
    %reduce_sum3A_88 = vector.multi_reduction <add>, %mul3A_86, %reduce_sum3A_87 [1] : vector<3000x128xf32> to vector<3000xf32>
    %broadcast_in_dim3A_89 = vector.shape_cast %reduce_sum3A_88 : vector<3000xf32> to vector<3000x1xf32>
    %div3A_90 = arith.constant 1.280000e+02 : f32
    %div3A_91 = vector.broadcast %div3A_90 : f32 to vector<3000x1xf32>
    %div3A_92 = arith.divf %broadcast_in_dim3A_89, %div3A_91 : vector<3000x1xf32>
    %add3A_93 = arith.constant 9.99999974E-6 : f32
    %add3A_94 = vector.broadcast %add3A_93 : f32 to vector<3000x1xf32>
    %add3A_95 = arith.addf %div3A_92, %add3A_94 : vector<3000x1xf32>
    %rsqrt3A = math.rsqrt %add3A_95 : vector<3000x1xf32>
    %mul3A_96 = vector.broadcast %rsqrt3A : vector<3000x1xf32> to vector<3000x128xf32>
    %mul3A_97 = arith.mulf %sub3A_85, %mul3A_96 : vector<3000x128xf32>
    %mul3A_98 = vector.broadcast %slice3A_80 : vector<1x128xf32> to vector<3000x128xf32>
    %mul3A_99 = arith.mulf %mul3A_97, %mul3A_98 : vector<3000x128xf32>
    %add3A_100 = vector.broadcast %slice3A_81 : vector<1x128xf32> to vector<3000x128xf32>
    %add3A_101 = arith.addf %mul3A_99, %add3A_100 : vector<3000x128xf32>
    %swap3A = arith.constant 0 : index
    %swap3A_102 = arith.constant 0 : index
    %swap3A_103 = vector.load %arg14[%swap3A, %swap3A_102] : memref<3000x128xf32, #tpu.memory_space<vmem>>, vector<3000x128xf32>
    tpu.vector_store %arg14[%swap3A, %swap3A_102], %add3A_101 {strides = array<i32>} : memref<3000x128xf32, #tpu.memory_space<vmem>>, vector<3000x128xf32>,
    %get3A_104 = arith.constant 0 : index
    %get3A_105 = arith.constant 0 : index
    %get3A_106 = vector.load %arg3[%get3A_104, %get3A_105] : memref<3000x128xf32, #tpu.memory_space<vmem>>, vector<3000x128xf32>
    %slice3A_107 = vector.extract_strided_slice %get3A_18 {offsets = [0, 128], sizes = [100, 128], strides = [1, 1]} : vector<100x256xf32> to vector<100x128xf32>
    %get3A_108 = arith.constant 0 : index
    %get3A_109 = arith.constant 0 : index
    %get3A_110 = vector.load %arg10[%get3A_108, %get3A_109] : memref<128x128xf32, #tpu.memory_space<vmem>>, vector<128x128xf32>
    %get3A_111 = arith.constant 0 : index
    %get3A_112 = arith.constant 0 : index
    %get3A_113 = vector.load %arg11[%get3A_111, %get3A_112] : memref<128x128xf32, #tpu.memory_space<vmem>>, vector<128x128xf32>
    %get3A_114 = arith.constant 0 : index
    %get3A_115 = arith.constant 0 : index
    %get3A_116 = vector.load %arg12[%get3A_114, %get3A_115] : memref<128x128xf32, #tpu.memory_space<vmem>>, vector<128x128xf32>
    %dot_general3A_117 = arith.constant dense<0.000000e+00> : vector<3000x128xf32>
    %dot_general3A_118 = tpu.matmul %add3A_101, %get3A_110, %dot_general3A_117 {dimension_numbers = #tpu.dot_dimension_numbers<[1], [0], [0], [1], [0, 0, 1, 1], [], []>, transpose_lhs_hint = false} : vector<3000x128xf32>, vector<128x128xf32>, vector<3000x128xf32> -> vector<3000x128xf32>
    %dot_general3A_119 = arith.constant dense<0.000000e+00> : vector<3000x128xf32>
    %dot_general3A_120 = tpu.matmul %get3A_13, %slice3A_107, %dot_general3A_119 {dimension_numbers = #tpu.dot_dimension_numbers<[1], [0], [0], [1], [0, 0, 1, 1], [], []>, transpose_lhs_hint = false} : vector<3000x100xf32>, vector<100x128xf32>, vector<3000x128xf32> -> vector<3000x128xf32>
    %add3A_121 = arith.addf %dot_general3A_118, %dot_general3A_120 : vector<3000x128xf32>
    %add3A_122 = arith.addf %add3A_121, %get3A_106 : vector<3000x128xf32>
    %integer_pow3A_123 = arith.mulf %add3A_122, %add3A_122 : vector<3000x128xf32>
    %integer_pow3A_124 = arith.mulf %add3A_122, %integer_pow3A_123 : vector<3000x128xf32>
    %mul3A_125 = arith.constant 4.471500e-02 : f32
    %mul3A_126 = vector.broadcast %mul3A_125 : f32 to vector<3000x128xf32>
    %mul3A_127 = arith.mulf %mul3A_126, %integer_pow3A_124 : vector<3000x128xf32>
    %add3A_128 = arith.addf %add3A_122, %mul3A_127 : vector<3000x128xf32>
    %mul3A_129 = arith.constant 0.797884583 : f32
    %mul3A_130 = vector.broadcast %mul3A_129 : f32 to vector<3000x128xf32>
    %mul3A_131 = arith.mulf %mul3A_130, %add3A_128 : vector<3000x128xf32>
    %tanh3A_132 = math.tanh %mul3A_131 : vector<3000x128xf32>
    %add3A_133 = arith.constant 1.000000e+00 : f32
    %add3A_134 = vector.broadcast %add3A_133 : f32 to vector<3000x128xf32>
    %add3A_135 = arith.addf %add3A_134, %tanh3A_132 : vector<3000x128xf32>
    %mul3A_136 = arith.constant 5.000000e-01 : f32
    %mul3A_137 = vector.broadcast %mul3A_136 : f32 to vector<3000x128xf32>
    %mul3A_138 = arith.mulf %mul3A_137, %add3A_135 : vector<3000x128xf32>
    %mul3A_139 = arith.mulf %add3A_122, %mul3A_138 : vector<3000x128xf32>
    %dot_general3A_140 = arith.constant dense<0.000000e+00> : vector<3000x128xf32>
    %dot_general3A_141 = tpu.matmul %mul3A_139, %get3A_113, %dot_general3A_140 {dimension_numbers = #tpu.dot_dimension_numbers<[1], [0], [0], [1], [0, 0, 1, 1], [], []>, transpose_lhs_hint = false} : vector<3000x128xf32>, vector<128x128xf32>, vector<3000x128xf32> -> vector<3000x128xf32>
    %slice3A_142 = vector.extract_strided_slice %get3A_1 {offsets = [5, 0], sizes = [1, 128], strides = [1, 1]} : vector<8x128xf32> to vector<1x128xf32>
    %add3A_143 = vector.broadcast %slice3A_142 : vector<1x128xf32> to vector<3000x128xf32>
    %add3A_144 = arith.addf %dot_general3A_141, %add3A_143 : vector<3000x128xf32>
    %integer_pow3A_145 = arith.mulf %add3A_144, %add3A_144 : vector<3000x128xf32>
    %integer_pow3A_146 = arith.mulf %add3A_144, %integer_pow3A_145 : vector<3000x128xf32>
    %mul3A_147 = arith.constant 4.471500e-02 : f32
    %mul3A_148 = vector.broadcast %mul3A_147 : f32 to vector<3000x128xf32>
    %mul3A_149 = arith.mulf %mul3A_148, %integer_pow3A_146 : vector<3000x128xf32>
    %add3A_150 = arith.addf %add3A_144, %mul3A_149 : vector<3000x128xf32>
    %mul3A_151 = arith.constant 0.797884583 : f32
    %mul3A_152 = vector.broadcast %mul3A_151 : f32 to vector<3000x128xf32>
    %mul3A_153 = arith.mulf %mul3A_152, %add3A_150 : vector<3000x128xf32>
    %tanh3A_154 = math.tanh %mul3A_153 : vector<3000x128xf32>
    %add3A_155 = arith.constant 1.000000e+00 : f32
    %add3A_156 = vector.broadcast %add3A_155 : f32 to vector<3000x128xf32>
    %add3A_157 = arith.addf %add3A_156, %tanh3A_154 : vector<3000x128xf32>
    %mul3A_158 = arith.constant 5.000000e-01 : f32
    %mul3A_159 = vector.broadcast %mul3A_158 : f32 to vector<3000x128xf32>
    %mul3A_160 = arith.mulf %mul3A_159, %add3A_157 : vector<3000x128xf32>
    %mul3A_161 = arith.mulf %add3A_144, %mul3A_160 : vector<3000x128xf32>
    %dot_general3A_162 = arith.constant dense<0.000000e+00> : vector<3000x128xf32>
    %dot_general3A_163 = tpu.matmul %mul3A_161, %get3A_116, %dot_general3A_162 {dimension_numbers = #tpu.dot_dimension_numbers<[1], [0], [0], [1], [0, 0, 1, 1], [], []>, transpose_lhs_hint = false} : vector<3000x128xf32>, vector<128x128xf32>, vector<3000x128xf32> -> vector<3000x128xf32>
    %slice3A_164 = vector.extract_strided_slice %get3A_1 {offsets = [6, 0], sizes = [1, 128], strides = [1, 1]} : vector<8x128xf32> to vector<1x128xf32>
    %add3A_165 = vector.broadcast %slice3A_164 : vector<1x128xf32> to vector<3000x128xf32>
    %add3A_166 = arith.addf %dot_general3A_163, %add3A_165 : vector<3000x128xf32>
    %dot_general3A_167 = arith.constant dense<0.000000e+00> : vector<100x128xf32>
    %dot_general3A_168 = tpu.matmul %get3A_13, %add3A_166, %dot_general3A_167 {dimension_numbers = #tpu.dot_dimension_numbers<[0], [0], [1], [1], [0, 1, 1, 1], [], []>, transpose_lhs_hint = false} : vector<3000x100xf32>, vector<3000x128xf32>, vector<100x128xf32> -> vector<100x128xf32>
    %mul3A_169 = arith.constant 0.0333333351 : f32
    %mul3A_170 = vector.broadcast %mul3A_169 : f32 to vector<100x128xf32>
    %mul3A_171 = arith.mulf %dot_general3A_168, %mul3A_170 : vector<100x128xf32>
    %swap3A_172 = arith.constant 0 : index
    %swap3A_173 = arith.constant 0 : index
    %swap3A_174 = arith.constant 0 : index
    %swap3A_175 = vector.load %arg15[%swap3A_172, %swap3A_173, %swap3A_174] : memref<1x100x128xf32, #tpu.memory_space<vmem>>, vector<1x100x128xf32>
    %swap3A_176 = vector.shape_cast %swap3A_175 : vector<1x100x128xf32> to vector<100x128xf32>
    %swap3A_177 = vector.shape_cast %mul3A_171 : vector<100x128xf32> to vector<1x100x128xf32>
    tpu.vector_store %arg15[%swap3A_172, %swap3A_173, %swap3A_174], %swap3A_177 {strides = array<i32>} : memref<1x100x128xf32, #tpu.memory_space<vmem>>, vector<1x100x128xf32>,
    return
  }
  func.func @transform_0(%arg0: i32) -> (i32, i32, i32) {
    %c0_i32 = arith.constant 0 : i32
    %c0_i32_0 = arith.constant 0 : i32
    %c0_i32_1 = arith.constant 0 : i32
    return %arg0, %c0_i32, %c0_i32_0 : i32, i32, i32
  }
  func.func @transform_1(%arg0: i32) -> (i32, i32) {
    %c0_i32 = arith.constant 0 : i32
    %c0_i32_0 = arith.constant 0 : i32
    return %arg0, %c0_i32 : i32, i32
  }
  func.func @transform_2(%arg0: i32) -> (i32, i32) {
    %c0_i32 = arith.constant 0 : i32
    %c0_i32_0 = arith.constant 0 : i32
    return %arg0, %c0_i32 : i32, i32
  }
  func.func @transform_3(%arg0: i32) -> (i32, i32, i32) {
    %c0_i32 = arith.constant 0 : i32
    %c0_i32_0 = arith.constant 0 : i32
    %c0_i32_1 = arith.constant 0 : i32
    return %arg0, %c0_i32, %c0_i32_0 : i32, i32, i32
  }
  func.func @transform_4(%arg0: i32) -> (i32, i32) {
    %c0_i32 = arith.constant 0 : i32
    %c0_i32_0 = arith.constant 0 : i32
    %c0_i32_1 = arith.constant 0 : i32
    return %c0_i32, %c0_i32_0 : i32, i32
  }
  func.func @transform_5(%arg0: i32) -> (i32, i32) {
    %c0_i32 = arith.constant 0 : i32
    %c0_i32_0 = arith.constant 0 : i32
    %c0_i32_1 = arith.constant 0 : i32
    return %c0_i32, %c0_i32_0 : i32, i32
  }
  func.func @transform_6(%arg0: i32) -> (i32, i32) {
    %c0_i32 = arith.constant 0 : i32
    %c0_i32_0 = arith.constant 0 : i32
    %c0_i32_1 = arith.constant 0 : i32
    return %c0_i32, %c0_i32_0 : i32, i32
  }
  func.func @transform_7(%arg0: i32) -> (i32, i32) {
    %c0_i32 = arith.constant 0 : i32
    %c0_i32_0 = arith.constant 0 : i32
    %c0_i32_1 = arith.constant 0 : i32
    return %c0_i32, %c0_i32_0 : i32, i32
  }
  func.func @transform_8(%arg0: i32) -> (i32, i32) {
    %c0_i32 = arith.constant 0 : i32
    %c0_i32_0 = arith.constant 0 : i32
    %c0_i32_1 = arith.constant 0 : i32
    return %c0_i32, %c0_i32_0 : i32, i32
  }
  func.func @transform_9(%arg0: i32) -> (i32, i32) {
    %c0_i32 = arith.constant 0 : i32
    %c0_i32_0 = arith.constant 0 : i32
    %c0_i32_1 = arith.constant 0 : i32
    return %c0_i32, %c0_i32_0 : i32, i32
  }
  func.func @transform_10(%arg0: i32) -> (i32, i32) {
    %c0_i32 = arith.constant 0 : i32
    %c0_i32_0 = arith.constant 0 : i32
    %c0_i32_1 = arith.constant 0 : i32
    return %c0_i32, %c0_i32_0 : i32, i32
  }
  func.func @transform_11(%arg0: i32) -> (i32, i32) {
    %c0_i32 = arith.constant 0 : i32
    %c0_i32_0 = arith.constant 0 : i32
    %c0_i32_1 = arith.constant 0 : i32
    return %c0_i32, %c0_i32_0 : i32, i32
  }
  func.func @transform_12(%arg0: i32) -> (i32, i32) {
    %c0_i32 = arith.constant 0 : i32
    %c0_i32_0 = arith.constant 0 : i32
    %c0_i32_1 = arith.constant 0 : i32
    return %c0_i32, %c0_i32_0 : i32, i32
  }
  func.func @transform_13(%arg0: i32) -> (i32, i32) {
    %c0_i32 = arith.constant 0 : i32
    %c0_i32_0 = arith.constant 0 : i32
    return %arg0, %c0_i32 : i32, i32
  }
  func.func @transform_14(%arg0: i32) -> (i32, i32, i32) {
    %c0_i32 = arith.constant 0 : i32
    %c0_i32_0 = arith.constant 0 : i32
    %c0_i32_1 = arith.constant 0 : i32
    return %arg0, %c0_i32, %c0_i32_0 : i32, i32, i32
  }
}

module attributes {stable_mosaic.version = 14 : i64} {
  func.func @_node_body(%arg0: memref<1500x128xf32, #tpu.memory_space<vmem>>, %arg1: memref<1500x128xf32, #tpu.memory_space<vmem>>, %arg2: memref<8x128xf32, #tpu.memory_space<vmem>>, %arg3: memref<1x512xf32, #tpu.memory_space<vmem>>, %arg4: memref<128x512xf32, #tpu.memory_space<vmem>>, %arg5: memref<512x128xf32, #tpu.memory_space<vmem>>, %arg6: memref<128x512xf32, #tpu.memory_space<vmem>>, %arg7: memref<1x512xf32, #tpu.memory_space<vmem>>, %arg8: memref<1500x128xf32, #tpu.memory_space<vmem>>, %arg9: memref<1500x256xf32, #tpu.memory_space<vmem>>, %arg10: memref<1500x128xf32, #tpu.memory_space<vmem>>, %arg11: memref<1500x128xf32, #tpu.memory_space<vmem>>) attributes {dimension_semantics = [], scalar_prefetch = 0 : i64, scratch_operands = 0 : i64, tpu.core_type = #tpu.core_type<tc>} {
    %get3A = arith.constant 0 : index
    %get3A_0 = arith.constant 0 : index
    %get3A_1 = vector.load %arg2[%get3A, %get3A_0] : memref<8x128xf32, #tpu.memory_space<vmem>>, vector<8x128xf32>
    %get3A_2 = arith.constant 0 : index
    %get3A_3 = arith.constant 0 : index
    %get3A_4 = vector.load %arg0[%get3A_2, %get3A_3] : memref<1500x128xf32, #tpu.memory_space<vmem>>, vector<1500x128xf32>
    %get3A_5 = arith.constant 0 : index
    %get3A_6 = arith.constant 0 : index
    %get3A_7 = vector.load %arg1[%get3A_5, %get3A_6] : memref<1500x128xf32, #tpu.memory_space<vmem>>, vector<1500x128xf32>
    %add3A = arith.addf %get3A_4, %get3A_7 : vector<1500x128xf32>
    %slice3A = vector.extract_strided_slice %get3A_1 {offsets = [0, 0], sizes = [1, 128], strides = [1, 1]} : vector<8x128xf32> to vector<1x128xf32>
    %slice3A_8 = vector.extract_strided_slice %get3A_1 {offsets = [1, 0], sizes = [1, 128], strides = [1, 1]} : vector<8x128xf32> to vector<1x128xf32>
    %reduce_sum3A = arith.constant dense<0.000000e+00> : vector<1500xf32>
    %reduce_sum3A_9 = vector.multi_reduction <add>, %add3A, %reduce_sum3A [1] : vector<1500x128xf32> to vector<1500xf32>
    %broadcast_in_dim3A = vector.shape_cast %reduce_sum3A_9 : vector<1500xf32> to vector<1500x1xf32>
    %div3A = arith.constant 1.280000e+02 : f32
    %div3A_10 = vector.broadcast %div3A : f32 to vector<1500x1xf32>
    %div3A_11 = arith.divf %broadcast_in_dim3A, %div3A_10 : vector<1500x1xf32>
    %sub3A = vector.broadcast %div3A_11 : vector<1500x1xf32> to vector<1500x128xf32>
    %sub3A_12 = arith.subf %add3A, %sub3A : vector<1500x128xf32>
    %mul3A = arith.mulf %sub3A_12, %sub3A_12 : vector<1500x128xf32>
    %reduce_sum3A_13 = arith.constant dense<0.000000e+00> : vector<1500xf32>
    %reduce_sum3A_14 = vector.multi_reduction <add>, %mul3A, %reduce_sum3A_13 [1] : vector<1500x128xf32> to vector<1500xf32>
    %broadcast_in_dim3A_15 = vector.shape_cast %reduce_sum3A_14 : vector<1500xf32> to vector<1500x1xf32>
    %div3A_16 = arith.constant 1.280000e+02 : f32
    %div3A_17 = vector.broadcast %div3A_16 : f32 to vector<1500x1xf32>
    %div3A_18 = arith.divf %broadcast_in_dim3A_15, %div3A_17 : vector<1500x1xf32>
    %add3A_19 = arith.constant 9.99999974E-6 : f32
    %add3A_20 = vector.broadcast %add3A_19 : f32 to vector<1500x1xf32>
    %add3A_21 = arith.addf %div3A_18, %add3A_20 : vector<1500x1xf32>
    %rsqrt3A = math.rsqrt %add3A_21 : vector<1500x1xf32>
    %mul3A_22 = vector.broadcast %rsqrt3A : vector<1500x1xf32> to vector<1500x128xf32>
    %mul3A_23 = arith.mulf %sub3A_12, %mul3A_22 : vector<1500x128xf32>
    %mul3A_24 = vector.broadcast %slice3A : vector<1x128xf32> to vector<1500x128xf32>
    %mul3A_25 = arith.mulf %mul3A_23, %mul3A_24 : vector<1500x128xf32>
    %add3A_26 = vector.broadcast %slice3A_8 : vector<1x128xf32> to vector<1500x128xf32>
    %add3A_27 = arith.addf %mul3A_25, %add3A_26 : vector<1500x128xf32>
    %get3A_28 = arith.constant 0 : index
    %get3A_29 = arith.constant 0 : index
    %get3A_30 = vector.load %arg4[%get3A_28, %get3A_29] : memref<128x512xf32, #tpu.memory_space<vmem>>, vector<128x512xf32>
    %dot_general3A = arith.constant dense<0.000000e+00> : vector<1500x512xf32>
    %dot_general3A_31 = tpu.matmul %add3A_27, %get3A_30, %dot_general3A {dimension_numbers = #tpu.dot_dimension_numbers<[1], [0], [0], [1], [0, 0, 1, 1], [], []>, transpose_lhs_hint = false} : vector<1500x128xf32>, vector<128x512xf32>, vector<1500x512xf32> -> vector<1500x512xf32>
    %get3A_32 = arith.constant 0 : index
    %get3A_33 = arith.constant 0 : index
    %get3A_34 = vector.load %arg3[%get3A_32, %get3A_33] : memref<1x512xf32, #tpu.memory_space<vmem>>, vector<1x512xf32>
    %add3A_35 = vector.broadcast %get3A_34 : vector<1x512xf32> to vector<1500x512xf32>
    %add3A_36 = arith.addf %dot_general3A_31, %add3A_35 : vector<1500x512xf32>
    %integer_pow3A = arith.mulf %add3A_36, %add3A_36 : vector<1500x512xf32>
    %integer_pow3A_37 = arith.mulf %add3A_36, %integer_pow3A : vector<1500x512xf32>
    %mul3A_38 = arith.constant 4.471500e-02 : f32
    %mul3A_39 = vector.broadcast %mul3A_38 : f32 to vector<1500x512xf32>
    %mul3A_40 = arith.mulf %mul3A_39, %integer_pow3A_37 : vector<1500x512xf32>
    %add3A_41 = arith.addf %add3A_36, %mul3A_40 : vector<1500x512xf32>
    %mul3A_42 = arith.constant 0.797884583 : f32
    %mul3A_43 = vector.broadcast %mul3A_42 : f32 to vector<1500x512xf32>
    %mul3A_44 = arith.mulf %mul3A_43, %add3A_41 : vector<1500x512xf32>
    %tanh3A = math.tanh %mul3A_44 : vector<1500x512xf32>
    %add3A_45 = arith.constant 1.000000e+00 : f32
    %add3A_46 = vector.broadcast %add3A_45 : f32 to vector<1500x512xf32>
    %add3A_47 = arith.addf %add3A_46, %tanh3A : vector<1500x512xf32>
    %mul3A_48 = arith.constant 5.000000e-01 : f32
    %mul3A_49 = vector.broadcast %mul3A_48 : f32 to vector<1500x512xf32>
    %mul3A_50 = arith.mulf %mul3A_49, %add3A_47 : vector<1500x512xf32>
    %mul3A_51 = arith.mulf %add3A_36, %mul3A_50 : vector<1500x512xf32>
    %get3A_52 = arith.constant 0 : index
    %get3A_53 = arith.constant 0 : index
    %get3A_54 = vector.load %arg5[%get3A_52, %get3A_53] : memref<512x128xf32, #tpu.memory_space<vmem>>, vector<512x128xf32>
    %dot_general3A_55 = arith.constant dense<0.000000e+00> : vector<1500x128xf32>
    %dot_general3A_56 = tpu.matmul %mul3A_51, %get3A_54, %dot_general3A_55 {dimension_numbers = #tpu.dot_dimension_numbers<[1], [0], [0], [1], [0, 0, 1, 1], [], []>, transpose_lhs_hint = false} : vector<1500x512xf32>, vector<512x128xf32>, vector<1500x128xf32> -> vector<1500x128xf32>
    %slice3A_57 = vector.extract_strided_slice %get3A_1 {offsets = [2, 0], sizes = [1, 128], strides = [1, 1]} : vector<8x128xf32> to vector<1x128xf32>
    %add3A_58 = vector.broadcast %slice3A_57 : vector<1x128xf32> to vector<1500x128xf32>
    %add3A_59 = arith.addf %dot_general3A_56, %add3A_58 : vector<1500x128xf32>
    %add3A_60 = arith.addf %add3A_27, %add3A_59 : vector<1500x128xf32>
    %slice3A_61 = vector.extract_strided_slice %get3A_1 {offsets = [3, 0], sizes = [1, 128], strides = [1, 1]} : vector<8x128xf32> to vector<1x128xf32>
    %slice3A_62 = vector.extract_strided_slice %get3A_1 {offsets = [4, 0], sizes = [1, 128], strides = [1, 1]} : vector<8x128xf32> to vector<1x128xf32>
    %reduce_sum3A_63 = arith.constant dense<0.000000e+00> : vector<1500xf32>
    %reduce_sum3A_64 = vector.multi_reduction <add>, %add3A_60, %reduce_sum3A_63 [1] : vector<1500x128xf32> to vector<1500xf32>
    %broadcast_in_dim3A_65 = vector.shape_cast %reduce_sum3A_64 : vector<1500xf32> to vector<1500x1xf32>
    %div3A_66 = arith.constant 1.280000e+02 : f32
    %div3A_67 = vector.broadcast %div3A_66 : f32 to vector<1500x1xf32>
    %div3A_68 = arith.divf %broadcast_in_dim3A_65, %div3A_67 : vector<1500x1xf32>
    %sub3A_69 = vector.broadcast %div3A_68 : vector<1500x1xf32> to vector<1500x128xf32>
    %sub3A_70 = arith.subf %add3A_60, %sub3A_69 : vector<1500x128xf32>
    %mul3A_71 = arith.mulf %sub3A_70, %sub3A_70 : vector<1500x128xf32>
    %reduce_sum3A_72 = arith.constant dense<0.000000e+00> : vector<1500xf32>
    %reduce_sum3A_73 = vector.multi_reduction <add>, %mul3A_71, %reduce_sum3A_72 [1] : vector<1500x128xf32> to vector<1500xf32>
    %broadcast_in_dim3A_74 = vector.shape_cast %reduce_sum3A_73 : vector<1500xf32> to vector<1500x1xf32>
    %div3A_75 = arith.constant 1.280000e+02 : f32
    %div3A_76 = vector.broadcast %div3A_75 : f32 to vector<1500x1xf32>
    %div3A_77 = arith.divf %broadcast_in_dim3A_74, %div3A_76 : vector<1500x1xf32>
    %add3A_78 = arith.constant 9.99999974E-6 : f32
    %add3A_79 = vector.broadcast %add3A_78 : f32 to vector<1500x1xf32>
    %add3A_80 = arith.addf %div3A_77, %add3A_79 : vector<1500x1xf32>
    %rsqrt3A_81 = math.rsqrt %add3A_80 : vector<1500x1xf32>
    %mul3A_82 = vector.broadcast %rsqrt3A_81 : vector<1500x1xf32> to vector<1500x128xf32>
    %mul3A_83 = arith.mulf %sub3A_70, %mul3A_82 : vector<1500x128xf32>
    %mul3A_84 = vector.broadcast %slice3A_61 : vector<1x128xf32> to vector<1500x128xf32>
    %mul3A_85 = arith.mulf %mul3A_83, %mul3A_84 : vector<1500x128xf32>
    %add3A_86 = vector.broadcast %slice3A_62 : vector<1x128xf32> to vector<1500x128xf32>
    %add3A_87 = arith.addf %mul3A_85, %add3A_86 : vector<1500x128xf32>
    %swap3A = arith.constant 0 : index
    %swap3A_88 = arith.constant 0 : index
    %swap3A_89 = vector.load %arg8[%swap3A, %swap3A_88] : memref<1500x128xf32, #tpu.memory_space<vmem>>, vector<1500x128xf32>
    tpu.vector_store %arg8[%swap3A, %swap3A_88], %add3A_87 {strides = array<i32>} : memref<1500x128xf32, #tpu.memory_space<vmem>>, vector<1500x128xf32>,
    %get3A_90 = arith.constant 0 : index
    %get3A_91 = arith.constant 0 : index
    %get3A_92 = vector.load %arg6[%get3A_90, %get3A_91] : memref<128x512xf32, #tpu.memory_space<vmem>>, vector<128x512xf32>
    %dot_general3A_93 = arith.constant dense<0.000000e+00> : vector<1500x512xf32>
    %dot_general3A_94 = tpu.matmul %add3A_87, %get3A_92, %dot_general3A_93 {dimension_numbers = #tpu.dot_dimension_numbers<[1], [0], [0], [1], [0, 0, 1, 1], [], []>, transpose_lhs_hint = false} : vector<1500x128xf32>, vector<128x512xf32>, vector<1500x512xf32> -> vector<1500x512xf32>
    %get3A_95 = arith.constant 0 : index
    %get3A_96 = arith.constant 0 : index
    %get3A_97 = vector.load %arg7[%get3A_95, %get3A_96] : memref<1x512xf32, #tpu.memory_space<vmem>>, vector<1x512xf32>
    %add3A_98 = vector.broadcast %get3A_97 : vector<1x512xf32> to vector<1500x512xf32>
    %add3A_99 = arith.addf %dot_general3A_94, %add3A_98 : vector<1500x512xf32>
    %slice3A_100 = vector.extract_strided_slice %add3A_99 {offsets = [0, 0], sizes = [1500, 256], strides = [1, 1]} : vector<1500x512xf32> to vector<1500x256xf32>
    %swap3A_101 = arith.constant 0 : index
    %swap3A_102 = arith.constant 0 : index
    %swap3A_103 = vector.load %arg9[%swap3A_101, %swap3A_102] : memref<1500x256xf32, #tpu.memory_space<vmem>>, vector<1500x256xf32>
    tpu.vector_store %arg9[%swap3A_101, %swap3A_102], %slice3A_100 {strides = array<i32>} : memref<1500x256xf32, #tpu.memory_space<vmem>>, vector<1500x256xf32>,
    %slice3A_104 = vector.extract_strided_slice %add3A_99 {offsets = [0, 256], sizes = [1500, 128], strides = [1, 1]} : vector<1500x512xf32> to vector<1500x128xf32>
    %swap3A_105 = arith.constant 0 : index
    %swap3A_106 = arith.constant 0 : index
    %swap3A_107 = vector.load %arg10[%swap3A_105, %swap3A_106] : memref<1500x128xf32, #tpu.memory_space<vmem>>, vector<1500x128xf32>
    tpu.vector_store %arg10[%swap3A_105, %swap3A_106], %slice3A_104 {strides = array<i32>} : memref<1500x128xf32, #tpu.memory_space<vmem>>, vector<1500x128xf32>,
    %slice3A_108 = vector.extract_strided_slice %add3A_99 {offsets = [0, 384], sizes = [1500, 128], strides = [1, 1]} : vector<1500x512xf32> to vector<1500x128xf32>
    %swap3A_109 = arith.constant 0 : index
    %swap3A_110 = arith.constant 0 : index
    %swap3A_111 = vector.load %arg11[%swap3A_109, %swap3A_110] : memref<1500x128xf32, #tpu.memory_space<vmem>>, vector<1500x128xf32>
    tpu.vector_store %arg11[%swap3A_109, %swap3A_110], %slice3A_108 {strides = array<i32>} : memref<1500x128xf32, #tpu.memory_space<vmem>>, vector<1500x128xf32>,
    return
  }
}

module attributes {stable_mosaic.version = 14 : i64} {
  func.func @_big_body_mid(%arg0: i32, %arg1: memref<2880x128xf32, #tpu.memory_space<vmem>>, %arg2: memref<2880x128xf32, #tpu.memory_space<vmem>>, %arg3: memref<2880x128xf32, #tpu.memory_space<vmem>>, %arg4: memref<1x96x256xf32, #tpu.memory_space<vmem>>, %arg5: memref<2880x96xf32, #tpu.memory_space<vmem>>, %arg6: memref<128x128xf32, #tpu.memory_space<vmem>>, %arg7: memref<128x128xf32, #tpu.memory_space<vmem>>, %arg8: memref<128x128xf32, #tpu.memory_space<vmem>>, %arg9: memref<128x128xf32, #tpu.memory_space<vmem>>, %arg10: memref<128x128xf32, #tpu.memory_space<vmem>>, %arg11: memref<128x128xf32, #tpu.memory_space<vmem>>, %arg12: memref<8x128xf32, #tpu.memory_space<vmem>>, %arg13: memref<30x96x128xf32, #tpu.memory_space<vmem>>, %arg14: memref<1x96x128xf32, #tpu.memory_space<vmem>>) attributes {dimension_semantics = [#tpu.dimension_semantics<arbitrary>], iteration_bounds = array<i64: 16>, scalar_prefetch = 0 : i64, scratch_operands = 0 : i64, tpu.core_type = #tpu.core_type<tc>, window_params = [{transform_indices = @transform_0, window_bounds = array<i64: 2880, 128>}, {transform_indices = @transform_1, window_bounds = array<i64: 2880, 128>}, {transform_indices = @transform_2, window_bounds = array<i64: 2880, 128>}, {transform_indices = @transform_3, window_bounds = array<i64: 1, 96, 256>}, {pipeline_mode = #tpu.pipeline_mode<synchronous>, transform_indices = @transform_4, window_bounds = array<i64: 2880, 96>}, {pipeline_mode = #tpu.pipeline_mode<synchronous>, transform_indices = @transform_5, window_bounds = array<i64: 128, 128>}, {pipeline_mode = #tpu.pipeline_mode<synchronous>, transform_indices = @transform_6, window_bounds = array<i64: 128, 128>}, {pipeline_mode = #tpu.pipeline_mode<synchronous>, transform_indices = @transform_7, window_bounds = array<i64: 128, 128>}, {pipeline_mode = #tpu.pipeline_mode<synchronous>, transform_indices = @transform_8, window_bounds = array<i64: 128, 128>}, {pipeline_mode = #tpu.pipeline_mode<synchronous>, transform_indices = @transform_9, window_bounds = array<i64: 128, 128>}, {pipeline_mode = #tpu.pipeline_mode<synchronous>, transform_indices = @transform_10, window_bounds = array<i64: 128, 128>}, {pipeline_mode = #tpu.pipeline_mode<synchronous>, transform_indices = @transform_11, window_bounds = array<i64: 8, 128>}, {transform_indices = @transform_12, window_bounds = array<i64: 30, 96, 128>}, {transform_indices = @transform_13, window_bounds = array<i64: 1, 96, 128>}]} {
    %get3A = arith.constant 0 : index
    %get3A_0 = arith.constant 0 : index
    %get3A_1 = vector.load %arg12[%get3A, %get3A_0] : memref<8x128xf32, #tpu.memory_space<vmem>>, vector<8x128xf32>
    %get3A_2 = arith.constant 0 : index
    %get3A_3 = arith.constant 0 : index
    %get3A_4 = vector.load %arg1[%get3A_2, %get3A_3] : memref<2880x128xf32, #tpu.memory_space<vmem>>, vector<2880x128xf32>
    %get3A_5 = arith.constant 0 : index
    %get3A_6 = arith.constant 0 : index
    %get3A_7 = vector.load %arg5[%get3A_5, %get3A_6] : memref<2880x96xf32, #tpu.memory_space<vmem>>, vector<2880x96xf32>
    %get3A_8 = arith.constant 0 : index
    %get3A_9 = arith.constant 0 : index
    %get3A_10 = arith.constant 0 : index
    %get3A_11 = vector.load %arg4[%get3A_8, %get3A_9, %get3A_10] : memref<1x96x256xf32, #tpu.memory_space<vmem>>, vector<1x96x256xf32>
    %get3A_12 = vector.shape_cast %get3A_11 : vector<1x96x256xf32> to vector<96x256xf32>
    %get3A_13 = arith.constant 0 : index
    %get3A_14 = arith.constant 0 : index
    %get3A_15 = vector.load %arg2[%get3A_13, %get3A_14] : memref<2880x128xf32, #tpu.memory_space<vmem>>, vector<2880x128xf32>
    %slice3A = vector.extract_strided_slice %get3A_12 {offsets = [0, 0], sizes = [96, 128], strides = [1, 1]} : vector<96x256xf32> to vector<96x128xf32>
    %get3A_16 = arith.constant 0 : index
    %get3A_17 = arith.constant 0 : index
    %get3A_18 = vector.load %arg6[%get3A_16, %get3A_17] : memref<128x128xf32, #tpu.memory_space<vmem>>, vector<128x128xf32>
    %get3A_19 = arith.constant 0 : index
    %get3A_20 = arith.constant 0 : index
    %get3A_21 = vector.load %arg7[%get3A_19, %get3A_20] : memref<128x128xf32, #tpu.memory_space<vmem>>, vector<128x128xf32>
    %get3A_22 = arith.constant 0 : index
    %get3A_23 = arith.constant 0 : index
    %get3A_24 = vector.load %arg8[%get3A_22, %get3A_23] : memref<128x128xf32, #tpu.memory_space<vmem>>, vector<128x128xf32>
    %dot_general3A = arith.constant dense<0.000000e+00> : vector<2880x128xf32>
    %dot_general3A_25 = tpu.matmul %get3A_4, %get3A_18, %dot_general3A {dimension_numbers = #tpu.dot_dimension_numbers<[1], [0], [0], [1], [0, 0, 1, 1], [], []>, transpose_lhs_hint = false} : vector<2880x128xf32>, vector<128x128xf32>, vector<2880x128xf32> -> vector<2880x128xf32>
    %dot_general3A_26 = arith.constant dense<0.000000e+00> : vector<2880x128xf32>
    %dot_general3A_27 = tpu.matmul %get3A_7, %slice3A, %dot_general3A_26 {dimension_numbers = #tpu.dot_dimension_numbers<[1], [0], [0], [1], [0, 0, 1, 1], [], []>, transpose_lhs_hint = false} : vector<2880x96xf32>, vector<96x128xf32>, vector<2880x128xf32> -> vector<2880x128xf32>
    %add3A = arith.addf %dot_general3A_25, %dot_general3A_27 : vector<2880x128xf32>
    %add3A_28 = arith.addf %add3A, %get3A_15 : vector<2880x128xf32>
    %integer_pow3A = arith.mulf %add3A_28, %add3A_28 : vector<2880x128xf32>
    %integer_pow3A_29 = arith.mulf %add3A_28, %integer_pow3A : vector<2880x128xf32>
    %mul3A = arith.constant 4.471500e-02 : f32
    %mul3A_30 = vector.broadcast %mul3A : f32 to vector<2880x128xf32>
    %mul3A_31 = arith.mulf %mul3A_30, %integer_pow3A_29 : vector<2880x128xf32>
    %add3A_32 = arith.addf %add3A_28, %mul3A_31 : vector<2880x128xf32>
    %mul3A_33 = arith.constant 0.797884583 : f32
    %mul3A_34 = vector.broadcast %mul3A_33 : f32 to vector<2880x128xf32>
    %mul3A_35 = arith.mulf %mul3A_34, %add3A_32 : vector<2880x128xf32>
    %tanh3A = math.tanh %mul3A_35 : vector<2880x128xf32>
    %add3A_36 = arith.constant 1.000000e+00 : f32
    %add3A_37 = vector.broadcast %add3A_36 : f32 to vector<2880x128xf32>
    %add3A_38 = arith.addf %add3A_37, %tanh3A : vector<2880x128xf32>
    %mul3A_39 = arith.constant 5.000000e-01 : f32
    %mul3A_40 = vector.broadcast %mul3A_39 : f32 to vector<2880x128xf32>
    %mul3A_41 = arith.mulf %mul3A_40, %add3A_38 : vector<2880x128xf32>
    %mul3A_42 = arith.mulf %add3A_28, %mul3A_41 : vector<2880x128xf32>
    %dot_general3A_43 = arith.constant dense<0.000000e+00> : vector<2880x128xf32>
    %dot_general3A_44 = tpu.matmul %mul3A_42, %get3A_21, %dot_general3A_43 {dimension_numbers = #tpu.dot_dimension_numbers<[1], [0], [0], [1], [0, 0, 1, 1], [], []>, transpose_lhs_hint = false} : vector<2880x128xf32>, vector<128x128xf32>, vector<2880x128xf32> -> vector<2880x128xf32>
    %slice3A_45 = vector.extract_strided_slice %get3A_1 {offsets = [1, 0], sizes = [1, 128], strides = [1, 1]} : vector<8x128xf32> to vector<1x128xf32>
    %add3A_46 = vector.broadcast %slice3A_45 : vector<1x128xf32> to vector<2880x128xf32>
    %add3A_47 = arith.addf %dot_general3A_44, %add3A_46 : vector<2880x128xf32>
    %integer_pow3A_48 = arith.mulf %add3A_47, %add3A_47 : vector<2880x128xf32>
    %integer_pow3A_49 = arith.mulf %add3A_47, %integer_pow3A_48 : vector<2880x128xf32>
    %mul3A_50 = arith.constant 4.471500e-02 : f32
    %mul3A_51 = vector.broadcast %mul3A_50 : f32 to vector<2880x128xf32>
    %mul3A_52 = arith.mulf %mul3A_51, %integer_pow3A_49 : vector<2880x128xf32>
    %add3A_53 = arith.addf %add3A_47, %mul3A_52 : vector<2880x128xf32>
    %mul3A_54 = arith.constant 0.797884583 : f32
    %mul3A_55 = vector.broadcast %mul3A_54 : f32 to vector<2880x128xf32>
    %mul3A_56 = arith.mulf %mul3A_55, %add3A_53 : vector<2880x128xf32>
    %tanh3A_57 = math.tanh %mul3A_56 : vector<2880x128xf32>
    %add3A_58 = arith.constant 1.000000e+00 : f32
    %add3A_59 = vector.broadcast %add3A_58 : f32 to vector<2880x128xf32>
    %add3A_60 = arith.addf %add3A_59, %tanh3A_57 : vector<2880x128xf32>
    %mul3A_61 = arith.constant 5.000000e-01 : f32
    %mul3A_62 = vector.broadcast %mul3A_61 : f32 to vector<2880x128xf32>
    %mul3A_63 = arith.mulf %mul3A_62, %add3A_60 : vector<2880x128xf32>
    %mul3A_64 = arith.mulf %add3A_47, %mul3A_63 : vector<2880x128xf32>
    %dot_general3A_65 = arith.constant dense<0.000000e+00> : vector<2880x128xf32>
    %dot_general3A_66 = tpu.matmul %mul3A_64, %get3A_24, %dot_general3A_65 {dimension_numbers = #tpu.dot_dimension_numbers<[1], [0], [0], [1], [0, 0, 1, 1], [], []>, transpose_lhs_hint = false} : vector<2880x128xf32>, vector<128x128xf32>, vector<2880x128xf32> -> vector<2880x128xf32>
    %slice3A_67 = vector.extract_strided_slice %get3A_1 {offsets = [2, 0], sizes = [1, 128], strides = [1, 1]} : vector<8x128xf32> to vector<1x128xf32>
    %add3A_68 = vector.broadcast %slice3A_67 : vector<1x128xf32> to vector<2880x128xf32>
    %add3A_69 = arith.addf %dot_general3A_66, %add3A_68 : vector<2880x128xf32>
    %add3A_70 = arith.addf %get3A_4, %add3A_69 : vector<2880x128xf32>
    %slice3A_71 = vector.extract_strided_slice %get3A_1 {offsets = [3, 0], sizes = [1, 128], strides = [1, 1]} : vector<8x128xf32> to vector<1x128xf32>
    %slice3A_72 = vector.extract_strided_slice %get3A_1 {offsets = [4, 0], sizes = [1, 128], strides = [1, 1]} : vector<8x128xf32> to vector<1x128xf32>
    %reduce_sum3A = arith.constant dense<0.000000e+00> : vector<2880xf32>
    %reduce_sum3A_73 = vector.multi_reduction <add>, %add3A_70, %reduce_sum3A [1] : vector<2880x128xf32> to vector<2880xf32>
    %broadcast_in_dim3A = vector.shape_cast %reduce_sum3A_73 : vector<2880xf32> to vector<2880x1xf32>
    %div3A = arith.constant 1.280000e+02 : f32
    %div3A_74 = vector.broadcast %div3A : f32 to vector<2880x1xf32>
    %div3A_75 = arith.divf %broadcast_in_dim3A, %div3A_74 : vector<2880x1xf32>
    %sub3A = vector.broadcast %div3A_75 : vector<2880x1xf32> to vector<2880x128xf32>
    %sub3A_76 = arith.subf %add3A_70, %sub3A : vector<2880x128xf32>
    %mul3A_77 = arith.mulf %sub3A_76, %sub3A_76 : vector<2880x128xf32>
    %reduce_sum3A_78 = arith.constant dense<0.000000e+00> : vector<2880xf32>
    %reduce_sum3A_79 = vector.multi_reduction <add>, %mul3A_77, %reduce_sum3A_78 [1] : vector<2880x128xf32> to vector<2880xf32>
    %broadcast_in_dim3A_80 = vector.shape_cast %reduce_sum3A_79 : vector<2880xf32> to vector<2880x1xf32>
    %div3A_81 = arith.constant 1.280000e+02 : f32
    %div3A_82 = vector.broadcast %div3A_81 : f32 to vector<2880x1xf32>
    %div3A_83 = arith.divf %broadcast_in_dim3A_80, %div3A_82 : vector<2880x1xf32>
    %add3A_84 = arith.constant 9.99999974E-6 : f32
    %add3A_85 = vector.broadcast %add3A_84 : f32 to vector<2880x1xf32>
    %add3A_86 = arith.addf %div3A_83, %add3A_85 : vector<2880x1xf32>
    %rsqrt3A = math.rsqrt %add3A_86 : vector<2880x1xf32>
    %mul3A_87 = vector.broadcast %rsqrt3A : vector<2880x1xf32> to vector<2880x128xf32>
    %mul3A_88 = arith.mulf %sub3A_76, %mul3A_87 : vector<2880x128xf32>
    %mul3A_89 = vector.broadcast %slice3A_71 : vector<1x128xf32> to vector<2880x128xf32>
    %mul3A_90 = arith.mulf %mul3A_88, %mul3A_89 : vector<2880x128xf32>
    %add3A_91 = vector.broadcast %slice3A_72 : vector<1x128xf32> to vector<2880x128xf32>
    %add3A_92 = arith.addf %mul3A_90, %add3A_91 : vector<2880x128xf32>
    %reshape3A = vector.shape_cast %add3A_92 : vector<2880x128xf32> to vector<96x30x128xf32>
    %transpose3A = tpu.transpose %reshape3A, [1, 0, 2] : vector<96x30x128xf32> -> vector<30x96x128xf32>
    %swap3A = arith.constant 0 : index
    %swap3A_93 = arith.constant 0 : index
    %swap3A_94 = arith.constant 0 : index
    %swap3A_95 = vector.load %arg13[%swap3A, %swap3A_93, %swap3A_94] : memref<30x96x128xf32, #tpu.memory_space<vmem>>, vector<30x96x128xf32>
    tpu.vector_store %arg13[%swap3A, %swap3A_93, %swap3A_94], %transpose3A {strides = array<i32>} : memref<30x96x128xf32, #tpu.memory_space<vmem>>, vector<30x96x128xf32>,
    %get3A_96 = arith.constant 0 : index
    %get3A_97 = arith.constant 0 : index
    %get3A_98 = vector.load %arg3[%get3A_96, %get3A_97] : memref<2880x128xf32, #tpu.memory_space<vmem>>, vector<2880x128xf32>
    %slice3A_99 = vector.extract_strided_slice %get3A_12 {offsets = [0, 128], sizes = [96, 128], strides = [1, 1]} : vector<96x256xf32> to vector<96x128xf32>
    %get3A_100 = arith.constant 0 : index
    %get3A_101 = arith.constant 0 : index
    %get3A_102 = vector.load %arg9[%get3A_100, %get3A_101] : memref<128x128xf32, #tpu.memory_space<vmem>>, vector<128x128xf32>
    %get3A_103 = arith.constant 0 : index
    %get3A_104 = arith.constant 0 : index
    %get3A_105 = vector.load %arg10[%get3A_103, %get3A_104] : memref<128x128xf32, #tpu.memory_space<vmem>>, vector<128x128xf32>
    %get3A_106 = arith.constant 0 : index
    %get3A_107 = arith.constant 0 : index
    %get3A_108 = vector.load %arg11[%get3A_106, %get3A_107] : memref<128x128xf32, #tpu.memory_space<vmem>>, vector<128x128xf32>
    %dot_general3A_109 = arith.constant dense<0.000000e+00> : vector<2880x128xf32>
    %dot_general3A_110 = tpu.matmul %add3A_92, %get3A_102, %dot_general3A_109 {dimension_numbers = #tpu.dot_dimension_numbers<[1], [0], [0], [1], [0, 0, 1, 1], [], []>, transpose_lhs_hint = false} : vector<2880x128xf32>, vector<128x128xf32>, vector<2880x128xf32> -> vector<2880x128xf32>
    %dot_general3A_111 = arith.constant dense<0.000000e+00> : vector<2880x128xf32>
    %dot_general3A_112 = tpu.matmul %get3A_7, %slice3A_99, %dot_general3A_111 {dimension_numbers = #tpu.dot_dimension_numbers<[1], [0], [0], [1], [0, 0, 1, 1], [], []>, transpose_lhs_hint = false} : vector<2880x96xf32>, vector<96x128xf32>, vector<2880x128xf32> -> vector<2880x128xf32>
    %add3A_113 = arith.addf %dot_general3A_110, %dot_general3A_112 : vector<2880x128xf32>
    %add3A_114 = arith.addf %add3A_113, %get3A_98 : vector<2880x128xf32>
    %integer_pow3A_115 = arith.mulf %add3A_114, %add3A_114 : vector<2880x128xf32>
    %integer_pow3A_116 = arith.mulf %add3A_114, %integer_pow3A_115 : vector<2880x128xf32>
    %mul3A_117 = arith.constant 4.471500e-02 : f32
    %mul3A_118 = vector.broadcast %mul3A_117 : f32 to vector<2880x128xf32>
    %mul3A_119 = arith.mulf %mul3A_118, %integer_pow3A_116 : vector<2880x128xf32>
    %add3A_120 = arith.addf %add3A_114, %mul3A_119 : vector<2880x128xf32>
    %mul3A_121 = arith.constant 0.797884583 : f32
    %mul3A_122 = vector.broadcast %mul3A_121 : f32 to vector<2880x128xf32>
    %mul3A_123 = arith.mulf %mul3A_122, %add3A_120 : vector<2880x128xf32>
    %tanh3A_124 = math.tanh %mul3A_123 : vector<2880x128xf32>
    %add3A_125 = arith.constant 1.000000e+00 : f32
    %add3A_126 = vector.broadcast %add3A_125 : f32 to vector<2880x128xf32>
    %add3A_127 = arith.addf %add3A_126, %tanh3A_124 : vector<2880x128xf32>
    %mul3A_128 = arith.constant 5.000000e-01 : f32
    %mul3A_129 = vector.broadcast %mul3A_128 : f32 to vector<2880x128xf32>
    %mul3A_130 = arith.mulf %mul3A_129, %add3A_127 : vector<2880x128xf32>
    %mul3A_131 = arith.mulf %add3A_114, %mul3A_130 : vector<2880x128xf32>
    %dot_general3A_132 = arith.constant dense<0.000000e+00> : vector<2880x128xf32>
    %dot_general3A_133 = tpu.matmul %mul3A_131, %get3A_105, %dot_general3A_132 {dimension_numbers = #tpu.dot_dimension_numbers<[1], [0], [0], [1], [0, 0, 1, 1], [], []>, transpose_lhs_hint = false} : vector<2880x128xf32>, vector<128x128xf32>, vector<2880x128xf32> -> vector<2880x128xf32>
    %slice3A_134 = vector.extract_strided_slice %get3A_1 {offsets = [5, 0], sizes = [1, 128], strides = [1, 1]} : vector<8x128xf32> to vector<1x128xf32>
    %add3A_135 = vector.broadcast %slice3A_134 : vector<1x128xf32> to vector<2880x128xf32>
    %add3A_136 = arith.addf %dot_general3A_133, %add3A_135 : vector<2880x128xf32>
    %integer_pow3A_137 = arith.mulf %add3A_136, %add3A_136 : vector<2880x128xf32>
    %integer_pow3A_138 = arith.mulf %add3A_136, %integer_pow3A_137 : vector<2880x128xf32>
    %mul3A_139 = arith.constant 4.471500e-02 : f32
    %mul3A_140 = vector.broadcast %mul3A_139 : f32 to vector<2880x128xf32>
    %mul3A_141 = arith.mulf %mul3A_140, %integer_pow3A_138 : vector<2880x128xf32>
    %add3A_142 = arith.addf %add3A_136, %mul3A_141 : vector<2880x128xf32>
    %mul3A_143 = arith.constant 0.797884583 : f32
    %mul3A_144 = vector.broadcast %mul3A_143 : f32 to vector<2880x128xf32>
    %mul3A_145 = arith.mulf %mul3A_144, %add3A_142 : vector<2880x128xf32>
    %tanh3A_146 = math.tanh %mul3A_145 : vector<2880x128xf32>
    %add3A_147 = arith.constant 1.000000e+00 : f32
    %add3A_148 = vector.broadcast %add3A_147 : f32 to vector<2880x128xf32>
    %add3A_149 = arith.addf %add3A_148, %tanh3A_146 : vector<2880x128xf32>
    %mul3A_150 = arith.constant 5.000000e-01 : f32
    %mul3A_151 = vector.broadcast %mul3A_150 : f32 to vector<2880x128xf32>
    %mul3A_152 = arith.mulf %mul3A_151, %add3A_149 : vector<2880x128xf32>
    %mul3A_153 = arith.mulf %add3A_136, %mul3A_152 : vector<2880x128xf32>
    %dot_general3A_154 = arith.constant dense<0.000000e+00> : vector<2880x128xf32>
    %dot_general3A_155 = tpu.matmul %mul3A_153, %get3A_108, %dot_general3A_154 {dimension_numbers = #tpu.dot_dimension_numbers<[1], [0], [0], [1], [0, 0, 1, 1], [], []>, transpose_lhs_hint = false} : vector<2880x128xf32>, vector<128x128xf32>, vector<2880x128xf32> -> vector<2880x128xf32>
    %slice3A_156 = vector.extract_strided_slice %get3A_1 {offsets = [6, 0], sizes = [1, 128], strides = [1, 1]} : vector<8x128xf32> to vector<1x128xf32>
    %add3A_157 = vector.broadcast %slice3A_156 : vector<1x128xf32> to vector<2880x128xf32>
    %add3A_158 = arith.addf %dot_general3A_155, %add3A_157 : vector<2880x128xf32>
    %dot_general3A_159 = arith.constant dense<0.000000e+00> : vector<96x128xf32>
    %dot_general3A_160 = tpu.matmul %get3A_7, %add3A_158, %dot_general3A_159 {dimension_numbers = #tpu.dot_dimension_numbers<[0], [0], [1], [1], [0, 1, 1, 1], [], []>, transpose_lhs_hint = false} : vector<2880x96xf32>, vector<2880x128xf32>, vector<96x128xf32> -> vector<96x128xf32>
    %mul3A_161 = arith.constant 0.0333333351 : f32
    %mul3A_162 = vector.broadcast %mul3A_161 : f32 to vector<96x128xf32>
    %mul3A_163 = arith.mulf %dot_general3A_160, %mul3A_162 : vector<96x128xf32>
    %swap3A_164 = arith.constant 0 : index
    %swap3A_165 = arith.constant 0 : index
    %swap3A_166 = arith.constant 0 : index
    %swap3A_167 = vector.load %arg14[%swap3A_164, %swap3A_165, %swap3A_166] : memref<1x96x128xf32, #tpu.memory_space<vmem>>, vector<1x96x128xf32>
    %swap3A_168 = vector.shape_cast %swap3A_167 : vector<1x96x128xf32> to vector<96x128xf32>
    %swap3A_169 = vector.shape_cast %mul3A_163 : vector<96x128xf32> to vector<1x96x128xf32>
    tpu.vector_store %arg14[%swap3A_164, %swap3A_165, %swap3A_166], %swap3A_169 {strides = array<i32>} : memref<1x96x128xf32, #tpu.memory_space<vmem>>, vector<1x96x128xf32>,
    return
  }
  func.func @transform_0(%arg0: i32) -> (i32, i32) {
    %c0_i32 = arith.constant 0 : i32
    %c0_i32_0 = arith.constant 0 : i32
    return %arg0, %c0_i32 : i32, i32
  }
  func.func @transform_1(%arg0: i32) -> (i32, i32) {
    %c0_i32 = arith.constant 0 : i32
    %c0_i32_0 = arith.constant 0 : i32
    return %arg0, %c0_i32 : i32, i32
  }
  func.func @transform_2(%arg0: i32) -> (i32, i32) {
    %c0_i32 = arith.constant 0 : i32
    %c0_i32_0 = arith.constant 0 : i32
    return %arg0, %c0_i32 : i32, i32
  }
  func.func @transform_3(%arg0: i32) -> (i32, i32, i32) {
    %c0_i32 = arith.constant 0 : i32
    %c0_i32_0 = arith.constant 0 : i32
    %c0_i32_1 = arith.constant 0 : i32
    return %arg0, %c0_i32, %c0_i32_0 : i32, i32, i32
  }
  func.func @transform_4(%arg0: i32) -> (i32, i32) {
    %c0_i32 = arith.constant 0 : i32
    %c0_i32_0 = arith.constant 0 : i32
    %c0_i32_1 = arith.constant 0 : i32
    return %c0_i32, %c0_i32_0 : i32, i32
  }
  func.func @transform_5(%arg0: i32) -> (i32, i32) {
    %c0_i32 = arith.constant 0 : i32
    %c0_i32_0 = arith.constant 0 : i32
    %c0_i32_1 = arith.constant 0 : i32
    return %c0_i32, %c0_i32_0 : i32, i32
  }
  func.func @transform_6(%arg0: i32) -> (i32, i32) {
    %c0_i32 = arith.constant 0 : i32
    %c0_i32_0 = arith.constant 0 : i32
    %c0_i32_1 = arith.constant 0 : i32
    return %c0_i32, %c0_i32_0 : i32, i32
  }
  func.func @transform_7(%arg0: i32) -> (i32, i32) {
    %c0_i32 = arith.constant 0 : i32
    %c0_i32_0 = arith.constant 0 : i32
    %c0_i32_1 = arith.constant 0 : i32
    return %c0_i32, %c0_i32_0 : i32, i32
  }
  func.func @transform_8(%arg0: i32) -> (i32, i32) {
    %c0_i32 = arith.constant 0 : i32
    %c0_i32_0 = arith.constant 0 : i32
    %c0_i32_1 = arith.constant 0 : i32
    return %c0_i32, %c0_i32_0 : i32, i32
  }
  func.func @transform_9(%arg0: i32) -> (i32, i32) {
    %c0_i32 = arith.constant 0 : i32
    %c0_i32_0 = arith.constant 0 : i32
    %c0_i32_1 = arith.constant 0 : i32
    return %c0_i32, %c0_i32_0 : i32, i32
  }
  func.func @transform_10(%arg0: i32) -> (i32, i32) {
    %c0_i32 = arith.constant 0 : i32
    %c0_i32_0 = arith.constant 0 : i32
    %c0_i32_1 = arith.constant 0 : i32
    return %c0_i32, %c0_i32_0 : i32, i32
  }
  func.func @transform_11(%arg0: i32) -> (i32, i32) {
    %c0_i32 = arith.constant 0 : i32
    %c0_i32_0 = arith.constant 0 : i32
    %c0_i32_1 = arith.constant 0 : i32
    return %c0_i32, %c0_i32_0 : i32, i32
  }
  func.func @transform_12(%arg0: i32) -> (i32, i32, i32) {
    %c0_i32 = arith.constant 0 : i32
    %c0_i32_0 = arith.constant 0 : i32
    %c0_i32_1 = arith.constant 0 : i32
    return %c0_i32, %arg0, %c0_i32_0 : i32, i32, i32
  }
  func.func @transform_13(%arg0: i32) -> (i32, i32, i32) {
    %c0_i32 = arith.constant 0 : i32
    %c0_i32_0 = arith.constant 0 : i32
    %c0_i32_1 = arith.constant 0 : i32
    return %arg0, %c0_i32, %c0_i32_0 : i32, i32, i32
  }
}

module attributes {stable_mosaic.version = 14 : i64} {
  func.func @_node_body(%arg0: memref<1500x128xf32, #tpu.memory_space<vmem>>, %arg1: memref<1500x128xf32, #tpu.memory_space<vmem>>, %arg2: memref<8x128xf32, #tpu.memory_space<vmem>>, %arg3: memref<1x512xf32, #tpu.memory_space<vmem>>, %arg4: memref<128x512xf32, #tpu.memory_space<vmem>>, %arg5: memref<512x128xf32, #tpu.memory_space<vmem>>, %arg6: memref<128x256xf32, #tpu.memory_space<vmem>>, %arg7: memref<1x256xf32, #tpu.memory_space<vmem>>, %arg8: memref<1500x128xf32, #tpu.memory_space<vmem>>, %arg9: memref<1500x128xf32, #tpu.memory_space<vmem>>, %arg10: memref<1500x128xf32, #tpu.memory_space<vmem>>) attributes {dimension_semantics = [], scalar_prefetch = 0 : i64, scratch_operands = 0 : i64, tpu.core_type = #tpu.core_type<tc>} {
    %get3A = arith.constant 0 : index
    %get3A_0 = arith.constant 0 : index
    %get3A_1 = vector.load %arg2[%get3A, %get3A_0] : memref<8x128xf32, #tpu.memory_space<vmem>>, vector<8x128xf32>
    %get3A_2 = arith.constant 0 : index
    %get3A_3 = arith.constant 0 : index
    %get3A_4 = vector.load %arg0[%get3A_2, %get3A_3] : memref<1500x128xf32, #tpu.memory_space<vmem>>, vector<1500x128xf32>
    %get3A_5 = arith.constant 0 : index
    %get3A_6 = arith.constant 0 : index
    %get3A_7 = vector.load %arg1[%get3A_5, %get3A_6] : memref<1500x128xf32, #tpu.memory_space<vmem>>, vector<1500x128xf32>
    %add3A = arith.addf %get3A_4, %get3A_7 : vector<1500x128xf32>
    %slice3A = vector.extract_strided_slice %get3A_1 {offsets = [0, 0], sizes = [1, 128], strides = [1, 1]} : vector<8x128xf32> to vector<1x128xf32>
    %slice3A_8 = vector.extract_strided_slice %get3A_1 {offsets = [1, 0], sizes = [1, 128], strides = [1, 1]} : vector<8x128xf32> to vector<1x128xf32>
    %reduce_sum3A = arith.constant dense<0.000000e+00> : vector<1500xf32>
    %reduce_sum3A_9 = vector.multi_reduction <add>, %add3A, %reduce_sum3A [1] : vector<1500x128xf32> to vector<1500xf32>
    %broadcast_in_dim3A = vector.shape_cast %reduce_sum3A_9 : vector<1500xf32> to vector<1500x1xf32>
    %div3A = arith.constant 1.280000e+02 : f32
    %div3A_10 = vector.broadcast %div3A : f32 to vector<1500x1xf32>
    %div3A_11 = arith.divf %broadcast_in_dim3A, %div3A_10 : vector<1500x1xf32>
    %sub3A = vector.broadcast %div3A_11 : vector<1500x1xf32> to vector<1500x128xf32>
    %sub3A_12 = arith.subf %add3A, %sub3A : vector<1500x128xf32>
    %mul3A = arith.mulf %sub3A_12, %sub3A_12 : vector<1500x128xf32>
    %reduce_sum3A_13 = arith.constant dense<0.000000e+00> : vector<1500xf32>
    %reduce_sum3A_14 = vector.multi_reduction <add>, %mul3A, %reduce_sum3A_13 [1] : vector<1500x128xf32> to vector<1500xf32>
    %broadcast_in_dim3A_15 = vector.shape_cast %reduce_sum3A_14 : vector<1500xf32> to vector<1500x1xf32>
    %div3A_16 = arith.constant 1.280000e+02 : f32
    %div3A_17 = vector.broadcast %div3A_16 : f32 to vector<1500x1xf32>
    %div3A_18 = arith.divf %broadcast_in_dim3A_15, %div3A_17 : vector<1500x1xf32>
    %add3A_19 = arith.constant 9.99999974E-6 : f32
    %add3A_20 = vector.broadcast %add3A_19 : f32 to vector<1500x1xf32>
    %add3A_21 = arith.addf %div3A_18, %add3A_20 : vector<1500x1xf32>
    %rsqrt3A = math.rsqrt %add3A_21 : vector<1500x1xf32>
    %mul3A_22 = vector.broadcast %rsqrt3A : vector<1500x1xf32> to vector<1500x128xf32>
    %mul3A_23 = arith.mulf %sub3A_12, %mul3A_22 : vector<1500x128xf32>
    %mul3A_24 = vector.broadcast %slice3A : vector<1x128xf32> to vector<1500x128xf32>
    %mul3A_25 = arith.mulf %mul3A_23, %mul3A_24 : vector<1500x128xf32>
    %add3A_26 = vector.broadcast %slice3A_8 : vector<1x128xf32> to vector<1500x128xf32>
    %add3A_27 = arith.addf %mul3A_25, %add3A_26 : vector<1500x128xf32>
    %get3A_28 = arith.constant 0 : index
    %get3A_29 = arith.constant 0 : index
    %get3A_30 = vector.load %arg4[%get3A_28, %get3A_29] : memref<128x512xf32, #tpu.memory_space<vmem>>, vector<128x512xf32>
    %dot_general3A = arith.constant dense<0.000000e+00> : vector<1500x512xf32>
    %dot_general3A_31 = tpu.matmul %add3A_27, %get3A_30, %dot_general3A {dimension_numbers = #tpu.dot_dimension_numbers<[1], [0], [0], [1], [0, 0, 1, 1], [], []>, transpose_lhs_hint = false} : vector<1500x128xf32>, vector<128x512xf32>, vector<1500x512xf32> -> vector<1500x512xf32>
    %get3A_32 = arith.constant 0 : index
    %get3A_33 = arith.constant 0 : index
    %get3A_34 = vector.load %arg3[%get3A_32, %get3A_33] : memref<1x512xf32, #tpu.memory_space<vmem>>, vector<1x512xf32>
    %add3A_35 = vector.broadcast %get3A_34 : vector<1x512xf32> to vector<1500x512xf32>
    %add3A_36 = arith.addf %dot_general3A_31, %add3A_35 : vector<1500x512xf32>
    %integer_pow3A = arith.mulf %add3A_36, %add3A_36 : vector<1500x512xf32>
    %integer_pow3A_37 = arith.mulf %add3A_36, %integer_pow3A : vector<1500x512xf32>
    %mul3A_38 = arith.constant 4.471500e-02 : f32
    %mul3A_39 = vector.broadcast %mul3A_38 : f32 to vector<1500x512xf32>
    %mul3A_40 = arith.mulf %mul3A_39, %integer_pow3A_37 : vector<1500x512xf32>
    %add3A_41 = arith.addf %add3A_36, %mul3A_40 : vector<1500x512xf32>
    %mul3A_42 = arith.constant 0.797884583 : f32
    %mul3A_43 = vector.broadcast %mul3A_42 : f32 to vector<1500x512xf32>
    %mul3A_44 = arith.mulf %mul3A_43, %add3A_41 : vector<1500x512xf32>
    %tanh3A = math.tanh %mul3A_44 : vector<1500x512xf32>
    %add3A_45 = arith.constant 1.000000e+00 : f32
    %add3A_46 = vector.broadcast %add3A_45 : f32 to vector<1500x512xf32>
    %add3A_47 = arith.addf %add3A_46, %tanh3A : vector<1500x512xf32>
    %mul3A_48 = arith.constant 5.000000e-01 : f32
    %mul3A_49 = vector.broadcast %mul3A_48 : f32 to vector<1500x512xf32>
    %mul3A_50 = arith.mulf %mul3A_49, %add3A_47 : vector<1500x512xf32>
    %mul3A_51 = arith.mulf %add3A_36, %mul3A_50 : vector<1500x512xf32>
    %get3A_52 = arith.constant 0 : index
    %get3A_53 = arith.constant 0 : index
    %get3A_54 = vector.load %arg5[%get3A_52, %get3A_53] : memref<512x128xf32, #tpu.memory_space<vmem>>, vector<512x128xf32>
    %dot_general3A_55 = arith.constant dense<0.000000e+00> : vector<1500x128xf32>
    %dot_general3A_56 = tpu.matmul %mul3A_51, %get3A_54, %dot_general3A_55 {dimension_numbers = #tpu.dot_dimension_numbers<[1], [0], [0], [1], [0, 0, 1, 1], [], []>, transpose_lhs_hint = false} : vector<1500x512xf32>, vector<512x128xf32>, vector<1500x128xf32> -> vector<1500x128xf32>
    %slice3A_57 = vector.extract_strided_slice %get3A_1 {offsets = [2, 0], sizes = [1, 128], strides = [1, 1]} : vector<8x128xf32> to vector<1x128xf32>
    %add3A_58 = vector.broadcast %slice3A_57 : vector<1x128xf32> to vector<1500x128xf32>
    %add3A_59 = arith.addf %dot_general3A_56, %add3A_58 : vector<1500x128xf32>
    %add3A_60 = arith.addf %add3A_27, %add3A_59 : vector<1500x128xf32>
    %slice3A_61 = vector.extract_strided_slice %get3A_1 {offsets = [3, 0], sizes = [1, 128], strides = [1, 1]} : vector<8x128xf32> to vector<1x128xf32>
    %slice3A_62 = vector.extract_strided_slice %get3A_1 {offsets = [4, 0], sizes = [1, 128], strides = [1, 1]} : vector<8x128xf32> to vector<1x128xf32>
    %reduce_sum3A_63 = arith.constant dense<0.000000e+00> : vector<1500xf32>
    %reduce_sum3A_64 = vector.multi_reduction <add>, %add3A_60, %reduce_sum3A_63 [1] : vector<1500x128xf32> to vector<1500xf32>
    %broadcast_in_dim3A_65 = vector.shape_cast %reduce_sum3A_64 : vector<1500xf32> to vector<1500x1xf32>
    %div3A_66 = arith.constant 1.280000e+02 : f32
    %div3A_67 = vector.broadcast %div3A_66 : f32 to vector<1500x1xf32>
    %div3A_68 = arith.divf %broadcast_in_dim3A_65, %div3A_67 : vector<1500x1xf32>
    %sub3A_69 = vector.broadcast %div3A_68 : vector<1500x1xf32> to vector<1500x128xf32>
    %sub3A_70 = arith.subf %add3A_60, %sub3A_69 : vector<1500x128xf32>
    %mul3A_71 = arith.mulf %sub3A_70, %sub3A_70 : vector<1500x128xf32>
    %reduce_sum3A_72 = arith.constant dense<0.000000e+00> : vector<1500xf32>
    %reduce_sum3A_73 = vector.multi_reduction <add>, %mul3A_71, %reduce_sum3A_72 [1] : vector<1500x128xf32> to vector<1500xf32>
    %broadcast_in_dim3A_74 = vector.shape_cast %reduce_sum3A_73 : vector<1500xf32> to vector<1500x1xf32>
    %div3A_75 = arith.constant 1.280000e+02 : f32
    %div3A_76 = vector.broadcast %div3A_75 : f32 to vector<1500x1xf32>
    %div3A_77 = arith.divf %broadcast_in_dim3A_74, %div3A_76 : vector<1500x1xf32>
    %add3A_78 = arith.constant 9.99999974E-6 : f32
    %add3A_79 = vector.broadcast %add3A_78 : f32 to vector<1500x1xf32>
    %add3A_80 = arith.addf %div3A_77, %add3A_79 : vector<1500x1xf32>
    %rsqrt3A_81 = math.rsqrt %add3A_80 : vector<1500x1xf32>
    %mul3A_82 = vector.broadcast %rsqrt3A_81 : vector<1500x1xf32> to vector<1500x128xf32>
    %mul3A_83 = arith.mulf %sub3A_70, %mul3A_82 : vector<1500x128xf32>
    %mul3A_84 = vector.broadcast %slice3A_61 : vector<1x128xf32> to vector<1500x128xf32>
    %mul3A_85 = arith.mulf %mul3A_83, %mul3A_84 : vector<1500x128xf32>
    %add3A_86 = vector.broadcast %slice3A_62 : vector<1x128xf32> to vector<1500x128xf32>
    %add3A_87 = arith.addf %mul3A_85, %add3A_86 : vector<1500x128xf32>
    %swap3A = arith.constant 0 : index
    %swap3A_88 = arith.constant 0 : index
    %swap3A_89 = vector.load %arg8[%swap3A, %swap3A_88] : memref<1500x128xf32, #tpu.memory_space<vmem>>, vector<1500x128xf32>
    tpu.vector_store %arg8[%swap3A, %swap3A_88], %add3A_87 {strides = array<i32>} : memref<1500x128xf32, #tpu.memory_space<vmem>>, vector<1500x128xf32>,
    %get3A_90 = arith.constant 0 : index
    %get3A_91 = arith.constant 0 : index
    %get3A_92 = vector.load %arg6[%get3A_90, %get3A_91] : memref<128x256xf32, #tpu.memory_space<vmem>>, vector<128x256xf32>
    %dot_general3A_93 = arith.constant dense<0.000000e+00> : vector<1500x256xf32>
    %dot_general3A_94 = tpu.matmul %add3A_87, %get3A_92, %dot_general3A_93 {dimension_numbers = #tpu.dot_dimension_numbers<[1], [0], [0], [1], [0, 0, 1, 1], [], []>, transpose_lhs_hint = false} : vector<1500x128xf32>, vector<128x256xf32>, vector<1500x256xf32> -> vector<1500x256xf32>
    %get3A_95 = arith.constant 0 : index
    %get3A_96 = arith.constant 0 : index
    %get3A_97 = vector.load %arg7[%get3A_95, %get3A_96] : memref<1x256xf32, #tpu.memory_space<vmem>>, vector<1x256xf32>
    %add3A_98 = vector.broadcast %get3A_97 : vector<1x256xf32> to vector<1500x256xf32>
    %add3A_99 = arith.addf %dot_general3A_94, %add3A_98 : vector<1500x256xf32>
    %slice3A_100 = vector.extract_strided_slice %add3A_99 {offsets = [0, 0], sizes = [1500, 128], strides = [1, 1]} : vector<1500x256xf32> to vector<1500x128xf32>
    %swap3A_101 = arith.constant 0 : index
    %swap3A_102 = arith.constant 0 : index
    %swap3A_103 = vector.load %arg9[%swap3A_101, %swap3A_102] : memref<1500x128xf32, #tpu.memory_space<vmem>>, vector<1500x128xf32>
    tpu.vector_store %arg9[%swap3A_101, %swap3A_102], %slice3A_100 {strides = array<i32>} : memref<1500x128xf32, #tpu.memory_space<vmem>>, vector<1500x128xf32>,
    %slice3A_104 = vector.extract_strided_slice %add3A_99 {offsets = [0, 128], sizes = [1500, 128], strides = [1, 1]} : vector<1500x256xf32> to vector<1500x128xf32>
    %swap3A_105 = arith.constant 0 : index
    %swap3A_106 = arith.constant 0 : index
    %swap3A_107 = vector.load %arg10[%swap3A_105, %swap3A_106] : memref<1500x128xf32, #tpu.memory_space<vmem>>, vector<1500x128xf32>
    tpu.vector_store %arg10[%swap3A_105, %swap3A_106], %slice3A_104 {strides = array<i32>} : memref<1500x128xf32, #tpu.memory_space<vmem>>, vector<1500x128xf32>,
    return
  }
}

module attributes {stable_mosaic.version = 14 : i64} {
  func.func @_trans_body(%arg0: i32, %arg1: memref<2880x128xf32, #tpu.memory_space<vmem>>, %arg2: memref<30x96x128xf32, #tpu.memory_space<vmem>>) attributes {dimension_semantics = [#tpu.dimension_semantics<arbitrary>], iteration_bounds = array<i64: 16>, scalar_prefetch = 0 : i64, scratch_operands = 0 : i64, tpu.core_type = #tpu.core_type<tc>, window_params = [{transform_indices = @transform_0, window_bounds = array<i64: 2880, 128>}, {transform_indices = @transform_1, window_bounds = array<i64: 30, 96, 128>}]} {
    %get3A = arith.constant 0 : index
    %get3A_0 = arith.constant 0 : index
    %get3A_1 = vector.load %arg1[%get3A, %get3A_0] : memref<2880x128xf32, #tpu.memory_space<vmem>>, vector<2880x128xf32>
    %reshape3A = vector.shape_cast %get3A_1 : vector<2880x128xf32> to vector<96x30x128xf32>
    %transpose3A = tpu.transpose %reshape3A, [1, 0, 2] : vector<96x30x128xf32> -> vector<30x96x128xf32>
    %swap3A = arith.constant 0 : index
    %swap3A_2 = arith.constant 0 : index
    %swap3A_3 = arith.constant 0 : index
    %swap3A_4 = vector.load %arg2[%swap3A, %swap3A_2, %swap3A_3] : memref<30x96x128xf32, #tpu.memory_space<vmem>>, vector<30x96x128xf32>
    tpu.vector_store %arg2[%swap3A, %swap3A_2, %swap3A_3], %transpose3A {strides = array<i32>} : memref<30x96x128xf32, #tpu.memory_space<vmem>>, vector<30x96x128xf32>,
    return
  }
  func.func @transform_0(%arg0: i32) -> (i32, i32) {
    %c0_i32 = arith.constant 0 : i32
    %c0_i32_0 = arith.constant 0 : i32
    return %arg0, %c0_i32 : i32, i32
  }
  func.func @transform_1(%arg0: i32) -> (i32, i32, i32) {
    %c0_i32 = arith.constant 0 : i32
    %c0_i32_0 = arith.constant 0 : i32
    %c0_i32_1 = arith.constant 0 : i32
    return %c0_i32, %arg0, %c0_i32_0 : i32, i32, i32
  }
}

module attributes {stable_mosaic.version = 14 : i64} {
  func.func @_edge_out_body(%arg0: i32, %arg1: memref<1536x128xf32, #tpu.memory_space<vmem>>, %arg2: memref<1536x128xf32, #tpu.memory_space<vmem>>, %arg3: memref<1536x128xf32, #tpu.memory_space<vmem>>, %arg4: memref<128x128xf32, #tpu.memory_space<vmem>>, %arg5: memref<128x128xf32, #tpu.memory_space<vmem>>, %arg6: memref<128x128xf32, #tpu.memory_space<vmem>>, %arg7: memref<128x400xf32, #tpu.memory_space<vmem>>, %arg8: memref<400x1xf32, #tpu.memory_space<vmem>>, %arg9: memref<8x128xf32, #tpu.memory_space<vmem>>, %arg10: memref<1x400x1500xf32, #tpu.memory_space<vmem>>) attributes {dimension_semantics = [#tpu.dimension_semantics<arbitrary>], iteration_bounds = array<i64: 30>, scalar_prefetch = 0 : i64, scratch_operands = 0 : i64, tpu.core_type = #tpu.core_type<tc>, window_params = [{transform_indices = @transform_0, window_bounds = array<i64: 1536, 128>}, {transform_indices = @transform_1, window_bounds = array<i64: 1536, 128>}, {pipeline_mode = #tpu.pipeline_mode<synchronous>, transform_indices = @transform_2, window_bounds = array<i64: 1536, 128>}, {pipeline_mode = #tpu.pipeline_mode<synchronous>, transform_indices = @transform_3, window_bounds = array<i64: 128, 128>}, {pipeline_mode = #tpu.pipeline_mode<synchronous>, transform_indices = @transform_4, window_bounds = array<i64: 128, 128>}, {pipeline_mode = #tpu.pipeline_mode<synchronous>, transform_indices = @transform_5, window_bounds = array<i64: 128, 128>}, {pipeline_mode = #tpu.pipeline_mode<synchronous>, transform_indices = @transform_6, window_bounds = array<i64: 128, 400>}, {pipeline_mode = #tpu.pipeline_mode<synchronous>, transform_indices = @transform_7, window_bounds = array<i64: 400, 1>}, {pipeline_mode = #tpu.pipeline_mode<synchronous>, transform_indices = @transform_8, window_bounds = array<i64: 8, 128>}, {transform_indices = @transform_9, window_bounds = array<i64: 1, 400, 1500>}]} {
    %get3A = arith.constant 0 : index
    %get3A_0 = arith.constant 0 : index
    %get3A_1 = vector.load %arg9[%get3A, %get3A_0] : memref<8x128xf32, #tpu.memory_space<vmem>>, vector<8x128xf32>
    %get3A_2 = arith.constant 0 : index
    %get3A_3 = arith.constant 0 : index
    %get3A_4 = vector.load %arg1[%get3A_2, %get3A_3] : memref<1536x128xf32, #tpu.memory_space<vmem>>, vector<1536x128xf32>
    %get3A_5 = arith.constant 0 : index
    %get3A_6 = arith.constant 0 : index
    %get3A_7 = vector.load %arg4[%get3A_5, %get3A_6] : memref<128x128xf32, #tpu.memory_space<vmem>>, vector<128x128xf32>
    %dot_general3A = arith.constant dense<0.000000e+00> : vector<1536x128xf32>
    %dot_general3A_8 = tpu.matmul %get3A_4, %get3A_7, %dot_general3A {dimension_numbers = #tpu.dot_dimension_numbers<[1], [0], [0], [1], [0, 0, 1, 1], [], []>, transpose_lhs_hint = false} : vector<1536x128xf32>, vector<128x128xf32>, vector<1536x128xf32> -> vector<1536x128xf32>
    %get3A_9 = arith.constant 0 : index
    %get3A_10 = arith.constant 0 : index
    %get3A_11 = vector.load %arg2[%get3A_9, %get3A_10] : memref<1536x128xf32, #tpu.memory_space<vmem>>, vector<1536x128xf32>
    %add3A = arith.addf %dot_general3A_8, %get3A_11 : vector<1536x128xf32>
    %get3A_12 = arith.constant 0 : index
    %get3A_13 = arith.constant 0 : index
    %get3A_14 = vector.load %arg3[%get3A_12, %get3A_13] : memref<1536x128xf32, #tpu.memory_space<vmem>>, vector<1536x128xf32>
    %add3A_15 = arith.addf %add3A, %get3A_14 : vector<1536x128xf32>
    %integer_pow3A = arith.mulf %add3A_15, %add3A_15 : vector<1536x128xf32>
    %integer_pow3A_16 = arith.mulf %add3A_15, %integer_pow3A : vector<1536x128xf32>
    %mul3A = arith.constant 4.471500e-02 : f32
    %mul3A_17 = vector.broadcast %mul3A : f32 to vector<1536x128xf32>
    %mul3A_18 = arith.mulf %mul3A_17, %integer_pow3A_16 : vector<1536x128xf32>
    %add3A_19 = arith.addf %add3A_15, %mul3A_18 : vector<1536x128xf32>
    %mul3A_20 = arith.constant 0.797884583 : f32
    %mul3A_21 = vector.broadcast %mul3A_20 : f32 to vector<1536x128xf32>
    %mul3A_22 = arith.mulf %mul3A_21, %add3A_19 : vector<1536x128xf32>
    %tanh3A = math.tanh %mul3A_22 : vector<1536x128xf32>
    %add3A_23 = arith.constant 1.000000e+00 : f32
    %add3A_24 = vector.broadcast %add3A_23 : f32 to vector<1536x128xf32>
    %add3A_25 = arith.addf %add3A_24, %tanh3A : vector<1536x128xf32>
    %mul3A_26 = arith.constant 5.000000e-01 : f32
    %mul3A_27 = vector.broadcast %mul3A_26 : f32 to vector<1536x128xf32>
    %mul3A_28 = arith.mulf %mul3A_27, %add3A_25 : vector<1536x128xf32>
    %mul3A_29 = arith.mulf %add3A_15, %mul3A_28 : vector<1536x128xf32>
    %get3A_30 = arith.constant 0 : index
    %get3A_31 = arith.constant 0 : index
    %get3A_32 = vector.load %arg5[%get3A_30, %get3A_31] : memref<128x128xf32, #tpu.memory_space<vmem>>, vector<128x128xf32>
    %dot_general3A_33 = arith.constant dense<0.000000e+00> : vector<1536x128xf32>
    %dot_general3A_34 = tpu.matmul %mul3A_29, %get3A_32, %dot_general3A_33 {dimension_numbers = #tpu.dot_dimension_numbers<[1], [0], [0], [1], [0, 0, 1, 1], [], []>, transpose_lhs_hint = false} : vector<1536x128xf32>, vector<128x128xf32>, vector<1536x128xf32> -> vector<1536x128xf32>
    %slice3A = vector.extract_strided_slice %get3A_1 {offsets = [1, 0], sizes = [1, 128], strides = [1, 1]} : vector<8x128xf32> to vector<1x128xf32>
    %add3A_35 = vector.broadcast %slice3A : vector<1x128xf32> to vector<1536x128xf32>
    %add3A_36 = arith.addf %dot_general3A_34, %add3A_35 : vector<1536x128xf32>
    %integer_pow3A_37 = arith.mulf %add3A_36, %add3A_36 : vector<1536x128xf32>
    %integer_pow3A_38 = arith.mulf %add3A_36, %integer_pow3A_37 : vector<1536x128xf32>
    %mul3A_39 = arith.constant 4.471500e-02 : f32
    %mul3A_40 = vector.broadcast %mul3A_39 : f32 to vector<1536x128xf32>
    %mul3A_41 = arith.mulf %mul3A_40, %integer_pow3A_38 : vector<1536x128xf32>
    %add3A_42 = arith.addf %add3A_36, %mul3A_41 : vector<1536x128xf32>
    %mul3A_43 = arith.constant 0.797884583 : f32
    %mul3A_44 = vector.broadcast %mul3A_43 : f32 to vector<1536x128xf32>
    %mul3A_45 = arith.mulf %mul3A_44, %add3A_42 : vector<1536x128xf32>
    %tanh3A_46 = math.tanh %mul3A_45 : vector<1536x128xf32>
    %add3A_47 = arith.constant 1.000000e+00 : f32
    %add3A_48 = vector.broadcast %add3A_47 : f32 to vector<1536x128xf32>
    %add3A_49 = arith.addf %add3A_48, %tanh3A_46 : vector<1536x128xf32>
    %mul3A_50 = arith.constant 5.000000e-01 : f32
    %mul3A_51 = vector.broadcast %mul3A_50 : f32 to vector<1536x128xf32>
    %mul3A_52 = arith.mulf %mul3A_51, %add3A_49 : vector<1536x128xf32>
    %mul3A_53 = arith.mulf %add3A_36, %mul3A_52 : vector<1536x128xf32>
    %get3A_54 = arith.constant 0 : index
    %get3A_55 = arith.constant 0 : index
    %get3A_56 = vector.load %arg6[%get3A_54, %get3A_55] : memref<128x128xf32, #tpu.memory_space<vmem>>, vector<128x128xf32>
    %dot_general3A_57 = arith.constant dense<0.000000e+00> : vector<1536x128xf32>
    %dot_general3A_58 = tpu.matmul %mul3A_53, %get3A_56, %dot_general3A_57 {dimension_numbers = #tpu.dot_dimension_numbers<[1], [0], [0], [1], [0, 0, 1, 1], [], []>, transpose_lhs_hint = false} : vector<1536x128xf32>, vector<128x128xf32>, vector<1536x128xf32> -> vector<1536x128xf32>
    %slice3A_59 = vector.extract_strided_slice %get3A_1 {offsets = [2, 0], sizes = [1, 128], strides = [1, 1]} : vector<8x128xf32> to vector<1x128xf32>
    %add3A_60 = vector.broadcast %slice3A_59 : vector<1x128xf32> to vector<1536x128xf32>
    %add3A_61 = arith.addf %dot_general3A_58, %add3A_60 : vector<1536x128xf32>
    %add3A_62 = arith.addf %get3A_4, %add3A_61 : vector<1536x128xf32>
    %slice3A_63 = vector.extract_strided_slice %get3A_1 {offsets = [3, 0], sizes = [1, 128], strides = [1, 1]} : vector<8x128xf32> to vector<1x128xf32>
    %slice3A_64 = vector.extract_strided_slice %get3A_1 {offsets = [4, 0], sizes = [1, 128], strides = [1, 1]} : vector<8x128xf32> to vector<1x128xf32>
    %reduce_sum3A = arith.constant dense<0.000000e+00> : vector<1536xf32>
    %reduce_sum3A_65 = vector.multi_reduction <add>, %add3A_62, %reduce_sum3A [1] : vector<1536x128xf32> to vector<1536xf32>
    %broadcast_in_dim3A = vector.shape_cast %reduce_sum3A_65 : vector<1536xf32> to vector<1536x1xf32>
    %div3A = arith.constant 1.280000e+02 : f32
    %div3A_66 = vector.broadcast %div3A : f32 to vector<1536x1xf32>
    %div3A_67 = arith.divf %broadcast_in_dim3A, %div3A_66 : vector<1536x1xf32>
    %sub3A = vector.broadcast %div3A_67 : vector<1536x1xf32> to vector<1536x128xf32>
    %sub3A_68 = arith.subf %add3A_62, %sub3A : vector<1536x128xf32>
    %mul3A_69 = arith.mulf %sub3A_68, %sub3A_68 : vector<1536x128xf32>
    %reduce_sum3A_70 = arith.constant dense<0.000000e+00> : vector<1536xf32>
    %reduce_sum3A_71 = vector.multi_reduction <add>, %mul3A_69, %reduce_sum3A_70 [1] : vector<1536x128xf32> to vector<1536xf32>
    %broadcast_in_dim3A_72 = vector.shape_cast %reduce_sum3A_71 : vector<1536xf32> to vector<1536x1xf32>
    %div3A_73 = arith.constant 1.280000e+02 : f32
    %div3A_74 = vector.broadcast %div3A_73 : f32 to vector<1536x1xf32>
    %div3A_75 = arith.divf %broadcast_in_dim3A_72, %div3A_74 : vector<1536x1xf32>
    %add3A_76 = arith.constant 9.99999974E-6 : f32
    %add3A_77 = vector.broadcast %add3A_76 : f32 to vector<1536x1xf32>
    %add3A_78 = arith.addf %div3A_75, %add3A_77 : vector<1536x1xf32>
    %rsqrt3A = math.rsqrt %add3A_78 : vector<1536x1xf32>
    %mul3A_79 = vector.broadcast %rsqrt3A : vector<1536x1xf32> to vector<1536x128xf32>
    %mul3A_80 = arith.mulf %sub3A_68, %mul3A_79 : vector<1536x128xf32>
    %mul3A_81 = vector.broadcast %slice3A_63 : vector<1x128xf32> to vector<1536x128xf32>
    %mul3A_82 = arith.mulf %mul3A_80, %mul3A_81 : vector<1536x128xf32>
    %add3A_83 = vector.broadcast %slice3A_64 : vector<1x128xf32> to vector<1536x128xf32>
    %add3A_84 = arith.addf %mul3A_82, %add3A_83 : vector<1536x128xf32>
    %get3A_85 = arith.constant 0 : index
    %get3A_86 = arith.constant 0 : index
    %get3A_87 = vector.load %arg7[%get3A_85, %get3A_86] : memref<128x400xf32, #tpu.memory_space<vmem>>, vector<128x400xf32>
    %dot_general3A_88 = arith.constant dense<0.000000e+00> : vector<400x1536xf32>
    %dot_general3A_89 = tpu.matmul %get3A_87, %add3A_84, %dot_general3A_88 {dimension_numbers = #tpu.dot_dimension_numbers<[0], [1], [1], [0], [0, 1, 1, 0], [], []>, transpose_lhs_hint = false} : vector<128x400xf32>, vector<1536x128xf32>, vector<400x1536xf32> -> vector<400x1536xf32>
    %slice3A_90 = vector.extract_strided_slice %dot_general3A_89 {offsets = [0, 0], sizes = [400, 1500], strides = [1, 1]} : vector<400x1536xf32> to vector<400x1500xf32>
    %get3A_91 = arith.constant 0 : index
    %get3A_92 = arith.constant 0 : index
    %get3A_93 = vector.load %arg8[%get3A_91, %get3A_92] : memref<400x1xf32, #tpu.memory_space<vmem>>, vector<400x1xf32>
    %add3A_94 = vector.broadcast %get3A_93 : vector<400x1xf32> to vector<400x1500xf32>
    %add3A_95 = arith.addf %slice3A_90, %add3A_94 : vector<400x1500xf32>
    %swap3A = arith.constant 0 : index
    %swap3A_96 = arith.constant 0 : index
    %swap3A_97 = arith.constant 0 : index
    %swap3A_98 = vector.load %arg10[%swap3A, %swap3A_96, %swap3A_97] : memref<1x400x1500xf32, #tpu.memory_space<vmem>>, vector<1x400x1500xf32>
    %swap3A_99 = vector.shape_cast %swap3A_98 : vector<1x400x1500xf32> to vector<400x1500xf32>
    %swap3A_100 = vector.shape_cast %add3A_95 : vector<400x1500xf32> to vector<1x400x1500xf32>
    tpu.vector_store %arg10[%swap3A, %swap3A_96, %swap3A_97], %swap3A_100 {strides = array<i32>} : memref<1x400x1500xf32, #tpu.memory_space<vmem>>, vector<1x400x1500xf32>,
    return
  }
  func.func @transform_0(%arg0: i32) -> (i32, i32) {
    %c0_i32 = arith.constant 0 : i32
    %c0_i32_0 = arith.constant 0 : i32
    return %arg0, %c0_i32 : i32, i32
  }
  func.func @transform_1(%arg0: i32) -> (i32, i32) {
    %c0_i32 = arith.constant 0 : i32
    %c0_i32_0 = arith.constant 0 : i32
    return %arg0, %c0_i32 : i32, i32
  }
  func.func @transform_2(%arg0: i32) -> (i32, i32) {
    %c0_i32 = arith.constant 0 : i32
    %c0_i32_0 = arith.constant 0 : i32
    %c0_i32_1 = arith.constant 0 : i32
    return %c0_i32, %c0_i32_0 : i32, i32
  }
  func.func @transform_3(%arg0: i32) -> (i32, i32) {
    %c0_i32 = arith.constant 0 : i32
    %c0_i32_0 = arith.constant 0 : i32
    %c0_i32_1 = arith.constant 0 : i32
    return %c0_i32, %c0_i32_0 : i32, i32
  }
  func.func @transform_4(%arg0: i32) -> (i32, i32) {
    %c0_i32 = arith.constant 0 : i32
    %c0_i32_0 = arith.constant 0 : i32
    %c0_i32_1 = arith.constant 0 : i32
    return %c0_i32, %c0_i32_0 : i32, i32
  }
  func.func @transform_5(%arg0: i32) -> (i32, i32) {
    %c0_i32 = arith.constant 0 : i32
    %c0_i32_0 = arith.constant 0 : i32
    %c0_i32_1 = arith.constant 0 : i32
    return %c0_i32, %c0_i32_0 : i32, i32
  }
  func.func @transform_6(%arg0: i32) -> (i32, i32) {
    %c0_i32 = arith.constant 0 : i32
    %c0_i32_0 = arith.constant 0 : i32
    %c0_i32_1 = arith.constant 0 : i32
    return %c0_i32, %c0_i32_0 : i32, i32
  }
  func.func @transform_7(%arg0: i32) -> (i32, i32) {
    %c0_i32 = arith.constant 0 : i32
    %c0_i32_0 = arith.constant 0 : i32
    %c0_i32_1 = arith.constant 0 : i32
    return %c0_i32, %c0_i32_0 : i32, i32
  }
  func.func @transform_8(%arg0: i32) -> (i32, i32) {
    %c0_i32 = arith.constant 0 : i32
    %c0_i32_0 = arith.constant 0 : i32
    %c0_i32_1 = arith.constant 0 : i32
    return %c0_i32, %c0_i32_0 : i32, i32
  }
  func.func @transform_9(%arg0: i32) -> (i32, i32, i32) {
    %c0_i32 = arith.constant 0 : i32
    %c0_i32_0 = arith.constant 0 : i32
    %c0_i32_1 = arith.constant 0 : i32
    return %arg0, %c0_i32, %c0_i32_0 : i32, i32, i32
  }
}

</mosaic_0001>

<sc_bundles>
// kernel: kernel.12.cloned.1.call-start
scs
__scs_entry_jumppad:
0x0: {  	(pc) =	sbr.rel $0x88, $3  }
0x1: {  	(tag) =	ssettag $0x0;
	lr =	simm.s32 $0x1  }
0x2: {  	[smem:$0x3F82] =	sst lr;
	_ =	strace $0xD0000000  }
0x3: {  	_ = 	snop  }
0x4: {  	_ = 	snop  }
0x5: {  	_ = 	snop  }
0x6: {  	_ = 	snop  }
0x7: {  	_ = 	snop  }
__scs_overlays_trampoline_lowered:
0x8: {  	[smem:$0x3F91] =	sst s0  }
0x9: {  	[smem:$0x3F92] =	sst s1  }
0xa: {  	[smem:$0x3F93] =	sst s2  }
0xb: {  	[smem:$0x3F94] =	sst s3  }
0xc: {  	[smem:$0x3F95] =	sst s4  }
0xd: {  	[smem:$0x3F96] =	sst s5  }
0xe: {  	[smem:$0x3F97] =	sst s6  }
0xf: {  	[smem:$0x3F98] =	sst s7  }
0x10: {  	[smem:$0x3F99] =	sst s8  }
0x11: {  	[smem:$0x3F9A] =	sst s9;
	s0 =	simm.s32 @!p0 $0x0  }
0x12: {  	s1 =	sld [smem:$0x3F80];
	s0 =	simm.s32 @p0 $0x1  }
0x13: {  	[smem:$0x3F9B] =	sst s0;
	s0 =	simm.s32 @!p1 $0x0  }
0x14: {  	s2 =	sld [smem:$0x3F7F];
	s0 =	simm.s32 @p1 $0x1  }
0x15: {  	[smem:$0x3F9C] =	sst s0;
	s0 =	simm.s32 @!p2 $0x0  }
0x16: {  	s3 =	sld [smem:$0x3FDB];
	s0 =	simm.s32 @p2 $0x1  }
0x17: {  	s4 =	simm.s32 $0x1BF5;
	[smem:$0x3F9E] =	sst s0  }
0x18: {  	s0 =	sld [smem:$0x3F81];
	_ =	swait.ge [sflag:s4], $0x0  }
0x19: {  	s7 =	sld [smem:$0x3F82]  }
0x1a: {  	s8 =	sadd.s32 $0xFFFFE003, lr  }
0x1b: {  	s9 =	sadd.s32 $0xFFFFFEF7, lr;
	s5 =	simm.s32 $0xFFFFFFFF;
	p2 =	slt.u32 s8, $0xFFFFF086  }
0x1c: {  	p1 =	slt.u32 s9, $0xF7A;
	s5 =	simm.s32 @!p2 $0x0  }
0x1d: {  	s5 =	simm.s32 @p1 $0x1;
	p0 =	seq.s32 s7, s2  }
0x1e: {  	s7 =	smul.u32 @!p0 $0xF7A, s2;
	p2 =	seq.s32 @!p0 s5, $0x0  }
0x1f: {  	s9 =	smul.u32 $0xF7A, s1;
	s8 =	simm.s32 @!p0 $0x1BF5;
	p2 =	por !p2, p0  }
0x20: {  	[sflag:s8] =	ssyncset.s32 @!p0 $0xFFFFF086;
	s6 =	sadd.s32 @!p0 s3, s7;
	s7 =	simm.s32 @!p0 $0x108  }
0x21: {  	s3 =	sadd.s32 s3, s9;
	s6 =	sadd.s32 @!p0 $0x88, s6;
	s7 =	simm.s32 @p2 $0x1082  }
0x22: {  	[simem:s7], [sflag:s8] =	dma.local @!p0 [hbm:s6], $0xF7A  }
0x23: {  	s9 =	sor.u32 $0xD0000000, s2;
	s6 =	simm.s32 $0x108;
	_ =	swait.ge @!p0 [sflag:s8], $0x0  }
0x24: {  	s3 =	sadd.s32 $0x88, s3;
	s6 =	simm.s32 @!p1 $0x1082;
	[sflag:s4] =	ssyncset.s32 $0xFFFFF086  }
0x25: {  	[simem:s6], [sflag:s4] =	dma.local [hbm:s3], $0xF7A  }
0x26: {  	[smem:$0x3F82] =	sst s1;
	(tag) =	ssettag s2;
	_ =	strace s9  }
0x27: {  	s1 =	sld [smem:$0x3F92]  }
0x28: {  	s2 =	sld [smem:$0x3F93]  }
0x29: {  	s4 =	sld [smem:$0x3F95]  }
0x2a: {  	p0 =	seq.s32 s5, $0x0;
	s5 =	sld [smem:$0x3F96]  }
0x2b: {  	s6 =	sld [smem:$0x3F97]  }
0x2c: {  	s7 =	sld [smem:$0x3F98]  }
0x2d: {  	s3 =	simm.s32 $0x108;
	s8 =	sld [smem:$0x3F99]  }
0x2e: {  	s3 =	simm.s32 @!p0 $0x1082;
	s9 =	sld [smem:$0x3F9A]  }
0x2f: {  	lr =	sadd.s32 s0, s3;
	s0 =	sld [smem:$0x3F91]  }
0x30: {  	s3 =	sld [smem:$0x3F94]  }
0x31: {  	[smem:$0x3F9D] =	sst s10  }
0x32: {  	s10 =	sld [smem:$0x3F9B];
	_ =	sdelay $0x3  }
0x33: {  	p0 =	seq.s32 s10, $0x1;
	s10 =	sld [smem:$0x3F9D];
	_ =	sdelay $0x3  }
0x34: {  	[smem:$0x3F9D] =	sst s10  }
0x35: {  	s10 =	sld [smem:$0x3F9C];
	_ =	sdelay $0x3  }
0x36: {  	p1 =	seq.s32 s10, $0x1;
	s10 =	sld [smem:$0x3F9D];
	_ =	sdelay $0x3  }
0x37: {  	[smem:$0x3F9D] =	sst s10  }
0x38: {  	s10 =	sld [smem:$0x3F9E]  }
0x39: {  	_ = 	snop;
	(pc) =	sbr.ind lr, $3  }
0x3a: {  	_ = 	snop  }
0x3b: {  	_ = 	snop  }
0x3c: {  	p2 =	seq.s32 s10, $0x1;
	s10 =	sld [smem:$0x3F9D]  }
0x3d: {  	_ =	shalt  }
0x3e: {  	_ =	shalt  }
0x3f: {  	_ =	shalt  }
0x40: {  	_ =	shalt  }
0x41: {  	_ =	shalt  }
0x42: {  	_ =	shalt  }
0x43: {  	_ =	shalt  }
0x44: {  	_ =	shalt  }
0x45: {  	_ =	shalt  }
0x46: {  	_ =	shalt  }
0x47: {  	_ =	shalt  }
0x48: {  	_ =	shalt  }
0x49: {  	_ =	shalt  }
0x4a: {  	_ =	shalt  }
0x4b: {  	_ =	shalt  }
0x4c: {  	_ =	shalt  }
0x4d: {  	_ =	shalt  }
0x4e: {  	_ =	shalt  }
0x4f: {  	_ =	shalt  }
0x50: {  	_ =	shalt  }
0x51: {  	_ =	shalt  }
0x52: {  	_ =	shalt  }
0x53: {  	_ =	shalt  }
0x54: {  	_ =	shalt  }
0x55: {  	_ =	shalt  }
0x56: {  	_ =	shalt  }
0x57: {  	_ =	shalt  }
0x58: {  	_ =	shalt  }
0x59: {  	_ =	shalt  }
0x5a: {  	_ =	shalt  }
0x5b: {  	_ =	shalt  }
0x5c: {  	_ =	shalt  }
0x5d: {  	_ =	shalt  }
0x5e: {  	_ =	shalt  }
0x5f: {  	_ =	shalt  }
0x60: {  	_ =	shalt  }
0x61: {  	_ =	shalt  }
0x62: {  	_ =	shalt  }
0x63: {  	_ =	shalt  }
0x64: {  	_ =	shalt  }
0x65: {  	_ =	shalt  }
0x66: {  	_ =	shalt  }
0x67: {  	_ =	shalt  }
0x68: {  	_ =	shalt  }
0x69: {  	_ =	shalt  }
0x6a: {  	_ =	shalt  }
0x6b: {  	_ =	shalt  }
0x6c: {  	_ =	shalt  }
0x6d: {  	_ =	shalt  }
0x6e: {  	_ =	shalt  }
0x6f: {  	_ =	shalt  }
0x70: {  	_ =	shalt  }
0x71: {  	_ =	shalt  }
0x72: {  	_ =	shalt  }
0x73: {  	_ =	shalt  }
0x74: {  	_ =	shalt  }
0x75: {  	_ =	shalt  }
0x76: {  	_ =	shalt  }
0x77: {  	_ =	shalt  }
0x78: {  	_ =	shalt  }
0x79: {  	_ =	shalt  }
0x7a: {  	_ =	shalt  }
0x7b: {  	_ =	shalt  }
0x7c: {  	_ =	shalt  }
0x7d: {  	_ =	shalt  }
0x7e: {  	_ =	shalt  }
0x7f: {  	_ =	shalt  }
0x80: {  	_ =	shalt  }
0x81: {  	_ =	shalt  }
0x82: {  	_ =	shalt  }
0x83: {  	_ =	shalt  }
0x84: {  	_ =	shalt  }
0x85: {  	_ =	shalt  }
0x86: {  	_ =	shalt  }
0x87: {  	_ =	shalt  }
.Lfunc_end0:
.L_simem_size_0:
called_computation_lowered:
.L_overlay_start_0:
0x88: {  	s2 =	sld [smem:$0x3FD9]  }
0x89: {  	s3 =	sld [smem:$0x3FFE];
	_ =	sdelay $0x1  }
0x8a: {  	s1 =	srdreg.scid  }
0x8b: {  	s0 =	sand.u32 $0x1, s1  }
0x8c: {  	s16 =	sshll.u32 s0, $0xA;
	s2 =	sadd.s32 s3, s2  }
0x8d: {  	s2 =	sadd.s32 s2, s16  }
0x8e: {  	[smem:$0x3FA9] =	sst s2  }
0x8f: {  	_ = 	snop  }
0x90: {  	(tm) =	ssettm $0x1  }
0x91: {  	s17 =	sld [smem:$0x3FFB];
	_ =	sdelay $0x3  }
0x92: {  	_ =	strace s17  }
0x93: {  	s2 =	sld [smem:$0x3FFC];
	_ =	sdelay $0x3  }
0x94: {  	_ =	strace s2  }
0x95: {  	s2 =	sld [smem:$0x3FFD];
	_ =	sdelay $0x3  }
0x96: {  	_ =	strace s2  }
0x97: {  	_ =	strace $0x8FFFFFFF  }
0x98: {  	s18 =	sld [smem:$0x3FDB];
	_ =	sdelay $0x1  }
0x99: {  	s19 =	simm.s32 $_scs_section_size  }
0x9a: {  	s4 =	simm.s32 $_size__tile_overlayer_lowered;
	s5 =	simm.s32 $_tile_overlayer_lowered  }
0x9b: {  	s22 =	simm.s32 $0x1BFF;
	s21 =	sshll.u32 s5, $0x1;
	s2 =	sadd.s32 s19, s18  }
0x9c: {  	s6 =	simm.s32 $0x0;
	s20 =	sshll.u32 s4, $0x1;
	s4 =	sadd.s32 s21, s2  }
0x9d: {  	[timem:s6], [sflag:s22] =	dma.local [hbm:s4], s20  }
0x9e: {  	_ =	swait.ge [sflag:s22], s20  }
0x9f: {  	s3 =	ssub.s32 $0x0, s20;
	[sflag:s22] =	ssyncset.done $0x0  }
0xa0: {  	[sflag:s22] =	ssyncadd.s32 s3;
	_ =	sdelay $0x1  }
0xa1: {  	s23 =	simm.s32 $0x1B8B  }
0xa2: {  	_ =	swait.ge [sflag:s23], $0x1  }
0xa3: {  	[sflag:s23] =	ssyncset.done $0x0  }
0xa4: {  	s25 =	simm.s32 $0x1B8E;
	s24 =	sld [smem:$0x3FFE];
	[sflag:s23] =	ssyncadd.s32 $0xFFFFFFFF  }
0xa5: {  	s26 =	simm.s32 $execute0_lowered;
	[smem:$0x3FD2] =	sst s25  }
0xa6: {  	s4 =	sshll.u32 s26, $0x1;
	_ =	strace $0x80000046;
	[dreg:$0x1] =	wrdreg $0xFFFFFFFF  }
0xa7: {  	s28 =	simm.s32 $_size_execute0_lowered;
	s2 =	sadd.s32 s2, s4;
	[dreg:$0x0] =	wrdreg $0x0  }
0xa8: {  	s4 =	sshll.u32 s28, $0x1;
	[dreg:$0x2] =	wrdreg s2  }
0xa9: {  	[dreg:$0x3] =	wrdreg s4  }
0xaa: {  	[dreg:$0x4] =	wrdreg $0xC0  }
0xab: {  	_ =	task [dreg:s6], $0x5FFFF  }
0xac: {  	[dreg:$0x1] =	wrdreg $0xFFFFFFFF  }
0xad: {  	[dreg:$0x0] =	wrdreg $0x60  }
0xae: {  	[dreg:$0x2] =	wrdreg s24  }
0xaf: {  	[dreg:$0x3] =	wrdreg $0x9  }
0xb0: {  	_ =	task.clear_ibuf [dreg:s6], $0x4FFFF;
	_ =	strace $0x90000046  }
0xb1: {  	s29 =	simm.s32 $0x9;
	_ =	strace $0x80000048  }
0xb2: {  	_ =	swait.ge [sflag:s29], $0x1  }
0xb3: {  	[sflag:s29] =	ssyncadd.s32 $0xFFFFFFFF  }
0xb4: {  	_ =	strace $0x90000048  }
0xb5: {  	_ =	sfence  }
0xb6: {  	s30 =	sld [smem:$0x0];
	_ =	sdelay $0x2  }
0xb7: {  	s31 =	sshll.u32 s1, $0xD;
	s1 =	sshrl.u32 s1, $0x2  }
0xb8: {  	s3 =	sand.u32 $0x4000, s31;
	s1 =	sadd.s32 s1, s30  }
0xb9: {  	s0 =	sor.u32 s3, s0;
	s1 =	sshll.u32 s1, $0x11  }
0xba: {  	s0 =	sor.u32 s1, s0  }
0xbb: {  	s0 =	sadd.s32 $0x8F2B, s0  }
0xbc: {  	[sflag:s0] =	ssyncadd.remote.s32 $0x1  }
0xbd: {  	_ =	sfence.sel $0xFFFF  }
0xbe: {  	[dreg:$0x0] =	wrdreg $0xFFFFFFFF;
	(pc) =	sbr.abs _section_cstart, $3  }
0xbf: {  	[dreg:$0x1] =	wrdreg $0xFFFFFFFF  }
0xc0: {  	_ =	task.clear_ibuf [dreg:s6], $0x2FFFF;
	_ =	strace $0x9FFFFFFF  }
0xc1: {  	(tm) =	ssettm $0x7FFFFFFF  }
tec
execute0_lowered:
.L_overlay_start_1:
0x0: {  	(tag) =	ssettag $0x1  }
0x1: {  	s1 =	srdreg.scid;
	s0 =	stileid.u32  }
0x2: {  	s1 =	sand.u32 $0x1, s1;
	s2 =	sshll.u32 s0, $0x1  }
0x3: {  	s3 =	sor.u32 s1, s2  }
0x4: {  	s9 =	rddreg [dreg:$0x0];
	s2 =	simm.s32 $0x0;
	s4 =	smul.u32 $0x5800, s3  }
0x5: {  	s6 =	sadd.s32 $0x16400, s9;
	[smem:$0x7FF] =	sst s2;
	s5 =	smul.u32 $0x2C000, s3  }
0x6: {  	s7 =	sadd.s32 $0xC6400, s9;
	s3 =	sshll.u32 s3, $0x8;
	_ =	strace $0x80000047  }
0x7: {  	s3 =	sadd.s32 s3, s9;
	s8 =	sadd.s32 s6, s4;
	s5 =	sshrl.u32 s5, $0x3  }
0x8: {  	s4 =	sadd.s32 s7, s4;
	[dreg:$0x2] =	wrdreg s8;
	s20 =	sadd.s32 $0x800, s5  }
0x9: {  	[dreg:$0x3] =	wrdreg s4;
	s4 =	sadd.s32 $0x8800, s3;
	s21 =	sadd.s32 s6, s20  }
0xa: {  	[tilespmem:s2], [sflag:$0x5] =	stream.linear.gather [hbm4b:s4+s2], $0x580, $0x38;
	[tilespmem:$0x11000] =	vst v63  }
0xb: {  	s23 =	sadd.s32 $0x1000, s5;
	s22 =	sadd.s32 s7, s20;
	[dreg:$0x4] =	wrdreg s21  }
0xc: {  	s24 =	sadd.s32 s6, s23;
	[dreg:$0x5] =	wrdreg s22  }
0xd: {  	s26 =	sadd.s32 $0x1800, s5;
	s25 =	sadd.s32 s7, s23;
	[dreg:$0x6] =	wrdreg s24  }
0xe: {  	s0 =	sadd.s32 s6, s26;
	[dreg:$0x7] =	wrdreg s25  }
0xf: {  	s11 =	sadd.s32 $0x2000, s5;
	s10 =	sadd.s32 s7, s26;
	[dreg:$0x8] =	wrdreg s0  }
0x10: {  	s12 =	sadd.s32 s6, s11;
	[dreg:$0x9] =	wrdreg s10  }
0x11: {  	s14 =	sadd.s32 $0x2800, s5;
	s13 =	sadd.s32 s7, s11;
	[dreg:$0xa] =	wrdreg s12  }
0x12: {  	s15 =	sadd.s32 s6, s14;
	[dreg:$0xb] =	wrdreg s13  }
0x13: {  	s17 =	sadd.s32 $0x3000, s5;
	s16 =	sadd.s32 s7, s14;
	[dreg:$0xc] =	wrdreg s15  }
0x14: {  	s18 =	sadd.s32 s6, s17;
	[dreg:$0xd] =	wrdreg s16  }
0x15: {  	s19 =	sadd.s32 s7, s17;
	[dreg:$0xe] =	wrdreg s18  }
0x16: {  	s20 =	sadd.s32 $0x3800, s5;
	s14 =	simm.s32 $0x900;
	[dreg:$0xf] =	wrdreg s19  }
0x17: {  	s21 =	sadd.s32 s6, s20;
	[dreg:$0x1a] =	wrdreg s14  }
0x18: {  	s23 =	sadd.s32 $0x4000, s5;
	s22 =	sadd.s32 s7, s20;
	[dreg:$0x10] =	wrdreg s21  }
0x19: {  	s24 =	sadd.s32 s6, s23;
	[dreg:$0x11] =	wrdreg s22  }
0x1a: {  	s26 =	sadd.s32 $0x4800, s5;
	s25 =	sadd.s32 s7, s23;
	[dreg:$0x12] =	wrdreg s24  }
0x1b: {  	s0 =	sadd.s32 s6, s26;
	[dreg:$0x13] =	wrdreg s25  }
0x1c: {  	s5 =	sadd.s32 $0x5000, s5;
	s8 =	sadd.s32 s7, s26;
	[dreg:$0x14] =	wrdreg s0  }
0x1d: {  	s10 =	sadd.s32 s6, s5;
	[dreg:$0x15] =	wrdreg s8  }
0x1e: {  	s11 =	sadd.s32 s7, s5;
	[dreg:$0x16] =	wrdreg s10  }
0x1f: {  	s12 =	simm.s32 $0x880;
	[dreg:$0x17] =	wrdreg s11  }
0x20: {  	s13 =	simm.s32 $0x100;
	[dreg:$0x18] =	wrdreg s12  }
0x21: {  	s15 =	simm.s32 $0x180;
	[dreg:$0x19] =	wrdreg s13  }
0x22: {  	s16 =	simm.s32 $0x980;
	[dreg:$0x1b] =	wrdreg s15  }
0x23: {  	s3 =	simm.s32 $0x5;
	[dreg:$0x1c] =	wrdreg s16  }
0x24: {  	_ =	swait.ge [sflag:s3], $0x580  }
0x25: {  	[sflag:s3] =	ssyncset.done $0x0  }
0x26: {  	s5 =	simm.s32 $0x800;
	[sflag:s3] =	ssyncadd.s32 $0xFFFFFA80  }
0x27: {  	[tilespmem:s5], [sflag:$0x5] =	stream.linear.gather [hbm4b:s4+s2], $0x580, $0x38;
	[tilespmem:$0x11000] =	vst v63  }
0x28: {  	_ =	swait.ge [sflag:s3], $0x580  }
0x29: {  	s6 =	sadd.s32 $0xA800, s9;
	[sflag:s3] =	ssyncset.done $0x0  }
0x2a: {  	s7 =	simm.s32 $0x80;
	s8 =	simm.s32 $0x1000;
	[sflag:s3] =	ssyncadd.s32 $0xFFFFFA80  }
0x2b: {  	[tilespmem:s8], [sflag:$0x1] =	stream.indirect.gather [hbm4b:s6+s7], $0x80, s2, s7, $0xb8;
	[tilespmem:$0x11000] =	vst v63  }
0x2c: {  	s9 =	sadd.s32 $0x10600, s9;
	s10 =	simm.s32 $0x9000  }
0x2d: {  	[tilespmem:s10], [sflag:$0x3] =	stream.indirect.gather [hbm4b:s9+s7], $0x80, s5, s7, $0xb8;
	[tilespmem:$0x11000] =	vst v63  }
0x2e: {  	s11 =	simm.s32 $0x5000  }
0x2f: {  	[tilespmem:s11], [sflag:$0x2] =	stream.indirect.gather [hbm4b:s6+s7], $0x80, s7, s7, $0xb8;
	[tilespmem:$0x11000] =	vst v63  }
0x30: {  	s12 =	simm.s32 $0xD000;
	s13 =	simm.s32 $0x1;
	s14 =	rddreg [dreg:$0x18]  }
0x31: {  	[tilespmem:s12], [sflag:$0x4] =	stream.indirect.gather [hbm4b:s9+s7], $0x80, s14, s7, $0xb8;
	[tilespmem:$0x11000] =	vst v63  }
0x32: {  	_ =	swait.ge [sflag:s13], $0x4000  }
0x33: {  	[sflag:s13] =	ssyncset.done $0x0  }
0x34: {  	s17 =	rddreg [dreg:$0x2];
	[sflag:s13] =	ssyncadd.s32 $0xFFFFC000  }
0x35: {  	[hbm4b:s17+s2] =	stream.linear.scatter [tilespmem:s8], [sflag:$0x5], $0x4000, $0x38;
	[tilespmem:$0x11000] =	vst v63  }
0x36: {  	_ =	swait.ge [sflag:s3], $0x4000  }
0x37: {  	[sflag:s3] =	ssyncset.done $0x0  }
0x38: {  	s14 =	simm.s32 $0x3;
	[sflag:s3] =	ssyncadd.s32 $0xFFFFC000  }
0x39: {  	_ =	swait.ge [sflag:s14], $0x4000  }
0x3a: {  	[sflag:s14] =	ssyncset.done $0x0  }
0x3b: {  	s15 =	rddreg [dreg:$0x3];
	[sflag:s14] =	ssyncadd.s32 $0xFFFFC000  }
0x3c: {  	[hbm4b:s15+s2] =	stream.linear.scatter [tilespmem:s10], [sflag:$0x5], $0x4000, $0x38;
	[tilespmem:$0x11000] =	vst v63  }
0x3d: {  	_ =	swait.ge [sflag:s3], $0x4000  }
0x3e: {  	[sflag:s3] =	ssyncset.done $0x0  }
0x3f: {  	s18 =	rddreg [dreg:$0x19];
	[sflag:s3] =	ssyncadd.s32 $0xFFFFC000  }
0x40: {  	[tilespmem:s8], [sflag:$0x1] =	stream.indirect.gather [hbm4b:s6+s7], $0x80, s18, s7, $0xb8;
	[tilespmem:$0x11000] =	vst v63  }
0x41: {  	s15 =	simm.s32 $0x2;
	s16 =	rddreg [dreg:$0x1a]  }
0x42: {  	[tilespmem:s10], [sflag:$0x3] =	stream.indirect.gather [hbm4b:s9+s7], $0x80, s16, s7, $0xb8;
	[tilespmem:$0x11000] =	vst v63  }
0x43: {  	_ =	swait.ge [sflag:s15], $0x4000  }
0x44: {  	[sflag:s15] =	ssyncset.done $0x0  }
0x45: {  	s19 =	rddreg [dreg:$0x4];
	[sflag:s15] =	ssyncadd.s32 $0xFFFFC000  }
0x46: {  	[hbm4b:s19+s2] =	stream.linear.scatter [tilespmem:s11], [sflag:$0x5], $0x4000, $0x38;
	[tilespmem:$0x11000] =	vst v63  }
0x47: {  	_ =	swait.ge [sflag:s3], $0x4000  }
0x48: {  	[sflag:s3] =	ssyncset.done $0x0  }
0x49: {  	s16 =	simm.s32 $0x4;
	[sflag:s3] =	ssyncadd.s32 $0xFFFFC000  }
0x4a: {  	_ =	swait.ge [sflag:s16], $0x4000  }
0x4b: {  	[sflag:s16] =	ssyncset.done $0x0  }
0x4c: {  	s17 =	rddreg [dreg:$0x5];
	[sflag:s16] =	ssyncadd.s32 $0xFFFFC000  }
0x4d: {  	[hbm4b:s17+s2] =	stream.linear.scatter [tilespmem:s12], [sflag:$0x5], $0x4000, $0x38;
	[tilespmem:$0x11000] =	vst v63  }
0x4e: {  	_ =	swait.ge [sflag:s3], $0x4000  }
0x4f: {  	[sflag:s3] =	ssyncset.done $0x0  }
0x50: {  	s20 =	rddreg [dreg:$0x1b];
	[sflag:s3] =	ssyncadd.s32 $0xFFFFC000  }
0x51: {  	[tilespmem:s11], [sflag:$0x2] =	stream.indirect.gather [hbm4b:s6+s7], $0x80, s20, s7, $0xb8;
	[tilespmem:$0x11000] =	vst v63  }
0x52: {  	s18 =	rddreg [dreg:$0x1c]  }
0x53: {  	[tilespmem:s12], [sflag:$0x4] =	stream.indirect.gather [hbm4b:s9+s7], $0x80, s18, s7, $0xb8;
	[tilespmem:$0x11000] =	vst v63  }
0x54: {  	_ =	swait.ge [sflag:s13], $0x4000  }
0x55: {  	[sflag:s13] =	ssyncset.done $0x0  }
0x56: {  	s21 =	rddreg [dreg:$0x6];
	[sflag:s13] =	ssyncadd.s32 $0xFFFFC000  }
0x57: {  	[hbm4b:s21+s2] =	stream.linear.scatter [tilespmem:s8], [sflag:$0x5], $0x4000, $0x38;
	[tilespmem:$0x11000] =	vst v63  }
0x58: {  	_ =	swait.ge [sflag:s3], $0x4000  }
0x59: {  	[sflag:s3] =	ssyncset.done $0x0  }
0x5a: {  	[sflag:s3] =	ssyncadd.s32 $0xFFFFC000  }
0x5b: {  	_ =	swait.ge [sflag:s14], $0x4000  }
0x5c: {  	[sflag:s14] =	ssyncset.done $0x0  }
0x5d: {  	s22 =	rddreg [dreg:$0x7];
	[sflag:s14] =	ssyncadd.s32 $0xFFFFC000  }
0x5e: {  	[hbm4b:s22+s2] =	stream.linear.scatter [tilespmem:s10], [sflag:$0x5], $0x4000, $0x38;
	[tilespmem:$0x11000] =	vst v63  }
0x5f: {  	_ =	swait.ge [sflag:s3], $0x4000  }
0x60: {  	[sflag:s3] =	ssyncset.done $0x0  }
0x61: {  	s23 =	simm.s32 $0x200;
	[sflag:s3] =	ssyncadd.s32 $0xFFFFC000  }
0x62: {  	[tilespmem:s8], [sflag:$0x1] =	stream.indirect.gather [hbm4b:s6+s7], $0x80, s23, s7, $0xb8;
	[tilespmem:$0x11000] =	vst v63  }
0x63: {  	s18 =	simm.s32 $0xA00  }
0x64: {  	[tilespmem:s10], [sflag:$0x3] =	stream.indirect.gather [hbm4b:s9+s7], $0x80, s18, s7, $0xb8;
	[tilespmem:$0x11000] =	vst v63  }
0x65: {  	_ =	swait.ge [sflag:s15], $0x4000  }
0x66: {  	[sflag:s15] =	ssyncset.done $0x0  }
0x67: {  	s19 =	rddreg [dreg:$0x8];
	[sflag:s15] =	ssyncadd.s32 $0xFFFFC000  }
0x68: {  	[hbm4b:s19+s2] =	stream.linear.scatter [tilespmem:s11], [sflag:$0x5], $0x4000, $0x38;
	[tilespmem:$0x11000] =	vst v63  }
0x69: {  	_ =	swait.ge [sflag:s3], $0x4000  }
0x6a: {  	[sflag:s3] =	ssyncset.done $0x0  }
0x6b: {  	[sflag:s3] =	ssyncadd.s32 $0xFFFFC000  }
0x6c: {  	_ =	swait.ge [sflag:s16], $0x4000  }
0x6d: {  	[sflag:s16] =	ssyncset.done $0x0  }
0x6e: {  	s24 =	rddreg [dreg:$0x9];
	[sflag:s16] =	ssyncadd.s32 $0xFFFFC000  }
0x6f: {  	[hbm4b:s24+s2] =	stream.linear.scatter [tilespmem:s12], [sflag:$0x5], $0x4000, $0x38;
	[tilespmem:$0x11000] =	vst v63  }
0x70: {  	_ =	swait.ge [sflag:s3], $0x4000  }
0x71: {  	[sflag:s3] =	ssyncset.done $0x0  }
0x72: {  	s19 =	simm.s32 $0x280;
	[sflag:s3] =	ssyncadd.s32 $0xFFFFC000  }
0x73: {  	[tilespmem:s11], [sflag:$0x2] =	stream.indirect.gather [hbm4b:s6+s7], $0x80, s19, s7, $0xb8;
	[tilespmem:$0x11000] =	vst v63  }
0x74: {  	s20 =	simm.s32 $0xA80  }
0x75: {  	[tilespmem:s12], [sflag:$0x4] =	stream.indirect.gather [hbm4b:s9+s7], $0x80, s20, s7, $0xb8;
	[tilespmem:$0x11000] =	vst v63  }
0x76: {  	_ =	swait.ge [sflag:s13], $0x4000  }
0x77: {  	[sflag:s13] =	ssyncset.done $0x0  }
0x78: {  	s21 =	rddreg [dreg:$0xa];
	[sflag:s13] =	ssyncadd.s32 $0xFFFFC000  }
0x79: {  	[hbm4b:s21+s2] =	stream.linear.scatter [tilespmem:s8], [sflag:$0x5], $0x4000, $0x38;
	[tilespmem:$0x11000] =	vst v63  }
0x7a: {  	_ =	swait.ge [sflag:s3], $0x4000  }
0x7b: {  	[sflag:s3] =	ssyncset.done $0x0  }
0x7c: {  	[sflag:s3] =	ssyncadd.s32 $0xFFFFC000  }
0x7d: {  	_ =	swait.ge [sflag:s14], $0x4000  }
0x7e: {  	[sflag:s14] =	ssyncset.done $0x0  }
0x7f: {  	s25 =	rddreg [dreg:$0xb];
	[sflag:s14] =	ssyncadd.s32 $0xFFFFC000  }
0x80: {  	[hbm4b:s25+s2] =	stream.linear.scatter [tilespmem:s10], [sflag:$0x5], $0x4000, $0x38;
	[tilespmem:$0x11000] =	vst v63  }
0x81: {  	_ =	swait.ge [sflag:s3], $0x4000  }
0x82: {  	[sflag:s3] =	ssyncset.done $0x0  }
0x83: {  	s21 =	simm.s32 $0x300;
	[sflag:s3] =	ssyncadd.s32 $0xFFFFC000  }
0x84: {  	[tilespmem:s8], [sflag:$0x1] =	stream.indirect.gather [hbm4b:s6+s7], $0x80, s21, s7, $0xb8;
	[tilespmem:$0x11000] =	vst v63  }
0x85: {  	s22 =	simm.s32 $0xB00  }
0x86: {  	[tilespmem:s10], [sflag:$0x3] =	stream.indirect.gather [hbm4b:s9+s7], $0x80, s22, s7, $0xb8;
	[tilespmem:$0x11000] =	vst v63  }
0x87: {  	_ =	swait.ge [sflag:s15], $0x4000  }
0x88: {  	[sflag:s15] =	ssyncset.done $0x0  }
0x89: {  	s23 =	rddreg [dreg:$0xc];
	[sflag:s15] =	ssyncadd.s32 $0xFFFFC000  }
0x8a: {  	[hbm4b:s23+s2] =	stream.linear.scatter [tilespmem:s11], [sflag:$0x5], $0x4000, $0x38;
	[tilespmem:$0x11000] =	vst v63  }
0x8b: {  	_ =	swait.ge [sflag:s3], $0x4000  }
0x8c: {  	[sflag:s3] =	ssyncset.done $0x0  }
0x8d: {  	[sflag:s3] =	ssyncadd.s32 $0xFFFFC000  }
0x8e: {  	_ =	swait.ge [sflag:s16], $0x4000  }
0x8f: {  	[sflag:s16] =	ssyncset.done $0x0  }
0x90: {  	s26 =	rddreg [dreg:$0xd];
	[sflag:s16] =	ssyncadd.s32 $0xFFFFC000  }
0x91: {  	[hbm4b:s26+s2] =	stream.linear.scatter [tilespmem:s12], [sflag:$0x5], $0x4000, $0x38;
	[tilespmem:$0x11000] =	vst v63  }
0x92: {  	_ =	swait.ge [sflag:s3], $0x4000  }
0x93: {  	[sflag:s3] =	ssyncset.done $0x0  }
0x94: {  	s23 =	simm.s32 $0x380;
	[sflag:s3] =	ssyncadd.s32 $0xFFFFC000  }
0x95: {  	[tilespmem:s11], [sflag:$0x2] =	stream.indirect.gather [hbm4b:s6+s7], $0x80, s23, s7, $0xb8;
	[tilespmem:$0x11000] =	vst v63  }
0x96: {  	s24 =	simm.s32 $0xB80  }
0x97: {  	[tilespmem:s12], [sflag:$0x4] =	stream.indirect.gather [hbm4b:s9+s7], $0x80, s24, s7, $0xb8;
	[tilespmem:$0x11000] =	vst v63  }
0x98: {  	_ =	swait.ge [sflag:s13], $0x4000  }
0x99: {  	[sflag:s13] =	ssyncset.done $0x0  }
0x9a: {  	s25 =	rddreg [dreg:$0xe];
	[sflag:s13] =	ssyncadd.s32 $0xFFFFC000  }
0x9b: {  	[hbm4b:s25+s2] =	stream.linear.scatter [tilespmem:s8], [sflag:$0x5], $0x4000, $0x38;
	[tilespmem:$0x11000] =	vst v63  }
0x9c: {  	_ =	swait.ge [sflag:s3], $0x4000  }
0x9d: {  	[sflag:s3] =	ssyncset.done $0x0  }
0x9e: {  	[sflag:s3] =	ssyncadd.s32 $0xFFFFC000  }
0x9f: {  	_ =	swait.ge [sflag:s14], $0x4000  }
0xa0: {  	[sflag:s14] =	ssyncset.done $0x0  }
0xa1: {  	s0 =	rddreg [dreg:$0xf];
	[sflag:s14] =	ssyncadd.s32 $0xFFFFC000  }
0xa2: {  	[hbm4b:s0+s2] =	stream.linear.scatter [tilespmem:s10], [sflag:$0x5], $0x4000, $0x38;
	[tilespmem:$0x11000] =	vst v63  }
0xa3: {  	_ =	swait.ge [sflag:s3], $0x4000  }
0xa4: {  	[sflag:s3] =	ssyncset.done $0x0  }
0xa5: {  	s25 =	simm.s32 $0x400;
	[sflag:s3] =	ssyncadd.s32 $0xFFFFC000  }
0xa6: {  	[tilespmem:s8], [sflag:$0x1] =	stream.indirect.gather [hbm4b:s6+s7], $0x80, s25, s7, $0xb8;
	[tilespmem:$0x11000] =	vst v63  }
0xa7: {  	s26 =	simm.s32 $0xC00  }
0xa8: {  	[tilespmem:s10], [sflag:$0x3] =	stream.indirect.gather [hbm4b:s9+s7], $0x80, s26, s7, $0xb8;
	[tilespmem:$0x11000] =	vst v63  }
0xa9: {  	_ =	swait.ge [sflag:s15], $0x4000  }
0xaa: {  	[sflag:s15] =	ssyncset.done $0x0  }
0xab: {  	s28 =	rddreg [dreg:$0x10];
	[sflag:s15] =	ssyncadd.s32 $0xFFFFC000  }
0xac: {  	[hbm4b:s28+s2] =	stream.linear.scatter [tilespmem:s11], [sflag:$0x5], $0x4000, $0x38;
	[tilespmem:$0x11000] =	vst v63  }
0xad: {  	_ =	swait.ge [sflag:s3], $0x4000  }
0xae: {  	[sflag:s3] =	ssyncset.done $0x0  }
0xaf: {  	[sflag:s3] =	ssyncadd.s32 $0xFFFFC000  }
0xb0: {  	_ =	swait.ge [sflag:s16], $0x4000  }
0xb1: {  	[sflag:s16] =	ssyncset.done $0x0  }
0xb2: {  	s28 =	rddreg [dreg:$0x11];
	[sflag:s16] =	ssyncadd.s32 $0xFFFFC000  }
0xb3: {  	[hbm4b:s28+s2] =	stream.linear.scatter [tilespmem:s12], [sflag:$0x5], $0x4000, $0x38;
	[tilespmem:$0x11000] =	vst v63  }
0xb4: {  	_ =	swait.ge [sflag:s3], $0x4000  }
0xb5: {  	[sflag:s3] =	ssyncset.done $0x0  }
0xb6: {  	s28 =	simm.s32 $0x480;
	[sflag:s3] =	ssyncadd.s32 $0xFFFFC000  }
0xb7: {  	[tilespmem:s11], [sflag:$0x2] =	stream.indirect.gather [hbm4b:s6+s7], $0x80, s28, s7, $0xb8;
	[tilespmem:$0x11000] =	vst v63  }
0xb8: {  	s29 =	simm.s32 $0xC80  }
0xb9: {  	[tilespmem:s12], [sflag:$0x4] =	stream.indirect.gather [hbm4b:s9+s7], $0x80, s29, s7, $0xb8;
	[tilespmem:$0x11000] =	vst v63  }
0xba: {  	_ =	swait.ge [sflag:s13], $0x4000  }
0xbb: {  	[sflag:s13] =	ssyncset.done $0x0  }
0xbc: {  	s30 =	rddreg [dreg:$0x12];
	[sflag:s13] =	ssyncadd.s32 $0xFFFFC000  }
0xbd: {  	[hbm4b:s30+s2] =	stream.linear.scatter [tilespmem:s8], [sflag:$0x5], $0x4000, $0x38;
	[tilespmem:$0x11000] =	vst v63  }
0xbe: {  	_ =	swait.ge [sflag:s3], $0x4000  }
0xbf: {  	[sflag:s3] =	ssyncset.done $0x0  }
0xc0: {  	[sflag:s3] =	ssyncadd.s32 $0xFFFFC000  }
0xc1: {  	_ =	swait.ge [sflag:s14], $0x4000  }
0xc2: {  	[sflag:s14] =	ssyncset.done $0x0  }
0xc3: {  	s30 =	rddreg [dreg:$0x13];
	[sflag:s14] =	ssyncadd.s32 $0xFFFFC000  }
0xc4: {  	[hbm4b:s30+s2] =	stream.linear.scatter [tilespmem:s10], [sflag:$0x5], $0x4000, $0x38;
	[tilespmem:$0x11000] =	vst v63  }
0xc5: {  	_ =	swait.ge [sflag:s3], $0x4000  }
0xc6: {  	[sflag:s3] =	ssyncset.done $0x0  }
0xc7: {  	s30 =	simm.s32 $0x500;
	[sflag:s3] =	ssyncadd.s32 $0xFFFFC000  }
0xc8: {  	[tilespmem:s8], [sflag:$0x1] =	stream.indirect.gather [hbm4b:s6+s7], $0x80, s30, s7, $0xb8;
	[tilespmem:$0x11000] =	vst v63  }
0xc9: {  	s31 =	simm.s32 $0xD00  }
0xca: {  	[tilespmem:s10], [sflag:$0x3] =	stream.indirect.gather [hbm4b:s9+s7], $0x80, s31, s7, $0xb8;
	[tilespmem:$0x11000] =	vst v63  }
0xcb: {  	_ =	swait.ge [sflag:s15], $0x4000  }
0xcc: {  	[sflag:s15] =	ssyncset.done $0x0  }
0xcd: {  	s17 =	rddreg [dreg:$0x14];
	[sflag:s15] =	ssyncadd.s32 $0xFFFFC000  }
0xce: {  	[hbm4b:s17+s2] =	stream.linear.scatter [tilespmem:s11], [sflag:$0x5], $0x4000, $0x38;
	[tilespmem:$0x11000] =	vst v63  }
0xcf: {  	_ =	swait.ge [sflag:s3], $0x4000  }
0xd0: {  	[sflag:s3] =	ssyncset.done $0x0  }
0xd1: {  	[sflag:s3] =	ssyncadd.s32 $0xFFFFC000  }
0xd2: {  	_ =	swait.ge [sflag:s16], $0x4000  }
0xd3: {  	[sflag:s16] =	ssyncset.done $0x0  }
0xd4: {  	s17 =	rddreg [dreg:$0x15];
	[sflag:s16] =	ssyncadd.s32 $0xFFFFC000  }
0xd5: {  	[hbm4b:s17+s2] =	stream.linear.scatter [tilespmem:s12], [sflag:$0x5], $0x4000, $0x38;
	[tilespmem:$0x11000] =	vst v63  }
0xd6: {  	_ =	swait.ge [sflag:s3], $0x4000  }
0xd7: {  	[sflag:s3] =	ssyncset.done $0x0  }
0xd8: {  	[sflag:s3] =	ssyncadd.s32 $0xFFFFC000  }
0xd9: {  	_ =	swait.ge [sflag:s13], $0x4000  }
0xda: {  	[sflag:s13] =	ssyncset.done $0x0  }
0xdb: {  	s0 =	ssub.s32 $0x2, s1;
	s17 =	rddreg [dreg:$0x16];
	[sflag:s13] =	ssyncadd.s32 $0xFFFFC000  }
0xdc: {  	[hbm4b:s17+s2] =	stream.linear.scatter [tilespmem:s8], [sflag:$0x5], $0x4000, $0x38;
	[tilespmem:$0x11000] =	vst v63  }
0xdd: {  	s1 =	sshrl.u32 s0, $0x1;
	_ =	swait.ge [sflag:s3], $0x4000  }
0xde: {  	s0 =	ssub.s32 s0, s1;
	[sflag:s3] =	ssyncset.done $0x0  }
0xdf: {  	s0 =	smax.u32 s0, $0x1;
	[sflag:s3] =	ssyncadd.s32 $0xFFFFC000  }
0xe0: {  	p0 =	sne.s32 s0, $0x1;
	_ =	swait.ge [sflag:s14], $0x4000  }
.Ltmp0:
0xe1: {  	[sflag:s14] =	ssyncset.done $0x0;
	(pc) =	sbr.rel @!p0 .LBB2_2-.Ltmp0, $4  }
0xe2: {  	s17 =	rddreg [dreg:$0x17];
	[sflag:s14] =	ssyncadd.s32 $0xFFFFC000  }
0xe3: {  	[hbm4b:s17+s2] =	stream.linear.scatter [tilespmem:s10], [sflag:$0x5], $0x4000, $0x38;
	[tilespmem:$0x11000] =	vst v63  }
0xe4: {  	_ =	swait.ge [sflag:s3], $0x4000  }
0xe5: {  	s1 =	sadd.s32 $0xFFFFFFFF, s0;
	[sflag:s3] =	ssyncset.done $0x0  }
.LBB2_1:
0xe6: {  	[sflag:s3] =	ssyncadd.s32 $0xFFFFC000  }
0xe7: {  	[tilespmem:s2], [sflag:$0x5] =	stream.linear.gather [hbm4b:s4+s2], $0x580, $0x38;
	[tilespmem:$0x11000] =	vst v63  }
0xe8: {  	_ =	swait.ge [sflag:s3], $0x580  }
0xe9: {  	[sflag:s3] =	ssyncset.done $0x0  }
0xea: {  	[sflag:s3] =	ssyncadd.s32 $0xFFFFFA80  }
0xeb: {  	[tilespmem:s5], [sflag:$0x5] =	stream.linear.gather [hbm4b:s4+s2], $0x580, $0x38;
	[tilespmem:$0x11000] =	vst v63  }
0xec: {  	_ =	swait.ge [sflag:s3], $0x580  }
0xed: {  	[sflag:s3] =	ssyncset.done $0x0  }
0xee: {  	[sflag:s3] =	ssyncadd.s32 $0xFFFFFA80  }
0xef: {  	[tilespmem:s8], [sflag:$0x1] =	stream.indirect.gather [hbm4b:s6+s7], $0x80, s2, s7, $0xb8;
	[tilespmem:$0x11000] =	vst v63  }
0xf0: {  	_ = 	snop  }
0xf1: {  	[tilespmem:s10], [sflag:$0x3] =	stream.indirect.gather [hbm4b:s9+s7], $0x80, s5, s7, $0xb8;
	[tilespmem:$0x11000] =	vst v63  }
0xf2: {  	_ = 	snop  }
0xf3: {  	[tilespmem:s11], [sflag:$0x2] =	stream.indirect.gather [hbm4b:s6+s7], $0x80, s7, s7, $0xb8;
	[tilespmem:$0x11000] =	vst v63  }
0xf4: {  	s0 =	rddreg [dreg:$0x18]  }
0xf5: {  	[tilespmem:s12], [sflag:$0x4] =	stream.indirect.gather [hbm4b:s9+s7], $0x80, s0, s7, $0xb8;
	[tilespmem:$0x11000] =	vst v63  }
0xf6: {  	_ =	swait.ge [sflag:s13], $0x4000  }
0xf7: {  	[sflag:s13] =	ssyncset.done $0x0  }
0xf8: {  	s17 =	rddreg [dreg:$0x2];
	[sflag:s13] =	ssyncadd.s32 $0xFFFFC000  }
0xf9: {  	[hbm4b:s17+s2] =	stream.linear.scatter [tilespmem:s8], [sflag:$0x5], $0x4000, $0x38;
	[tilespmem:$0x11000] =	vst v63  }
0xfa: {  	_ =	swait.ge [sflag:s3], $0x4000  }
0xfb: {  	[sflag:s3] =	ssyncset.done $0x0  }
0xfc: {  	[sflag:s3] =	ssyncadd.s32 $0xFFFFC000  }
0xfd: {  	_ =	swait.ge [sflag:s14], $0x4000  }
0xfe: {  	[sflag:s14] =	ssyncset.done $0x0  }
0xff: {  	s17 =	rddreg [dreg:$0x3];
	[sflag:s14] =	ssyncadd.s32 $0xFFFFC000  }
0x100: {  	[hbm4b:s17+s2] =	stream.linear.scatter [tilespmem:s10], [sflag:$0x5], $0x4000, $0x38;
	[tilespmem:$0x11000] =	vst v63  }
0x101: {  	_ =	swait.ge [sflag:s3], $0x4000  }
0x102: {  	[sflag:s3] =	ssyncset.done $0x0  }
0x103: {  	s0 =	rddreg [dreg:$0x19];
	[sflag:s3] =	ssyncadd.s32 $0xFFFFC000  }
0x104: {  	[tilespmem:s8], [sflag:$0x1] =	stream.indirect.gather [hbm4b:s6+s7], $0x80, s0, s7, $0xb8;
	[tilespmem:$0x11000] =	vst v63  }
0x105: {  	s17 =	rddreg [dreg:$0x1a]  }
0x106: {  	[tilespmem:s10], [sflag:$0x3] =	stream.indirect.gather [hbm4b:s9+s7], $0x80, s17, s7, $0xb8;
	[tilespmem:$0x11000] =	vst v63  }
0x107: {  	_ =	swait.ge [sflag:s15], $0x4000  }
0x108: {  	[sflag:s15] =	ssyncset.done $0x0  }
0x109: {  	s17 =	rddreg [dreg:$0x4];
	[sflag:s15] =	ssyncadd.s32 $0xFFFFC000  }
0x10a: {  	[hbm4b:s17+s2] =	stream.linear.scatter [tilespmem:s11], [sflag:$0x5], $0x4000, $0x38;
	[tilespmem:$0x11000] =	vst v63  }
0x10b: {  	_ =	swait.ge [sflag:s3], $0x4000  }
0x10c: {  	[sflag:s3] =	ssyncset.done $0x0  }
0x10d: {  	[sflag:s3] =	ssyncadd.s32 $0xFFFFC000  }
0x10e: {  	_ =	swait.ge [sflag:s16], $0x4000  }
0x10f: {  	[sflag:s16] =	ssyncset.done $0x0  }
0x110: {  	s17 =	rddreg [dreg:$0x5];
	[sflag:s16] =	ssyncadd.s32 $0xFFFFC000  }
0x111: {  	[hbm4b:s17+s2] =	stream.linear.scatter [tilespmem:s12], [sflag:$0x5], $0x4000, $0x38;
	[tilespmem:$0x11000] =	vst v63  }
0x112: {  	_ =	swait.ge [sflag:s3], $0x4000  }
0x113: {  	[sflag:s3] =	ssyncset.done $0x0  }
0x114: {  	s0 =	rddreg [dreg:$0x1b];
	[sflag:s3] =	ssyncadd.s32 $0xFFFFC000  }
0x115: {  	[tilespmem:s11], [sflag:$0x2] =	stream.indirect.gather [hbm4b:s6+s7], $0x80, s0, s7, $0xb8;
	[tilespmem:$0x11000] =	vst v63  }
0x116: {  	s17 =	rddreg [dreg:$0x1c]  }
0x117: {  	[tilespmem:s12], [sflag:$0x4] =	stream.indirect.gather [hbm4b:s9+s7], $0x80, s17, s7, $0xb8;
	[tilespmem:$0x11000] =	vst v63  }
0x118: {  	_ =	swait.ge [sflag:s13], $0x4000  }
0x119: {  	[sflag:s13] =	ssyncset.done $0x0  }
0x11a: {  	s17 =	rddreg [dreg:$0x6];
	[sflag:s13] =	ssyncadd.s32 $0xFFFFC000  }
0x11b: {  	[hbm4b:s17+s2] =	stream.linear.scatter [tilespmem:s8], [sflag:$0x5], $0x4000, $0x38;
	[tilespmem:$0x11000] =	vst v63  }
0x11c: {  	_ =	swait.ge [sflag:s3], $0x4000  }
0x11d: {  	[sflag:s3] =	ssyncset.done $0x0  }
0x11e: {  	[sflag:s3] =	ssyncadd.s32 $0xFFFFC000  }
0x11f: {  	_ =	swait.ge [sflag:s14], $0x4000  }
0x120: {  	[sflag:s14] =	ssyncset.done $0x0  }
0x121: {  	s17 =	rddreg [dreg:$0x7];
	[sflag:s14] =	ssyncadd.s32 $0xFFFFC000  }
0x122: {  	[hbm4b:s17+s2] =	stream.linear.scatter [tilespmem:s10], [sflag:$0x5], $0x4000, $0x38;
	[tilespmem:$0x11000] =	vst v63  }
0x123: {  	_ =	swait.ge [sflag:s3], $0x4000  }
0x124: {  	[sflag:s3] =	ssyncset.done $0x0  }
0x125: {  	s17 =	simm.s32 $0x200;
	[sflag:s3] =	ssyncadd.s32 $0xFFFFC000  }
0x126: {  	[tilespmem:s8], [sflag:$0x1] =	stream.indirect.gather [hbm4b:s6+s7], $0x80, s17, s7, $0xb8;
	[tilespmem:$0x11000] =	vst v63  }
0x127: {  	_ = 	snop  }
0x128: {  	[tilespmem:s10], [sflag:$0x3] =	stream.indirect.gather [hbm4b:s9+s7], $0x80, s18, s7, $0xb8;
	[tilespmem:$0x11000] =	vst v63  }
0x129: {  	_ =	swait.ge [sflag:s15], $0x4000  }
0x12a: {  	[sflag:s15] =	ssyncset.done $0x0  }
0x12b: {  	s17 =	rddreg [dreg:$0x8];
	[sflag:s15] =	ssyncadd.s32 $0xFFFFC000  }
0x12c: {  	[hbm4b:s17+s2] =	stream.linear.scatter [tilespmem:s11], [sflag:$0x5], $0x4000, $0x38;
	[tilespmem:$0x11000] =	vst v63  }
0x12d: {  	_ =	swait.ge [sflag:s3], $0x4000  }
0x12e: {  	[sflag:s3] =	ssyncset.done $0x0  }
0x12f: {  	[sflag:s3] =	ssyncadd.s32 $0xFFFFC000  }
0x130: {  	_ =	swait.ge [sflag:s16], $0x4000  }
0x131: {  	[sflag:s16] =	ssyncset.done $0x0  }
0x132: {  	s17 =	rddreg [dreg:$0x9];
	[sflag:s16] =	ssyncadd.s32 $0xFFFFC000  }
0x133: {  	[hbm4b:s17+s2] =	stream.linear.scatter [tilespmem:s12], [sflag:$0x5], $0x4000, $0x38;
	[tilespmem:$0x11000] =	vst v63  }
0x134: {  	_ =	swait.ge [sflag:s3], $0x4000  }
0x135: {  	[sflag:s3] =	ssyncset.done $0x0  }
0x136: {  	[sflag:s3] =	ssyncadd.s32 $0xFFFFC000  }
0x137: {  	[tilespmem:s11], [sflag:$0x2] =	stream.indirect.gather [hbm4b:s6+s7], $0x80, s19, s7, $0xb8;
	[tilespmem:$0x11000] =	vst v63  }
0x138: {  	_ = 	snop  }
0x139: {  	[tilespmem:s12], [sflag:$0x4] =	stream.indirect.gather [hbm4b:s9+s7], $0x80, s20, s7, $0xb8;
	[tilespmem:$0x11000] =	vst v63  }
0x13a: {  	_ =	swait.ge [sflag:s13], $0x4000  }
0x13b: {  	[sflag:s13] =	ssyncset.done $0x0  }
0x13c: {  	s17 =	rddreg [dreg:$0xa];
	[sflag:s13] =	ssyncadd.s32 $0xFFFFC000  }
0x13d: {  	[hbm4b:s17+s2] =	stream.linear.scatter [tilespmem:s8], [sflag:$0x5], $0x4000, $0x38;
	[tilespmem:$0x11000] =	vst v63  }
0x13e: {  	_ =	swait.ge [sflag:s3], $0x4000  }
0x13f: {  	[sflag:s3] =	ssyncset.done $0x0  }
0x140: {  	[sflag:s3] =	ssyncadd.s32 $0xFFFFC000  }
0x141: {  	_ =	swait.ge [sflag:s14], $0x4000  }
0x142: {  	[sflag:s14] =	ssyncset.done $0x0  }
0x143: {  	s17 =	rddreg [dreg:$0xb];
	[sflag:s14] =	ssyncadd.s32 $0xFFFFC000  }
0x144: {  	[hbm4b:s17+s2] =	stream.linear.scatter [tilespmem:s10], [sflag:$0x5], $0x4000, $0x38;
	[tilespmem:$0x11000] =	vst v63  }
0x145: {  	_ =	swait.ge [sflag:s3], $0x4000  }
0x146: {  	[sflag:s3] =	ssyncset.done $0x0  }
0x147: {  	[sflag:s3] =	ssyncadd.s32 $0xFFFFC000  }
0x148: {  	[tilespmem:s8], [sflag:$0x1] =	stream.indirect.gather [hbm4b:s6+s7], $0x80, s21, s7, $0xb8;
	[tilespmem:$0x11000] =	vst v63  }
0x149: {  	_ = 	snop  }
0x14a: {  	[tilespmem:s10], [sflag:$0x3] =	stream.indirect.gather [hbm4b:s9+s7], $0x80, s22, s7, $0xb8;
	[tilespmem:$0x11000] =	vst v63  }
0x14b: {  	_ =	swait.ge [sflag:s15], $0x4000  }
0x14c: {  	[sflag:s15] =	ssyncset.done $0x0  }
0x14d: {  	s17 =	rddreg [dreg:$0xc];
	[sflag:s15] =	ssyncadd.s32 $0xFFFFC000  }
0x14e: {  	[hbm4b:s17+s2] =	stream.linear.scatter [tilespmem:s11], [sflag:$0x5], $0x4000, $0x38;
	[tilespmem:$0x11000] =	vst v63  }
0x14f: {  	_ =	swait.ge [sflag:s3], $0x4000  }
0x150: {  	[sflag:s3] =	ssyncset.done $0x0  }
0x151: {  	[sflag:s3] =	ssyncadd.s32 $0xFFFFC000  }
0x152: {  	_ =	swait.ge [sflag:s16], $0x4000  }
0x153: {  	[sflag:s16] =	ssyncset.done $0x0  }
0x154: {  	s17 =	rddreg [dreg:$0xd];
	[sflag:s16] =	ssyncadd.s32 $0xFFFFC000  }
0x155: {  	[hbm4b:s17+s2] =	stream.linear.scatter [tilespmem:s12], [sflag:$0x5], $0x4000, $0x38;
	[tilespmem:$0x11000] =	vst v63  }
0x156: {  	_ =	swait.ge [sflag:s3], $0x4000  }
0x157: {  	[sflag:s3] =	ssyncset.done $0x0  }
0x158: {  	[sflag:s3] =	ssyncadd.s32 $0xFFFFC000  }
0x159: {  	[tilespmem:s11], [sflag:$0x2] =	stream.indirect.gather [hbm4b:s6+s7], $0x80, s23, s7, $0xb8;
	[tilespmem:$0x11000] =	vst v63  }
0x15a: {  	_ = 	snop  }
0x15b: {  	[tilespmem:s12], [sflag:$0x4] =	stream.indirect.gather [hbm4b:s9+s7], $0x80, s24, s7, $0xb8;
	[tilespmem:$0x11000] =	vst v63  }
0x15c: {  	_ =	swait.ge [sflag:s13], $0x4000  }
0x15d: {  	[sflag:s13] =	ssyncset.done $0x0  }
0x15e: {  	s17 =	rddreg [dreg:$0xe];
	[sflag:s13] =	ssyncadd.s32 $0xFFFFC000  }
0x15f: {  	[hbm4b:s17+s2] =	stream.linear.scatter [tilespmem:s8], [sflag:$0x5], $0x4000, $0x38;
	[tilespmem:$0x11000] =	vst v63  }
0x160: {  	_ =	swait.ge [sflag:s3], $0x4000  }
0x161: {  	[sflag:s3] =	ssyncset.done $0x0  }
0x162: {  	[sflag:s3] =	ssyncadd.s32 $0xFFFFC000  }
0x163: {  	_ =	swait.ge [sflag:s14], $0x4000  }
0x164: {  	[sflag:s14] =	ssyncset.done $0x0  }
0x165: {  	s17 =	rddreg [dreg:$0xf];
	[sflag:s14] =	ssyncadd.s32 $0xFFFFC000  }
0x166: {  	[hbm4b:s17+s2] =	stream.linear.scatter [tilespmem:s10], [sflag:$0x5], $0x4000, $0x38;
	[tilespmem:$0x11000] =	vst v63  }
0x167: {  	_ =	swait.ge [sflag:s3], $0x4000  }
0x168: {  	[sflag:s3] =	ssyncset.done $0x0  }
0x169: {  	[sflag:s3] =	ssyncadd.s32 $0xFFFFC000  }
0x16a: {  	[tilespmem:s8], [sflag:$0x1] =	stream.indirect.gather [hbm4b:s6+s7], $0x80, s25, s7, $0xb8;
	[tilespmem:$0x11000] =	vst v63  }
0x16b: {  	_ = 	snop  }
0x16c: {  	[tilespmem:s10], [sflag:$0x3] =	stream.indirect.gather [hbm4b:s9+s7], $0x80, s26, s7, $0xb8;
	[tilespmem:$0x11000] =	vst v63  }
0x16d: {  	_ =	swait.ge [sflag:s15], $0x4000  }
0x16e: {  	[sflag:s15] =	ssyncset.done $0x0  }
0x16f: {  	s17 =	rddreg [dreg:$0x10];
	[sflag:s15] =	ssyncadd.s32 $0xFFFFC000  }
0x170: {  	[hbm4b:s17+s2] =	stream.linear.scatter [tilespmem:s11], [sflag:$0x5], $0x4000, $0x38;
	[tilespmem:$0x11000] =	vst v63  }
0x171: {  	_ =	swait.ge [sflag:s3], $0x4000  }
0x172: {  	[sflag:s3] =	ssyncset.done $0x0  }
0x173: {  	[sflag:s3] =	ssyncadd.s32 $0xFFFFC000  }
0x174: {  	_ =	swait.ge [sflag:s16], $0x4000  }
0x175: {  	[sflag:s16] =	ssyncset.done $0x0  }
0x176: {  	s17 =	rddreg [dreg:$0x11];
	[sflag:s16] =	ssyncadd.s32 $0xFFFFC000  }
0x177: {  	[hbm4b:s17+s2] =	stream.linear.scatter [tilespmem:s12], [sflag:$0x5], $0x4000, $0x38;
	[tilespmem:$0x11000] =	vst v63  }
0x178: {  	_ =	swait.ge [sflag:s3], $0x4000  }
0x179: {  	[sflag:s3] =	ssyncset.done $0x0  }
0x17a: {  	[sflag:s3] =	ssyncadd.s32 $0xFFFFC000  }
0x17b: {  	[tilespmem:s11], [sflag:$0x2] =	stream.indirect.gather [hbm4b:s6+s7], $0x80, s28, s7, $0xb8;
	[tilespmem:$0x11000] =	vst v63  }
0x17c: {  	_ = 	snop  }
0x17d: {  	[tilespmem:s12], [sflag:$0x4] =	stream.indirect.gather [hbm4b:s9+s7], $0x80, s29, s7, $0xb8;
	[tilespmem:$0x11000] =	vst v63  }
0x17e: {  	_ =	swait.ge [sflag:s13], $0x4000  }
0x17f: {  	[sflag:s13] =	ssyncset.done $0x0  }
0x180: {  	s17 =	rddreg [dreg:$0x12];
	[sflag:s13] =	ssyncadd.s32 $0xFFFFC000  }
0x181: {  	[hbm4b:s17+s2] =	stream.linear.scatter [tilespmem:s8], [sflag:$0x5], $0x4000, $0x38;
	[tilespmem:$0x11000] =	vst v63  }
0x182: {  	_ =	swait.ge [sflag:s3], $0x4000  }
0x183: {  	[sflag:s3] =	ssyncset.done $0x0  }
0x184: {  	[sflag:s3] =	ssyncadd.s32 $0xFFFFC000  }
0x185: {  	_ =	swait.ge [sflag:s14], $0x4000  }
0x186: {  	[sflag:s14] =	ssyncset.done $0x0  }
0x187: {  	s17 =	rddreg [dreg:$0x13];
	[sflag:s14] =	ssyncadd.s32 $0xFFFFC000  }
0x188: {  	[hbm4b:s17+s2] =	stream.linear.scatter [tilespmem:s10], [sflag:$0x5], $0x4000, $0x38;
	[tilespmem:$0x11000] =	vst v63  }
0x189: {  	_ =	swait.ge [sflag:s3], $0x4000  }
0x18a: {  	[sflag:s3] =	ssyncset.done $0x0  }
0x18b: {  	[sflag:s3] =	ssyncadd.s32 $0xFFFFC000  }
0x18c: {  	[tilespmem:s8], [sflag:$0x1] =	stream.indirect.gather [hbm4b:s6+s7], $0x80, s30, s7, $0xb8;
	[tilespmem:$0x11000] =	vst v63  }
0x18d: {  	_ = 	snop  }
0x18e: {  	[tilespmem:s10], [sflag:$0x3] =	stream.indirect.gather [hbm4b:s9+s7], $0x80, s31, s7, $0xb8;
	[tilespmem:$0x11000] =	vst v63  }
0x18f: {  	_ =	swait.ge [sflag:s15], $0x4000  }
0x190: {  	[sflag:s15] =	ssyncset.done $0x0  }
0x191: {  	s17 =	rddreg [dreg:$0x14];
	[sflag:s15] =	ssyncadd.s32 $0xFFFFC000  }
0x192: {  	[hbm4b:s17+s2] =	stream.linear.scatter [tilespmem:s11], [sflag:$0x5], $0x4000, $0x38;
	[tilespmem:$0x11000] =	vst v63  }
0x193: {  	_ =	swait.ge [sflag:s3], $0x4000  }
0x194: {  	[sflag:s3] =	ssyncset.done $0x0  }
0x195: {  	[sflag:s3] =	ssyncadd.s32 $0xFFFFC000  }
0x196: {  	_ =	swait.ge [sflag:s16], $0x4000  }
0x197: {  	[sflag:s16] =	ssyncset.done $0x0  }
0x198: {  	s17 =	rddreg [dreg:$0x15];
	[sflag:s16] =	ssyncadd.s32 $0xFFFFC000  }
0x199: {  	[hbm4b:s17+s2] =	stream.linear.scatter [tilespmem:s12], [sflag:$0x5], $0x4000, $0x38;
	[tilespmem:$0x11000] =	vst v63  }
0x19a: {  	_ =	swait.ge [sflag:s3], $0x4000  }
0x19b: {  	[sflag:s3] =	ssyncset.done $0x0  }
0x19c: {  	[sflag:s3] =	ssyncadd.s32 $0xFFFFC000  }
0x19d: {  	_ =	swait.ge [sflag:s13], $0x4000  }
0x19e: {  	[sflag:s13] =	ssyncset.done $0x0  }
0x19f: {  	s17 =	rddreg [dreg:$0x16];
	[sflag:s13] =	ssyncadd.s32 $0xFFFFC000  }
0x1a0: {  	[hbm4b:s17+s2] =	stream.linear.scatter [tilespmem:s8], [sflag:$0x5], $0x4000, $0x38;
	[tilespmem:$0x11000] =	vst v63  }
0x1a1: {  	_ =	swait.ge [sflag:s3], $0x4000  }
0x1a2: {  	[sflag:s3] =	ssyncset.done $0x0  }
0x1a3: {  	[sflag:s3] =	ssyncadd.s32 $0xFFFFC000  }
0x1a4: {  	p0 =	sne.s32 s1, $0x1;
	_ =	swait.ge [sflag:s14], $0x4000  }
.Ltmp1:
0x1a5: {  	[sflag:s14] =	ssyncset.done $0x0;
	(pc) =	sbr.rel @p0 .LBB2_1-.Ltmp1, $4  }
0x1a6: {  	s17 =	rddreg [dreg:$0x17];
	[sflag:s14] =	ssyncadd.s32 $0xFFFFC000  }
0x1a7: {  	[hbm4b:s17+s2] =	stream.linear.scatter [tilespmem:s10], [sflag:$0x5], $0x4000, $0x38;
	[tilespmem:$0x11000] =	vst v63  }
0x1a8: {  	_ =	swait.ge [sflag:s3], $0x4000  }
0x1a9: {  	s1 =	sadd.s32 $0xFFFFFFFF, s1;
	[sflag:s3] =	ssyncset.done $0x0  }
.LBB2_2:
0x1aa: {  	[sflag:s3] =	ssyncadd.s32 $0xFFFFC000  }
0x1ab: {  	_ =	sfence.sel $0x180000  }
0x1ac: {  	[bflag:$0x0] =	sbarrier.arrive $0xFFFF  }
0x1ad: {  	_ =	strace $0x90000047  }
0x1ae: {  	s0 =	stileid.u32;
	[bflag:$0x2] =	sbarrier.arrive $0xFFFF  }
0x1af: {  	p0 =	sne.s32 s0, $0x0;
	s0 =	rddreg [dreg:$0x1]  }
0x1b0: {  	s0 =	sadd.s32 @!p0 $0x100000, s0  }
0x1b1: {  	[sflag:s0] =	ssyncadd.tile.s32 @!p0 $0x1;
	_ =	shalt  }
.Lfunc_end2:
_tile_overlayer_lowered:
.L_overlay_start_2:
0x1b2: {  	(tag) =	ssettag $0x2  }
0x1b3: {  	s0 =	rddreg [dreg:$0x0];
	s2 =	stileid.u32  }
0x1b4: {  	s1 =	rddreg [dreg:$0x1];
	p0 =	sne.s32 s2, $0x0  }
0x1b5: {  	s3 =	rddreg [dreg:$0x2];
	[bflag:$0x3] =	sbarrier.arrive $0xFFFF;
	s2 =	simm.s32 @!p0 $0x1C05  }
0x1b6: {  	[timem:s3], [sflag:s2] =	dma.local @!p0 [hbm:s0], s1  }
0x1b7: {  	s0 =	simm.s32 @!p0 $0x5  }
0x1b8: {  	_ =	swait.ge @!p0 [sflag:s0], s1  }
0x1b9: {  	s1 =	ssub.s32 @!p0 $0x0, s1;
	[sflag:s0] =	ssyncset.done @!p0 $0x0  }
0x1ba: {  	[sflag:s0] =	ssyncadd.s32 @!p0 s1  }
0x1bb: {  	[bflag:$0x3] =	sbarrier.arrive $0xFFFF  }
0x1bc: {  	_ =	shalt  }

// kernel: kernel.15.cloned.1.call-start
scs
__scs_entry_jumppad:
0x0: {  	(pc) =	sbr.rel $0x88, $3  }
0x1: {  	(tag) =	ssettag $0x0;
	lr =	simm.s32 $0x1  }
0x2: {  	[smem:$0x3F82] =	sst lr;
	_ =	strace $0xD0000000  }
0x3: {  	_ = 	snop  }
0x4: {  	_ = 	snop  }
0x5: {  	_ = 	snop  }
0x6: {  	_ = 	snop  }
0x7: {  	_ = 	snop  }
__scs_overlays_trampoline_lowered:
0x8: {  	[smem:$0x3F91] =	sst s0  }
0x9: {  	[smem:$0x3F92] =	sst s1  }
0xa: {  	[smem:$0x3F93] =	sst s2  }
0xb: {  	[smem:$0x3F94] =	sst s3  }
0xc: {  	[smem:$0x3F95] =	sst s4  }
0xd: {  	[smem:$0x3F96] =	sst s5  }
0xe: {  	[smem:$0x3F97] =	sst s6  }
0xf: {  	[smem:$0x3F98] =	sst s7  }
0x10: {  	[smem:$0x3F99] =	sst s8  }
0x11: {  	[smem:$0x3F9A] =	sst s9;
	s0 =	simm.s32 @!p0 $0x0  }
0x12: {  	s1 =	sld [smem:$0x3F80];
	s0 =	simm.s32 @p0 $0x1  }
0x13: {  	[smem:$0x3F9B] =	sst s0;
	s0 =	simm.s32 @!p1 $0x0  }
0x14: {  	s2 =	sld [smem:$0x3F7F];
	s0 =	simm.s32 @p1 $0x1  }
0x15: {  	[smem:$0x3F9C] =	sst s0;
	s0 =	simm.s32 @!p2 $0x0  }
0x16: {  	s3 =	sld [smem:$0x3FDB];
	s0 =	simm.s32 @p2 $0x1  }
0x17: {  	s4 =	simm.s32 $0x1BF5;
	[smem:$0x3F9E] =	sst s0  }
0x18: {  	s0 =	sld [smem:$0x3F81];
	_ =	swait.ge [sflag:s4], $0x0  }
0x19: {  	s7 =	sld [smem:$0x3F82]  }
0x1a: {  	s8 =	sadd.s32 $0xFFFFE003, lr  }
0x1b: {  	s9 =	sadd.s32 $0xFFFFFEF7, lr;
	s5 =	simm.s32 $0xFFFFFFFF;
	p2 =	slt.u32 s8, $0xFFFFF086  }
0x1c: {  	p1 =	slt.u32 s9, $0xF7A;
	s5 =	simm.s32 @!p2 $0x0  }
0x1d: {  	s5 =	simm.s32 @p1 $0x1;
	p0 =	seq.s32 s7, s2  }
0x1e: {  	s7 =	smul.u32 @!p0 $0xF7A, s2;
	p2 =	seq.s32 @!p0 s5, $0x0  }
0x1f: {  	s9 =	smul.u32 $0xF7A, s1;
	s8 =	simm.s32 @!p0 $0x1BF5;
	p2 =	por !p2, p0  }
0x20: {  	[sflag:s8] =	ssyncset.s32 @!p0 $0xFFFFF086;
	s6 =	sadd.s32 @!p0 s3, s7;
	s7 =	simm.s32 @!p0 $0x108  }
0x21: {  	s3 =	sadd.s32 s3, s9;
	s6 =	sadd.s32 @!p0 $0x88, s6;
	s7 =	simm.s32 @p2 $0x1082  }
0x22: {  	[simem:s7], [sflag:s8] =	dma.local @!p0 [hbm:s6], $0xF7A  }
0x23: {  	s9 =	sor.u32 $0xD0000000, s2;
	s6 =	simm.s32 $0x108;
	_ =	swait.ge @!p0 [sflag:s8], $0x0  }
0x24: {  	s3 =	sadd.s32 $0x88, s3;
	s6 =	simm.s32 @!p1 $0x1082;
	[sflag:s4] =	ssyncset.s32 $0xFFFFF086  }
0x25: {  	[simem:s6], [sflag:s4] =	dma.local [hbm:s3], $0xF7A  }
0x26: {  	[smem:$0x3F82] =	sst s1;
	(tag) =	ssettag s2;
	_ =	strace s9  }
0x27: {  	s1 =	sld [smem:$0x3F92]  }
0x28: {  	s2 =	sld [smem:$0x3F93]  }
0x29: {  	s4 =	sld [smem:$0x3F95]  }
0x2a: {  	p0 =	seq.s32 s5, $0x0;
	s5 =	sld [smem:$0x3F96]  }
0x2b: {  	s6 =	sld [smem:$0x3F97]  }
0x2c: {  	s7 =	sld [smem:$0x3F98]  }
0x2d: {  	s3 =	simm.s32 $0x108;
	s8 =	sld [smem:$0x3F99]  }
0x2e: {  	s3 =	simm.s32 @!p0 $0x1082;
	s9 =	sld [smem:$0x3F9A]  }
0x2f: {  	lr =	sadd.s32 s0, s3;
	s0 =	sld [smem:$0x3F91]  }
0x30: {  	s3 =	sld [smem:$0x3F94]  }
0x31: {  	[smem:$0x3F9D] =	sst s10  }
0x32: {  	s10 =	sld [smem:$0x3F9B];
	_ =	sdelay $0x3  }
0x33: {  	p0 =	seq.s32 s10, $0x1;
	s10 =	sld [smem:$0x3F9D];
	_ =	sdelay $0x3  }
0x34: {  	[smem:$0x3F9D] =	sst s10  }
0x35: {  	s10 =	sld [smem:$0x3F9C];
	_ =	sdelay $0x3  }
0x36: {  	p1 =	seq.s32 s10, $0x1;
	s10 =	sld [smem:$0x3F9D];
	_ =	sdelay $0x3  }
0x37: {  	[smem:$0x3F9D] =	sst s10  }
0x38: {  	s10 =	sld [smem:$0x3F9E]  }
0x39: {  	_ = 	snop;
	(pc) =	sbr.ind lr, $3  }
0x3a: {  	_ = 	snop  }
0x3b: {  	_ = 	snop  }
0x3c: {  	p2 =	seq.s32 s10, $0x1;
	s10 =	sld [smem:$0x3F9D]  }
0x3d: {  	_ =	shalt  }
0x3e: {  	_ =	shalt  }
0x3f: {  	_ =	shalt  }
0x40: {  	_ =	shalt  }
0x41: {  	_ =	shalt  }
0x42: {  	_ =	shalt  }
0x43: {  	_ =	shalt  }
0x44: {  	_ =	shalt  }
0x45: {  	_ =	shalt  }
0x46: {  	_ =	shalt  }
0x47: {  	_ =	shalt  }
0x48: {  	_ =	shalt  }
0x49: {  	_ =	shalt  }
0x4a: {  	_ =	shalt  }
0x4b: {  	_ =	shalt  }
0x4c: {  	_ =	shalt  }
0x4d: {  	_ =	shalt  }
0x4e: {  	_ =	shalt  }
0x4f: {  	_ =	shalt  }
0x50: {  	_ =	shalt  }
0x51: {  	_ =	shalt  }
0x52: {  	_ =	shalt  }
0x53: {  	_ =	shalt  }
0x54: {  	_ =	shalt  }
0x55: {  	_ =	shalt  }
0x56: {  	_ =	shalt  }
0x57: {  	_ =	shalt  }
0x58: {  	_ =	shalt  }
0x59: {  	_ =	shalt  }
0x5a: {  	_ =	shalt  }
0x5b: {  	_ =	shalt  }
0x5c: {  	_ =	shalt  }
0x5d: {  	_ =	shalt  }
0x5e: {  	_ =	shalt  }
0x5f: {  	_ =	shalt  }
0x60: {  	_ =	shalt  }
0x61: {  	_ =	shalt  }
0x62: {  	_ =	shalt  }
0x63: {  	_ =	shalt  }
0x64: {  	_ =	shalt  }
0x65: {  	_ =	shalt  }
0x66: {  	_ =	shalt  }
0x67: {  	_ =	shalt  }
0x68: {  	_ =	shalt  }
0x69: {  	_ =	shalt  }
0x6a: {  	_ =	shalt  }
0x6b: {  	_ =	shalt  }
0x6c: {  	_ =	shalt  }
0x6d: {  	_ =	shalt  }
0x6e: {  	_ =	shalt  }
0x6f: {  	_ =	shalt  }
0x70: {  	_ =	shalt  }
0x71: {  	_ =	shalt  }
0x72: {  	_ =	shalt  }
0x73: {  	_ =	shalt  }
0x74: {  	_ =	shalt  }
0x75: {  	_ =	shalt  }
0x76: {  	_ =	shalt  }
0x77: {  	_ =	shalt  }
0x78: {  	_ =	shalt  }
0x79: {  	_ =	shalt  }
0x7a: {  	_ =	shalt  }
0x7b: {  	_ =	shalt  }
0x7c: {  	_ =	shalt  }
0x7d: {  	_ =	shalt  }
0x7e: {  	_ =	shalt  }
0x7f: {  	_ =	shalt  }
0x80: {  	_ =	shalt  }
0x81: {  	_ =	shalt  }
0x82: {  	_ =	shalt  }
0x83: {  	_ =	shalt  }
0x84: {  	_ =	shalt  }
0x85: {  	_ =	shalt  }
0x86: {  	_ =	shalt  }
0x87: {  	_ =	shalt  }
.Lfunc_end0:
.L_simem_size_0:
called_computation.1_lowered:
.L_overlay_start_0:
0x88: {  	s2 =	sld [smem:$0x3FD9]  }
0x89: {  	s3 =	sld [smem:$0x3FFE];
	_ =	sdelay $0x1  }
0x8a: {  	s1 =	srdreg.scid  }
0x8b: {  	s0 =	sand.u32 $0x1, s1  }
0x8c: {  	s17 =	sshll.u32 s0, $0xA;
	s2 =	sadd.s32 s3, s2  }
0x8d: {  	s2 =	sadd.s32 s2, s17  }
0x8e: {  	[smem:$0x3FA9] =	sst s2  }
0x8f: {  	_ = 	snop  }
0x90: {  	s2 =	sld [smem:$0x3FD0];
	(tm) =	ssettm $0x1  }
0x91: {  	s18 =	sld [smem:$0x3FFB];
	_ =	sdelay $0x3  }
0x92: {  	_ =	strace s18  }
0x93: {  	s3 =	sld [smem:$0x3FFC];
	_ =	sdelay $0x3  }
0x94: {  	_ =	strace s3  }
0x95: {  	s3 =	sld [smem:$0x3FFD];
	_ =	sdelay $0x3  }
0x96: {  	_ =	strace s3  }
0x97: {  	_ =	strace $0x8FFFFFFF  }
0x98: {  	s19 =	sld [smem:$0x3FDB];
	_ =	sdelay $0x1  }
0x99: {  	s4 =	simm.s32 $_scs_section_size  }
0x9a: {  	s5 =	simm.s32 $_size__tile_overlayer_lowered;
	s6 =	simm.s32 $_tile_overlayer_lowered  }
0x9b: {  	s22 =	simm.s32 $0x1BFF;
	s21 =	sshll.u32 s6, $0x1;
	s3 =	sadd.s32 s4, s19  }
0x9c: {  	s7 =	simm.s32 $0x0;
	s20 =	sshll.u32 s5, $0x1;
	s5 =	sadd.s32 s21, s3  }
0x9d: {  	[timem:s7], [sflag:s22] =	dma.local [hbm:s5], s20  }
0x9e: {  	_ =	swait.ge [sflag:s22], s20  }
0x9f: {  	s4 =	ssub.s32 $0x0, s20;
	[sflag:s22] =	ssyncset.done $0x0  }
0xa0: {  	[sflag:s22] =	ssyncadd.s32 s4;
	_ =	sdelay $0x1  }
0xa1: {  	s23 =	simm.s32 $0x1B8B  }
0xa2: {  	_ =	swait.ge [sflag:s23], $0x1  }
0xa3: {  	[sflag:s23] =	ssyncset.done $0x0  }
0xa4: {  	s25 =	simm.s32 $0x1B8E;
	s24 =	sld [smem:$0x3FFE];
	[sflag:s23] =	ssyncadd.s32 $0xFFFFFFFF  }
0xa5: {  	s26 =	simm.s32 $execute0_lowered;
	[smem:$0x3FD2] =	sst s25  }
0xa6: {  	s5 =	sshll.u32 s26, $0x1;
	_ =	strace $0x80000049;
	[dreg:$0x1] =	wrdreg $0xFFFFFFFF  }
0xa7: {  	s28 =	simm.s32 $_size_execute0_lowered;
	s3 =	sadd.s32 s3, s5;
	[dreg:$0x0] =	wrdreg $0x0  }
0xa8: {  	s5 =	sshll.u32 s28, $0x1;
	[dreg:$0x2] =	wrdreg s3  }
0xa9: {  	[dreg:$0x3] =	wrdreg s5  }
0xaa: {  	[dreg:$0x4] =	wrdreg $0xC0  }
0xab: {  	_ =	task [dreg:s7], $0x5FFFF  }
0xac: {  	[dreg:$0x1] =	wrdreg $0xFFFFFFFF  }
0xad: {  	[dreg:$0x0] =	wrdreg $0x60  }
0xae: {  	[dreg:$0x2] =	wrdreg s24  }
0xaf: {  	[dreg:$0x3] =	wrdreg s2  }
0xb0: {  	[dreg:$0x4] =	wrdreg $0x9  }
0xb1: {  	_ =	task.clear_ibuf [dreg:s7], $0x5FFFF;
	_ =	strace $0x90000049  }
0xb2: {  	s29 =	simm.s32 $0x9;
	_ =	strace $0x8000004B  }
0xb3: {  	_ =	swait.ge [sflag:s29], $0x1  }
0xb4: {  	[sflag:s29] =	ssyncadd.s32 $0xFFFFFFFF  }
0xb5: {  	_ =	strace $0x9000004B  }
0xb6: {  	_ =	sfence  }
0xb7: {  	s30 =	sld [smem:$0x0];
	_ =	sdelay $0x2  }
0xb8: {  	s31 =	sshll.u32 s1, $0xD;
	s1 =	sshrl.u32 s1, $0x2  }
0xb9: {  	s3 =	sand.u32 $0x4000, s31;
	s1 =	sadd.s32 s1, s30  }
0xba: {  	s0 =	sor.u32 s3, s0;
	s1 =	sshll.u32 s1, $0x11  }
0xbb: {  	s0 =	sor.u32 s1, s0  }
0xbc: {  	s0 =	sadd.s32 $0x8F2B, s0  }
0xbd: {  	[sflag:s0] =	ssyncadd.remote.s32 $0x1  }
0xbe: {  	_ =	sfence.sel $0xFFFF  }
0xbf: {  	[dreg:$0x0] =	wrdreg $0xFFFFFFFF;
	(pc) =	sbr.abs _section_cstart, $3  }
0xc0: {  	[dreg:$0x1] =	wrdreg $0xFFFFFFFF  }
0xc1: {  	_ =	task.clear_ibuf [dreg:s7], $0x2FFFF;
	_ =	strace $0x9FFFFFFF  }
0xc2: {  	(tm) =	ssettm $0x7FFFFFFF  }
0xc3: {  	_ =	shalt  }
tec
execute0_lowered:
.L_overlay_start_1:
0x0: {  	(tag) =	ssettag $0x1  }
0x1: {  	s1 =	srdreg.scid;
	s0 =	stileid.u32  }
0x2: {  	s1 =	sand.u32 $0x1, s1;
	s2 =	sshll.u32 s0, $0x1  }
0x3: {  	s3 =	sor.u32 s1, s2  }
0x4: {  	s9 =	rddreg [dreg:$0x0];
	s5 =	smul.u32 $0x5800, s3  }
0x5: {  	s4 =	rddreg [dreg:$0x1];
	s2 =	simm.s32 $0x0;
	s6 =	smul.u32 $0x2C000, s3  }
0x6: {  	s7 =	sadd.s32 $0x16400, s9;
	[smem:$0x7FF] =	sst s2  }
0x7: {  	_ =	strace $0x8000004A;
	s8 =	sadd.s32 s4, s5;
	s6 =	sshrl.u32 s6, $0x3  }
0x8: {  	s5 =	sadd.s32 s7, s5;
	[dreg:$0x3] =	wrdreg s8;
	s20 =	sadd.s32 $0x800, s6  }
0x9: {  	[dreg:$0x4] =	wrdreg s5;
	s21 =	sadd.s32 s4, s20  }
0xa: {  	s23 =	sadd.s32 $0x1000, s6;
	s22 =	sadd.s32 s7, s20;
	[dreg:$0x5] =	wrdreg s21  }
0xb: {  	s24 =	sadd.s32 s4, s23;
	[dreg:$0x6] =	wrdreg s22  }
0xc: {  	s26 =	sadd.s32 $0x1800, s6;
	s25 =	sadd.s32 s7, s23;
	[dreg:$0x7] =	wrdreg s24  }
0xd: {  	s0 =	sadd.s32 s4, s26;
	[dreg:$0x8] =	wrdreg s25  }
0xe: {  	s11 =	sadd.s32 $0x2000, s6;
	s10 =	sadd.s32 s7, s26;
	[dreg:$0x9] =	wrdreg s0  }
0xf: {  	s12 =	sadd.s32 s4, s11;
	[dreg:$0xa] =	wrdreg s10  }
0x10: {  	s14 =	sadd.s32 $0x2800, s6;
	s13 =	sadd.s32 s7, s11;
	[dreg:$0xb] =	wrdreg s12  }
0x11: {  	s15 =	sadd.s32 s4, s14;
	[dreg:$0xc] =	wrdreg s13  }
0x12: {  	s17 =	sadd.s32 $0x3000, s6;
	s16 =	sadd.s32 s7, s14;
	[dreg:$0xd] =	wrdreg s15  }
0x13: {  	s18 =	sadd.s32 s4, s17;
	[dreg:$0xe] =	wrdreg s16  }
0x14: {  	s19 =	sadd.s32 s7, s17;
	[dreg:$0xf] =	wrdreg s18  }
0x15: {  	s20 =	sadd.s32 $0x3800, s6;
	s14 =	simm.s32 $0x900;
	[dreg:$0x10] =	wrdreg s19  }
0x16: {  	s21 =	sadd.s32 s4, s20;
	[dreg:$0x1b] =	wrdreg s14  }
0x17: {  	s23 =	sadd.s32 $0x4000, s6;
	s22 =	sadd.s32 s7, s20;
	[dreg:$0x11] =	wrdreg s21  }
0x18: {  	s24 =	sadd.s32 s4, s23;
	[dreg:$0x12] =	wrdreg s22  }
0x19: {  	s26 =	sadd.s32 $0x4800, s6;
	s25 =	sadd.s32 s7, s23;
	[dreg:$0x13] =	wrdreg s24  }
0x1a: {  	s0 =	sadd.s32 s4, s26;
	[dreg:$0x14] =	wrdreg s25  }
0x1b: {  	s6 =	sadd.s32 $0x5000, s6;
	s10 =	sadd.s32 s7, s26;
	[dreg:$0x15] =	wrdreg s0  }
0x1c: {  	s4 =	sadd.s32 s4, s6;
	[dreg:$0x16] =	wrdreg s10  }
0x1d: {  	s11 =	sadd.s32 s7, s6;
	[dreg:$0x17] =	wrdreg s4  }
0x1e: {  	s12 =	simm.s32 $0x880;
	[dreg:$0x18] =	wrdreg s11  }
0x1f: {  	s13 =	simm.s32 $0x100;
	[dreg:$0x19] =	wrdreg s12  }
0x20: {  	s3 =	sshll.u32 s3, $0x8;
	s15 =	simm.s32 $0x180;
	[dreg:$0x1a] =	wrdreg s13  }
0x21: {  	s3 =	sadd.s32 s3, s9;
	s16 =	simm.s32 $0x980;
	[dreg:$0x1c] =	wrdreg s15  }
0x22: {  	s4 =	sadd.s32 $0x8800, s3;
	s3 =	simm.s32 $0x5;
	[dreg:$0x1d] =	wrdreg s16  }
0x23: {  	[tilespmem:s2], [sflag:$0x5] =	stream.linear.gather [hbm4b:s4+s2], $0x580, $0x38;
	[tilespmem:$0x11000] =	vst v63  }
0x24: {  	_ =	swait.ge [sflag:s3], $0x580  }
0x25: {  	[sflag:s3] =	ssyncset.done $0x0  }
0x26: {  	s5 =	simm.s32 $0x800;
	[sflag:s3] =	ssyncadd.s32 $0xFFFFFA80  }
0x27: {  	[tilespmem:s5], [sflag:$0x5] =	stream.linear.gather [hbm4b:s4+s2], $0x580, $0x38;
	[tilespmem:$0x11000] =	vst v63  }
0x28: {  	_ =	swait.ge [sflag:s3], $0x580  }
0x29: {  	s8 =	simm.s32 $0x1000;
	[sflag:s3] =	ssyncset.done $0x0  }
0x2a: {  	s6 =	sadd.s32 $0xA800, s9;
	s7 =	simm.s32 $0x80;
	[sflag:s3] =	ssyncadd.s32 $0xFFFFFA80  }
0x2b: {  	[tilespmem:s8], [sflag:$0x1] =	stream.indirect.gather [hbm4b:s6+s7], $0x80, s2, s7, $0xb8;
	[tilespmem:$0x11000] =	vst v63  }
0x2c: {  	s9 =	sadd.s32 $0x10600, s9;
	s10 =	simm.s32 $0x9000  }
0x2d: {  	[tilespmem:s10], [sflag:$0x3] =	stream.indirect.gather [hbm4b:s9+s7], $0x80, s5, s7, $0xb8;
	[tilespmem:$0x11000] =	vst v63  }
0x2e: {  	s11 =	simm.s32 $0x5000  }
0x2f: {  	[tilespmem:s11], [sflag:$0x2] =	stream.indirect.gather [hbm4b:s6+s7], $0x80, s7, s7, $0xb8;
	[tilespmem:$0x11000] =	vst v63  }
0x30: {  	s12 =	simm.s32 $0xD000;
	s13 =	simm.s32 $0x1;
	s14 =	rddreg [dreg:$0x19]  }
0x31: {  	[tilespmem:s12], [sflag:$0x4] =	stream.indirect.gather [hbm4b:s9+s7], $0x80, s14, s7, $0xb8;
	[tilespmem:$0x11000] =	vst v63  }
0x32: {  	_ =	swait.ge [sflag:s13], $0x4000  }
0x33: {  	[sflag:s13] =	ssyncset.done $0x0  }
0x34: {  	s17 =	rddreg [dreg:$0x3];
	[sflag:s13] =	ssyncadd.s32 $0xFFFFC000  }
0x35: {  	[hbm4b:s17+s2] =	stream.linear.scatter [tilespmem:s8], [sflag:$0x5], $0x4000, $0x38;
	[tilespmem:$0x11000] =	vst v63  }
0x36: {  	_ =	swait.ge [sflag:s3], $0x4000  }
0x37: {  	[sflag:s3] =	ssyncset.done $0x0  }
0x38: {  	s14 =	simm.s32 $0x3;
	[sflag:s3] =	ssyncadd.s32 $0xFFFFC000  }
0x39: {  	_ =	swait.ge [sflag:s14], $0x4000  }
0x3a: {  	[sflag:s14] =	ssyncset.done $0x0  }
0x3b: {  	s15 =	rddreg [dreg:$0x4];
	[sflag:s14] =	ssyncadd.s32 $0xFFFFC000  }
0x3c: {  	[hbm4b:s15+s2] =	stream.linear.scatter [tilespmem:s10], [sflag:$0x5], $0x4000, $0x38;
	[tilespmem:$0x11000] =	vst v63  }
0x3d: {  	_ =	swait.ge [sflag:s3], $0x4000  }
0x3e: {  	[sflag:s3] =	ssyncset.done $0x0  }
0x3f: {  	s18 =	rddreg [dreg:$0x1a];
	[sflag:s3] =	ssyncadd.s32 $0xFFFFC000  }
0x40: {  	[tilespmem:s8], [sflag:$0x1] =	stream.indirect.gather [hbm4b:s6+s7], $0x80, s18, s7, $0xb8;
	[tilespmem:$0x11000] =	vst v63  }
0x41: {  	s15 =	simm.s32 $0x2;
	s16 =	rddreg [dreg:$0x1b]  }
0x42: {  	[tilespmem:s10], [sflag:$0x3] =	stream.indirect.gather [hbm4b:s9+s7], $0x80, s16, s7, $0xb8;
	[tilespmem:$0x11000] =	vst v63  }
0x43: {  	_ =	swait.ge [sflag:s15], $0x4000  }
0x44: {  	[sflag:s15] =	ssyncset.done $0x0  }
0x45: {  	s19 =	rddreg [dreg:$0x5];
	[sflag:s15] =	ssyncadd.s32 $0xFFFFC000  }
0x46: {  	[hbm4b:s19+s2] =	stream.linear.scatter [tilespmem:s11], [sflag:$0x5], $0x4000, $0x38;
	[tilespmem:$0x11000] =	vst v63  }
0x47: {  	_ =	swait.ge [sflag:s3], $0x4000  }
0x48: {  	[sflag:s3] =	ssyncset.done $0x0  }
0x49: {  	s16 =	simm.s32 $0x4;
	[sflag:s3] =	ssyncadd.s32 $0xFFFFC000  }
0x4a: {  	_ =	swait.ge [sflag:s16], $0x4000  }
0x4b: {  	[sflag:s16] =	ssyncset.done $0x0  }
0x4c: {  	s17 =	rddreg [dreg:$0x6];
	[sflag:s16] =	ssyncadd.s32 $0xFFFFC000  }
0x4d: {  	[hbm4b:s17+s2] =	stream.linear.scatter [tilespmem:s12], [sflag:$0x5], $0x4000, $0x38;
	[tilespmem:$0x11000] =	vst v63  }
0x4e: {  	_ =	swait.ge [sflag:s3], $0x4000  }
0x4f: {  	[sflag:s3] =	ssyncset.done $0x0  }
0x50: {  	s20 =	rddreg [dreg:$0x1c];
	[sflag:s3] =	ssyncadd.s32 $0xFFFFC000  }
0x51: {  	[tilespmem:s11], [sflag:$0x2] =	stream.indirect.gather [hbm4b:s6+s7], $0x80, s20, s7, $0xb8;
	[tilespmem:$0x11000] =	vst v63  }
0x52: {  	s18 =	rddreg [dreg:$0x1d]  }
0x53: {  	[tilespmem:s12], [sflag:$0x4] =	stream.indirect.gather [hbm4b:s9+s7], $0x80, s18, s7, $0xb8;
	[tilespmem:$0x11000] =	vst v63  }
0x54: {  	_ =	swait.ge [sflag:s13], $0x4000  }
0x55: {  	[sflag:s13] =	ssyncset.done $0x0  }
0x56: {  	s21 =	rddreg [dreg:$0x7];
	[sflag:s13] =	ssyncadd.s32 $0xFFFFC000  }
0x57: {  	[hbm4b:s21+s2] =	stream.linear.scatter [tilespmem:s8], [sflag:$0x5], $0x4000, $0x38;
	[tilespmem:$0x11000] =	vst v63  }
0x58: {  	_ =	swait.ge [sflag:s3], $0x4000  }
0x59: {  	[sflag:s3] =	ssyncset.done $0x0  }
0x5a: {  	[sflag:s3] =	ssyncadd.s32 $0xFFFFC000  }
0x5b: {  	_ =	swait.ge [sflag:s14], $0x4000  }
0x5c: {  	[sflag:s14] =	ssyncset.done $0x0  }
0x5d: {  	s22 =	rddreg [dreg:$0x8];
	[sflag:s14] =	ssyncadd.s32 $0xFFFFC000  }
0x5e: {  	[hbm4b:s22+s2] =	stream.linear.scatter [tilespmem:s10], [sflag:$0x5], $0x4000, $0x38;
	[tilespmem:$0x11000] =	vst v63  }
0x5f: {  	_ =	swait.ge [sflag:s3], $0x4000  }
0x60: {  	[sflag:s3] =	ssyncset.done $0x0  }
0x61: {  	s23 =	simm.s32 $0x200;
	[sflag:s3] =	ssyncadd.s32 $0xFFFFC000  }
0x62: {  	[tilespmem:s8], [sflag:$0x1] =	stream.indirect.gather [hbm4b:s6+s7], $0x80, s23, s7, $0xb8;
	[tilespmem:$0x11000] =	vst v63  }
0x63: {  	s18 =	simm.s32 $0xA00  }
0x64: {  	[tilespmem:s10], [sflag:$0x3] =	stream.indirect.gather [hbm4b:s9+s7], $0x80, s18, s7, $0xb8;
	[tilespmem:$0x11000] =	vst v63  }
0x65: {  	_ =	swait.ge [sflag:s15], $0x4000  }
0x66: {  	[sflag:s15] =	ssyncset.done $0x0  }
0x67: {  	s19 =	rddreg [dreg:$0x9];
	[sflag:s15] =	ssyncadd.s32 $0xFFFFC000  }
0x68: {  	[hbm4b:s19+s2] =	stream.linear.scatter [tilespmem:s11], [sflag:$0x5], $0x4000, $0x38;
	[tilespmem:$0x11000] =	vst v63  }
0x69: {  	_ =	swait.ge [sflag:s3], $0x4000  }
0x6a: {  	[sflag:s3] =	ssyncset.done $0x0  }
0x6b: {  	[sflag:s3] =	ssyncadd.s32 $0xFFFFC000  }
0x6c: {  	_ =	swait.ge [sflag:s16], $0x4000  }
0x6d: {  	[sflag:s16] =	ssyncset.done $0x0  }
0x6e: {  	s24 =	rddreg [dreg:$0xa];
	[sflag:s16] =	ssyncadd.s32 $0xFFFFC000  }
0x6f: {  	[hbm4b:s24+s2] =	stream.linear.scatter [tilespmem:s12], [sflag:$0x5], $0x4000, $0x38;
	[tilespmem:$0x11000] =	vst v63  }
0x70: {  	_ =	swait.ge [sflag:s3], $0x4000  }
0x71: {  	[sflag:s3] =	ssyncset.done $0x0  }
0x72: {  	s19 =	simm.s32 $0x280;
	[sflag:s3] =	ssyncadd.s32 $0xFFFFC000  }
0x73: {  	[tilespmem:s11], [sflag:$0x2] =	stream.indirect.gather [hbm4b:s6+s7], $0x80, s19, s7, $0xb8;
	[tilespmem:$0x11000] =	vst v63  }
0x74: {  	s20 =	simm.s32 $0xA80  }
0x75: {  	[tilespmem:s12], [sflag:$0x4] =	stream.indirect.gather [hbm4b:s9+s7], $0x80, s20, s7, $0xb8;
	[tilespmem:$0x11000] =	vst v63  }
0x76: {  	_ =	swait.ge [sflag:s13], $0x4000  }
0x77: {  	[sflag:s13] =	ssyncset.done $0x0  }
0x78: {  	s21 =	rddreg [dreg:$0xb];
	[sflag:s13] =	ssyncadd.s32 $0xFFFFC000  }
0x79: {  	[hbm4b:s21+s2] =	stream.linear.scatter [tilespmem:s8], [sflag:$0x5], $0x4000, $0x38;
	[tilespmem:$0x11000] =	vst v63  }
0x7a: {  	_ =	swait.ge [sflag:s3], $0x4000  }
0x7b: {  	[sflag:s3] =	ssyncset.done $0x0  }
0x7c: {  	[sflag:s3] =	ssyncadd.s32 $0xFFFFC000  }
0x7d: {  	_ =	swait.ge [sflag:s14], $0x4000  }
0x7e: {  	[sflag:s14] =	ssyncset.done $0x0  }
0x7f: {  	s25 =	rddreg [dreg:$0xc];
	[sflag:s14] =	ssyncadd.s32 $0xFFFFC000  }
0x80: {  	[hbm4b:s25+s2] =	stream.linear.scatter [tilespmem:s10], [sflag:$0x5], $0x4000, $0x38;
	[tilespmem:$0x11000] =	vst v63  }
0x81: {  	_ =	swait.ge [sflag:s3], $0x4000  }
0x82: {  	[sflag:s3] =	ssyncset.done $0x0  }
0x83: {  	s21 =	simm.s32 $0x300;
	[sflag:s3] =	ssyncadd.s32 $0xFFFFC000  }
0x84: {  	[tilespmem:s8], [sflag:$0x1] =	stream.indirect.gather [hbm4b:s6+s7], $0x80, s21, s7, $0xb8;
	[tilespmem:$0x11000] =	vst v63  }
0x85: {  	s22 =	simm.s32 $0xB00  }
0x86: {  	[tilespmem:s10], [sflag:$0x3] =	stream.indirect.gather [hbm4b:s9+s7], $0x80, s22, s7, $0xb8;
	[tilespmem:$0x11000] =	vst v63  }
0x87: {  	_ =	swait.ge [sflag:s15], $0x4000  }
0x88: {  	[sflag:s15] =	ssyncset.done $0x0  }
0x89: {  	s23 =	rddreg [dreg:$0xd];
	[sflag:s15] =	ssyncadd.s32 $0xFFFFC000  }
0x8a: {  	[hbm4b:s23+s2] =	stream.linear.scatter [tilespmem:s11], [sflag:$0x5], $0x4000, $0x38;
	[tilespmem:$0x11000] =	vst v63  }
0x8b: {  	_ =	swait.ge [sflag:s3], $0x4000  }
0x8c: {  	[sflag:s3] =	ssyncset.done $0x0  }
0x8d: {  	[sflag:s3] =	ssyncadd.s32 $0xFFFFC000  }
0x8e: {  	_ =	swait.ge [sflag:s16], $0x4000  }
0x8f: {  	[sflag:s16] =	ssyncset.done $0x0  }
0x90: {  	s26 =	rddreg [dreg:$0xe];
	[sflag:s16] =	ssyncadd.s32 $0xFFFFC000  }
0x91: {  	[hbm4b:s26+s2] =	stream.linear.scatter [tilespmem:s12], [sflag:$0x5], $0x4000, $0x38;
	[tilespmem:$0x11000] =	vst v63  }
0x92: {  	_ =	swait.ge [sflag:s3], $0x4000  }
0x93: {  	[sflag:s3] =	ssyncset.done $0x0  }
0x94: {  	s23 =	simm.s32 $0x380;
	[sflag:s3] =	ssyncadd.s32 $0xFFFFC000  }
0x95: {  	[tilespmem:s11], [sflag:$0x2] =	stream.indirect.gather [hbm4b:s6+s7], $0x80, s23, s7, $0xb8;
	[tilespmem:$0x11000] =	vst v63  }
0x96: {  	s24 =	simm.s32 $0xB80  }
0x97: {  	[tilespmem:s12], [sflag:$0x4] =	stream.indirect.gather [hbm4b:s9+s7], $0x80, s24, s7, $0xb8;
	[tilespmem:$0x11000] =	vst v63  }
0x98: {  	_ =	swait.ge [sflag:s13], $0x4000  }
0x99: {  	[sflag:s13] =	ssyncset.done $0x0  }
0x9a: {  	s25 =	rddreg [dreg:$0xf];
	[sflag:s13] =	ssyncadd.s32 $0xFFFFC000  }
0x9b: {  	[hbm4b:s25+s2] =	stream.linear.scatter [tilespmem:s8], [sflag:$0x5], $0x4000, $0x38;
	[tilespmem:$0x11000] =	vst v63  }
0x9c: {  	_ =	swait.ge [sflag:s3], $0x4000  }
0x9d: {  	[sflag:s3] =	ssyncset.done $0x0  }
0x9e: {  	[sflag:s3] =	ssyncadd.s32 $0xFFFFC000  }
0x9f: {  	_ =	swait.ge [sflag:s14], $0x4000  }
0xa0: {  	[sflag:s14] =	ssyncset.done $0x0  }
0xa1: {  	s0 =	rddreg [dreg:$0x10];
	[sflag:s14] =	ssyncadd.s32 $0xFFFFC000  }
0xa2: {  	[hbm4b:s0+s2] =	stream.linear.scatter [tilespmem:s10], [sflag:$0x5], $0x4000, $0x38;
	[tilespmem:$0x11000] =	vst v63  }
0xa3: {  	_ =	swait.ge [sflag:s3], $0x4000  }
0xa4: {  	[sflag:s3] =	ssyncset.done $0x0  }
0xa5: {  	s25 =	simm.s32 $0x400;
	[sflag:s3] =	ssyncadd.s32 $0xFFFFC000  }
0xa6: {  	[tilespmem:s8], [sflag:$0x1] =	stream.indirect.gather [hbm4b:s6+s7], $0x80, s25, s7, $0xb8;
	[tilespmem:$0x11000] =	vst v63  }
0xa7: {  	s26 =	simm.s32 $0xC00  }
0xa8: {  	[tilespmem:s10], [sflag:$0x3] =	stream.indirect.gather [hbm4b:s9+s7], $0x80, s26, s7, $0xb8;
	[tilespmem:$0x11000] =	vst v63  }
0xa9: {  	_ =	swait.ge [sflag:s15], $0x4000  }
0xaa: {  	[sflag:s15] =	ssyncset.done $0x0  }
0xab: {  	s28 =	rddreg [dreg:$0x11];
	[sflag:s15] =	ssyncadd.s32 $0xFFFFC000  }
0xac: {  	[hbm4b:s28+s2] =	stream.linear.scatter [tilespmem:s11], [sflag:$0x5], $0x4000, $0x38;
	[tilespmem:$0x11000] =	vst v63  }
0xad: {  	_ =	swait.ge [sflag:s3], $0x4000  }
0xae: {  	[sflag:s3] =	ssyncset.done $0x0  }
0xaf: {  	[sflag:s3] =	ssyncadd.s32 $0xFFFFC000  }
0xb0: {  	_ =	swait.ge [sflag:s16], $0x4000  }
0xb1: {  	[sflag:s16] =	ssyncset.done $0x0  }
0xb2: {  	s28 =	rddreg [dreg:$0x12];
	[sflag:s16] =	ssyncadd.s32 $0xFFFFC000  }
0xb3: {  	[hbm4b:s28+s2] =	stream.linear.scatter [tilespmem:s12], [sflag:$0x5], $0x4000, $0x38;
	[tilespmem:$0x11000] =	vst v63  }
0xb4: {  	_ =	swait.ge [sflag:s3], $0x4000  }
0xb5: {  	[sflag:s3] =	ssyncset.done $0x0  }
0xb6: {  	s28 =	simm.s32 $0x480;
	[sflag:s3] =	ssyncadd.s32 $0xFFFFC000  }
0xb7: {  	[tilespmem:s11], [sflag:$0x2] =	stream.indirect.gather [hbm4b:s6+s7], $0x80, s28, s7, $0xb8;
	[tilespmem:$0x11000] =	vst v63  }
0xb8: {  	s29 =	simm.s32 $0xC80  }
0xb9: {  	[tilespmem:s12], [sflag:$0x4] =	stream.indirect.gather [hbm4b:s9+s7], $0x80, s29, s7, $0xb8;
	[tilespmem:$0x11000] =	vst v63  }
0xba: {  	_ =	swait.ge [sflag:s13], $0x4000  }
0xbb: {  	[sflag:s13] =	ssyncset.done $0x0  }
0xbc: {  	s30 =	rddreg [dreg:$0x13];
	[sflag:s13] =	ssyncadd.s32 $0xFFFFC000  }
0xbd: {  	[hbm4b:s30+s2] =	stream.linear.scatter [tilespmem:s8], [sflag:$0x5], $0x4000, $0x38;
	[tilespmem:$0x11000] =	vst v63  }
0xbe: {  	_ =	swait.ge [sflag:s3], $0x4000  }
0xbf: {  	[sflag:s3] =	ssyncset.done $0x0  }
0xc0: {  	[sflag:s3] =	ssyncadd.s32 $0xFFFFC000  }
0xc1: {  	_ =	swait.ge [sflag:s14], $0x4000  }
0xc2: {  	[sflag:s14] =	ssyncset.done $0x0  }
0xc3: {  	s30 =	rddreg [dreg:$0x14];
	[sflag:s14] =	ssyncadd.s32 $0xFFFFC000  }
0xc4: {  	[hbm4b:s30+s2] =	stream.linear.scatter [tilespmem:s10], [sflag:$0x5], $0x4000, $0x38;
	[tilespmem:$0x11000] =	vst v63  }
0xc5: {  	_ =	swait.ge [sflag:s3], $0x4000  }
0xc6: {  	[sflag:s3] =	ssyncset.done $0x0  }
0xc7: {  	s30 =	simm.s32 $0x500;
	[sflag:s3] =	ssyncadd.s32 $0xFFFFC000  }
0xc8: {  	[tilespmem:s8], [sflag:$0x1] =	stream.indirect.gather [hbm4b:s6+s7], $0x80, s30, s7, $0xb8;
	[tilespmem:$0x11000] =	vst v63  }
0xc9: {  	s31 =	simm.s32 $0xD00  }
0xca: {  	[tilespmem:s10], [sflag:$0x3] =	stream.indirect.gather [hbm4b:s9+s7], $0x80, s31, s7, $0xb8;
	[tilespmem:$0x11000] =	vst v63  }
0xcb: {  	_ =	swait.ge [sflag:s15], $0x4000  }
0xcc: {  	[sflag:s15] =	ssyncset.done $0x0  }
0xcd: {  	s17 =	rddreg [dreg:$0x15];
	[sflag:s15] =	ssyncadd.s32 $0xFFFFC000  }
0xce: {  	[hbm4b:s17+s2] =	stream.linear.scatter [tilespmem:s11], [sflag:$0x5], $0x4000, $0x38;
	[tilespmem:$0x11000] =	vst v63  }
0xcf: {  	_ =	swait.ge [sflag:s3], $0x4000  }
0xd0: {  	[sflag:s3] =	ssyncset.done $0x0  }
0xd1: {  	[sflag:s3] =	ssyncadd.s32 $0xFFFFC000  }
0xd2: {  	_ =	swait.ge [sflag:s16], $0x4000  }
0xd3: {  	[sflag:s16] =	ssyncset.done $0x0  }
0xd4: {  	s17 =	rddreg [dreg:$0x16];
	[sflag:s16] =	ssyncadd.s32 $0xFFFFC000  }
0xd5: {  	[hbm4b:s17+s2] =	stream.linear.scatter [tilespmem:s12], [sflag:$0x5], $0x4000, $0x38;
	[tilespmem:$0x11000] =	vst v63  }
0xd6: {  	_ =	swait.ge [sflag:s3], $0x4000  }
0xd7: {  	[sflag:s3] =	ssyncset.done $0x0  }
0xd8: {  	[sflag:s3] =	ssyncadd.s32 $0xFFFFC000  }
0xd9: {  	_ =	swait.ge [sflag:s13], $0x4000  }
0xda: {  	[sflag:s13] =	ssyncset.done $0x0  }
0xdb: {  	s0 =	ssub.s32 $0x2, s1;
	s17 =	rddreg [dreg:$0x17];
	[sflag:s13] =	ssyncadd.s32 $0xFFFFC000  }
0xdc: {  	[hbm4b:s17+s2] =	stream.linear.scatter [tilespmem:s8], [sflag:$0x5], $0x4000, $0x38;
	[tilespmem:$0x11000] =	vst v63  }
0xdd: {  	s1 =	sshrl.u32 s0, $0x1;
	_ =	swait.ge [sflag:s3], $0x4000  }
0xde: {  	s0 =	ssub.s32 s0, s1;
	[sflag:s3] =	ssyncset.done $0x0  }
0xdf: {  	s0 =	smax.u32 s0, $0x1;
	[sflag:s3] =	ssyncadd.s32 $0xFFFFC000  }
0xe0: {  	p0 =	sne.s32 s0, $0x1;
	_ =	swait.ge [sflag:s14], $0x4000  }
.Ltmp0:
0xe1: {  	[sflag:s14] =	ssyncset.done $0x0;
	(pc) =	sbr.rel @!p0 .LBB2_2-.Ltmp0, $4  }
0xe2: {  	s17 =	rddreg [dreg:$0x18];
	[sflag:s14] =	ssyncadd.s32 $0xFFFFC000  }
0xe3: {  	[hbm4b:s17+s2] =	stream.linear.scatter [tilespmem:s10], [sflag:$0x5], $0x4000, $0x38;
	[tilespmem:$0x11000] =	vst v63  }
0xe4: {  	_ =	swait.ge [sflag:s3], $0x4000  }
0xe5: {  	s1 =	sadd.s32 $0xFFFFFFFF, s0;
	[sflag:s3] =	ssyncset.done $0x0  }
.LBB2_1:
0xe6: {  	[sflag:s3] =	ssyncadd.s32 $0xFFFFC000  }
0xe7: {  	[tilespmem:s2], [sflag:$0x5] =	stream.linear.gather [hbm4b:s4+s2], $0x580, $0x38;
	[tilespmem:$0x11000] =	vst v63  }
0xe8: {  	_ =	swait.ge [sflag:s3], $0x580  }
0xe9: {  	[sflag:s3] =	ssyncset.done $0x0  }
0xea: {  	[sflag:s3] =	ssyncadd.s32 $0xFFFFFA80  }
0xeb: {  	[tilespmem:s5], [sflag:$0x5] =	stream.linear.gather [hbm4b:s4+s2], $0x580, $0x38;
	[tilespmem:$0x11000] =	vst v63  }
0xec: {  	_ =	swait.ge [sflag:s3], $0x580  }
0xed: {  	[sflag:s3] =	ssyncset.done $0x0  }
0xee: {  	[sflag:s3] =	ssyncadd.s32 $0xFFFFFA80  }
0xef: {  	[tilespmem:s8], [sflag:$0x1] =	stream.indirect.gather [hbm4b:s6+s7], $0x80, s2, s7, $0xb8;
	[tilespmem:$0x11000] =	vst v63  }
0xf0: {  	_ = 	snop  }
0xf1: {  	[tilespmem:s10], [sflag:$0x3] =	stream.indirect.gather [hbm4b:s9+s7], $0x80, s5, s7, $0xb8;
	[tilespmem:$0x11000] =	vst v63  }
0xf2: {  	_ = 	snop  }
0xf3: {  	[tilespmem:s11], [sflag:$0x2] =	stream.indirect.gather [hbm4b:s6+s7], $0x80, s7, s7, $0xb8;
	[tilespmem:$0x11000] =	vst v63  }
0xf4: {  	s0 =	rddreg [dreg:$0x19]  }
0xf5: {  	[tilespmem:s12], [sflag:$0x4] =	stream.indirect.gather [hbm4b:s9+s7], $0x80, s0, s7, $0xb8;
	[tilespmem:$0x11000] =	vst v63  }
0xf6: {  	_ =	swait.ge [sflag:s13], $0x4000  }
0xf7: {  	[sflag:s13] =	ssyncset.done $0x0  }
0xf8: {  	s17 =	rddreg [dreg:$0x3];
	[sflag:s13] =	ssyncadd.s32 $0xFFFFC000  }
0xf9: {  	[hbm4b:s17+s2] =	stream.linear.scatter [tilespmem:s8], [sflag:$0x5], $0x4000, $0x38;
	[tilespmem:$0x11000] =	vst v63  }
0xfa: {  	_ =	swait.ge [sflag:s3], $0x4000  }
0xfb: {  	[sflag:s3] =	ssyncset.done $0x0  }
0xfc: {  	[sflag:s3] =	ssyncadd.s32 $0xFFFFC000  }
0xfd: {  	_ =	swait.ge [sflag:s14], $0x4000  }
0xfe: {  	[sflag:s14] =	ssyncset.done $0x0  }
0xff: {  	s17 =	rddreg [dreg:$0x4];
	[sflag:s14] =	ssyncadd.s32 $0xFFFFC000  }
0x100: {  	[hbm4b:s17+s2] =	stream.linear.scatter [tilespmem:s10], [sflag:$0x5], $0x4000, $0x38;
	[tilespmem:$0x11000] =	vst v63  }
0x101: {  	_ =	swait.ge [sflag:s3], $0x4000  }
0x102: {  	[sflag:s3] =	ssyncset.done $0x0  }
0x103: {  	s0 =	rddreg [dreg:$0x1a];
	[sflag:s3] =	ssyncadd.s32 $0xFFFFC000  }
0x104: {  	[tilespmem:s8], [sflag:$0x1] =	stream.indirect.gather [hbm4b:s6+s7], $0x80, s0, s7, $0xb8;
	[tilespmem:$0x11000] =	vst v63  }
0x105: {  	s17 =	rddreg [dreg:$0x1b]  }
0x106: {  	[tilespmem:s10], [sflag:$0x3] =	stream.indirect.gather [hbm4b:s9+s7], $0x80, s17, s7, $0xb8;
	[tilespmem:$0x11000] =	vst v63  }
0x107: {  	_ =	swait.ge [sflag:s15], $0x4000  }
0x108: {  	[sflag:s15] =	ssyncset.done $0x0  }
0x109: {  	s17 =	rddreg [dreg:$0x5];
	[sflag:s15] =	ssyncadd.s32 $0xFFFFC000  }
0x10a: {  	[hbm4b:s17+s2] =	stream.linear.scatter [tilespmem:s11], [sflag:$0x5], $0x4000, $0x38;
	[tilespmem:$0x11000] =	vst v63  }
0x10b: {  	_ =	swait.ge [sflag:s3], $0x4000  }
0x10c: {  	[sflag:s3] =	ssyncset.done $0x0  }
0x10d: {  	[sflag:s3] =	ssyncadd.s32 $0xFFFFC000  }
0x10e: {  	_ =	swait.ge [sflag:s16], $0x4000  }
0x10f: {  	[sflag:s16] =	ssyncset.done $0x0  }
0x110: {  	s17 =	rddreg [dreg:$0x6];
	[sflag:s16] =	ssyncadd.s32 $0xFFFFC000  }
0x111: {  	[hbm4b:s17+s2] =	stream.linear.scatter [tilespmem:s12], [sflag:$0x5], $0x4000, $0x38;
	[tilespmem:$0x11000] =	vst v63  }
0x112: {  	_ =	swait.ge [sflag:s3], $0x4000  }
0x113: {  	[sflag:s3] =	ssyncset.done $0x0  }
0x114: {  	s0 =	rddreg [dreg:$0x1c];
	[sflag:s3] =	ssyncadd.s32 $0xFFFFC000  }
0x115: {  	[tilespmem:s11], [sflag:$0x2] =	stream.indirect.gather [hbm4b:s6+s7], $0x80, s0, s7, $0xb8;
	[tilespmem:$0x11000] =	vst v63  }
0x116: {  	s17 =	rddreg [dreg:$0x1d]  }
0x117: {  	[tilespmem:s12], [sflag:$0x4] =	stream.indirect.gather [hbm4b:s9+s7], $0x80, s17, s7, $0xb8;
	[tilespmem:$0x11000] =	vst v63  }
0x118: {  	_ =	swait.ge [sflag:s13], $0x4000  }
0x119: {  	[sflag:s13] =	ssyncset.done $0x0  }
0x11a: {  	s17 =	rddreg [dreg:$0x7];
	[sflag:s13] =	ssyncadd.s32 $0xFFFFC000  }
0x11b: {  	[hbm4b:s17+s2] =	stream.linear.scatter [tilespmem:s8], [sflag:$0x5], $0x4000, $0x38;
	[tilespmem:$0x11000] =	vst v63  }
0x11c: {  	_ =	swait.ge [sflag:s3], $0x4000  }
0x11d: {  	[sflag:s3] =	ssyncset.done $0x0  }
0x11e: {  	[sflag:s3] =	ssyncadd.s32 $0xFFFFC000  }
0x11f: {  	_ =	swait.ge [sflag:s14], $0x4000  }
0x120: {  	[sflag:s14] =	ssyncset.done $0x0  }
0x121: {  	s17 =	rddreg [dreg:$0x8];
	[sflag:s14] =	ssyncadd.s32 $0xFFFFC000  }
0x122: {  	[hbm4b:s17+s2] =	stream.linear.scatter [tilespmem:s10], [sflag:$0x5], $0x4000, $0x38;
	[tilespmem:$0x11000] =	vst v63  }
0x123: {  	_ =	swait.ge [sflag:s3], $0x4000  }
0x124: {  	[sflag:s3] =	ssyncset.done $0x0  }
0x125: {  	s17 =	simm.s32 $0x200;
	[sflag:s3] =	ssyncadd.s32 $0xFFFFC000  }
0x126: {  	[tilespmem:s8], [sflag:$0x1] =	stream.indirect.gather [hbm4b:s6+s7], $0x80, s17, s7, $0xb8;
	[tilespmem:$0x11000] =	vst v63  }
0x127: {  	_ = 	snop  }
0x128: {  	[tilespmem:s10], [sflag:$0x3] =	stream.indirect.gather [hbm4b:s9+s7], $0x80, s18, s7, $0xb8;
	[tilespmem:$0x11000] =	vst v63  }
0x129: {  	_ =	swait.ge [sflag:s15], $0x4000  }
0x12a: {  	[sflag:s15] =	ssyncset.done $0x0  }
0x12b: {  	s17 =	rddreg [dreg:$0x9];
	[sflag:s15] =	ssyncadd.s32 $0xFFFFC000  }
0x12c: {  	[hbm4b:s17+s2] =	stream.linear.scatter [tilespmem:s11], [sflag:$0x5], $0x4000, $0x38;
	[tilespmem:$0x11000] =	vst v63  }
0x12d: {  	_ =	swait.ge [sflag:s3], $0x4000  }
0x12e: {  	[sflag:s3] =	ssyncset.done $0x0  }
0x12f: {  	[sflag:s3] =	ssyncadd.s32 $0xFFFFC000  }
0x130: {  	_ =	swait.ge [sflag:s16], $0x4000  }
0x131: {  	[sflag:s16] =	ssyncset.done $0x0  }
0x132: {  	s17 =	rddreg [dreg:$0xa];
	[sflag:s16] =	ssyncadd.s32 $0xFFFFC000  }
0x133: {  	[hbm4b:s17+s2] =	stream.linear.scatter [tilespmem:s12], [sflag:$0x5], $0x4000, $0x38;
	[tilespmem:$0x11000] =	vst v63  }
0x134: {  	_ =	swait.ge [sflag:s3], $0x4000  }
0x135: {  	[sflag:s3] =	ssyncset.done $0x0  }
0x136: {  	[sflag:s3] =	ssyncadd.s32 $0xFFFFC000  }
0x137: {  	[tilespmem:s11], [sflag:$0x2] =	stream.indirect.gather [hbm4b:s6+s7], $0x80, s19, s7, $0xb8;
	[tilespmem:$0x11000] =	vst v63  }
0x138: {  	_ = 	snop  }
0x139: {  	[tilespmem:s12], [sflag:$0x4] =	stream.indirect.gather [hbm4b:s9+s7], $0x80, s20, s7, $0xb8;
	[tilespmem:$0x11000] =	vst v63  }
0x13a: {  	_ =	swait.ge [sflag:s13], $0x4000  }
0x13b: {  	[sflag:s13] =	ssyncset.done $0x0  }
0x13c: {  	s17 =	rddreg [dreg:$0xb];
	[sflag:s13] =	ssyncadd.s32 $0xFFFFC000  }
0x13d: {  	[hbm4b:s17+s2] =	stream.linear.scatter [tilespmem:s8], [sflag:$0x5], $0x4000, $0x38;
	[tilespmem:$0x11000] =	vst v63  }
0x13e: {  	_ =	swait.ge [sflag:s3], $0x4000  }
0x13f: {  	[sflag:s3] =	ssyncset.done $0x0  }
0x140: {  	[sflag:s3] =	ssyncadd.s32 $0xFFFFC000  }
0x141: {  	_ =	swait.ge [sflag:s14], $0x4000  }
0x142: {  	[sflag:s14] =	ssyncset.done $0x0  }
0x143: {  	s17 =	rddreg [dreg:$0xc];
	[sflag:s14] =	ssyncadd.s32 $0xFFFFC000  }
0x144: {  	[hbm4b:s17+s2] =	stream.linear.scatter [tilespmem:s10], [sflag:$0x5], $0x4000, $0x38;
	[tilespmem:$0x11000] =	vst v63  }
0x145: {  	_ =	swait.ge [sflag:s3], $0x4000  }
0x146: {  	[sflag:s3] =	ssyncset.done $0x0  }
0x147: {  	[sflag:s3] =	ssyncadd.s32 $0xFFFFC000  }
0x148: {  	[tilespmem:s8], [sflag:$0x1] =	stream.indirect.gather [hbm4b:s6+s7], $0x80, s21, s7, $0xb8;
	[tilespmem:$0x11000] =	vst v63  }
0x149: {  	_ = 	snop  }
0x14a: {  	[tilespmem:s10], [sflag:$0x3] =	stream.indirect.gather [hbm4b:s9+s7], $0x80, s22, s7, $0xb8;
	[tilespmem:$0x11000] =	vst v63  }
0x14b: {  	_ =	swait.ge [sflag:s15], $0x4000  }
0x14c: {  	[sflag:s15] =	ssyncset.done $0x0  }
0x14d: {  	s17 =	rddreg [dreg:$0xd];
	[sflag:s15] =	ssyncadd.s32 $0xFFFFC000  }
0x14e: {  	[hbm4b:s17+s2] =	stream.linear.scatter [tilespmem:s11], [sflag:$0x5], $0x4000, $0x38;
	[tilespmem:$0x11000] =	vst v63  }
0x14f: {  	_ =	swait.ge [sflag:s3], $0x4000  }
0x150: {  	[sflag:s3] =	ssyncset.done $0x0  }
0x151: {  	[sflag:s3] =	ssyncadd.s32 $0xFFFFC000  }
0x152: {  	_ =	swait.ge [sflag:s16], $0x4000  }
0x153: {  	[sflag:s16] =	ssyncset.done $0x0  }
0x154: {  	s17 =	rddreg [dreg:$0xe];
	[sflag:s16] =	ssyncadd.s32 $0xFFFFC000  }
0x155: {  	[hbm4b:s17+s2] =	stream.linear.scatter [tilespmem:s12], [sflag:$0x5], $0x4000, $0x38;
	[tilespmem:$0x11000] =	vst v63  }
0x156: {  	_ =	swait.ge [sflag:s3], $0x4000  }
0x157: {  	[sflag:s3] =	ssyncset.done $0x0  }
0x158: {  	[sflag:s3] =	ssyncadd.s32 $0xFFFFC000  }
0x159: {  	[tilespmem:s11], [sflag:$0x2] =	stream.indirect.gather [hbm4b:s6+s7], $0x80, s23, s7, $0xb8;
	[tilespmem:$0x11000] =	vst v63  }
0x15a: {  	_ = 	snop  }
0x15b: {  	[tilespmem:s12], [sflag:$0x4] =	stream.indirect.gather [hbm4b:s9+s7], $0x80, s24, s7, $0xb8;
	[tilespmem:$0x11000] =	vst v63  }
0x15c: {  	_ =	swait.ge [sflag:s13], $0x4000  }
0x15d: {  	[sflag:s13] =	ssyncset.done $0x0  }
0x15e: {  	s17 =	rddreg [dreg:$0xf];
	[sflag:s13] =	ssyncadd.s32 $0xFFFFC000  }
0x15f: {  	[hbm4b:s17+s2] =	stream.linear.scatter [tilespmem:s8], [sflag:$0x5], $0x4000, $0x38;
	[tilespmem:$0x11000] =	vst v63  }
0x160: {  	_ =	swait.ge [sflag:s3], $0x4000  }
0x161: {  	[sflag:s3] =	ssyncset.done $0x0  }
0x162: {  	[sflag:s3] =	ssyncadd.s32 $0xFFFFC000  }
0x163: {  	_ =	swait.ge [sflag:s14], $0x4000  }
0x164: {  	[sflag:s14] =	ssyncset.done $0x0  }
0x165: {  	s17 =	rddreg [dreg:$0x10];
	[sflag:s14] =	ssyncadd.s32 $0xFFFFC000  }
0x166: {  	[hbm4b:s17+s2] =	stream.linear.scatter [tilespmem:s10], [sflag:$0x5], $0x4000, $0x38;
	[tilespmem:$0x11000] =	vst v63  }
0x167: {  	_ =	swait.ge [sflag:s3], $0x4000  }
0x168: {  	[sflag:s3] =	ssyncset.done $0x0  }
0x169: {  	[sflag:s3] =	ssyncadd.s32 $0xFFFFC000  }
0x16a: {  	[tilespmem:s8], [sflag:$0x1] =	stream.indirect.gather [hbm4b:s6+s7], $0x80, s25, s7, $0xb8;
	[tilespmem:$0x11000] =	vst v63  }
0x16b: {  	_ = 	snop  }
0x16c: {  	[tilespmem:s10], [sflag:$0x3] =	stream.indirect.gather [hbm4b:s9+s7], $0x80, s26, s7, $0xb8;
	[tilespmem:$0x11000] =	vst v63  }
0x16d: {  	_ =	swait.ge [sflag:s15], $0x4000  }
0x16e: {  	[sflag:s15] =	ssyncset.done $0x0  }
0x16f: {  	s17 =	rddreg [dreg:$0x11];
	[sflag:s15] =	ssyncadd.s32 $0xFFFFC000  }
0x170: {  	[hbm4b:s17+s2] =	stream.linear.scatter [tilespmem:s11], [sflag:$0x5], $0x4000, $0x38;
	[tilespmem:$0x11000] =	vst v63  }
0x171: {  	_ =	swait.ge [sflag:s3], $0x4000  }
0x172: {  	[sflag:s3] =	ssyncset.done $0x0  }
0x173: {  	[sflag:s3] =	ssyncadd.s32 $0xFFFFC000  }
0x174: {  	_ =	swait.ge [sflag:s16], $0x4000  }
0x175: {  	[sflag:s16] =	ssyncset.done $0x0  }
0x176: {  	s17 =	rddreg [dreg:$0x12];
	[sflag:s16] =	ssyncadd.s32 $0xFFFFC000  }
0x177: {  	[hbm4b:s17+s2] =	stream.linear.scatter [tilespmem:s12], [sflag:$0x5], $0x4000, $0x38;
	[tilespmem:$0x11000] =	vst v63  }
0x178: {  	_ =	swait.ge [sflag:s3], $0x4000  }
0x179: {  	[sflag:s3] =	ssyncset.done $0x0  }
0x17a: {  	[sflag:s3] =	ssyncadd.s32 $0xFFFFC000  }
0x17b: {  	[tilespmem:s11], [sflag:$0x2] =	stream.indirect.gather [hbm4b:s6+s7], $0x80, s28, s7, $0xb8;
	[tilespmem:$0x11000] =	vst v63  }
0x17c: {  	_ = 	snop  }
0x17d: {  	[tilespmem:s12], [sflag:$0x4] =	stream.indirect.gather [hbm4b:s9+s7], $0x80, s29, s7, $0xb8;
	[tilespmem:$0x11000] =	vst v63  }
0x17e: {  	_ =	swait.ge [sflag:s13], $0x4000  }
0x17f: {  	[sflag:s13] =	ssyncset.done $0x0  }
0x180: {  	s17 =	rddreg [dreg:$0x13];
	[sflag:s13] =	ssyncadd.s32 $0xFFFFC000  }
0x181: {  	[hbm4b:s17+s2] =	stream.linear.scatter [tilespmem:s8], [sflag:$0x5], $0x4000, $0x38;
	[tilespmem:$0x11000] =	vst v63  }
0x182: {  	_ =	swait.ge [sflag:s3], $0x4000  }
0x183: {  	[sflag:s3] =	ssyncset.done $0x0  }
0x184: {  	[sflag:s3] =	ssyncadd.s32 $0xFFFFC000  }
0x185: {  	_ =	swait.ge [sflag:s14], $0x4000  }
0x186: {  	[sflag:s14] =	ssyncset.done $0x0  }
0x187: {  	s17 =	rddreg [dreg:$0x14];
	[sflag:s14] =	ssyncadd.s32 $0xFFFFC000  }
0x188: {  	[hbm4b:s17+s2] =	stream.linear.scatter [tilespmem:s10], [sflag:$0x5], $0x4000, $0x38;
	[tilespmem:$0x11000] =	vst v63  }
0x189: {  	_ =	swait.ge [sflag:s3], $0x4000  }
0x18a: {  	[sflag:s3] =	ssyncset.done $0x0  }
0x18b: {  	[sflag:s3] =	ssyncadd.s32 $0xFFFFC000  }
0x18c: {  	[tilespmem:s8], [sflag:$0x1] =	stream.indirect.gather [hbm4b:s6+s7], $0x80, s30, s7, $0xb8;
	[tilespmem:$0x11000] =	vst v63  }
0x18d: {  	_ = 	snop  }
0x18e: {  	[tilespmem:s10], [sflag:$0x3] =	stream.indirect.gather [hbm4b:s9+s7], $0x80, s31, s7, $0xb8;
	[tilespmem:$0x11000] =	vst v63  }
0x18f: {  	_ =	swait.ge [sflag:s15], $0x4000  }
0x190: {  	[sflag:s15] =	ssyncset.done $0x0  }
0x191: {  	s17 =	rddreg [dreg:$0x15];
	[sflag:s15] =	ssyncadd.s32 $0xFFFFC000  }
0x192: {  	[hbm4b:s17+s2] =	stream.linear.scatter [tilespmem:s11], [sflag:$0x5], $0x4000, $0x38;
	[tilespmem:$0x11000] =	vst v63  }
0x193: {  	_ =	swait.ge [sflag:s3], $0x4000  }
0x194: {  	[sflag:s3] =	ssyncset.done $0x0  }
0x195: {  	[sflag:s3] =	ssyncadd.s32 $0xFFFFC000  }
0x196: {  	_ =	swait.ge [sflag:s16], $0x4000  }
0x197: {  	[sflag:s16] =	ssyncset.done $0x0  }
0x198: {  	s17 =	rddreg [dreg:$0x16];
	[sflag:s16] =	ssyncadd.s32 $0xFFFFC000  }
0x199: {  	[hbm4b:s17+s2] =	stream.linear.scatter [tilespmem:s12], [sflag:$0x5], $0x4000, $0x38;
	[tilespmem:$0x11000] =	vst v63  }
0x19a: {  	_ =	swait.ge [sflag:s3], $0x4000  }
0x19b: {  	[sflag:s3] =	ssyncset.done $0x0  }
0x19c: {  	[sflag:s3] =	ssyncadd.s32 $0xFFFFC000  }
0x19d: {  	_ =	swait.ge [sflag:s13], $0x4000  }
0x19e: {  	[sflag:s13] =	ssyncset.done $0x0  }
0x19f: {  	s17 =	rddreg [dreg:$0x17];
	[sflag:s13] =	ssyncadd.s32 $0xFFFFC000  }
0x1a0: {  	[hbm4b:s17+s2] =	stream.linear.scatter [tilespmem:s8], [sflag:$0x5], $0x4000, $0x38;
	[tilespmem:$0x11000] =	vst v63  }
0x1a1: {  	_ =	swait.ge [sflag:s3], $0x4000  }
0x1a2: {  	[sflag:s3] =	ssyncset.done $0x0  }
0x1a3: {  	[sflag:s3] =	ssyncadd.s32 $0xFFFFC000  }
0x1a4: {  	p0 =	sne.s32 s1, $0x1;
	_ =	swait.ge [sflag:s14], $0x4000  }
.Ltmp1:
0x1a5: {  	[sflag:s14] =	ssyncset.done $0x0;
	(pc) =	sbr.rel @p0 .LBB2_1-.Ltmp1, $4  }
0x1a6: {  	s17 =	rddreg [dreg:$0x18];
	[sflag:s14] =	ssyncadd.s32 $0xFFFFC000  }
0x1a7: {  	[hbm4b:s17+s2] =	stream.linear.scatter [tilespmem:s10], [sflag:$0x5], $0x4000, $0x38;
	[tilespmem:$0x11000] =	vst v63  }
0x1a8: {  	_ =	swait.ge [sflag:s3], $0x4000  }
0x1a9: {  	s1 =	sadd.s32 $0xFFFFFFFF, s1;
	[sflag:s3] =	ssyncset.done $0x0  }
.LBB2_2:
0x1aa: {  	[sflag:s3] =	ssyncadd.s32 $0xFFFFC000  }
0x1ab: {  	_ =	sfence.sel $0x180000  }
0x1ac: {  	[bflag:$0x0] =	sbarrier.arrive $0xFFFF  }
0x1ad: {  	_ =	strace $0x9000004A  }
0x1ae: {  	s0 =	stileid.u32;
	[bflag:$0x2] =	sbarrier.arrive $0xFFFF  }
0x1af: {  	p0 =	sne.s32 s0, $0x0;
	s0 =	rddreg [dreg:$0x2]  }
0x1b0: {  	s0 =	sadd.s32 @!p0 $0x100000, s0  }
0x1b1: {  	[sflag:s0] =	ssyncadd.tile.s32 @!p0 $0x1;
	_ =	shalt  }
.Lfunc_end2:
_tile_overlayer_lowered:
.L_overlay_start_2:
0x1b2: {  	(tag) =	ssettag $0x2  }
0x1b3: {  	s0 =	rddreg [dreg:$0x0];
	s2 =	stileid.u32  }
0x1b4: {  	s1 =	rddreg [dreg:$0x1];
	p0 =	sne.s32 s2, $0x0  }
0x1b5: {  	s3 =	rddreg [dreg:$0x2];
	[bflag:$0x3] =	sbarrier.arrive $0xFFFF;
	s2 =	simm.s32 @!p0 $0x1C05  }
0x1b6: {  	[timem:s3], [sflag:s2] =	dma.local @!p0 [hbm:s0], s1  }
0x1b7: {  	s0 =	simm.s32 @!p0 $0x5  }
0x1b8: {  	_ =	swait.ge @!p0 [sflag:s0], s1  }
0x1b9: {  	s1 =	ssub.s32 @!p0 $0x0, s1;
	[sflag:s0] =	ssyncset.done @!p0 $0x0  }
0x1ba: {  	[sflag:s0] =	ssyncadd.s32 @!p0 s1  }
0x1bb: {  	[bflag:$0x3] =	sbarrier.arrive $0xFFFF  }
0x1bc: {  	_ =	shalt  }

// kernel: kernel.18.cloned.1.call-start
scs
__scs_entry_jumppad:
0x0: {  	(pc) =	sbr.rel $0x88, $3  }
0x1: {  	(tag) =	ssettag $0x0;
	lr =	simm.s32 $0x1  }
0x2: {  	[smem:$0x3F82] =	sst lr;
	_ =	strace $0xD0000000  }
0x3: {  	_ = 	snop  }
0x4: {  	_ = 	snop  }
0x5: {  	_ = 	snop  }
0x6: {  	_ = 	snop  }
0x7: {  	_ = 	snop  }
__scs_overlays_trampoline_lowered:
0x8: {  	[smem:$0x3F91] =	sst s0  }
0x9: {  	[smem:$0x3F92] =	sst s1  }
0xa: {  	[smem:$0x3F93] =	sst s2  }
0xb: {  	[smem:$0x3F94] =	sst s3  }
0xc: {  	[smem:$0x3F95] =	sst s4  }
0xd: {  	[smem:$0x3F96] =	sst s5  }
0xe: {  	[smem:$0x3F97] =	sst s6  }
0xf: {  	[smem:$0x3F98] =	sst s7  }
0x10: {  	[smem:$0x3F99] =	sst s8  }
0x11: {  	[smem:$0x3F9A] =	sst s9;
	s0 =	simm.s32 @!p0 $0x0  }
0x12: {  	s1 =	sld [smem:$0x3F80];
	s0 =	simm.s32 @p0 $0x1  }
0x13: {  	[smem:$0x3F9B] =	sst s0;
	s0 =	simm.s32 @!p1 $0x0  }
0x14: {  	s2 =	sld [smem:$0x3F7F];
	s0 =	simm.s32 @p1 $0x1  }
0x15: {  	[smem:$0x3F9C] =	sst s0;
	s0 =	simm.s32 @!p2 $0x0  }
0x16: {  	s3 =	sld [smem:$0x3FDB];
	s0 =	simm.s32 @p2 $0x1  }
0x17: {  	s4 =	simm.s32 $0x1BF5;
	[smem:$0x3F9E] =	sst s0  }
0x18: {  	s0 =	sld [smem:$0x3F81];
	_ =	swait.ge [sflag:s4], $0x0  }
0x19: {  	s7 =	sld [smem:$0x3F82]  }
0x1a: {  	s8 =	sadd.s32 $0xFFFFE003, lr  }
0x1b: {  	s9 =	sadd.s32 $0xFFFFFEF7, lr;
	s5 =	simm.s32 $0xFFFFFFFF;
	p2 =	slt.u32 s8, $0xFFFFF086  }
0x1c: {  	p1 =	slt.u32 s9, $0xF7A;
	s5 =	simm.s32 @!p2 $0x0  }
0x1d: {  	s5 =	simm.s32 @p1 $0x1;
	p0 =	seq.s32 s7, s2  }
0x1e: {  	s7 =	smul.u32 @!p0 $0xF7A, s2;
	p2 =	seq.s32 @!p0 s5, $0x0  }
0x1f: {  	s9 =	smul.u32 $0xF7A, s1;
	s8 =	simm.s32 @!p0 $0x1BF5;
	p2 =	por !p2, p0  }
0x20: {  	[sflag:s8] =	ssyncset.s32 @!p0 $0xFFFFF086;
	s6 =	sadd.s32 @!p0 s3, s7;
	s7 =	simm.s32 @!p0 $0x108  }
0x21: {  	s3 =	sadd.s32 s3, s9;
	s6 =	sadd.s32 @!p0 $0x88, s6;
	s7 =	simm.s32 @p2 $0x1082  }
0x22: {  	[simem:s7], [sflag:s8] =	dma.local @!p0 [hbm:s6], $0xF7A  }
0x23: {  	s9 =	sor.u32 $0xD0000000, s2;
	s6 =	simm.s32 $0x108;
	_ =	swait.ge @!p0 [sflag:s8], $0x0  }
0x24: {  	s3 =	sadd.s32 $0x88, s3;
	s6 =	simm.s32 @!p1 $0x1082;
	[sflag:s4] =	ssyncset.s32 $0xFFFFF086  }
0x25: {  	[simem:s6], [sflag:s4] =	dma.local [hbm:s3], $0xF7A  }
0x26: {  	[smem:$0x3F82] =	sst s1;
	(tag) =	ssettag s2;
	_ =	strace s9  }
0x27: {  	s1 =	sld [smem:$0x3F92]  }
0x28: {  	s2 =	sld [smem:$0x3F93]  }
0x29: {  	s4 =	sld [smem:$0x3F95]  }
0x2a: {  	p0 =	seq.s32 s5, $0x0;
	s5 =	sld [smem:$0x3F96]  }
0x2b: {  	s6 =	sld [smem:$0x3F97]  }
0x2c: {  	s7 =	sld [smem:$0x3F98]  }
0x2d: {  	s3 =	simm.s32 $0x108;
	s8 =	sld [smem:$0x3F99]  }
0x2e: {  	s3 =	simm.s32 @!p0 $0x1082;
	s9 =	sld [smem:$0x3F9A]  }
0x2f: {  	lr =	sadd.s32 s0, s3;
	s0 =	sld [smem:$0x3F91]  }
0x30: {  	s3 =	sld [smem:$0x3F94]  }
0x31: {  	[smem:$0x3F9D] =	sst s10  }
0x32: {  	s10 =	sld [smem:$0x3F9B];
	_ =	sdelay $0x3  }
0x33: {  	p0 =	seq.s32 s10, $0x1;
	s10 =	sld [smem:$0x3F9D];
	_ =	sdelay $0x3  }
0x34: {  	[smem:$0x3F9D] =	sst s10  }
0x35: {  	s10 =	sld [smem:$0x3F9C];
	_ =	sdelay $0x3  }
0x36: {  	p1 =	seq.s32 s10, $0x1;
	s10 =	sld [smem:$0x3F9D];
	_ =	sdelay $0x3  }
0x37: {  	[smem:$0x3F9D] =	sst s10  }
0x38: {  	s10 =	sld [smem:$0x3F9E]  }
0x39: {  	_ = 	snop;
	(pc) =	sbr.ind lr, $3  }
0x3a: {  	_ = 	snop  }
0x3b: {  	_ = 	snop  }
0x3c: {  	p2 =	seq.s32 s10, $0x1;
	s10 =	sld [smem:$0x3F9D]  }
0x3d: {  	_ =	shalt  }
0x3e: {  	_ =	shalt  }
0x3f: {  	_ =	shalt  }
0x40: {  	_ =	shalt  }
0x41: {  	_ =	shalt  }
0x42: {  	_ =	shalt  }
0x43: {  	_ =	shalt  }
0x44: {  	_ =	shalt  }
0x45: {  	_ =	shalt  }
0x46: {  	_ =	shalt  }
0x47: {  	_ =	shalt  }
0x48: {  	_ =	shalt  }
0x49: {  	_ =	shalt  }
0x4a: {  	_ =	shalt  }
0x4b: {  	_ =	shalt  }
0x4c: {  	_ =	shalt  }
0x4d: {  	_ =	shalt  }
0x4e: {  	_ =	shalt  }
0x4f: {  	_ =	shalt  }
0x50: {  	_ =	shalt  }
0x51: {  	_ =	shalt  }
0x52: {  	_ =	shalt  }
0x53: {  	_ =	shalt  }
0x54: {  	_ =	shalt  }
0x55: {  	_ =	shalt  }
0x56: {  	_ =	shalt  }
0x57: {  	_ =	shalt  }
0x58: {  	_ =	shalt  }
0x59: {  	_ =	shalt  }
0x5a: {  	_ =	shalt  }
0x5b: {  	_ =	shalt  }
0x5c: {  	_ =	shalt  }
0x5d: {  	_ =	shalt  }
0x5e: {  	_ =	shalt  }
0x5f: {  	_ =	shalt  }
0x60: {  	_ =	shalt  }
0x61: {  	_ =	shalt  }
0x62: {  	_ =	shalt  }
0x63: {  	_ =	shalt  }
0x64: {  	_ =	shalt  }
0x65: {  	_ =	shalt  }
0x66: {  	_ =	shalt  }
0x67: {  	_ =	shalt  }
0x68: {  	_ =	shalt  }
0x69: {  	_ =	shalt  }
0x6a: {  	_ =	shalt  }
0x6b: {  	_ =	shalt  }
0x6c: {  	_ =	shalt  }
0x6d: {  	_ =	shalt  }
0x6e: {  	_ =	shalt  }
0x6f: {  	_ =	shalt  }
0x70: {  	_ =	shalt  }
0x71: {  	_ =	shalt  }
0x72: {  	_ =	shalt  }
0x73: {  	_ =	shalt  }
0x74: {  	_ =	shalt  }
0x75: {  	_ =	shalt  }
0x76: {  	_ =	shalt  }
0x77: {  	_ =	shalt  }
0x78: {  	_ =	shalt  }
0x79: {  	_ =	shalt  }
0x7a: {  	_ =	shalt  }
0x7b: {  	_ =	shalt  }
0x7c: {  	_ =	shalt  }
0x7d: {  	_ =	shalt  }
0x7e: {  	_ =	shalt  }
0x7f: {  	_ =	shalt  }
0x80: {  	_ =	shalt  }
0x81: {  	_ =	shalt  }
0x82: {  	_ =	shalt  }
0x83: {  	_ =	shalt  }
0x84: {  	_ =	shalt  }
0x85: {  	_ =	shalt  }
0x86: {  	_ =	shalt  }
0x87: {  	_ =	shalt  }
.Lfunc_end0:
.L_simem_size_0:
called_computation.2_lowered:
.L_overlay_start_0:
0x88: {  	s2 =	sld [smem:$0x3FD9]  }
0x89: {  	s3 =	sld [smem:$0x3FFE];
	_ =	sdelay $0x1  }
0x8a: {  	s1 =	srdreg.scid  }
0x8b: {  	s0 =	sand.u32 $0x1, s1  }
0x8c: {  	s17 =	sshll.u32 s0, $0xA;
	s2 =	sadd.s32 s3, s2  }
0x8d: {  	s2 =	sadd.s32 s2, s17  }
0x8e: {  	[smem:$0x3FA9] =	sst s2  }
0x8f: {  	_ = 	snop  }
0x90: {  	s2 =	sld [smem:$0x3FD0];
	(tm) =	ssettm $0x1  }
0x91: {  	s18 =	sld [smem:$0x3FFB];
	_ =	sdelay $0x3  }
0x92: {  	_ =	strace s18  }
0x93: {  	s3 =	sld [smem:$0x3FFC];
	_ =	sdelay $0x3  }
0x94: {  	_ =	strace s3  }
0x95: {  	s3 =	sld [smem:$0x3FFD];
	_ =	sdelay $0x3  }
0x96: {  	_ =	strace s3  }
0x97: {  	_ =	strace $0x8FFFFFFF  }
0x98: {  	s19 =	sld [smem:$0x3FDB];
	_ =	sdelay $0x1  }
0x99: {  	s4 =	simm.s32 $_scs_section_size  }
0x9a: {  	s5 =	simm.s32 $_size__tile_overlayer_lowered;
	s6 =	simm.s32 $_tile_overlayer_lowered  }
0x9b: {  	s22 =	simm.s32 $0x1BFF;
	s21 =	sshll.u32 s6, $0x1;
	s3 =	sadd.s32 s4, s19  }
0x9c: {  	s7 =	simm.s32 $0x0;
	s20 =	sshll.u32 s5, $0x1;
	s5 =	sadd.s32 s21, s3  }
0x9d: {  	[timem:s7], [sflag:s22] =	dma.local [hbm:s5], s20  }
0x9e: {  	_ =	swait.ge [sflag:s22], s20  }
0x9f: {  	s4 =	ssub.s32 $0x0, s20;
	[sflag:s22] =	ssyncset.done $0x0  }
0xa0: {  	[sflag:s22] =	ssyncadd.s32 s4;
	_ =	sdelay $0x1  }
0xa1: {  	s23 =	simm.s32 $0x1B8B  }
0xa2: {  	_ =	swait.ge [sflag:s23], $0x1  }
0xa3: {  	[sflag:s23] =	ssyncset.done $0x0  }
0xa4: {  	s25 =	simm.s32 $0x1B8E;
	s24 =	sld [smem:$0x3FFE];
	[sflag:s23] =	ssyncadd.s32 $0xFFFFFFFF  }
0xa5: {  	s26 =	simm.s32 $execute0_lowered;
	[smem:$0x3FD2] =	sst s25  }
0xa6: {  	s5 =	sshll.u32 s26, $0x1;
	_ =	strace $0x8000004C;
	[dreg:$0x1] =	wrdreg $0xFFFFFFFF  }
0xa7: {  	s28 =	simm.s32 $_size_execute0_lowered;
	s3 =	sadd.s32 s3, s5;
	[dreg:$0x0] =	wrdreg $0x0  }
0xa8: {  	s5 =	sshll.u32 s28, $0x1;
	[dreg:$0x2] =	wrdreg s3  }
0xa9: {  	[dreg:$0x3] =	wrdreg s5  }
0xaa: {  	[dreg:$0x4] =	wrdreg $0xC0  }
0xab: {  	_ =	task [dreg:s7], $0x5FFFF  }
0xac: {  	[dreg:$0x1] =	wrdreg $0xFFFFFFFF  }
0xad: {  	[dreg:$0x0] =	wrdreg $0x60  }
0xae: {  	[dreg:$0x2] =	wrdreg s24  }
0xaf: {  	[dreg:$0x3] =	wrdreg s2  }
0xb0: {  	[dreg:$0x4] =	wrdreg $0x9  }
0xb1: {  	_ =	task.clear_ibuf [dreg:s7], $0x5FFFF;
	_ =	strace $0x9000004C  }
0xb2: {  	s29 =	simm.s32 $0x9;
	_ =	strace $0x8000004E  }
0xb3: {  	_ =	swait.ge [sflag:s29], $0x1  }
0xb4: {  	[sflag:s29] =	ssyncadd.s32 $0xFFFFFFFF  }
0xb5: {  	_ =	strace $0x9000004E  }
0xb6: {  	_ =	sfence  }
0xb7: {  	s30 =	sld [smem:$0x0];
	_ =	sdelay $0x2  }
0xb8: {  	s31 =	sshll.u32 s1, $0xD;
	s1 =	sshrl.u32 s1, $0x2  }
0xb9: {  	s3 =	sand.u32 $0x4000, s31;
	s1 =	sadd.s32 s1, s30  }
0xba: {  	s0 =	sor.u32 s3, s0;
	s1 =	sshll.u32 s1, $0x11  }
0xbb: {  	s0 =	sor.u32 s1, s0  }
0xbc: {  	s0 =	sadd.s32 $0x8F2B, s0  }
0xbd: {  	[sflag:s0] =	ssyncadd.remote.s32 $0x1  }
0xbe: {  	_ =	sfence.sel $0xFFFF  }
0xbf: {  	[dreg:$0x0] =	wrdreg $0xFFFFFFFF;
	(pc) =	sbr.abs _section_cstart, $3  }
0xc0: {  	[dreg:$0x1] =	wrdreg $0xFFFFFFFF  }
0xc1: {  	_ =	task.clear_ibuf [dreg:s7], $0x2FFFF;
	_ =	strace $0x9FFFFFFF  }
0xc2: {  	(tm) =	ssettm $0x7FFFFFFF  }
0xc3: {  	_ =	shalt  }
tec
execute0_lowered:
.L_overlay_start_1:
0x0: {  	(tag) =	ssettag $0x1  }
0x1: {  	s1 =	srdreg.scid;
	s0 =	stileid.u32  }
0x2: {  	s30 =	sand.u32 $0x1, s1;
	s26 =	sshll.u32 s0, $0x1  }
0x3: {  	s10 =	sor.u32 s30, s26  }
0x4: {  	s4 =	rddreg [dreg:$0x0];
	s3 =	sshll.u32 s10, $0x8  }
0x5: {  	s12 =	rddreg [dreg:$0x1];
	s2 =	simm.s32 $0x0;
	s3 =	sadd.s32 s3, s4  }
0x6: {  	[smem:$0x7FF] =	sst s2;
	s3 =	sadd.s32 $0x8800, s3  }
0x7: {  	_ =	strace $0x8000004D;
	[dreg:$0x3] =	wrdreg s3  }
0x8: {  	s3 =	simm.s32 $0x3;
	s5 =	rddreg [dreg:$0x3]  }
0x9: {  	[tilespmem:s2], [sflag:$0x3] =	stream.linear.gather [hbm4b:s5+s2], $0x580, $0x38;
	[tilespmem:$0x8800] =	vst v63  }
0xa: {  	_ =	swait.ge [sflag:s3], $0x580  }
0xb: {  	s6 =	simm.s32 $0x800;
	[sflag:s3] =	ssyncset.done $0x0  }
0xc: {  	s4 =	sadd.s32 $0xA800, s4;
	s5 =	simm.s32 $0x80;
	[sflag:s3] =	ssyncadd.s32 $0xFFFFFA80  }
0xd: {  	[tilespmem:s6], [sflag:$0x1] =	stream.indirect.gather [hbm4b:s4+s5], $0x80, s2, s5, $0xb8;
	[tilespmem:$0x8800] =	vst v63  }
0xe: {  	s7 =	simm.s32 $0x4800;
	s8 =	simm.s32 $0x1  }
0xf: {  	[tilespmem:s7], [sflag:$0x2] =	stream.indirect.gather [hbm4b:s4+s5], $0x80, s5, s5, $0xb8;
	[tilespmem:$0x8800] =	vst v63  }
0x10: {  	s9 =	smul.u32 $0x5800, s10;
	_ =	swait.ge [sflag:s8], $0x4000  }
0x11: {  	[sflag:s8] =	ssyncset.done $0x0  }
0x12: {  	s9 =	sadd.s32 s12, s9;
	[sflag:s8] =	ssyncadd.s32 $0xFFFFC000  }
0x13: {  	[hbm4b:s9+s2] =	stream.linear.scatter [tilespmem:s6], [sflag:$0x3], $0x4000, $0x38;
	[tilespmem:$0x8800] =	vst v63  }
0x14: {  	_ =	swait.ge [sflag:s3], $0x4000  }
0x15: {  	s11 =	simm.s32 $0x2;
	[sflag:s3] =	ssyncset.done $0x0  }
0x16: {  	s13 =	smul.u32 $0x2C000, s10;
	s10 =	simm.s32 $0x100;
	[sflag:s3] =	ssyncadd.s32 $0xFFFFC000  }
0x17: {  	[tilespmem:s6], [sflag:$0x1] =	stream.indirect.gather [hbm4b:s4+s5], $0x80, s10, s5, $0xb8;
	[tilespmem:$0x8800] =	vst v63  }
0x18: {  	s13 =	sshrl.u32 s13, $0x3;
	_ =	swait.ge [sflag:s11], $0x4000  }
0x19: {  	s31 =	sadd.s32 s12, s13;
	[sflag:s11] =	ssyncset.done $0x0  }
0x1a: {  	s12 =	sadd.s32 $0x800, s31;
	[sflag:s11] =	ssyncadd.s32 $0xFFFFC000  }
0x1b: {  	[hbm4b:s12+s2] =	stream.linear.scatter [tilespmem:s7], [sflag:$0x3], $0x4000, $0x38;
	[tilespmem:$0x8800] =	vst v63  }
0x1c: {  	_ =	swait.ge [sflag:s3], $0x4000  }
0x1d: {  	[sflag:s3] =	ssyncset.done $0x0  }
0x1e: {  	s13 =	simm.s32 $0x180;
	[sflag:s3] =	ssyncadd.s32 $0xFFFFC000  }
0x1f: {  	[tilespmem:s7], [sflag:$0x2] =	stream.indirect.gather [hbm4b:s4+s5], $0x80, s13, s5, $0xb8;
	[tilespmem:$0x8800] =	vst v63  }
0x20: {  	_ =	swait.ge [sflag:s8], $0x4000  }
0x21: {  	[sflag:s8] =	ssyncset.done $0x0  }
0x22: {  	s14 =	sadd.s32 $0x1000, s31;
	[sflag:s8] =	ssyncadd.s32 $0xFFFFC000  }
0x23: {  	[hbm4b:s14+s2] =	stream.linear.scatter [tilespmem:s6], [sflag:$0x3], $0x4000, $0x38;
	[tilespmem:$0x8800] =	vst v63  }
0x24: {  	_ =	swait.ge [sflag:s3], $0x4000  }
0x25: {  	[sflag:s3] =	ssyncset.done $0x0  }
0x26: {  	s15 =	simm.s32 $0x200;
	[sflag:s3] =	ssyncadd.s32 $0xFFFFC000  }
0x27: {  	[tilespmem:s6], [sflag:$0x1] =	stream.indirect.gather [hbm4b:s4+s5], $0x80, s15, s5, $0xb8;
	[tilespmem:$0x8800] =	vst v63  }
0x28: {  	_ =	swait.ge [sflag:s11], $0x4000  }
0x29: {  	[sflag:s11] =	ssyncset.done $0x0  }
0x2a: {  	s16 =	sadd.s32 $0x1800, s31;
	[sflag:s11] =	ssyncadd.s32 $0xFFFFC000  }
0x2b: {  	[hbm4b:s16+s2] =	stream.linear.scatter [tilespmem:s7], [sflag:$0x3], $0x4000, $0x38;
	[tilespmem:$0x8800] =	vst v63  }
0x2c: {  	_ =	swait.ge [sflag:s3], $0x4000  }
0x2d: {  	[sflag:s3] =	ssyncset.done $0x0  }
0x2e: {  	s17 =	simm.s32 $0x280;
	[sflag:s3] =	ssyncadd.s32 $0xFFFFC000  }
0x2f: {  	[tilespmem:s7], [sflag:$0x2] =	stream.indirect.gather [hbm4b:s4+s5], $0x80, s17, s5, $0xb8;
	[tilespmem:$0x8800] =	vst v63  }
0x30: {  	_ =	swait.ge [sflag:s8], $0x4000  }
0x31: {  	[sflag:s8] =	ssyncset.done $0x0  }
0x32: {  	s18 =	sadd.s32 $0x2000, s31;
	[sflag:s8] =	ssyncadd.s32 $0xFFFFC000  }
0x33: {  	[hbm4b:s18+s2] =	stream.linear.scatter [tilespmem:s6], [sflag:$0x3], $0x4000, $0x38;
	[tilespmem:$0x8800] =	vst v63  }
0x34: {  	_ =	swait.ge [sflag:s3], $0x4000  }
0x35: {  	[sflag:s3] =	ssyncset.done $0x0  }
0x36: {  	s19 =	simm.s32 $0x300;
	[sflag:s3] =	ssyncadd.s32 $0xFFFFC000  }
0x37: {  	[tilespmem:s6], [sflag:$0x1] =	stream.indirect.gather [hbm4b:s4+s5], $0x80, s19, s5, $0xb8;
	[tilespmem:$0x8800] =	vst v63  }
0x38: {  	_ =	swait.ge [sflag:s11], $0x4000  }
0x39: {  	[sflag:s11] =	ssyncset.done $0x0  }
0x3a: {  	s20 =	sadd.s32 $0x2800, s31;
	[sflag:s11] =	ssyncadd.s32 $0xFFFFC000  }
0x3b: {  	[hbm4b:s20+s2] =	stream.linear.scatter [tilespmem:s7], [sflag:$0x3], $0x4000, $0x38;
	[tilespmem:$0x8800] =	vst v63  }
0x3c: {  	_ =	swait.ge [sflag:s3], $0x4000  }
0x3d: {  	[sflag:s3] =	ssyncset.done $0x0  }
0x3e: {  	s21 =	simm.s32 $0x380;
	[sflag:s3] =	ssyncadd.s32 $0xFFFFC000  }
0x3f: {  	[tilespmem:s7], [sflag:$0x2] =	stream.indirect.gather [hbm4b:s4+s5], $0x80, s21, s5, $0xb8;
	[tilespmem:$0x8800] =	vst v63  }
0x40: {  	_ =	swait.ge [sflag:s8], $0x4000  }
0x41: {  	[sflag:s8] =	ssyncset.done $0x0  }
0x42: {  	s22 =	sadd.s32 $0x3000, s31;
	[sflag:s8] =	ssyncadd.s32 $0xFFFFC000  }
0x43: {  	[hbm4b:s22+s2] =	stream.linear.scatter [tilespmem:s6], [sflag:$0x3], $0x4000, $0x38;
	[tilespmem:$0x8800] =	vst v63  }
0x44: {  	_ =	swait.ge [sflag:s3], $0x4000  }
0x45: {  	[sflag:s3] =	ssyncset.done $0x0  }
0x46: {  	s23 =	simm.s32 $0x400;
	[sflag:s3] =	ssyncadd.s32 $0xFFFFC000  }
0x47: {  	[tilespmem:s6], [sflag:$0x1] =	stream.indirect.gather [hbm4b:s4+s5], $0x80, s23, s5, $0xb8;
	[tilespmem:$0x8800] =	vst v63  }
0x48: {  	_ =	swait.ge [sflag:s11], $0x4000  }
0x49: {  	[sflag:s11] =	ssyncset.done $0x0  }
0x4a: {  	s24 =	sadd.s32 $0x3800, s31;
	[sflag:s11] =	ssyncadd.s32 $0xFFFFC000  }
0x4b: {  	[hbm4b:s24+s2] =	stream.linear.scatter [tilespmem:s7], [sflag:$0x3], $0x4000, $0x38;
	[tilespmem:$0x8800] =	vst v63  }
0x4c: {  	_ =	swait.ge [sflag:s3], $0x4000  }
0x4d: {  	[sflag:s3] =	ssyncset.done $0x0  }
0x4e: {  	s25 =	simm.s32 $0x480;
	[sflag:s3] =	ssyncadd.s32 $0xFFFFC000  }
0x4f: {  	[tilespmem:s7], [sflag:$0x2] =	stream.indirect.gather [hbm4b:s4+s5], $0x80, s25, s5, $0xb8;
	[tilespmem:$0x8800] =	vst v63  }
0x50: {  	_ =	swait.ge [sflag:s8], $0x4000  }
0x51: {  	[sflag:s8] =	ssyncset.done $0x0  }
0x52: {  	s26 =	sadd.s32 $0x4000, s31;
	[sflag:s8] =	ssyncadd.s32 $0xFFFFC000  }
0x53: {  	[hbm4b:s26+s2] =	stream.linear.scatter [tilespmem:s6], [sflag:$0x3], $0x4000, $0x38;
	[tilespmem:$0x8800] =	vst v63  }
0x54: {  	_ =	swait.ge [sflag:s3], $0x4000  }
0x55: {  	[sflag:s3] =	ssyncset.done $0x0  }
0x56: {  	s28 =	simm.s32 $0x500;
	[sflag:s3] =	ssyncadd.s32 $0xFFFFC000  }
0x57: {  	[tilespmem:s6], [sflag:$0x1] =	stream.indirect.gather [hbm4b:s4+s5], $0x80, s28, s5, $0xb8;
	[tilespmem:$0x8800] =	vst v63  }
0x58: {  	_ =	swait.ge [sflag:s11], $0x4000  }
0x59: {  	s30 =	ssub.s32 $0x2, s30;
	[sflag:s11] =	ssyncset.done $0x0  }
0x5a: {  	s1 =	sshrl.u32 s30, $0x1;
	s29 =	sadd.s32 $0x4800, s31;
	[sflag:s11] =	ssyncadd.s32 $0xFFFFC000  }
0x5b: {  	[hbm4b:s29+s2] =	stream.linear.scatter [tilespmem:s7], [sflag:$0x3], $0x4000, $0x38;
	[tilespmem:$0x8800] =	vst v63  }
0x5c: {  	s1 =	ssub.s32 s30, s1;
	_ =	swait.ge [sflag:s3], $0x4000  }
0x5d: {  	s1 =	smax.u32 s1, $0x1;
	[sflag:s3] =	ssyncset.done $0x0  }
0x5e: {  	p0 =	sne.s32 s1, $0x1;
	[sflag:s3] =	ssyncadd.s32 $0xFFFFC000  }
.Ltmp0:
0x5f: {  	_ =	swait.ge [sflag:s8], $0x4000;
	(pc) =	sbr.rel @!p0 .LBB2_2-.Ltmp0, $4  }
0x60: {  	[sflag:s8] =	ssyncset.done $0x0  }
0x61: {  	s30 =	sadd.s32 $0x5000, s31;
	[sflag:s8] =	ssyncadd.s32 $0xFFFFC000  }
0x62: {  	[hbm4b:s30+s2] =	stream.linear.scatter [tilespmem:s6], [sflag:$0x3], $0x4000, $0x38;
	[tilespmem:$0x8800] =	vst v63  }
0x63: {  	s31 =	sadd.s32 $0xFFFFFFFF, s1;
	_ =	swait.ge [sflag:s3], $0x4000  }
.LBB2_1:
0x64: {  	[sflag:s3] =	ssyncset.done $0x0  }
0x65: {  	s1 =	rddreg [dreg:$0x3];
	[sflag:s3] =	ssyncadd.s32 $0xFFFFC000  }
0x66: {  	[tilespmem:s2], [sflag:$0x3] =	stream.linear.gather [hbm4b:s1+s2], $0x580, $0x38;
	[tilespmem:$0x8800] =	vst v63  }
0x67: {  	_ =	swait.ge [sflag:s3], $0x580  }
0x68: {  	[sflag:s3] =	ssyncset.done $0x0  }
0x69: {  	[sflag:s3] =	ssyncadd.s32 $0xFFFFFA80  }
0x6a: {  	[tilespmem:s6], [sflag:$0x1] =	stream.indirect.gather [hbm4b:s4+s5], $0x80, s2, s5, $0xb8;
	[tilespmem:$0x8800] =	vst v63  }
0x6b: {  	_ = 	snop  }
0x6c: {  	[tilespmem:s7], [sflag:$0x2] =	stream.indirect.gather [hbm4b:s4+s5], $0x80, s5, s5, $0xb8;
	[tilespmem:$0x8800] =	vst v63  }
0x6d: {  	_ =	swait.ge [sflag:s8], $0x4000  }
0x6e: {  	[sflag:s8] =	ssyncset.done $0x0  }
0x6f: {  	[sflag:s8] =	ssyncadd.s32 $0xFFFFC000  }
0x70: {  	[hbm4b:s9+s2] =	stream.linear.scatter [tilespmem:s6], [sflag:$0x3], $0x4000, $0x38;
	[tilespmem:$0x8800] =	vst v63  }
0x71: {  	_ =	swait.ge [sflag:s3], $0x4000  }
0x72: {  	[sflag:s3] =	ssyncset.done $0x0  }
0x73: {  	[sflag:s3] =	ssyncadd.s32 $0xFFFFC000  }
0x74: {  	[tilespmem:s6], [sflag:$0x1] =	stream.indirect.gather [hbm4b:s4+s5], $0x80, s10, s5, $0xb8;
	[tilespmem:$0x8800] =	vst v63  }
0x75: {  	_ =	swait.ge [sflag:s11], $0x4000  }
0x76: {  	[sflag:s11] =	ssyncset.done $0x0  }
0x77: {  	[sflag:s11] =	ssyncadd.s32 $0xFFFFC000  }
0x78: {  	[hbm4b:s12+s2] =	stream.linear.scatter [tilespmem:s7], [sflag:$0x3], $0x4000, $0x38;
	[tilespmem:$0x8800] =	vst v63  }
0x79: {  	_ =	swait.ge [sflag:s3], $0x4000  }
0x7a: {  	[sflag:s3] =	ssyncset.done $0x0  }
0x7b: {  	[sflag:s3] =	ssyncadd.s32 $0xFFFFC000  }
0x7c: {  	[tilespmem:s7], [sflag:$0x2] =	stream.indirect.gather [hbm4b:s4+s5], $0x80, s13, s5, $0xb8;
	[tilespmem:$0x8800] =	vst v63  }
0x7d: {  	_ =	swait.ge [sflag:s8], $0x4000  }
0x7e: {  	[sflag:s8] =	ssyncset.done $0x0  }
0x7f: {  	[sflag:s8] =	ssyncadd.s32 $0xFFFFC000  }
0x80: {  	[hbm4b:s14+s2] =	stream.linear.scatter [tilespmem:s6], [sflag:$0x3], $0x4000, $0x38;
	[tilespmem:$0x8800] =	vst v63  }
0x81: {  	_ =	swait.ge [sflag:s3], $0x4000  }
0x82: {  	[sflag:s3] =	ssyncset.done $0x0  }
0x83: {  	[sflag:s3] =	ssyncadd.s32 $0xFFFFC000  }
0x84: {  	[tilespmem:s6], [sflag:$0x1] =	stream.indirect.gather [hbm4b:s4+s5], $0x80, s15, s5, $0xb8;
	[tilespmem:$0x8800] =	vst v63  }
0x85: {  	_ =	swait.ge [sflag:s11], $0x4000  }
0x86: {  	[sflag:s11] =	ssyncset.done $0x0  }
0x87: {  	[sflag:s11] =	ssyncadd.s32 $0xFFFFC000  }
0x88: {  	[hbm4b:s16+s2] =	stream.linear.scatter [tilespmem:s7], [sflag:$0x3], $0x4000, $0x38;
	[tilespmem:$0x8800] =	vst v63  }
0x89: {  	_ =	swait.ge [sflag:s3], $0x4000  }
0x8a: {  	[sflag:s3] =	ssyncset.done $0x0  }
0x8b: {  	[sflag:s3] =	ssyncadd.s32 $0xFFFFC000  }
0x8c: {  	[tilespmem:s7], [sflag:$0x2] =	stream.indirect.gather [hbm4b:s4+s5], $0x80, s17, s5, $0xb8;
	[tilespmem:$0x8800] =	vst v63  }
0x8d: {  	_ =	swait.ge [sflag:s8], $0x4000  }
0x8e: {  	[sflag:s8] =	ssyncset.done $0x0  }
0x8f: {  	[sflag:s8] =	ssyncadd.s32 $0xFFFFC000  }
0x90: {  	[hbm4b:s18+s2] =	stream.linear.scatter [tilespmem:s6], [sflag:$0x3], $0x4000, $0x38;
	[tilespmem:$0x8800] =	vst v63  }
0x91: {  	_ =	swait.ge [sflag:s3], $0x4000  }
0x92: {  	[sflag:s3] =	ssyncset.done $0x0  }
0x93: {  	[sflag:s3] =	ssyncadd.s32 $0xFFFFC000  }
0x94: {  	[tilespmem:s6], [sflag:$0x1] =	stream.indirect.gather [hbm4b:s4+s5], $0x80, s19, s5, $0xb8;
	[tilespmem:$0x8800] =	vst v63  }
0x95: {  	_ =	swait.ge [sflag:s11], $0x4000  }
0x96: {  	[sflag:s11] =	ssyncset.done $0x0  }
0x97: {  	[sflag:s11] =	ssyncadd.s32 $0xFFFFC000  }
0x98: {  	[hbm4b:s20+s2] =	stream.linear.scatter [tilespmem:s7], [sflag:$0x3], $0x4000, $0x38;
	[tilespmem:$0x8800] =	vst v63  }
0x99: {  	_ =	swait.ge [sflag:s3], $0x4000  }
0x9a: {  	[sflag:s3] =	ssyncset.done $0x0  }
0x9b: {  	[sflag:s3] =	ssyncadd.s32 $0xFFFFC000  }
0x9c: {  	[tilespmem:s7], [sflag:$0x2] =	stream.indirect.gather [hbm4b:s4+s5], $0x80, s21, s5, $0xb8;
	[tilespmem:$0x8800] =	vst v63  }
0x9d: {  	_ =	swait.ge [sflag:s8], $0x4000  }
0x9e: {  	[sflag:s8] =	ssyncset.done $0x0  }
0x9f: {  	[sflag:s8] =	ssyncadd.s32 $0xFFFFC000  }
0xa0: {  	[hbm4b:s22+s2] =	stream.linear.scatter [tilespmem:s6], [sflag:$0x3], $0x4000, $0x38;
	[tilespmem:$0x8800] =	vst v63  }
0xa1: {  	_ =	swait.ge [sflag:s3], $0x4000  }
0xa2: {  	[sflag:s3] =	ssyncset.done $0x0  }
0xa3: {  	[sflag:s3] =	ssyncadd.s32 $0xFFFFC000  }
0xa4: {  	[tilespmem:s6], [sflag:$0x1] =	stream.indirect.gather [hbm4b:s4+s5], $0x80, s23, s5, $0xb8;
	[tilespmem:$0x8800] =	vst v63  }
0xa5: {  	_ =	swait.ge [sflag:s11], $0x4000  }
0xa6: {  	[sflag:s11] =	ssyncset.done $0x0  }
0xa7: {  	[sflag:s11] =	ssyncadd.s32 $0xFFFFC000  }
0xa8: {  	[hbm4b:s24+s2] =	stream.linear.scatter [tilespmem:s7], [sflag:$0x3], $0x4000, $0x38;
	[tilespmem:$0x8800] =	vst v63  }
0xa9: {  	_ =	swait.ge [sflag:s3], $0x4000  }
0xaa: {  	[sflag:s3] =	ssyncset.done $0x0  }
0xab: {  	[sflag:s3] =	ssyncadd.s32 $0xFFFFC000  }
0xac: {  	[tilespmem:s7], [sflag:$0x2] =	stream.indirect.gather [hbm4b:s4+s5], $0x80, s25, s5, $0xb8;
	[tilespmem:$0x8800] =	vst v63  }
0xad: {  	_ =	swait.ge [sflag:s8], $0x4000  }
0xae: {  	[sflag:s8] =	ssyncset.done $0x0  }
0xaf: {  	[sflag:s8] =	ssyncadd.s32 $0xFFFFC000  }
0xb0: {  	[hbm4b:s26+s2] =	stream.linear.scatter [tilespmem:s6], [sflag:$0x3], $0x4000, $0x38;
	[tilespmem:$0x8800] =	vst v63  }
0xb1: {  	_ =	swait.ge [sflag:s3], $0x4000  }
0xb2: {  	[sflag:s3] =	ssyncset.done $0x0  }
0xb3: {  	[sflag:s3] =	ssyncadd.s32 $0xFFFFC000  }
0xb4: {  	[tilespmem:s6], [sflag:$0x1] =	stream.indirect.gather [hbm4b:s4+s5], $0x80, s28, s5, $0xb8;
	[tilespmem:$0x8800] =	vst v63  }
0xb5: {  	_ =	swait.ge [sflag:s11], $0x4000  }
0xb6: {  	[sflag:s11] =	ssyncset.done $0x0  }
0xb7: {  	[sflag:s11] =	ssyncadd.s32 $0xFFFFC000  }
0xb8: {  	[hbm4b:s29+s2] =	stream.linear.scatter [tilespmem:s7], [sflag:$0x3], $0x4000, $0x38;
	[tilespmem:$0x8800] =	vst v63  }
0xb9: {  	_ =	swait.ge [sflag:s3], $0x4000  }
0xba: {  	[sflag:s3] =	ssyncset.done $0x0  }
0xbb: {  	p0 =	sne.s32 s31, $0x1;
	[sflag:s3] =	ssyncadd.s32 $0xFFFFC000  }
.Ltmp1:
0xbc: {  	_ =	swait.ge [sflag:s8], $0x4000;
	(pc) =	sbr.rel @p0 .LBB2_1-.Ltmp1, $4  }
0xbd: {  	[sflag:s8] =	ssyncset.done $0x0  }
0xbe: {  	[sflag:s8] =	ssyncadd.s32 $0xFFFFC000  }
0xbf: {  	[hbm4b:s30+s2] =	stream.linear.scatter [tilespmem:s6], [sflag:$0x3], $0x4000, $0x38;
	[tilespmem:$0x8800] =	vst v63  }
0xc0: {  	s31 =	sadd.s32 $0xFFFFFFFF, s31;
	_ =	swait.ge [sflag:s3], $0x4000  }
.LBB2_2:
0xc1: {  	[sflag:s3] =	ssyncset.done $0x0  }
0xc2: {  	[sflag:s3] =	ssyncadd.s32 $0xFFFFC000  }
0xc3: {  	_ =	sfence.sel $0x180000  }
0xc4: {  	[bflag:$0x0] =	sbarrier.arrive $0xFFFF  }
0xc5: {  	_ =	strace $0x9000004D  }
0xc6: {  	[bflag:$0x2] =	sbarrier.arrive $0xFFFF  }
0xc7: {  	p0 =	sne.s32 s0, $0x0;
	s0 =	rddreg [dreg:$0x2]  }
0xc8: {  	s0 =	sadd.s32 @!p0 $0x100000, s0  }
0xc9: {  	[sflag:s0] =	ssyncadd.tile.s32 @!p0 $0x1;
	_ =	shalt  }
.Lfunc_end2:
_tile_overlayer_lowered:
.L_overlay_start_2:
0xca: {  	(tag) =	ssettag $0x2  }
0xcb: {  	s0 =	rddreg [dreg:$0x0];
	s2 =	stileid.u32  }
0xcc: {  	s1 =	rddreg [dreg:$0x1];
	p0 =	sne.s32 s2, $0x0  }
0xcd: {  	s3 =	rddreg [dreg:$0x2];
	[bflag:$0x3] =	sbarrier.arrive $0xFFFF;
	s2 =	simm.s32 @!p0 $0x1C03  }
0xce: {  	[timem:s3], [sflag:s2] =	dma.local @!p0 [hbm:s0], s1  }
0xcf: {  	s0 =	simm.s32 @!p0 $0x3  }
0xd0: {  	_ =	swait.ge @!p0 [sflag:s0], s1  }
0xd1: {  	s1 =	ssub.s32 @!p0 $0x0, s1;
	[sflag:s0] =	ssyncset.done @!p0 $0x0  }
0xd2: {  	[sflag:s0] =	ssyncadd.s32 @!p0 s1  }
0xd3: {  	[bflag:$0x3] =	sbarrier.arrive $0xFFFF  }
0xd4: {  	_ =	shalt  }

</sc_bundles>
